<compile_context>
chip_gen: v7x
topology: tpu7x:2x2x1
jax: 0.10.2.dev20260603
libtpu: 0.0.44.dev20260713+nightly
codegen_flags: <defaults>
</compile_context>

<pallas_src>
import dataclasses
import functools

import jax
import jax.numpy as jnp
from jax import lax
from jax.experimental import pallas as pl
from jax.experimental.pallas import tpu as pltpu
from jax.experimental.pallas import tpu_sc as plsc

_B, _N, _S, _D, _K = 8, 8192, 2048, 128, 32
_QT = 256
_NW = 32


def _knn_body(q_ref, xt_ref, out_ref):
    b = pl.program_id(0)
    q = q_ref[0]
    xt = xt_ref[0]
    dot = lax.dot_general(q, xt, (((1,), (0,)), ((), ())),
                          preferred_element_type=jnp.float32)
    q2 = jnp.sum(q * q, axis=1, keepdims=True)
    x2 = jnp.sum(xt * xt, axis=0, keepdims=True)
    d = (q2 - 2.0 * dot) + x2
    inf = jnp.float32(jnp.inf)
    gbase = b * _N

    ng = _N // 128
    nr = 6
    rv = [jnp.full((_QT, 128), inf, jnp.float32) for _ in range(nr)]
    ri = [jnp.zeros((_QT, 128), jnp.int32) for _ in range(nr)]
    for g in range(ng):
        v = d[:, 128 * g:128 * (g + 1)]
        vi = jnp.full((_QT, 128), g, jnp.int32)
        for i in range(nr):
            c = v < rv[i]
            rv[i], v = jnp.where(c, v, rv[i]), jnp.where(c, rv[i], v)
            ri[i], vi = jnp.where(c, vi, ri[i]), jnp.where(c, ri[i], vi)
    il = lax.broadcasted_iota(jnp.int32, (_QT, 128), 1)
    cand = jnp.concatenate(rv, axis=1)
    cidx = jnp.concatenate([r * 128 + il for r in ri], axis=1)

    for k in range(_K):
        m = jnp.min(cand, axis=1, keepdims=True)
        am = jnp.min(jnp.where(cand == m, cidx, _N), axis=1)
        out_ref[0, k, :] = am + gbase
        if k + 1 < _K:
            cand = jnp.where(cidx == am[:, None], inf, cand)


def _knn(qpad, xtpad):
    return pl.pallas_call(
        _knn_body,
        grid=(_B, _S // _QT),
        in_specs=[
            pl.BlockSpec((1, _QT, 8), lambda b, s: (b, s, 0)),
            pl.BlockSpec((1, 8, _N), lambda b, s: (b, 0, 0)),
        ],
        out_specs=pl.BlockSpec((1, _K, _QT), lambda b, s: (b, 0, s)),
        out_shape=jax.ShapeDtypeStruct((_B, _K, _S), jnp.int32),
    )(qpad, xtpad)


def _sc_gather_v2(f2, xyzt, gidx):
    total = _B * _S * _K
    per_w = total // _NW
    ch = 128
    n_ch = per_w // ch
    w_per_b = _NW // _B
    mesh = plsc.VectorSubcoreMesh(core_axis_name="c", subcore_axis_name="s")
    cp = pltpu.CompilerParams()
    if "needs_layout_passes" in pltpu.CompilerParams.__dataclass_fields__:
        cp = dataclasses.replace(cp, needs_layout_passes=False)

    @functools.partial(
        pl.kernel, mesh=mesh, compiler_params=cp,
        out_type=(jax.ShapeDtypeStruct((total, _D), jnp.float32),
                  jax.ShapeDtypeStruct((total,), jnp.float32),
                  jax.ShapeDtypeStruct((total,), jnp.float32),
                  jax.ShapeDtypeStruct((total,), jnp.float32)),
        scratch_types=[pltpu.VMEM((per_w,), jnp.int32),
                       pltpu.VMEM((ch, _D), jnp.float32),
                       pltpu.VMEM((ch, _D), jnp.float32),
                       pltpu.VMEM((_N,), jnp.float32),
                       pltpu.VMEM((_N,), jnp.float32),
                       pltpu.VMEM((_N,), jnp.float32),
                       pltpu.VMEM((per_w,), jnp.float32),
                       pltpu.VMEM((per_w,), jnp.float32),
                       pltpu.VMEM((per_w,), jnp.float32),
                       pltpu.SemaphoreType.DMA,
                       pltpu.SemaphoreType.DMA,
                       pltpu.SemaphoreType.DMA,
                       pltpu.SemaphoreType.DMA],
    )
    def k(f_hbm, xyzt_hbm, idx_hbm, out_f_hbm, ox_hbm, oy_hbm, oz_hbm,
          idx_all, rows0, rows1, tx, ty, tz, oxa, oya, oza, g0, g1, w0, w1):
        wid = lax.axis_index("s") * 2 + lax.axis_index("c")
        base = wid * per_w
        b = wid // w_per_b
        pltpu.sync_copy(idx_hbm.at[pl.ds(base, per_w)], idx_all)
        pltpu.sync_copy(xyzt_hbm.at[pl.ds((b * 3 + 0) * _N, _N)], tx)
        pltpu.sync_copy(xyzt_hbm.at[pl.ds((b * 3 + 1) * _N, _N)], ty)
        pltpu.sync_copy(xyzt_hbm.at[pl.ds((b * 3 + 2) * _N, _N)], tz)

        def start_gather(ci, rows, sem):
            pltpu.async_copy(f_hbm.at[idx_all.at[pl.ds(ci * ch, ch)]], rows, sem)

        def wait_rows(buf, sem):
            pltpu.make_async_copy(f_hbm.at[pl.ds(0, ch)], buf, sem).wait()

        def xyz_chunk(ci):
            @pl.loop(0, ch, step=16)
            def _(j):
                a = idx_all[pl.ds(ci * ch + j, 16)] - b * _N
                sl = pl.ds(ci * ch + j, 16)
                oxa[sl] = plsc.load_gather(tx, [a])
                oya[sl] = plsc.load_gather(ty, [a])
                oza[sl] = plsc.load_gather(tz, [a])

        start_gather(0, rows0, g0)

        @pl.loop(0, n_ch, step=2)
        def _(c0):
            c1 = c0 + 1
            start_gather(c1, rows1, g1)
            wait_rows(rows0, g0)
            xyz_chunk(c0)
            pltpu.async_copy(rows0, out_f_hbm.at[pl.ds(base + c0 * ch, ch)], w0)

            @pl.when(c0 + 2 < n_ch)
            def _():
                wait_rows(rows0, w0)
                start_gather(c0 + 2, rows0, g0)

            wait_rows(rows1, g1)
            xyz_chunk(c1)
            pltpu.async_copy(rows1, out_f_hbm.at[pl.ds(base + c1 * ch, ch)], w1)
            wait_rows(rows1, w1)

        wait_rows(rows0, w0)
        pltpu.sync_copy(oxa, ox_hbm.at[pl.ds(base, per_w)])
        pltpu.sync_copy(oya, oy_hbm.at[pl.ds(base, per_w)])
        pltpu.sync_copy(oza, oz_hbm.at[pl.ds(base, per_w)])

    return k(f2, xyzt, gidx)


def kernel(xyz, f, xyz_sampled, f_sampled):
    qpad = jnp.pad(xyz_sampled, ((0, 0), (0, 0), (0, 5)))
    xtpad = jnp.pad(xyz.transpose(0, 2, 1), ((0, 0), (0, 5), (0, 0)))
    gidx_t = _knn(qpad, xtpad)
    gidx = gidx_t.transpose(0, 2, 1).reshape(-1)
    f2 = f.reshape(_B * _N, _D)
    xyzt = xyz.transpose(0, 2, 1).reshape(_B * 3 * _N)
    out_f, ox, oy, oz = _sc_gather_v2(f2, xyzt, gidx)
    f_grouped = out_f.reshape(_B, _S, _K, _D)
    xyz_grouped = jnp.stack((ox, oy, oz), axis=-1).reshape(_B, _S, _K, 3)
    return (xyz_grouped, f_grouped)

# --- scband reference (transcript-rebuilt; emitter-appended) ---
"""Pipeline reference for scband-grouping-34273839022361 (READ-ONLY COPY).

The authoritative reference and input builder live on the scoring server;
editing this copy changes nothing except your own understanding.
"""

import jax, jax.numpy as jnp
import numpy as np

B, N, S, D, K = 8, 8192, 2048, 128, 32


def setup_inputs(seed: int = 0) -> dict:
    key = jax.random.key(seed)
    k1, k2, k3, k4 = jax.random.split(key, 4)
    return {
        "xyz": jax.random.normal(k1, (B, N, 3), dtype=jnp.float32),
        "f": jax.random.normal(k2, (B, N, D), dtype=jnp.float32),
        "xyz_sampled": jax.random.normal(k3, (B, S, 3), dtype=jnp.float32),
        "f_sampled": jax.random.normal(k4, (B, S, D), dtype=jnp.float32),
    }


def square_distance(src, dst):
    # src: [B, S, C], dst: [B, N, C] -> [B, S, N] squared euclidean distances
    return (
        jnp.sum(src ** 2, axis=-1, keepdims=True)
        - 2.0 * jnp.einsum("bsc,bnc->bsn", src, dst)
        + jnp.sum(dst ** 2, axis=-1)[:, None, :]
    )


def index_points(points, idx):
    # points: [B, N, C], idx: [B, S, K] -> [B, S, K, C]
    b_idx = jnp.arange(points.shape[0])[:, None, None]
    return points[b_idx, idx]


def knn_point(k, xyz, new_xyz):
    dists = square_distance(new_xyz, xyz)  # [B, S, N]
    _, idx = jax.lax.top_k(-dists, k)      # smallest-k distances -> [B, S, K]
    return idx


def reference(xyz, f, xyz_sampled, f_sampled):
    # knn_method='pytorch' path: grouping returns idx only; the `gr is not tuple`
    # branch in the original always treats the result as idx.
    idx = knn_point(K, xyz, xyz_sampled)        # [B, S, K] int32
    xyz_grouped = index_points(xyz, idx)        # [B, S, K, 3]
    f_grouped = index_points(f, idx)            # [B, S, K, D]
    return (xyz_grouped, f_grouped)

if __name__ == "__main__":
    import jax
    _d = setup_inputs()
    print(jax.jit(kernel)(*tuple(_d.values())))

</pallas_src>

<mosaic_0001>
#map = affine_map<(d0, d1) -> (0, 0)>
#map1 = affine_map<(d0, d1) -> (0)>
module attributes {stable_mosaic.version = 14 : i64} {
  func.func @k(%arg0: i32, %arg1: i32, %arg2: memref<65536x128xf32, #tpu.memory_space<hbm>>, %arg3: memref<196608xf32, #tpu.memory_space<hbm>>, %arg4: memref<524288xi32, #tpu.memory_space<hbm>>, %arg5: memref<524288x128xf32, #tpu.memory_space<hbm>>, %arg6: memref<524288xf32, #tpu.memory_space<hbm>>, %arg7: memref<524288xf32, #tpu.memory_space<hbm>>, %arg8: memref<524288xf32, #tpu.memory_space<hbm>>, %arg9: memref<16384xi32, #tpu.memory_space<vmem>>, %arg10: memref<128x128xf32, #tpu.memory_space<vmem>>, %arg11: memref<128x128xf32, #tpu.memory_space<vmem>>, %arg12: memref<8192xf32, #tpu.memory_space<vmem>>, %arg13: memref<8192xf32, #tpu.memory_space<vmem>>, %arg14: memref<8192xf32, #tpu.memory_space<vmem>>, %arg15: memref<16384xf32, #tpu.memory_space<vmem>>, %arg16: memref<16384xf32, #tpu.memory_space<vmem>>, %arg17: memref<16384xf32, #tpu.memory_space<vmem>>, %arg18: memref<!tpu.dma_semaphore, #tpu.memory_space<semaphore_mem>>, %arg19: memref<!tpu.dma_semaphore, #tpu.memory_space<semaphore_mem>>, %arg20: memref<!tpu.dma_semaphore, #tpu.memory_space<semaphore_mem>>, %arg21: memref<!tpu.dma_semaphore, #tpu.memory_space<semaphore_mem>>) attributes {dimension_semantics = [#tpu.dimension_semantics<core_parallel>, #tpu.dimension_semantics<subcore_parallel>], iteration_bounds = array<i64: 2, 16>, scalar_prefetch = 0 : i64, scratch_operands = 13 : i64, tpu.core_type = #tpu.core_type<sc_vector_subcore>, window_params = [{transform_indices = #map}, {transform_indices = #map1}, {transform_indices = #map1}, {transform_indices = #map}, {transform_indices = #map1}, {transform_indices = #map1}, {transform_indices = #map1}]} {
    %mul3A = arith.constant 2 : i32
    %mul3A_0 = arith.muli %arg1, %mul3A : i32
    %add3A = arith.addi %mul3A_0, %arg0 : i32
    %mul3A_1 = arith.constant 16384 : i32
    %mul3A_2 = arith.muli %add3A, %mul3A_1 : i32
    %jit3A = arith.constant 4 : i32
    %div3A = arith.divsi %add3A, %jit3A : i32
    %sign3A = arith.constant 0 : i32
    %sign3A_3 = arith.cmpi sgt, %add3A, %sign3A : i32
    %sign3A_4 = arith.extui %sign3A_3 : i1 to i32
    %sign3A_5 = arith.constant 0 : i32
    %sign3A_6 = arith.cmpi slt, %add3A, %sign3A_5 : i32
    %sign3A_7 = arith.extui %sign3A_6 : i1 to i32
    %sign3A_8 = arith.subi %sign3A_4, %sign3A_7 : i32
    %sign3A_9 = arith.constant 0 : i32
    %sign3A_10 = arith.cmpi sgt, %jit3A, %sign3A_9 : i32
    %sign3A_11 = arith.extui %sign3A_10 : i1 to i32
    %sign3A_12 = arith.constant 0 : i32
    %sign3A_13 = arith.cmpi slt, %jit3A, %sign3A_12 : i32
    %sign3A_14 = arith.extui %sign3A_13 : i1 to i32
    %sign3A_15 = arith.subi %sign3A_11, %sign3A_14 : i32
    %ne3A = arith.cmpi ne, %sign3A_8, %sign3A_15 : i32
    %rem3A = arith.remsi %add3A, %jit3A : i32
    %ne3A_16 = arith.constant 0 : i32
    %ne3A_17 = arith.cmpi ne, %rem3A, %ne3A_16 : i32
    %and3A = arith.andi %ne3A, %ne3A_17 : i1
    %sub3A = arith.constant 1 : i32
    %sub3A_18 = arith.subi %div3A, %sub3A : i32
    %select_n3A = arith.select %and3A, %sub3A_18, %div3A : i32
    "tpu.region"() ({
      %run_scoped3A = tpu.sem_alloc : memref<!tpu.dma_semaphore, #tpu.memory_space<semaphore_mem>>
      %dma_start3A_50 = tpu.memref_slice %arg4[%mul3A_2] : memref<524288xi32, #tpu.memory_space<hbm>> -> memref<16384xi32, #tpu.memory_space<hbm>>
      %dma_start3A_51 = tpu.memref_slice %arg4[%mul3A_2] : memref<524288xi32, #tpu.memory_space<hbm>> -> memref<16384xi32, #tpu.memory_space<hbm>>
      tpu.enqueue_dma source(%dma_start3A_51 : memref<16384xi32, #tpu.memory_space<hbm>>) target(%arg9 : memref<16384xi32, #tpu.memory_space<vmem>>) target_semaphore(%run_scoped3A : memref<!tpu.dma_semaphore, #tpu.memory_space<semaphore_mem>>)
      %dma_wait3A_52 = tpu.memref_slice %arg4[%mul3A_2] : memref<524288xi32, #tpu.memory_space<hbm>> -> memref<16384xi32, #tpu.memory_space<hbm>>
      %dma_wait3A_53 = tpu.memref_slice %arg4[%mul3A_2] : memref<524288xi32, #tpu.memory_space<hbm>> -> memref<16384xi32, #tpu.memory_space<hbm>>
      tpu.wait_dma2 semaphore(%run_scoped3A : memref<!tpu.dma_semaphore, #tpu.memory_space<semaphore_mem>>) src(%dma_wait3A_53 : memref<16384xi32, #tpu.memory_space<hbm>>) dst(%arg9 : memref<16384xi32, #tpu.memory_space<vmem>>)
      tpu.yield
    }) : () -> ()
    %mul3A_19 = arith.constant 3 : i32
    %mul3A_20 = arith.muli %select_n3A, %mul3A_19 : i32
    %add3A_21 = arith.constant 0 : i32
    %add3A_22 = arith.addi %mul3A_20, %add3A_21 : i32
    %mul3A_23 = arith.constant 8192 : i32
    %mul3A_24 = arith.muli %add3A_22, %mul3A_23 : i32
    "tpu.region"() ({
      %run_scoped3A = tpu.sem_alloc : memref<!tpu.dma_semaphore, #tpu.memory_space<semaphore_mem>>
      %dma_start3A_50 = tpu.memref_slice %arg3[%mul3A_24] : memref<196608xf32, #tpu.memory_space<hbm>> -> memref<8192xf32, #tpu.memory_space<hbm>>
      %dma_start3A_51 = tpu.memref_slice %arg3[%mul3A_24] : memref<196608xf32, #tpu.memory_space<hbm>> -> memref<8192xf32, #tpu.memory_space<hbm>>
      tpu.enqueue_dma source(%dma_start3A_51 : memref<8192xf32, #tpu.memory_space<hbm>>) target(%arg12 : memref<8192xf32, #tpu.memory_space<vmem>>) target_semaphore(%run_scoped3A : memref<!tpu.dma_semaphore, #tpu.memory_space<semaphore_mem>>)
      %dma_wait3A_52 = tpu.memref_slice %arg3[%mul3A_24] : memref<196608xf32, #tpu.memory_space<hbm>> -> memref<8192xf32, #tpu.memory_space<hbm>>
      %dma_wait3A_53 = tpu.memref_slice %arg3[%mul3A_24] : memref<196608xf32, #tpu.memory_space<hbm>> -> memref<8192xf32, #tpu.memory_space<hbm>>
      tpu.wait_dma2 semaphore(%run_scoped3A : memref<!tpu.dma_semaphore, #tpu.memory_space<semaphore_mem>>) src(%dma_wait3A_53 : memref<8192xf32, #tpu.memory_space<hbm>>) dst(%arg12 : memref<8192xf32, #tpu.memory_space<vmem>>)
      tpu.yield
    }) : () -> ()
    %mul3A_25 = arith.constant 3 : i32
    %mul3A_26 = arith.muli %select_n3A, %mul3A_25 : i32
    %add3A_27 = arith.constant 1 : i32
    %add3A_28 = arith.addi %mul3A_26, %add3A_27 : i32
    %mul3A_29 = arith.constant 8192 : i32
    %mul3A_30 = arith.muli %add3A_28, %mul3A_29 : i32
    "tpu.region"() ({
      %run_scoped3A = tpu.sem_alloc : memref<!tpu.dma_semaphore, #tpu.memory_space<semaphore_mem>>
      %dma_start3A_50 = tpu.memref_slice %arg3[%mul3A_30] : memref<196608xf32, #tpu.memory_space<hbm>> -> memref<8192xf32, #tpu.memory_space<hbm>>
      %dma_start3A_51 = tpu.memref_slice %arg3[%mul3A_30] : memref<196608xf32, #tpu.memory_space<hbm>> -> memref<8192xf32, #tpu.memory_space<hbm>>
      tpu.enqueue_dma source(%dma_start3A_51 : memref<8192xf32, #tpu.memory_space<hbm>>) target(%arg13 : memref<8192xf32, #tpu.memory_space<vmem>>) target_semaphore(%run_scoped3A : memref<!tpu.dma_semaphore, #tpu.memory_space<semaphore_mem>>)
      %dma_wait3A_52 = tpu.memref_slice %arg3[%mul3A_30] : memref<196608xf32, #tpu.memory_space<hbm>> -> memref<8192xf32, #tpu.memory_space<hbm>>
      %dma_wait3A_53 = tpu.memref_slice %arg3[%mul3A_30] : memref<196608xf32, #tpu.memory_space<hbm>> -> memref<8192xf32, #tpu.memory_space<hbm>>
      tpu.wait_dma2 semaphore(%run_scoped3A : memref<!tpu.dma_semaphore, #tpu.memory_space<semaphore_mem>>) src(%dma_wait3A_53 : memref<8192xf32, #tpu.memory_space<hbm>>) dst(%arg13 : memref<8192xf32, #tpu.memory_space<vmem>>)
      tpu.yield
    }) : () -> ()
    %mul3A_31 = arith.constant 3 : i32
    %mul3A_32 = arith.muli %select_n3A, %mul3A_31 : i32
    %add3A_33 = arith.constant 2 : i32
    %add3A_34 = arith.addi %mul3A_32, %add3A_33 : i32
    %mul3A_35 = arith.constant 8192 : i32
    %mul3A_36 = arith.muli %add3A_34, %mul3A_35 : i32
    "tpu.region"() ({
      %run_scoped3A = tpu.sem_alloc : memref<!tpu.dma_semaphore, #tpu.memory_space<semaphore_mem>>
      %dma_start3A_50 = tpu.memref_slice %arg3[%mul3A_36] : memref<196608xf32, #tpu.memory_space<hbm>> -> memref<8192xf32, #tpu.memory_space<hbm>>
      %dma_start3A_51 = tpu.memref_slice %arg3[%mul3A_36] : memref<196608xf32, #tpu.memory_space<hbm>> -> memref<8192xf32, #tpu.memory_space<hbm>>
      tpu.enqueue_dma source(%dma_start3A_51 : memref<8192xf32, #tpu.memory_space<hbm>>) target(%arg14 : memref<8192xf32, #tpu.memory_space<vmem>>) target_semaphore(%run_scoped3A : memref<!tpu.dma_semaphore, #tpu.memory_space<semaphore_mem>>)
      %dma_wait3A_52 = tpu.memref_slice %arg3[%mul3A_36] : memref<196608xf32, #tpu.memory_space<hbm>> -> memref<8192xf32, #tpu.memory_space<hbm>>
      %dma_wait3A_53 = tpu.memref_slice %arg3[%mul3A_36] : memref<196608xf32, #tpu.memory_space<hbm>> -> memref<8192xf32, #tpu.memory_space<hbm>>
      tpu.wait_dma2 semaphore(%run_scoped3A : memref<!tpu.dma_semaphore, #tpu.memory_space<semaphore_mem>>) src(%dma_wait3A_53 : memref<8192xf32, #tpu.memory_space<hbm>>) dst(%arg14 : memref<8192xf32, #tpu.memory_space<vmem>>)
      tpu.yield
    }) : () -> ()
    %dma_start3A = arith.constant 0 : i32
    %dma_start3A_37 = tpu.memref_slice %arg9[%dma_start3A] : memref<16384xi32, #tpu.memory_space<vmem>> -> memref<128xi32, #tpu.memory_space<vmem>>
    %dma_start3A_38 = arith.constant 0 : i32
    %dma_start3A_39 = arith.constant 0 : i32
    %dma_start3A_40 = tpu.memref_slice %arg2[%dma_start3A_38, %dma_start3A_39] : memref<65536x128xf32, #tpu.memory_space<hbm>> -> memref<65536x128xf32, #tpu.memory_space<hbm>>
    tpu.enqueue_indirect_dma source(%dma_start3A_40 : memref<65536x128xf32, #tpu.memory_space<hbm>>) target(%arg10 : memref<128x128xf32, #tpu.memory_space<vmem>>) offsets(%dma_start3A_37 : memref<128xi32, #tpu.memory_space<vmem>>) semaphore(%arg18 : memref<!tpu.dma_semaphore, #tpu.memory_space<semaphore_mem>>)
    %scan3A = arith.constant 0 : i32
    %scan3A_41 = arith.constant 64 : i32
    %scan3A_42 = arith.addi %scan3A, %scan3A_41 : i32
    %scan3A_43 = arith.constant 1 : i32
    scf.for %scan3A_50 = %scan3A to %scan3A_42 step %scan3A_43  : i32 {
      %mul3A_51 = arith.constant 2 : i32
      %mul3A_52 = arith.muli %scan3A_50, %mul3A_51 : i32
      %add3A_53 = arith.constant 0 : i32
      %add3A_54 = arith.addi %add3A_53, %mul3A_52 : i32
      %add3A_55 = arith.constant 1 : i32
      %add3A_56 = arith.addi %add3A_54, %add3A_55 : i32
      %mul3A_57 = arith.constant 128 : i32
      %mul3A_58 = arith.muli %add3A_56, %mul3A_57 : i32
      %dma_start3A_59 = tpu.memref_slice %arg9[%mul3A_58] : memref<16384xi32, #tpu.memory_space<vmem>> -> memref<128xi32, #tpu.memory_space<vmem>>
      %dma_start3A_60 = arith.constant 0 : i32
      %dma_start3A_61 = arith.constant 0 : i32
      %dma_start3A_62 = tpu.memref_slice %arg2[%dma_start3A_60, %dma_start3A_61] : memref<65536x128xf32, #tpu.memory_space<hbm>> -> memref<65536x128xf32, #tpu.memory_space<hbm>>
      tpu.enqueue_indirect_dma source(%dma_start3A_62 : memref<65536x128xf32, #tpu.memory_space<hbm>>) target(%arg11 : memref<128x128xf32, #tpu.memory_space<vmem>>) offsets(%dma_start3A_59 : memref<128xi32, #tpu.memory_space<vmem>>) semaphore(%arg19 : memref<!tpu.dma_semaphore, #tpu.memory_space<semaphore_mem>>)
      %dma_wait3A_63 = arith.constant 0 : i32
      %dma_wait3A_64 = arith.constant 0 : i32
      %dma_wait3A_65 = tpu.memref_slice %arg2[%dma_wait3A_63, %dma_wait3A_64] : memref<65536x128xf32, #tpu.memory_space<hbm>> -> memref<128x128xf32, #tpu.memory_space<hbm>>
      %dma_wait3A_66 = arith.constant 0 : i32
      %dma_wait3A_67 = arith.constant 0 : i32
      %dma_wait3A_68 = tpu.memref_slice %arg2[%dma_wait3A_66, %dma_wait3A_67] : memref<65536x128xf32, #tpu.memory_space<hbm>> -> memref<128x128xf32, #tpu.memory_space<hbm>>
      tpu.wait_dma2 semaphore(%arg18 : memref<!tpu.dma_semaphore, #tpu.memory_space<semaphore_mem>>) src(%dma_wait3A_68 : memref<128x128xf32, #tpu.memory_space<hbm>>) dst(%arg10 : memref<128x128xf32, #tpu.memory_space<vmem>>)
      %scan3A_69 = arith.constant 0 : i32
      %scan3A_70 = arith.constant 8 : i32
      %scan3A_71 = arith.addi %scan3A_69, %scan3A_70 : i32
      %scan3A_72 = arith.constant 1 : i32
      scf.for %scan3A_109 = %scan3A_69 to %scan3A_71 step %scan3A_72  : i32 {
        %mul3A_110 = arith.constant 16 : i32
        %mul3A_111 = arith.muli %scan3A_109, %mul3A_110 : i32
        %add3A_112 = arith.constant 0 : i32
        %add3A_113 = arith.addi %add3A_112, %mul3A_111 : i32
        %mul3A_114 = arith.constant 128 : i32
        %mul3A_115 = arith.muli %add3A_54, %mul3A_114 : i32
        %add3A_116 = arith.addi %mul3A_115, %add3A_113 : i32
        %get3A = arith.index_cast %add3A_116 : i32 to index
        %get3A_117 = tpu.vector_load %arg9[%get3A] {strides = array<i32>} : memref<16384xi32, #tpu.memory_space<vmem>>, vector<16xi32>,
        %mul3A_118 = arith.constant 8192 : i32
        %mul3A_119 = arith.muli %select_n3A, %mul3A_118 : i32
        %sub3A_120 = vector.broadcast %mul3A_119 : i32 to vector<16xi32>
        %sub3A_121 = arith.subi %get3A_117, %sub3A_120 : vector<16xi32>
        %mul3A_122 = arith.constant 128 : i32
        %mul3A_123 = arith.muli %add3A_54, %mul3A_122 : i32
        %add3A_124 = arith.addi %mul3A_123, %add3A_113 : i32
        %gather3A = tpu.vector_load_idx %arg12[%sub3A_121] : memref<8192xf32, #tpu.memory_space<vmem>>[vector<16xi32>], vector<16xf32>,
        %swap3A = arith.index_cast %add3A_124 : i32 to index
        %swap3A_125 = tpu.vector_load %arg15[%swap3A] {strides = array<i32>} : memref<16384xf32, #tpu.memory_space<vmem>>, vector<16xf32>,
        tpu.vector_store %arg15[%swap3A], %gather3A {strides = array<i32>} : memref<16384xf32, #tpu.memory_space<vmem>>, vector<16xf32>,
        %gather3A_126 = tpu.vector_load_idx %arg13[%sub3A_121] : memref<8192xf32, #tpu.memory_space<vmem>>[vector<16xi32>], vector<16xf32>,
        %swap3A_127 = arith.index_cast %add3A_124 : i32 to index
        %swap3A_128 = tpu.vector_load %arg16[%swap3A_127] {strides = array<i32>} : memref<16384xf32, #tpu.memory_space<vmem>>, vector<16xf32>,
        tpu.vector_store %arg16[%swap3A_127], %gather3A_126 {strides = array<i32>} : memref<16384xf32, #tpu.memory_space<vmem>>, vector<16xf32>,
        %gather3A_129 = tpu.vector_load_idx %arg14[%sub3A_121] : memref<8192xf32, #tpu.memory_space<vmem>>[vector<16xi32>], vector<16xf32>,
        %swap3A_130 = arith.index_cast %add3A_124 : i32 to index
        %swap3A_131 = tpu.vector_load %arg17[%swap3A_130] {strides = array<i32>} : memref<16384xf32, #tpu.memory_space<vmem>>, vector<16xf32>,
        tpu.vector_store %arg17[%swap3A_130], %gather3A_129 {strides = array<i32>} : memref<16384xf32, #tpu.memory_space<vmem>>, vector<16xf32>,
      }
      %scan3A_73 = arith.constant 8 : i32
      %mul3A_74 = arith.constant 128 : i32
      %mul3A_75 = arith.muli %add3A_54, %mul3A_74 : i32
      %add3A_76 = arith.addi %mul3A_2, %mul3A_75 : i32
      %dma_start3A_77 = arith.constant 0 : i32
      %dma_start3A_78 = tpu.memref_slice %arg5[%add3A_76, %dma_start3A_77] : memref<524288x128xf32, #tpu.memory_space<hbm>> -> memref<128x128xf32, #tpu.memory_space<hbm>>
      %dma_start3A_79 = arith.constant 0 : i32
      %dma_start3A_80 = tpu.memref_slice %arg5[%add3A_76, %dma_start3A_79] : memref<524288x128xf32, #tpu.memory_space<hbm>> -> memref<128x128xf32, #tpu.memory_space<hbm>>
      tpu.enqueue_dma source(%arg10 : memref<128x128xf32, #tpu.memory_space<vmem>>) target(%dma_start3A_80 : memref<128x128xf32, #tpu.memory_space<hbm>>) target_semaphore(%arg20 : memref<!tpu.dma_semaphore, #tpu.memory_space<semaphore_mem>>)
      %add3A_81 = arith.constant 2 : i32
      %add3A_82 = arith.addi %add3A_54, %add3A_81 : i32
      %lt3A = arith.constant 128 : i32
      %lt3A_83 = arith.cmpi slt, %add3A_82, %lt3A : i32
      %convert_element_type3A = arith.extui %lt3A_83 : i1 to i32
      %cond3A = arith.constant 0 : i32
      %cond3A_84 = arith.cmpi ne, %convert_element_type3A, %cond3A : i32
      scf.if %cond3A_84 {
        %dma_wait3A_109 = arith.constant 0 : i32
        %dma_wait3A_110 = arith.constant 0 : i32
        %dma_wait3A_111 = tpu.memref_slice %arg2[%dma_wait3A_109, %dma_wait3A_110] : memref<65536x128xf32, #tpu.memory_space<hbm>> -> memref<128x128xf32, #tpu.memory_space<hbm>>
        %dma_wait3A_112 = arith.constant 0 : i32
        %dma_wait3A_113 = arith.constant 0 : i32
        %dma_wait3A_114 = tpu.memref_slice %arg2[%dma_wait3A_112, %dma_wait3A_113] : memref<65536x128xf32, #tpu.memory_space<hbm>> -> memref<128x128xf32, #tpu.memory_space<hbm>>
        tpu.wait_dma2 semaphore(%arg20 : memref<!tpu.dma_semaphore, #tpu.memory_space<semaphore_mem>>) src(%dma_wait3A_114 : memref<128x128xf32, #tpu.memory_space<hbm>>) dst(%arg10 : memref<128x128xf32, #tpu.memory_space<vmem>>)
        %add3A_115 = arith.constant 2 : i32
        %add3A_116 = arith.addi %add3A_54, %add3A_115 : i32
        %mul3A_117 = arith.constant 128 : i32
        %mul3A_118 = arith.muli %add3A_116, %mul3A_117 : i32
        %dma_start3A_119 = tpu.memref_slice %arg9[%mul3A_118] : memref<16384xi32, #tpu.memory_space<vmem>> -> memref<128xi32, #tpu.memory_space<vmem>>
        %dma_start3A_120 = arith.constant 0 : i32
        %dma_start3A_121 = arith.constant 0 : i32
        %dma_start3A_122 = tpu.memref_slice %arg2[%dma_start3A_120, %dma_start3A_121] : memref<65536x128xf32, #tpu.memory_space<hbm>> -> memref<65536x128xf32, #tpu.memory_space<hbm>>
        tpu.enqueue_indirect_dma source(%dma_start3A_122 : memref<65536x128xf32, #tpu.memory_space<hbm>>) target(%arg10 : memref<128x128xf32, #tpu.memory_space<vmem>>) offsets(%dma_start3A_119 : memref<128xi32, #tpu.memory_space<vmem>>) semaphore(%arg18 : memref<!tpu.dma_semaphore, #tpu.memory_space<semaphore_mem>>)
      } else {
      }
      %dma_wait3A_85 = arith.constant 0 : i32
      %dma_wait3A_86 = arith.constant 0 : i32
      %dma_wait3A_87 = tpu.memref_slice %arg2[%dma_wait3A_85, %dma_wait3A_86] : memref<65536x128xf32, #tpu.memory_space<hbm>> -> memref<128x128xf32, #tpu.memory_space<hbm>>
      %dma_wait3A_88 = arith.constant 0 : i32
      %dma_wait3A_89 = arith.constant 0 : i32
      %dma_wait3A_90 = tpu.memref_slice %arg2[%dma_wait3A_88, %dma_wait3A_89] : memref<65536x128xf32, #tpu.memory_space<hbm>> -> memref<128x128xf32, #tpu.memory_space<hbm>>
      tpu.wait_dma2 semaphore(%arg19 : memref<!tpu.dma_semaphore, #tpu.memory_space<semaphore_mem>>) src(%dma_wait3A_90 : memref<128x128xf32, #tpu.memory_space<hbm>>) dst(%arg11 : memref<128x128xf32, #tpu.memory_space<vmem>>)
      %scan3A_91 = arith.constant 0 : i32
      %scan3A_92 = arith.constant 8 : i32
      %scan3A_93 = arith.addi %scan3A_91, %scan3A_92 : i32
      %scan3A_94 = arith.constant 1 : i32
      scf.for %scan3A_109 = %scan3A_91 to %scan3A_93 step %scan3A_94  : i32 {
        %mul3A_110 = arith.constant 16 : i32
        %mul3A_111 = arith.muli %scan3A_109, %mul3A_110 : i32
        %add3A_112 = arith.constant 0 : i32
        %add3A_113 = arith.addi %add3A_112, %mul3A_111 : i32
        %mul3A_114 = arith.constant 128 : i32
        %mul3A_115 = arith.muli %add3A_56, %mul3A_114 : i32
        %add3A_116 = arith.addi %mul3A_115, %add3A_113 : i32
        %get3A = arith.index_cast %add3A_116 : i32 to index
        %get3A_117 = tpu.vector_load %arg9[%get3A] {strides = array<i32>} : memref<16384xi32, #tpu.memory_space<vmem>>, vector<16xi32>,
        %mul3A_118 = arith.constant 8192 : i32
        %mul3A_119 = arith.muli %select_n3A, %mul3A_118 : i32
        %sub3A_120 = vector.broadcast %mul3A_119 : i32 to vector<16xi32>
        %sub3A_121 = arith.subi %get3A_117, %sub3A_120 : vector<16xi32>
        %mul3A_122 = arith.constant 128 : i32
        %mul3A_123 = arith.muli %add3A_56, %mul3A_122 : i32
        %add3A_124 = arith.addi %mul3A_123, %add3A_113 : i32
        %gather3A = tpu.vector_load_idx %arg12[%sub3A_121] : memref<8192xf32, #tpu.memory_space<vmem>>[vector<16xi32>], vector<16xf32>,
        %swap3A = arith.index_cast %add3A_124 : i32 to index
        %swap3A_125 = tpu.vector_load %arg15[%swap3A] {strides = array<i32>} : memref<16384xf32, #tpu.memory_space<vmem>>, vector<16xf32>,
        tpu.vector_store %arg15[%swap3A], %gather3A {strides = array<i32>} : memref<16384xf32, #tpu.memory_space<vmem>>, vector<16xf32>,
        %gather3A_126 = tpu.vector_load_idx %arg13[%sub3A_121] : memref<8192xf32, #tpu.memory_space<vmem>>[vector<16xi32>], vector<16xf32>,
        %swap3A_127 = arith.index_cast %add3A_124 : i32 to index
        %swap3A_128 = tpu.vector_load %arg16[%swap3A_127] {strides = array<i32>} : memref<16384xf32, #tpu.memory_space<vmem>>, vector<16xf32>,
        tpu.vector_store %arg16[%swap3A_127], %gather3A_126 {strides = array<i32>} : memref<16384xf32, #tpu.memory_space<vmem>>, vector<16xf32>,
        %gather3A_129 = tpu.vector_load_idx %arg14[%sub3A_121] : memref<8192xf32, #tpu.memory_space<vmem>>[vector<16xi32>], vector<16xf32>,
        %swap3A_130 = arith.index_cast %add3A_124 : i32 to index
        %swap3A_131 = tpu.vector_load %arg17[%swap3A_130] {strides = array<i32>} : memref<16384xf32, #tpu.memory_space<vmem>>, vector<16xf32>,
        tpu.vector_store %arg17[%swap3A_130], %gather3A_129 {strides = array<i32>} : memref<16384xf32, #tpu.memory_space<vmem>>, vector<16xf32>,
      }
      %scan3A_95 = arith.constant 8 : i32
      %mul3A_96 = arith.constant 128 : i32
      %mul3A_97 = arith.muli %add3A_56, %mul3A_96 : i32
      %add3A_98 = arith.addi %mul3A_2, %mul3A_97 : i32
      %dma_start3A_99 = arith.constant 0 : i32
      %dma_start3A_100 = tpu.memref_slice %arg5[%add3A_98, %dma_start3A_99] : memref<524288x128xf32, #tpu.memory_space<hbm>> -> memref<128x128xf32, #tpu.memory_space<hbm>>
      %dma_start3A_101 = arith.constant 0 : i32
      %dma_start3A_102 = tpu.memref_slice %arg5[%add3A_98, %dma_start3A_101] : memref<524288x128xf32, #tpu.memory_space<hbm>> -> memref<128x128xf32, #tpu.memory_space<hbm>>
      tpu.enqueue_dma source(%arg11 : memref<128x128xf32, #tpu.memory_space<vmem>>) target(%dma_start3A_102 : memref<128x128xf32, #tpu.memory_space<hbm>>) target_semaphore(%arg21 : memref<!tpu.dma_semaphore, #tpu.memory_space<semaphore_mem>>)
      %dma_wait3A_103 = arith.constant 0 : i32
      %dma_wait3A_104 = arith.constant 0 : i32
      %dma_wait3A_105 = tpu.memref_slice %arg2[%dma_wait3A_103, %dma_wait3A_104] : memref<65536x128xf32, #tpu.memory_space<hbm>> -> memref<128x128xf32, #tpu.memory_space<hbm>>
      %dma_wait3A_106 = arith.constant 0 : i32
      %dma_wait3A_107 = arith.constant 0 : i32
      %dma_wait3A_108 = tpu.memref_slice %arg2[%dma_wait3A_106, %dma_wait3A_107] : memref<65536x128xf32, #tpu.memory_space<hbm>> -> memref<128x128xf32, #tpu.memory_space<hbm>>
      tpu.wait_dma2 semaphore(%arg21 : memref<!tpu.dma_semaphore, #tpu.memory_space<semaphore_mem>>) src(%dma_wait3A_108 : memref<128x128xf32, #tpu.memory_space<hbm>>) dst(%arg11 : memref<128x128xf32, #tpu.memory_space<vmem>>)
    }
    %scan3A_44 = arith.constant 64 : i32
    %dma_wait3A = arith.constant 0 : i32
    %dma_wait3A_45 = arith.constant 0 : i32
    %dma_wait3A_46 = tpu.memref_slice %arg2[%dma_wait3A, %dma_wait3A_45] : memref<65536x128xf32, #tpu.memory_space<hbm>> -> memref<128x128xf32, #tpu.memory_space<hbm>>
    %dma_wait3A_47 = arith.constant 0 : i32
    %dma_wait3A_48 = arith.constant 0 : i32
    %dma_wait3A_49 = tpu.memref_slice %arg2[%dma_wait3A_47, %dma_wait3A_48] : memref<65536x128xf32, #tpu.memory_space<hbm>> -> memref<128x128xf32, #tpu.memory_space<hbm>>
    tpu.wait_dma2 semaphore(%arg20 : memref<!tpu.dma_semaphore, #tpu.memory_space<semaphore_mem>>) src(%dma_wait3A_49 : memref<128x128xf32, #tpu.memory_space<hbm>>) dst(%arg10 : memref<128x128xf32, #tpu.memory_space<vmem>>)
    "tpu.region"() ({
      %run_scoped3A = tpu.sem_alloc : memref<!tpu.dma_semaphore, #tpu.memory_space<semaphore_mem>>
      %dma_start3A_50 = tpu.memref_slice %arg6[%mul3A_2] : memref<524288xf32, #tpu.memory_space<hbm>> -> memref<16384xf32, #tpu.memory_space<hbm>>
      %dma_start3A_51 = tpu.memref_slice %arg6[%mul3A_2] : memref<524288xf32, #tpu.memory_space<hbm>> -> memref<16384xf32, #tpu.memory_space<hbm>>
      tpu.enqueue_dma source(%arg15 : memref<16384xf32, #tpu.memory_space<vmem>>) target(%dma_start3A_51 : memref<16384xf32, #tpu.memory_space<hbm>>) target_semaphore(%run_scoped3A : memref<!tpu.dma_semaphore, #tpu.memory_space<semaphore_mem>>)
      %dma_wait3A_52 = tpu.memref_slice %arg6[%mul3A_2] : memref<524288xf32, #tpu.memory_space<hbm>> -> memref<16384xf32, #tpu.memory_space<hbm>>
      %dma_wait3A_53 = tpu.memref_slice %arg6[%mul3A_2] : memref<524288xf32, #tpu.memory_space<hbm>> -> memref<16384xf32, #tpu.memory_space<hbm>>
      tpu.wait_dma2 semaphore(%run_scoped3A : memref<!tpu.dma_semaphore, #tpu.memory_space<semaphore_mem>>) src(%arg15 : memref<16384xf32, #tpu.memory_space<vmem>>) dst(%dma_wait3A_53 : memref<16384xf32, #tpu.memory_space<hbm>>)
      tpu.yield
    }) : () -> ()
    "tpu.region"() ({
      %run_scoped3A = tpu.sem_alloc : memref<!tpu.dma_semaphore, #tpu.memory_space<semaphore_mem>>
      %dma_start3A_50 = tpu.memref_slice %arg7[%mul3A_2] : memref<524288xf32, #tpu.memory_space<hbm>> -> memref<16384xf32, #tpu.memory_space<hbm>>
      %dma_start3A_51 = tpu.memref_slice %arg7[%mul3A_2] : memref<524288xf32, #tpu.memory_space<hbm>> -> memref<16384xf32, #tpu.memory_space<hbm>>
      tpu.enqueue_dma source(%arg16 : memref<16384xf32, #tpu.memory_space<vmem>>) target(%dma_start3A_51 : memref<16384xf32, #tpu.memory_space<hbm>>) target_semaphore(%run_scoped3A : memref<!tpu.dma_semaphore, #tpu.memory_space<semaphore_mem>>)
      %dma_wait3A_52 = tpu.memref_slice %arg7[%mul3A_2] : memref<524288xf32, #tpu.memory_space<hbm>> -> memref<16384xf32, #tpu.memory_space<hbm>>
      %dma_wait3A_53 = tpu.memref_slice %arg7[%mul3A_2] : memref<524288xf32, #tpu.memory_space<hbm>> -> memref<16384xf32, #tpu.memory_space<hbm>>
      tpu.wait_dma2 semaphore(%run_scoped3A : memref<!tpu.dma_semaphore, #tpu.memory_space<semaphore_mem>>) src(%arg16 : memref<16384xf32, #tpu.memory_space<vmem>>) dst(%dma_wait3A_53 : memref<16384xf32, #tpu.memory_space<hbm>>)
      tpu.yield
    }) : () -> ()
    "tpu.region"() ({
      %run_scoped3A = tpu.sem_alloc : memref<!tpu.dma_semaphore, #tpu.memory_space<semaphore_mem>>
      %dma_start3A_50 = tpu.memref_slice %arg8[%mul3A_2] : memref<524288xf32, #tpu.memory_space<hbm>> -> memref<16384xf32, #tpu.memory_space<hbm>>
      %dma_start3A_51 = tpu.memref_slice %arg8[%mul3A_2] : memref<524288xf32, #tpu.memory_space<hbm>> -> memref<16384xf32, #tpu.memory_space<hbm>>
      tpu.enqueue_dma source(%arg17 : memref<16384xf32, #tpu.memory_space<vmem>>) target(%dma_start3A_51 : memref<16384xf32, #tpu.memory_space<hbm>>) target_semaphore(%run_scoped3A : memref<!tpu.dma_semaphore, #tpu.memory_space<semaphore_mem>>)
      %dma_wait3A_52 = tpu.memref_slice %arg8[%mul3A_2] : memref<524288xf32, #tpu.memory_space<hbm>> -> memref<16384xf32, #tpu.memory_space<hbm>>
      %dma_wait3A_53 = tpu.memref_slice %arg8[%mul3A_2] : memref<524288xf32, #tpu.memory_space<hbm>> -> memref<16384xf32, #tpu.memory_space<hbm>>
      tpu.wait_dma2 semaphore(%run_scoped3A : memref<!tpu.dma_semaphore, #tpu.memory_space<semaphore_mem>>) src(%arg17 : memref<16384xf32, #tpu.memory_space<vmem>>) dst(%dma_wait3A_53 : memref<16384xf32, #tpu.memory_space<hbm>>)
      tpu.yield
    }) : () -> ()
    return
  }
}

module attributes {stable_mosaic.version = 14 : i64} {
  func.func @_knn_body(%arg0: i32, %arg1: i32, %arg2: memref<1x256x8xf32, #tpu.memory_space<vmem>>, %arg3: memref<1x8x8192xf32, #tpu.memory_space<vmem>>, %arg4: memref<1x32x256xi32, #tpu.memory_space<vmem>>) attributes {dimension_semantics = [#tpu.dimension_semantics<arbitrary>, #tpu.dimension_semantics<arbitrary>], iteration_bounds = array<i64: 8, 8>, scalar_prefetch = 0 : i64, scratch_operands = 0 : i64, tpu.core_type = #tpu.core_type<tc>, window_params = [{transform_indices = @transform_0, window_bounds = array<i64: 1, 256, 8>}, {transform_indices = @transform_1, window_bounds = array<i64: 1, 8, 8192>}, {transform_indices = @transform_2, window_bounds = array<i64: 1, 32, 256>}]} {
    %get3A = arith.constant 0 : index
    %get3A_0 = arith.constant 0 : index
    %get3A_1 = arith.constant 0 : index
    %get3A_2 = vector.load %arg2[%get3A, %get3A_0, %get3A_1] : memref<1x256x8xf32, #tpu.memory_space<vmem>>, vector<1x256x8xf32>
    %get3A_3 = vector.shape_cast %get3A_2 : vector<1x256x8xf32> to vector<256x8xf32>
    %get3A_4 = arith.constant 0 : index
    %get3A_5 = arith.constant 0 : index
    %get3A_6 = arith.constant 0 : index
    %get3A_7 = vector.load %arg3[%get3A_4, %get3A_5, %get3A_6] : memref<1x8x8192xf32, #tpu.memory_space<vmem>>, vector<1x8x8192xf32>
    %get3A_8 = vector.shape_cast %get3A_7 : vector<1x8x8192xf32> to vector<8x8192xf32>
    %dot_general3A = arith.constant dense<0.000000e+00> : vector<256x8192xf32>
    %dot_general3A_9 = tpu.matmul %get3A_3, %get3A_8, %dot_general3A {dimension_numbers = #tpu.dot_dimension_numbers<[1], [0], [0], [1], [0, 0, 1, 1], [], []>, transpose_lhs_hint = false} : vector<256x8xf32>, vector<8x8192xf32>, vector<256x8192xf32> -> vector<256x8192xf32>
    %mul3A = arith.mulf %get3A_3, %get3A_3 : vector<256x8xf32>
    %reduce_sum3A = arith.constant dense<0.000000e+00> : vector<256xf32>
    %reduce_sum3A_10 = vector.multi_reduction <add>, %mul3A, %reduce_sum3A [1] : vector<256x8xf32> to vector<256xf32>
    %broadcast_in_dim3A = vector.shape_cast %reduce_sum3A_10 : vector<256xf32> to vector<256x1xf32>
    %mul3A_11 = arith.mulf %get3A_8, %get3A_8 : vector<8x8192xf32>
    %reduce_sum3A_12 = arith.constant dense<0.000000e+00> : vector<8192xf32>
    %reduce_sum3A_13 = vector.multi_reduction <add>, %mul3A_11, %reduce_sum3A_12 [0] : vector<8x8192xf32> to vector<8192xf32>
    %broadcast_in_dim3A_14 = vector.shape_cast %reduce_sum3A_13 : vector<8192xf32> to vector<1x8192xf32>
    %mul3A_15 = arith.constant 2.000000e+00 : f32
    %mul3A_16 = vector.broadcast %mul3A_15 : f32 to vector<256x8192xf32>
    %mul3A_17 = arith.mulf %mul3A_16, %dot_general3A_9 : vector<256x8192xf32>
    %sub3A = vector.broadcast %broadcast_in_dim3A : vector<256x1xf32> to vector<256x8192xf32>
    %sub3A_18 = arith.subf %sub3A, %mul3A_17 : vector<256x8192xf32>
    %add3A = vector.broadcast %broadcast_in_dim3A_14 : vector<1x8192xf32> to vector<256x8192xf32>
    %add3A_19 = arith.addf %sub3A_18, %add3A : vector<256x8192xf32>
    %mul3A_20 = arith.constant 8192 : i32
    %mul3A_21 = arith.muli %arg0, %mul3A_20 : i32
    %broadcast_in_dim3A_22 = arith.constant 0x7F800000 : f32
    %broadcast_in_dim3A_23 = vector.broadcast %broadcast_in_dim3A_22 : f32 to vector<256x128xf32>
    %broadcast_in_dim3A_24 = arith.constant 0x7F800000 : f32
    %broadcast_in_dim3A_25 = vector.broadcast %broadcast_in_dim3A_24 : f32 to vector<256x128xf32>
    %broadcast_in_dim3A_26 = arith.constant 0x7F800000 : f32
    %broadcast_in_dim3A_27 = vector.broadcast %broadcast_in_dim3A_26 : f32 to vector<256x128xf32>
    %broadcast_in_dim3A_28 = arith.constant 0x7F800000 : f32
    %broadcast_in_dim3A_29 = vector.broadcast %broadcast_in_dim3A_28 : f32 to vector<256x128xf32>
    %broadcast_in_dim3A_30 = arith.constant 0x7F800000 : f32
    %broadcast_in_dim3A_31 = vector.broadcast %broadcast_in_dim3A_30 : f32 to vector<256x128xf32>
    %broadcast_in_dim3A_32 = arith.constant 0x7F800000 : f32
    %broadcast_in_dim3A_33 = vector.broadcast %broadcast_in_dim3A_32 : f32 to vector<256x128xf32>
    %broadcast_in_dim3A_34 = arith.constant 0 : i32
    %broadcast_in_dim3A_35 = vector.broadcast %broadcast_in_dim3A_34 : i32 to vector<256x128xi32>
    %broadcast_in_dim3A_36 = arith.constant 0 : i32
    %broadcast_in_dim3A_37 = vector.broadcast %broadcast_in_dim3A_36 : i32 to vector<256x128xi32>
    %broadcast_in_dim3A_38 = arith.constant 0 : i32
    %broadcast_in_dim3A_39 = vector.broadcast %broadcast_in_dim3A_38 : i32 to vector<256x128xi32>
    %broadcast_in_dim3A_40 = arith.constant 0 : i32
    %broadcast_in_dim3A_41 = vector.broadcast %broadcast_in_dim3A_40 : i32 to vector<256x128xi32>
    %broadcast_in_dim3A_42 = arith.constant 0 : i32
    %broadcast_in_dim3A_43 = vector.broadcast %broadcast_in_dim3A_42 : i32 to vector<256x128xi32>
    %broadcast_in_dim3A_44 = arith.constant 0 : i32
    %broadcast_in_dim3A_45 = vector.broadcast %broadcast_in_dim3A_44 : i32 to vector<256x128xi32>
    %slice3A = vector.extract_strided_slice %add3A_19 {offsets = [0, 0], sizes = [256, 128], strides = [1, 1]} : vector<256x8192xf32> to vector<256x128xf32>
    %broadcast_in_dim3A_46 = arith.constant 0 : i32
    %broadcast_in_dim3A_47 = vector.broadcast %broadcast_in_dim3A_46 : i32 to vector<256x128xi32>
    %lt3A = arith.cmpf olt, %slice3A, %broadcast_in_dim3A_23 : vector<256x128xf32>
    %select_n3A = arith.select %lt3A, %slice3A, %broadcast_in_dim3A_23 : vector<256x128xi1>, vector<256x128xf32>
    %select_n3A_48 = arith.select %lt3A, %broadcast_in_dim3A_23, %slice3A : vector<256x128xi1>, vector<256x128xf32>
    %select_n3A_49 = arith.select %lt3A, %broadcast_in_dim3A_47, %broadcast_in_dim3A_35 : vector<256x128xi1>, vector<256x128xi32>
    %select_n3A_50 = arith.select %lt3A, %broadcast_in_dim3A_35, %broadcast_in_dim3A_47 : vector<256x128xi1>, vector<256x128xi32>
    %lt3A_51 = arith.cmpf olt, %select_n3A_48, %broadcast_in_dim3A_25 : vector<256x128xf32>
    %select_n3A_52 = arith.select %lt3A_51, %select_n3A_48, %broadcast_in_dim3A_25 : vector<256x128xi1>, vector<256x128xf32>
    %select_n3A_53 = arith.select %lt3A_51, %broadcast_in_dim3A_25, %select_n3A_48 : vector<256x128xi1>, vector<256x128xf32>
    %select_n3A_54 = arith.select %lt3A_51, %select_n3A_50, %broadcast_in_dim3A_37 : vector<256x128xi1>, vector<256x128xi32>
    %select_n3A_55 = arith.select %lt3A_51, %broadcast_in_dim3A_37, %select_n3A_50 : vector<256x128xi1>, vector<256x128xi32>
    %lt3A_56 = arith.cmpf olt, %select_n3A_53, %broadcast_in_dim3A_27 : vector<256x128xf32>
    %select_n3A_57 = arith.select %lt3A_56, %select_n3A_53, %broadcast_in_dim3A_27 : vector<256x128xi1>, vector<256x128xf32>
    %select_n3A_58 = arith.select %lt3A_56, %broadcast_in_dim3A_27, %select_n3A_53 : vector<256x128xi1>, vector<256x128xf32>
    %select_n3A_59 = arith.select %lt3A_56, %select_n3A_55, %broadcast_in_dim3A_39 : vector<256x128xi1>, vector<256x128xi32>
    %select_n3A_60 = arith.select %lt3A_56, %broadcast_in_dim3A_39, %select_n3A_55 : vector<256x128xi1>, vector<256x128xi32>
    %lt3A_61 = arith.cmpf olt, %select_n3A_58, %broadcast_in_dim3A_29 : vector<256x128xf32>
    %select_n3A_62 = arith.select %lt3A_61, %select_n3A_58, %broadcast_in_dim3A_29 : vector<256x128xi1>, vector<256x128xf32>
    %select_n3A_63 = arith.select %lt3A_61, %broadcast_in_dim3A_29, %select_n3A_58 : vector<256x128xi1>, vector<256x128xf32>
    %select_n3A_64 = arith.select %lt3A_61, %select_n3A_60, %broadcast_in_dim3A_41 : vector<256x128xi1>, vector<256x128xi32>
    %select_n3A_65 = arith.select %lt3A_61, %broadcast_in_dim3A_41, %select_n3A_60 : vector<256x128xi1>, vector<256x128xi32>
    %lt3A_66 = arith.cmpf olt, %select_n3A_63, %broadcast_in_dim3A_31 : vector<256x128xf32>
    %select_n3A_67 = arith.select %lt3A_66, %select_n3A_63, %broadcast_in_dim3A_31 : vector<256x128xi1>, vector<256x128xf32>
    %select_n3A_68 = arith.select %lt3A_66, %broadcast_in_dim3A_31, %select_n3A_63 : vector<256x128xi1>, vector<256x128xf32>
    %select_n3A_69 = arith.select %lt3A_66, %select_n3A_65, %broadcast_in_dim3A_43 : vector<256x128xi1>, vector<256x128xi32>
    %select_n3A_70 = arith.select %lt3A_66, %broadcast_in_dim3A_43, %select_n3A_65 : vector<256x128xi1>, vector<256x128xi32>
    %lt3A_71 = arith.cmpf olt, %select_n3A_68, %broadcast_in_dim3A_33 : vector<256x128xf32>
    %select_n3A_72 = arith.select %lt3A_71, %select_n3A_68, %broadcast_in_dim3A_33 : vector<256x128xi1>, vector<256x128xf32>
    %select_n3A_73 = arith.select %lt3A_71, %select_n3A_70, %broadcast_in_dim3A_45 : vector<256x128xi1>, vector<256x128xi32>
    %slice3A_74 = vector.extract_strided_slice %add3A_19 {offsets = [0, 128], sizes = [256, 128], strides = [1, 1]} : vector<256x8192xf32> to vector<256x128xf32>
    %broadcast_in_dim3A_75 = arith.constant 1 : i32
    %broadcast_in_dim3A_76 = vector.broadcast %broadcast_in_dim3A_75 : i32 to vector<256x128xi32>
    %lt3A_77 = arith.cmpf olt, %slice3A_74, %select_n3A : vector<256x128xf32>
    %select_n3A_78 = arith.select %lt3A_77, %slice3A_74, %select_n3A : vector<256x128xi1>, vector<256x128xf32>
    %select_n3A_79 = arith.select %lt3A_77, %select_n3A, %slice3A_74 : vector<256x128xi1>, vector<256x128xf32>
    %select_n3A_80 = arith.select %lt3A_77, %broadcast_in_dim3A_76, %select_n3A_49 : vector<256x128xi1>, vector<256x128xi32>
    %select_n3A_81 = arith.select %lt3A_77, %select_n3A_49, %broadcast_in_dim3A_76 : vector<256x128xi1>, vector<256x128xi32>
    %lt3A_82 = arith.cmpf olt, %select_n3A_79, %select_n3A_52 : vector<256x128xf32>
    %select_n3A_83 = arith.select %lt3A_82, %select_n3A_79, %select_n3A_52 : vector<256x128xi1>, vector<256x128xf32>
    %select_n3A_84 = arith.select %lt3A_82, %select_n3A_52, %select_n3A_79 : vector<256x128xi1>, vector<256x128xf32>
    %select_n3A_85 = arith.select %lt3A_82, %select_n3A_81, %select_n3A_54 : vector<256x128xi1>, vector<256x128xi32>
    %select_n3A_86 = arith.select %lt3A_82, %select_n3A_54, %select_n3A_81 : vector<256x128xi1>, vector<256x128xi32>
    %lt3A_87 = arith.cmpf olt, %select_n3A_84, %select_n3A_57 : vector<256x128xf32>
    %select_n3A_88 = arith.select %lt3A_87, %select_n3A_84, %select_n3A_57 : vector<256x128xi1>, vector<256x128xf32>
    %select_n3A_89 = arith.select %lt3A_87, %select_n3A_57, %select_n3A_84 : vector<256x128xi1>, vector<256x128xf32>
    %select_n3A_90 = arith.select %lt3A_87, %select_n3A_86, %select_n3A_59 : vector<256x128xi1>, vector<256x128xi32>
    %select_n3A_91 = arith.select %lt3A_87, %select_n3A_59, %select_n3A_86 : vector<256x128xi1>, vector<256x128xi32>
    %lt3A_92 = arith.cmpf olt, %select_n3A_89, %select_n3A_62 : vector<256x128xf32>
    %select_n3A_93 = arith.select %lt3A_92, %select_n3A_89, %select_n3A_62 : vector<256x128xi1>, vector<256x128xf32>
    %select_n3A_94 = arith.select %lt3A_92, %select_n3A_62, %select_n3A_89 : vector<256x128xi1>, vector<256x128xf32>
    %select_n3A_95 = arith.select %lt3A_92, %select_n3A_91, %select_n3A_64 : vector<256x128xi1>, vector<256x128xi32>
    %select_n3A_96 = arith.select %lt3A_92, %select_n3A_64, %select_n3A_91 : vector<256x128xi1>, vector<256x128xi32>
    %lt3A_97 = arith.cmpf olt, %select_n3A_94, %select_n3A_67 : vector<256x128xf32>
    %select_n3A_98 = arith.select %lt3A_97, %select_n3A_94, %select_n3A_67 : vector<256x128xi1>, vector<256x128xf32>
    %select_n3A_99 = arith.select %lt3A_97, %select_n3A_67, %select_n3A_94 : vector<256x128xi1>, vector<256x128xf32>
    %select_n3A_100 = arith.select %lt3A_97, %select_n3A_96, %select_n3A_69 : vector<256x128xi1>, vector<256x128xi32>
    %select_n3A_101 = arith.select %lt3A_97, %select_n3A_69, %select_n3A_96 : vector<256x128xi1>, vector<256x128xi32>
    %lt3A_102 = arith.cmpf olt, %select_n3A_99, %select_n3A_72 : vector<256x128xf32>
    %select_n3A_103 = arith.select %lt3A_102, %select_n3A_99, %select_n3A_72 : vector<256x128xi1>, vector<256x128xf32>
    %select_n3A_104 = arith.select %lt3A_102, %select_n3A_101, %select_n3A_73 : vector<256x128xi1>, vector<256x128xi32>
    %slice3A_105 = vector.extract_strided_slice %add3A_19 {offsets = [0, 256], sizes = [256, 128], strides = [1, 1]} : vector<256x8192xf32> to vector<256x128xf32>
    %broadcast_in_dim3A_106 = arith.constant 2 : i32
    %broadcast_in_dim3A_107 = vector.broadcast %broadcast_in_dim3A_106 : i32 to vector<256x128xi32>
    %lt3A_108 = arith.cmpf olt, %slice3A_105, %select_n3A_78 : vector<256x128xf32>
    %select_n3A_109 = arith.select %lt3A_108, %slice3A_105, %select_n3A_78 : vector<256x128xi1>, vector<256x128xf32>
    %select_n3A_110 = arith.select %lt3A_108, %select_n3A_78, %slice3A_105 : vector<256x128xi1>, vector<256x128xf32>
    %select_n3A_111 = arith.select %lt3A_108, %broadcast_in_dim3A_107, %select_n3A_80 : vector<256x128xi1>, vector<256x128xi32>
    %select_n3A_112 = arith.select %lt3A_108, %select_n3A_80, %broadcast_in_dim3A_107 : vector<256x128xi1>, vector<256x128xi32>
    %lt3A_113 = arith.cmpf olt, %select_n3A_110, %select_n3A_83 : vector<256x128xf32>
    %select_n3A_114 = arith.select %lt3A_113, %select_n3A_110, %select_n3A_83 : vector<256x128xi1>, vector<256x128xf32>
    %select_n3A_115 = arith.select %lt3A_113, %select_n3A_83, %select_n3A_110 : vector<256x128xi1>, vector<256x128xf32>
    %select_n3A_116 = arith.select %lt3A_113, %select_n3A_112, %select_n3A_85 : vector<256x128xi1>, vector<256x128xi32>
    %select_n3A_117 = arith.select %lt3A_113, %select_n3A_85, %select_n3A_112 : vector<256x128xi1>, vector<256x128xi32>
    %lt3A_118 = arith.cmpf olt, %select_n3A_115, %select_n3A_88 : vector<256x128xf32>
    %select_n3A_119 = arith.select %lt3A_118, %select_n3A_115, %select_n3A_88 : vector<256x128xi1>, vector<256x128xf32>
    %select_n3A_120 = arith.select %lt3A_118, %select_n3A_88, %select_n3A_115 : vector<256x128xi1>, vector<256x128xf32>
    %select_n3A_121 = arith.select %lt3A_118, %select_n3A_117, %select_n3A_90 : vector<256x128xi1>, vector<256x128xi32>
    %select_n3A_122 = arith.select %lt3A_118, %select_n3A_90, %select_n3A_117 : vector<256x128xi1>, vector<256x128xi32>
    %lt3A_123 = arith.cmpf olt, %select_n3A_120, %select_n3A_93 : vector<256x128xf32>
    %select_n3A_124 = arith.select %lt3A_123, %select_n3A_120, %select_n3A_93 : vector<256x128xi1>, vector<256x128xf32>
    %select_n3A_125 = arith.select %lt3A_123, %select_n3A_93, %select_n3A_120 : vector<256x128xi1>, vector<256x128xf32>
    %select_n3A_126 = arith.select %lt3A_123, %select_n3A_122, %select_n3A_95 : vector<256x128xi1>, vector<256x128xi32>
    %select_n3A_127 = arith.select %lt3A_123, %select_n3A_95, %select_n3A_122 : vector<256x128xi1>, vector<256x128xi32>
    %lt3A_128 = arith.cmpf olt, %select_n3A_125, %select_n3A_98 : vector<256x128xf32>
    %select_n3A_129 = arith.select %lt3A_128, %select_n3A_125, %select_n3A_98 : vector<256x128xi1>, vector<256x128xf32>
    %select_n3A_130 = arith.select %lt3A_128, %select_n3A_98, %select_n3A_125 : vector<256x128xi1>, vector<256x128xf32>
    %select_n3A_131 = arith.select %lt3A_128, %select_n3A_127, %select_n3A_100 : vector<256x128xi1>, vector<256x128xi32>
    %select_n3A_132 = arith.select %lt3A_128, %select_n3A_100, %select_n3A_127 : vector<256x128xi1>, vector<256x128xi32>
    %lt3A_133 = arith.cmpf olt, %select_n3A_130, %select_n3A_103 : vector<256x128xf32>
    %select_n3A_134 = arith.select %lt3A_133, %select_n3A_130, %select_n3A_103 : vector<256x128xi1>, vector<256x128xf32>
    %select_n3A_135 = arith.select %lt3A_133, %select_n3A_132, %select_n3A_104 : vector<256x128xi1>, vector<256x128xi32>
    %slice3A_136 = vector.extract_strided_slice %add3A_19 {offsets = [0, 384], sizes = [256, 128], strides = [1, 1]} : vector<256x8192xf32> to vector<256x128xf32>
    %broadcast_in_dim3A_137 = arith.constant 3 : i32
    %broadcast_in_dim3A_138 = vector.broadcast %broadcast_in_dim3A_137 : i32 to vector<256x128xi32>
    %lt3A_139 = arith.cmpf olt, %slice3A_136, %select_n3A_109 : vector<256x128xf32>
    %select_n3A_140 = arith.select %lt3A_139, %slice3A_136, %select_n3A_109 : vector<256x128xi1>, vector<256x128xf32>
    %select_n3A_141 = arith.select %lt3A_139, %select_n3A_109, %slice3A_136 : vector<256x128xi1>, vector<256x128xf32>
    %select_n3A_142 = arith.select %lt3A_139, %broadcast_in_dim3A_138, %select_n3A_111 : vector<256x128xi1>, vector<256x128xi32>
    %select_n3A_143 = arith.select %lt3A_139, %select_n3A_111, %broadcast_in_dim3A_138 : vector<256x128xi1>, vector<256x128xi32>
    %lt3A_144 = arith.cmpf olt, %select_n3A_141, %select_n3A_114 : vector<256x128xf32>
    %select_n3A_145 = arith.select %lt3A_144, %select_n3A_141, %select_n3A_114 : vector<256x128xi1>, vector<256x128xf32>
    %select_n3A_146 = arith.select %lt3A_144, %select_n3A_114, %select_n3A_141 : vector<256x128xi1>, vector<256x128xf32>
    %select_n3A_147 = arith.select %lt3A_144, %select_n3A_143, %select_n3A_116 : vector<256x128xi1>, vector<256x128xi32>
    %select_n3A_148 = arith.select %lt3A_144, %select_n3A_116, %select_n3A_143 : vector<256x128xi1>, vector<256x128xi32>
    %lt3A_149 = arith.cmpf olt, %select_n3A_146, %select_n3A_119 : vector<256x128xf32>
    %select_n3A_150 = arith.select %lt3A_149, %select_n3A_146, %select_n3A_119 : vector<256x128xi1>, vector<256x128xf32>
    %select_n3A_151 = arith.select %lt3A_149, %select_n3A_119, %select_n3A_146 : vector<256x128xi1>, vector<256x128xf32>
    %select_n3A_152 = arith.select %lt3A_149, %select_n3A_148, %select_n3A_121 : vector<256x128xi1>, vector<256x128xi32>
    %select_n3A_153 = arith.select %lt3A_149, %select_n3A_121, %select_n3A_148 : vector<256x128xi1>, vector<256x128xi32>
    %lt3A_154 = arith.cmpf olt, %select_n3A_151, %select_n3A_124 : vector<256x128xf32>
    %select_n3A_155 = arith.select %lt3A_154, %select_n3A_151, %select_n3A_124 : vector<256x128xi1>, vector<256x128xf32>
    %select_n3A_156 = arith.select %lt3A_154, %select_n3A_124, %select_n3A_151 : vector<256x128xi1>, vector<256x128xf32>
    %select_n3A_157 = arith.select %lt3A_154, %select_n3A_153, %select_n3A_126 : vector<256x128xi1>, vector<256x128xi32>
    %select_n3A_158 = arith.select %lt3A_154, %select_n3A_126, %select_n3A_153 : vector<256x128xi1>, vector<256x128xi32>
    %lt3A_159 = arith.cmpf olt, %select_n3A_156, %select_n3A_129 : vector<256x128xf32>
    %select_n3A_160 = arith.select %lt3A_159, %select_n3A_156, %select_n3A_129 : vector<256x128xi1>, vector<256x128xf32>
    %select_n3A_161 = arith.select %lt3A_159, %select_n3A_129, %select_n3A_156 : vector<256x128xi1>, vector<256x128xf32>
    %select_n3A_162 = arith.select %lt3A_159, %select_n3A_158, %select_n3A_131 : vector<256x128xi1>, vector<256x128xi32>
    %select_n3A_163 = arith.select %lt3A_159, %select_n3A_131, %select_n3A_158 : vector<256x128xi1>, vector<256x128xi32>
    %lt3A_164 = arith.cmpf olt, %select_n3A_161, %select_n3A_134 : vector<256x128xf32>
    %select_n3A_165 = arith.select %lt3A_164, %select_n3A_161, %select_n3A_134 : vector<256x128xi1>, vector<256x128xf32>
    %select_n3A_166 = arith.select %lt3A_164, %select_n3A_163, %select_n3A_135 : vector<256x128xi1>, vector<256x128xi32>
    %slice3A_167 = vector.extract_strided_slice %add3A_19 {offsets = [0, 512], sizes = [256, 128], strides = [1, 1]} : vector<256x8192xf32> to vector<256x128xf32>
    %broadcast_in_dim3A_168 = arith.constant 4 : i32
    %broadcast_in_dim3A_169 = vector.broadcast %broadcast_in_dim3A_168 : i32 to vector<256x128xi32>
    %lt3A_170 = arith.cmpf olt, %slice3A_167, %select_n3A_140 : vector<256x128xf32>
    %select_n3A_171 = arith.select %lt3A_170, %slice3A_167, %select_n3A_140 : vector<256x128xi1>, vector<256x128xf32>
    %select_n3A_172 = arith.select %lt3A_170, %select_n3A_140, %slice3A_167 : vector<256x128xi1>, vector<256x128xf32>
    %select_n3A_173 = arith.select %lt3A_170, %broadcast_in_dim3A_169, %select_n3A_142 : vector<256x128xi1>, vector<256x128xi32>
    %select_n3A_174 = arith.select %lt3A_170, %select_n3A_142, %broadcast_in_dim3A_169 : vector<256x128xi1>, vector<256x128xi32>
    %lt3A_175 = arith.cmpf olt, %select_n3A_172, %select_n3A_145 : vector<256x128xf32>
    %select_n3A_176 = arith.select %lt3A_175, %select_n3A_172, %select_n3A_145 : vector<256x128xi1>, vector<256x128xf32>
    %select_n3A_177 = arith.select %lt3A_175, %select_n3A_145, %select_n3A_172 : vector<256x128xi1>, vector<256x128xf32>
    %select_n3A_178 = arith.select %lt3A_175, %select_n3A_174, %select_n3A_147 : vector<256x128xi1>, vector<256x128xi32>
    %select_n3A_179 = arith.select %lt3A_175, %select_n3A_147, %select_n3A_174 : vector<256x128xi1>, vector<256x128xi32>
    %lt3A_180 = arith.cmpf olt, %select_n3A_177, %select_n3A_150 : vector<256x128xf32>
    %select_n3A_181 = arith.select %lt3A_180, %select_n3A_177, %select_n3A_150 : vector<256x128xi1>, vector<256x128xf32>
    %select_n3A_182 = arith.select %lt3A_180, %select_n3A_150, %select_n3A_177 : vector<256x128xi1>, vector<256x128xf32>
    %select_n3A_183 = arith.select %lt3A_180, %select_n3A_179, %select_n3A_152 : vector<256x128xi1>, vector<256x128xi32>
    %select_n3A_184 = arith.select %lt3A_180, %select_n3A_152, %select_n3A_179 : vector<256x128xi1>, vector<256x128xi32>
    %lt3A_185 = arith.cmpf olt, %select_n3A_182, %select_n3A_155 : vector<256x128xf32>
    %select_n3A_186 = arith.select %lt3A_185, %select_n3A_182, %select_n3A_155 : vector<256x128xi1>, vector<256x128xf32>
    %select_n3A_187 = arith.select %lt3A_185, %select_n3A_155, %select_n3A_182 : vector<256x128xi1>, vector<256x128xf32>
    %select_n3A_188 = arith.select %lt3A_185, %select_n3A_184, %select_n3A_157 : vector<256x128xi1>, vector<256x128xi32>
    %select_n3A_189 = arith.select %lt3A_185, %select_n3A_157, %select_n3A_184 : vector<256x128xi1>, vector<256x128xi32>
    %lt3A_190 = arith.cmpf olt, %select_n3A_187, %select_n3A_160 : vector<256x128xf32>
    %select_n3A_191 = arith.select %lt3A_190, %select_n3A_187, %select_n3A_160 : vector<256x128xi1>, vector<256x128xf32>
    %select_n3A_192 = arith.select %lt3A_190, %select_n3A_160, %select_n3A_187 : vector<256x128xi1>, vector<256x128xf32>
    %select_n3A_193 = arith.select %lt3A_190, %select_n3A_189, %select_n3A_162 : vector<256x128xi1>, vector<256x128xi32>
    %select_n3A_194 = arith.select %lt3A_190, %select_n3A_162, %select_n3A_189 : vector<256x128xi1>, vector<256x128xi32>
    %lt3A_195 = arith.cmpf olt, %select_n3A_192, %select_n3A_165 : vector<256x128xf32>
    %select_n3A_196 = arith.select %lt3A_195, %select_n3A_192, %select_n3A_165 : vector<256x128xi1>, vector<256x128xf32>
    %select_n3A_197 = arith.select %lt3A_195, %select_n3A_194, %select_n3A_166 : vector<256x128xi1>, vector<256x128xi32>
    %slice3A_198 = vector.extract_strided_slice %add3A_19 {offsets = [0, 640], sizes = [256, 128], strides = [1, 1]} : vector<256x8192xf32> to vector<256x128xf32>
    %broadcast_in_dim3A_199 = arith.constant 5 : i32
    %broadcast_in_dim3A_200 = vector.broadcast %broadcast_in_dim3A_199 : i32 to vector<256x128xi32>
    %lt3A_201 = arith.cmpf olt, %slice3A_198, %select_n3A_171 : vector<256x128xf32>
    %select_n3A_202 = arith.select %lt3A_201, %slice3A_198, %select_n3A_171 : vector<256x128xi1>, vector<256x128xf32>
    %select_n3A_203 = arith.select %lt3A_201, %select_n3A_171, %slice3A_198 : vector<256x128xi1>, vector<256x128xf32>
    %select_n3A_204 = arith.select %lt3A_201, %broadcast_in_dim3A_200, %select_n3A_173 : vector<256x128xi1>, vector<256x128xi32>
    %select_n3A_205 = arith.select %lt3A_201, %select_n3A_173, %broadcast_in_dim3A_200 : vector<256x128xi1>, vector<256x128xi32>
    %lt3A_206 = arith.cmpf olt, %select_n3A_203, %select_n3A_176 : vector<256x128xf32>
    %select_n3A_207 = arith.select %lt3A_206, %select_n3A_203, %select_n3A_176 : vector<256x128xi1>, vector<256x128xf32>
    %select_n3A_208 = arith.select %lt3A_206, %select_n3A_176, %select_n3A_203 : vector<256x128xi1>, vector<256x128xf32>
    %select_n3A_209 = arith.select %lt3A_206, %select_n3A_205, %select_n3A_178 : vector<256x128xi1>, vector<256x128xi32>
    %select_n3A_210 = arith.select %lt3A_206, %select_n3A_178, %select_n3A_205 : vector<256x128xi1>, vector<256x128xi32>
    %lt3A_211 = arith.cmpf olt, %select_n3A_208, %select_n3A_181 : vector<256x128xf32>
    %select_n3A_212 = arith.select %lt3A_211, %select_n3A_208, %select_n3A_181 : vector<256x128xi1>, vector<256x128xf32>
    %select_n3A_213 = arith.select %lt3A_211, %select_n3A_181, %select_n3A_208 : vector<256x128xi1>, vector<256x128xf32>
    %select_n3A_214 = arith.select %lt3A_211, %select_n3A_210, %select_n3A_183 : vector<256x128xi1>, vector<256x128xi32>
    %select_n3A_215 = arith.select %lt3A_211, %select_n3A_183, %select_n3A_210 : vector<256x128xi1>, vector<256x128xi32>
    %lt3A_216 = arith.cmpf olt, %select_n3A_213, %select_n3A_186 : vector<256x128xf32>
    %select_n3A_217 = arith.select %lt3A_216, %select_n3A_213, %select_n3A_186 : vector<256x128xi1>, vector<256x128xf32>
    %select_n3A_218 = arith.select %lt3A_216, %select_n3A_186, %select_n3A_213 : vector<256x128xi1>, vector<256x128xf32>
    %select_n3A_219 = arith.select %lt3A_216, %select_n3A_215, %select_n3A_188 : vector<256x128xi1>, vector<256x128xi32>
    %select_n3A_220 = arith.select %lt3A_216, %select_n3A_188, %select_n3A_215 : vector<256x128xi1>, vector<256x128xi32>
    %lt3A_221 = arith.cmpf olt, %select_n3A_218, %select_n3A_191 : vector<256x128xf32>
    %select_n3A_222 = arith.select %lt3A_221, %select_n3A_218, %select_n3A_191 : vector<256x128xi1>, vector<256x128xf32>
    %select_n3A_223 = arith.select %lt3A_221, %select_n3A_191, %select_n3A_218 : vector<256x128xi1>, vector<256x128xf32>
    %select_n3A_224 = arith.select %lt3A_221, %select_n3A_220, %select_n3A_193 : vector<256x128xi1>, vector<256x128xi32>
    %select_n3A_225 = arith.select %lt3A_221, %select_n3A_193, %select_n3A_220 : vector<256x128xi1>, vector<256x128xi32>
    %lt3A_226 = arith.cmpf olt, %select_n3A_223, %select_n3A_196 : vector<256x128xf32>
    %select_n3A_227 = arith.select %lt3A_226, %select_n3A_223, %select_n3A_196 : vector<256x128xi1>, vector<256x128xf32>
    %select_n3A_228 = arith.select %lt3A_226, %select_n3A_225, %select_n3A_197 : vector<256x128xi1>, vector<256x128xi32>
    %slice3A_229 = vector.extract_strided_slice %add3A_19 {offsets = [0, 768], sizes = [256, 128], strides = [1, 1]} : vector<256x8192xf32> to vector<256x128xf32>
    %broadcast_in_dim3A_230 = arith.constant 6 : i32
    %broadcast_in_dim3A_231 = vector.broadcast %broadcast_in_dim3A_230 : i32 to vector<256x128xi32>
    %lt3A_232 = arith.cmpf olt, %slice3A_229, %select_n3A_202 : vector<256x128xf32>
    %select_n3A_233 = arith.select %lt3A_232, %slice3A_229, %select_n3A_202 : vector<256x128xi1>, vector<256x128xf32>
    %select_n3A_234 = arith.select %lt3A_232, %select_n3A_202, %slice3A_229 : vector<256x128xi1>, vector<256x128xf32>
    %select_n3A_235 = arith.select %lt3A_232, %broadcast_in_dim3A_231, %select_n3A_204 : vector<256x128xi1>, vector<256x128xi32>
    %select_n3A_236 = arith.select %lt3A_232, %select_n3A_204, %broadcast_in_dim3A_231 : vector<256x128xi1>, vector<256x128xi32>
    %lt3A_237 = arith.cmpf olt, %select_n3A_234, %select_n3A_207 : vector<256x128xf32>
    %select_n3A_238 = arith.select %lt3A_237, %select_n3A_234, %select_n3A_207 : vector<256x128xi1>, vector<256x128xf32>
    %select_n3A_239 = arith.select %lt3A_237, %select_n3A_207, %select_n3A_234 : vector<256x128xi1>, vector<256x128xf32>
    %select_n3A_240 = arith.select %lt3A_237, %select_n3A_236, %select_n3A_209 : vector<256x128xi1>, vector<256x128xi32>
    %select_n3A_241 = arith.select %lt3A_237, %select_n3A_209, %select_n3A_236 : vector<256x128xi1>, vector<256x128xi32>
    %lt3A_242 = arith.cmpf olt, %select_n3A_239, %select_n3A_212 : vector<256x128xf32>
    %select_n3A_243 = arith.select %lt3A_242, %select_n3A_239, %select_n3A_212 : vector<256x128xi1>, vector<256x128xf32>
    %select_n3A_244 = arith.select %lt3A_242, %select_n3A_212, %select_n3A_239 : vector<256x128xi1>, vector<256x128xf32>
    %select_n3A_245 = arith.select %lt3A_242, %select_n3A_241, %select_n3A_214 : vector<256x128xi1>, vector<256x128xi32>
    %select_n3A_246 = arith.select %lt3A_242, %select_n3A_214, %select_n3A_241 : vector<256x128xi1>, vector<256x128xi32>
    %lt3A_247 = arith.cmpf olt, %select_n3A_244, %select_n3A_217 : vector<256x128xf32>
    %select_n3A_248 = arith.select %lt3A_247, %select_n3A_244, %select_n3A_217 : vector<256x128xi1>, vector<256x128xf32>
    %select_n3A_249 = arith.select %lt3A_247, %select_n3A_217, %select_n3A_244 : vector<256x128xi1>, vector<256x128xf32>
    %select_n3A_250 = arith.select %lt3A_247, %select_n3A_246, %select_n3A_219 : vector<256x128xi1>, vector<256x128xi32>
    %select_n3A_251 = arith.select %lt3A_247, %select_n3A_219, %select_n3A_246 : vector<256x128xi1>, vector<256x128xi32>
    %lt3A_252 = arith.cmpf olt, %select_n3A_249, %select_n3A_222 : vector<256x128xf32>
    %select_n3A_253 = arith.select %lt3A_252, %select_n3A_249, %select_n3A_222 : vector<256x128xi1>, vector<256x128xf32>
    %select_n3A_254 = arith.select %lt3A_252, %select_n3A_222, %select_n3A_249 : vector<256x128xi1>, vector<256x128xf32>
    %select_n3A_255 = arith.select %lt3A_252, %select_n3A_251, %select_n3A_224 : vector<256x128xi1>, vector<256x128xi32>
    %select_n3A_256 = arith.select %lt3A_252, %select_n3A_224, %select_n3A_251 : vector<256x128xi1>, vector<256x128xi32>
    %lt3A_257 = arith.cmpf olt, %select_n3A_254, %select_n3A_227 : vector<256x128xf32>
    %select_n3A_258 = arith.select %lt3A_257, %select_n3A_254, %select_n3A_227 : vector<256x128xi1>, vector<256x128xf32>
    %select_n3A_259 = arith.select %lt3A_257, %select_n3A_256, %select_n3A_228 : vector<256x128xi1>, vector<256x128xi32>
    %slice3A_260 = vector.extract_strided_slice %add3A_19 {offsets = [0, 896], sizes = [256, 128], strides = [1, 1]} : vector<256x8192xf32> to vector<256x128xf32>
    %broadcast_in_dim3A_261 = arith.constant 7 : i32
    %broadcast_in_dim3A_262 = vector.broadcast %broadcast_in_dim3A_261 : i32 to vector<256x128xi32>
    %lt3A_263 = arith.cmpf olt, %slice3A_260, %select_n3A_233 : vector<256x128xf32>
    %select_n3A_264 = arith.select %lt3A_263, %slice3A_260, %select_n3A_233 : vector<256x128xi1>, vector<256x128xf32>
    %select_n3A_265 = arith.select %lt3A_263, %select_n3A_233, %slice3A_260 : vector<256x128xi1>, vector<256x128xf32>
    %select_n3A_266 = arith.select %lt3A_263, %broadcast_in_dim3A_262, %select_n3A_235 : vector<256x128xi1>, vector<256x128xi32>
    %select_n3A_267 = arith.select %lt3A_263, %select_n3A_235, %broadcast_in_dim3A_262 : vector<256x128xi1>, vector<256x128xi32>
    %lt3A_268 = arith.cmpf olt, %select_n3A_265, %select_n3A_238 : vector<256x128xf32>
    %select_n3A_269 = arith.select %lt3A_268, %select_n3A_265, %select_n3A_238 : vector<256x128xi1>, vector<256x128xf32>
    %select_n3A_270 = arith.select %lt3A_268, %select_n3A_238, %select_n3A_265 : vector<256x128xi1>, vector<256x128xf32>
    %select_n3A_271 = arith.select %lt3A_268, %select_n3A_267, %select_n3A_240 : vector<256x128xi1>, vector<256x128xi32>
    %select_n3A_272 = arith.select %lt3A_268, %select_n3A_240, %select_n3A_267 : vector<256x128xi1>, vector<256x128xi32>
    %lt3A_273 = arith.cmpf olt, %select_n3A_270, %select_n3A_243 : vector<256x128xf32>
    %select_n3A_274 = arith.select %lt3A_273, %select_n3A_270, %select_n3A_243 : vector<256x128xi1>, vector<256x128xf32>
    %select_n3A_275 = arith.select %lt3A_273, %select_n3A_243, %select_n3A_270 : vector<256x128xi1>, vector<256x128xf32>
    %select_n3A_276 = arith.select %lt3A_273, %select_n3A_272, %select_n3A_245 : vector<256x128xi1>, vector<256x128xi32>
    %select_n3A_277 = arith.select %lt3A_273, %select_n3A_245, %select_n3A_272 : vector<256x128xi1>, vector<256x128xi32>
    %lt3A_278 = arith.cmpf olt, %select_n3A_275, %select_n3A_248 : vector<256x128xf32>
    %select_n3A_279 = arith.select %lt3A_278, %select_n3A_275, %select_n3A_248 : vector<256x128xi1>, vector<256x128xf32>
    %select_n3A_280 = arith.select %lt3A_278, %select_n3A_248, %select_n3A_275 : vector<256x128xi1>, vector<256x128xf32>
    %select_n3A_281 = arith.select %lt3A_278, %select_n3A_277, %select_n3A_250 : vector<256x128xi1>, vector<256x128xi32>
    %select_n3A_282 = arith.select %lt3A_278, %select_n3A_250, %select_n3A_277 : vector<256x128xi1>, vector<256x128xi32>
    %lt3A_283 = arith.cmpf olt, %select_n3A_280, %select_n3A_253 : vector<256x128xf32>
    %select_n3A_284 = arith.select %lt3A_283, %select_n3A_280, %select_n3A_253 : vector<256x128xi1>, vector<256x128xf32>
    %select_n3A_285 = arith.select %lt3A_283, %select_n3A_253, %select_n3A_280 : vector<256x128xi1>, vector<256x128xf32>
    %select_n3A_286 = arith.select %lt3A_283, %select_n3A_282, %select_n3A_255 : vector<256x128xi1>, vector<256x128xi32>
    %select_n3A_287 = arith.select %lt3A_283, %select_n3A_255, %select_n3A_282 : vector<256x128xi1>, vector<256x128xi32>
    %lt3A_288 = arith.cmpf olt, %select_n3A_285, %select_n3A_258 : vector<256x128xf32>
    %select_n3A_289 = arith.select %lt3A_288, %select_n3A_285, %select_n3A_258 : vector<256x128xi1>, vector<256x128xf32>
    %select_n3A_290 = arith.select %lt3A_288, %select_n3A_287, %select_n3A_259 : vector<256x128xi1>, vector<256x128xi32>
    %slice3A_291 = vector.extract_strided_slice %add3A_19 {offsets = [0, 1024], sizes = [256, 128], strides = [1, 1]} : vector<256x8192xf32> to vector<256x128xf32>
    %broadcast_in_dim3A_292 = arith.constant 8 : i32
    %broadcast_in_dim3A_293 = vector.broadcast %broadcast_in_dim3A_292 : i32 to vector<256x128xi32>
    %lt3A_294 = arith.cmpf olt, %slice3A_291, %select_n3A_264 : vector<256x128xf32>
    %select_n3A_295 = arith.select %lt3A_294, %slice3A_291, %select_n3A_264 : vector<256x128xi1>, vector<256x128xf32>
    %select_n3A_296 = arith.select %lt3A_294, %select_n3A_264, %slice3A_291 : vector<256x128xi1>, vector<256x128xf32>
    %select_n3A_297 = arith.select %lt3A_294, %broadcast_in_dim3A_293, %select_n3A_266 : vector<256x128xi1>, vector<256x128xi32>
    %select_n3A_298 = arith.select %lt3A_294, %select_n3A_266, %broadcast_in_dim3A_293 : vector<256x128xi1>, vector<256x128xi32>
    %lt3A_299 = arith.cmpf olt, %select_n3A_296, %select_n3A_269 : vector<256x128xf32>
    %select_n3A_300 = arith.select %lt3A_299, %select_n3A_296, %select_n3A_269 : vector<256x128xi1>, vector<256x128xf32>
    %select_n3A_301 = arith.select %lt3A_299, %select_n3A_269, %select_n3A_296 : vector<256x128xi1>, vector<256x128xf32>
    %select_n3A_302 = arith.select %lt3A_299, %select_n3A_298, %select_n3A_271 : vector<256x128xi1>, vector<256x128xi32>
    %select_n3A_303 = arith.select %lt3A_299, %select_n3A_271, %select_n3A_298 : vector<256x128xi1>, vector<256x128xi32>
    %lt3A_304 = arith.cmpf olt, %select_n3A_301, %select_n3A_274 : vector<256x128xf32>
    %select_n3A_305 = arith.select %lt3A_304, %select_n3A_301, %select_n3A_274 : vector<256x128xi1>, vector<256x128xf32>
    %select_n3A_306 = arith.select %lt3A_304, %select_n3A_274, %select_n3A_301 : vector<256x128xi1>, vector<256x128xf32>
    %select_n3A_307 = arith.select %lt3A_304, %select_n3A_303, %select_n3A_276 : vector<256x128xi1>, vector<256x128xi32>
    %select_n3A_308 = arith.select %lt3A_304, %select_n3A_276, %select_n3A_303 : vector<256x128xi1>, vector<256x128xi32>
    %lt3A_309 = arith.cmpf olt, %select_n3A_306, %select_n3A_279 : vector<256x128xf32>
    %select_n3A_310 = arith.select %lt3A_309, %select_n3A_306, %select_n3A_279 : vector<256x128xi1>, vector<256x128xf32>
    %select_n3A_311 = arith.select %lt3A_309, %select_n3A_279, %select_n3A_306 : vector<256x128xi1>, vector<256x128xf32>
    %select_n3A_312 = arith.select %lt3A_309, %select_n3A_308, %select_n3A_281 : vector<256x128xi1>, vector<256x128xi32>
    %select_n3A_313 = arith.select %lt3A_309, %select_n3A_281, %select_n3A_308 : vector<256x128xi1>, vector<256x128xi32>
    %lt3A_314 = arith.cmpf olt, %select_n3A_311, %select_n3A_284 : vector<256x128xf32>
    %select_n3A_315 = arith.select %lt3A_314, %select_n3A_311, %select_n3A_284 : vector<256x128xi1>, vector<256x128xf32>
    %select_n3A_316 = arith.select %lt3A_314, %select_n3A_284, %select_n3A_311 : vector<256x128xi1>, vector<256x128xf32>
    %select_n3A_317 = arith.select %lt3A_314, %select_n3A_313, %select_n3A_286 : vector<256x128xi1>, vector<256x128xi32>
    %select_n3A_318 = arith.select %lt3A_314, %select_n3A_286, %select_n3A_313 : vector<256x128xi1>, vector<256x128xi32>
    %lt3A_319 = arith.cmpf olt, %select_n3A_316, %select_n3A_289 : vector<256x128xf32>
    %select_n3A_320 = arith.select %lt3A_319, %select_n3A_316, %select_n3A_289 : vector<256x128xi1>, vector<256x128xf32>
    %select_n3A_321 = arith.select %lt3A_319, %select_n3A_318, %select_n3A_290 : vector<256x128xi1>, vector<256x128xi32>
    %slice3A_322 = vector.extract_strided_slice %add3A_19 {offsets = [0, 1152], sizes = [256, 128], strides = [1, 1]} : vector<256x8192xf32> to vector<256x128xf32>
    %broadcast_in_dim3A_323 = arith.constant 9 : i32
    %broadcast_in_dim3A_324 = vector.broadcast %broadcast_in_dim3A_323 : i32 to vector<256x128xi32>
    %lt3A_325 = arith.cmpf olt, %slice3A_322, %select_n3A_295 : vector<256x128xf32>
    %select_n3A_326 = arith.select %lt3A_325, %slice3A_322, %select_n3A_295 : vector<256x128xi1>, vector<256x128xf32>
    %select_n3A_327 = arith.select %lt3A_325, %select_n3A_295, %slice3A_322 : vector<256x128xi1>, vector<256x128xf32>
    %select_n3A_328 = arith.select %lt3A_325, %broadcast_in_dim3A_324, %select_n3A_297 : vector<256x128xi1>, vector<256x128xi32>
    %select_n3A_329 = arith.select %lt3A_325, %select_n3A_297, %broadcast_in_dim3A_324 : vector<256x128xi1>, vector<256x128xi32>
    %lt3A_330 = arith.cmpf olt, %select_n3A_327, %select_n3A_300 : vector<256x128xf32>
    %select_n3A_331 = arith.select %lt3A_330, %select_n3A_327, %select_n3A_300 : vector<256x128xi1>, vector<256x128xf32>
    %select_n3A_332 = arith.select %lt3A_330, %select_n3A_300, %select_n3A_327 : vector<256x128xi1>, vector<256x128xf32>
    %select_n3A_333 = arith.select %lt3A_330, %select_n3A_329, %select_n3A_302 : vector<256x128xi1>, vector<256x128xi32>
    %select_n3A_334 = arith.select %lt3A_330, %select_n3A_302, %select_n3A_329 : vector<256x128xi1>, vector<256x128xi32>
    %lt3A_335 = arith.cmpf olt, %select_n3A_332, %select_n3A_305 : vector<256x128xf32>
    %select_n3A_336 = arith.select %lt3A_335, %select_n3A_332, %select_n3A_305 : vector<256x128xi1>, vector<256x128xf32>
    %select_n3A_337 = arith.select %lt3A_335, %select_n3A_305, %select_n3A_332 : vector<256x128xi1>, vector<256x128xf32>
    %select_n3A_338 = arith.select %lt3A_335, %select_n3A_334, %select_n3A_307 : vector<256x128xi1>, vector<256x128xi32>
    %select_n3A_339 = arith.select %lt3A_335, %select_n3A_307, %select_n3A_334 : vector<256x128xi1>, vector<256x128xi32>
    %lt3A_340 = arith.cmpf olt, %select_n3A_337, %select_n3A_310 : vector<256x128xf32>
    %select_n3A_341 = arith.select %lt3A_340, %select_n3A_337, %select_n3A_310 : vector<256x128xi1>, vector<256x128xf32>
    %select_n3A_342 = arith.select %lt3A_340, %select_n3A_310, %select_n3A_337 : vector<256x128xi1>, vector<256x128xf32>
    %select_n3A_343 = arith.select %lt3A_340, %select_n3A_339, %select_n3A_312 : vector<256x128xi1>, vector<256x128xi32>
    %select_n3A_344 = arith.select %lt3A_340, %select_n3A_312, %select_n3A_339 : vector<256x128xi1>, vector<256x128xi32>
    %lt3A_345 = arith.cmpf olt, %select_n3A_342, %select_n3A_315 : vector<256x128xf32>
    %select_n3A_346 = arith.select %lt3A_345, %select_n3A_342, %select_n3A_315 : vector<256x128xi1>, vector<256x128xf32>
    %select_n3A_347 = arith.select %lt3A_345, %select_n3A_315, %select_n3A_342 : vector<256x128xi1>, vector<256x128xf32>
    %select_n3A_348 = arith.select %lt3A_345, %select_n3A_344, %select_n3A_317 : vector<256x128xi1>, vector<256x128xi32>
    %select_n3A_349 = arith.select %lt3A_345, %select_n3A_317, %select_n3A_344 : vector<256x128xi1>, vector<256x128xi32>
    %lt3A_350 = arith.cmpf olt, %select_n3A_347, %select_n3A_320 : vector<256x128xf32>
    %select_n3A_351 = arith.select %lt3A_350, %select_n3A_347, %select_n3A_320 : vector<256x128xi1>, vector<256x128xf32>
    %select_n3A_352 = arith.select %lt3A_350, %select_n3A_349, %select_n3A_321 : vector<256x128xi1>, vector<256x128xi32>
    %slice3A_353 = vector.extract_strided_slice %add3A_19 {offsets = [0, 1280], sizes = [256, 128], strides = [1, 1]} : vector<256x8192xf32> to vector<256x128xf32>
    %broadcast_in_dim3A_354 = arith.constant 10 : i32
    %broadcast_in_dim3A_355 = vector.broadcast %broadcast_in_dim3A_354 : i32 to vector<256x128xi32>
    %lt3A_356 = arith.cmpf olt, %slice3A_353, %select_n3A_326 : vector<256x128xf32>
    %select_n3A_357 = arith.select %lt3A_356, %slice3A_353, %select_n3A_326 : vector<256x128xi1>, vector<256x128xf32>
    %select_n3A_358 = arith.select %lt3A_356, %select_n3A_326, %slice3A_353 : vector<256x128xi1>, vector<256x128xf32>
    %select_n3A_359 = arith.select %lt3A_356, %broadcast_in_dim3A_355, %select_n3A_328 : vector<256x128xi1>, vector<256x128xi32>
    %select_n3A_360 = arith.select %lt3A_356, %select_n3A_328, %broadcast_in_dim3A_355 : vector<256x128xi1>, vector<256x128xi32>
    %lt3A_361 = arith.cmpf olt, %select_n3A_358, %select_n3A_331 : vector<256x128xf32>
    %select_n3A_362 = arith.select %lt3A_361, %select_n3A_358, %select_n3A_331 : vector<256x128xi1>, vector<256x128xf32>
    %select_n3A_363 = arith.select %lt3A_361, %select_n3A_331, %select_n3A_358 : vector<256x128xi1>, vector<256x128xf32>
    %select_n3A_364 = arith.select %lt3A_361, %select_n3A_360, %select_n3A_333 : vector<256x128xi1>, vector<256x128xi32>
    %select_n3A_365 = arith.select %lt3A_361, %select_n3A_333, %select_n3A_360 : vector<256x128xi1>, vector<256x128xi32>
    %lt3A_366 = arith.cmpf olt, %select_n3A_363, %select_n3A_336 : vector<256x128xf32>
    %select_n3A_367 = arith.select %lt3A_366, %select_n3A_363, %select_n3A_336 : vector<256x128xi1>, vector<256x128xf32>
    %select_n3A_368 = arith.select %lt3A_366, %select_n3A_336, %select_n3A_363 : vector<256x128xi1>, vector<256x128xf32>
    %select_n3A_369 = arith.select %lt3A_366, %select_n3A_365, %select_n3A_338 : vector<256x128xi1>, vector<256x128xi32>
    %select_n3A_370 = arith.select %lt3A_366, %select_n3A_338, %select_n3A_365 : vector<256x128xi1>, vector<256x128xi32>
    %lt3A_371 = arith.cmpf olt, %select_n3A_368, %select_n3A_341 : vector<256x128xf32>
    %select_n3A_372 = arith.select %lt3A_371, %select_n3A_368, %select_n3A_341 : vector<256x128xi1>, vector<256x128xf32>
    %select_n3A_373 = arith.select %lt3A_371, %select_n3A_341, %select_n3A_368 : vector<256x128xi1>, vector<256x128xf32>
    %select_n3A_374 = arith.select %lt3A_371, %select_n3A_370, %select_n3A_343 : vector<256x128xi1>, vector<256x128xi32>
    %select_n3A_375 = arith.select %lt3A_371, %select_n3A_343, %select_n3A_370 : vector<256x128xi1>, vector<256x128xi32>
    %lt3A_376 = arith.cmpf olt, %select_n3A_373, %select_n3A_346 : vector<256x128xf32>
    %select_n3A_377 = arith.select %lt3A_376, %select_n3A_373, %select_n3A_346 : vector<256x128xi1>, vector<256x128xf32>
    %select_n3A_378 = arith.select %lt3A_376, %select_n3A_346, %select_n3A_373 : vector<256x128xi1>, vector<256x128xf32>
    %select_n3A_379 = arith.select %lt3A_376, %select_n3A_375, %select_n3A_348 : vector<256x128xi1>, vector<256x128xi32>
    %select_n3A_380 = arith.select %lt3A_376, %select_n3A_348, %select_n3A_375 : vector<256x128xi1>, vector<256x128xi32>
    %lt3A_381 = arith.cmpf olt, %select_n3A_378, %select_n3A_351 : vector<256x128xf32>
    %select_n3A_382 = arith.select %lt3A_381, %select_n3A_378, %select_n3A_351 : vector<256x128xi1>, vector<256x128xf32>
    %select_n3A_383 = arith.select %lt3A_381, %select_n3A_380, %select_n3A_352 : vector<256x128xi1>, vector<256x128xi32>
    %slice3A_384 = vector.extract_strided_slice %add3A_19 {offsets = [0, 1408], sizes = [256, 128], strides = [1, 1]} : vector<256x8192xf32> to vector<256x128xf32>
    %broadcast_in_dim3A_385 = arith.constant 11 : i32
    %broadcast_in_dim3A_386 = vector.broadcast %broadcast_in_dim3A_385 : i32 to vector<256x128xi32>
    %lt3A_387 = arith.cmpf olt, %slice3A_384, %select_n3A_357 : vector<256x128xf32>
    %select_n3A_388 = arith.select %lt3A_387, %slice3A_384, %select_n3A_357 : vector<256x128xi1>, vector<256x128xf32>
    %select_n3A_389 = arith.select %lt3A_387, %select_n3A_357, %slice3A_384 : vector<256x128xi1>, vector<256x128xf32>
    %select_n3A_390 = arith.select %lt3A_387, %broadcast_in_dim3A_386, %select_n3A_359 : vector<256x128xi1>, vector<256x128xi32>
    %select_n3A_391 = arith.select %lt3A_387, %select_n3A_359, %broadcast_in_dim3A_386 : vector<256x128xi1>, vector<256x128xi32>
    %lt3A_392 = arith.cmpf olt, %select_n3A_389, %select_n3A_362 : vector<256x128xf32>
    %select_n3A_393 = arith.select %lt3A_392, %select_n3A_389, %select_n3A_362 : vector<256x128xi1>, vector<256x128xf32>
    %select_n3A_394 = arith.select %lt3A_392, %select_n3A_362, %select_n3A_389 : vector<256x128xi1>, vector<256x128xf32>
    %select_n3A_395 = arith.select %lt3A_392, %select_n3A_391, %select_n3A_364 : vector<256x128xi1>, vector<256x128xi32>
    %select_n3A_396 = arith.select %lt3A_392, %select_n3A_364, %select_n3A_391 : vector<256x128xi1>, vector<256x128xi32>
    %lt3A_397 = arith.cmpf olt, %select_n3A_394, %select_n3A_367 : vector<256x128xf32>
    %select_n3A_398 = arith.select %lt3A_397, %select_n3A_394, %select_n3A_367 : vector<256x128xi1>, vector<256x128xf32>
    %select_n3A_399 = arith.select %lt3A_397, %select_n3A_367, %select_n3A_394 : vector<256x128xi1>, vector<256x128xf32>
    %select_n3A_400 = arith.select %lt3A_397, %select_n3A_396, %select_n3A_369 : vector<256x128xi1>, vector<256x128xi32>
    %select_n3A_401 = arith.select %lt3A_397, %select_n3A_369, %select_n3A_396 : vector<256x128xi1>, vector<256x128xi32>
    %lt3A_402 = arith.cmpf olt, %select_n3A_399, %select_n3A_372 : vector<256x128xf32>
    %select_n3A_403 = arith.select %lt3A_402, %select_n3A_399, %select_n3A_372 : vector<256x128xi1>, vector<256x128xf32>
    %select_n3A_404 = arith.select %lt3A_402, %select_n3A_372, %select_n3A_399 : vector<256x128xi1>, vector<256x128xf32>
    %select_n3A_405 = arith.select %lt3A_402, %select_n3A_401, %select_n3A_374 : vector<256x128xi1>, vector<256x128xi32>
    %select_n3A_406 = arith.select %lt3A_402, %select_n3A_374, %select_n3A_401 : vector<256x128xi1>, vector<256x128xi32>
    %lt3A_407 = arith.cmpf olt, %select_n3A_404, %select_n3A_377 : vector<256x128xf32>
    %select_n3A_408 = arith.select %lt3A_407, %select_n3A_404, %select_n3A_377 : vector<256x128xi1>, vector<256x128xf32>
    %select_n3A_409 = arith.select %lt3A_407, %select_n3A_377, %select_n3A_404 : vector<256x128xi1>, vector<256x128xf32>
    %select_n3A_410 = arith.select %lt3A_407, %select_n3A_406, %select_n3A_379 : vector<256x128xi1>, vector<256x128xi32>
    %select_n3A_411 = arith.select %lt3A_407, %select_n3A_379, %select_n3A_406 : vector<256x128xi1>, vector<256x128xi32>
    %lt3A_412 = arith.cmpf olt, %select_n3A_409, %select_n3A_382 : vector<256x128xf32>
    %select_n3A_413 = arith.select %lt3A_412, %select_n3A_409, %select_n3A_382 : vector<256x128xi1>, vector<256x128xf32>
    %select_n3A_414 = arith.select %lt3A_412, %select_n3A_411, %select_n3A_383 : vector<256x128xi1>, vector<256x128xi32>
    %slice3A_415 = vector.extract_strided_slice %add3A_19 {offsets = [0, 1536], sizes = [256, 128], strides = [1, 1]} : vector<256x8192xf32> to vector<256x128xf32>
    %broadcast_in_dim3A_416 = arith.constant 12 : i32
    %broadcast_in_dim3A_417 = vector.broadcast %broadcast_in_dim3A_416 : i32 to vector<256x128xi32>
    %lt3A_418 = arith.cmpf olt, %slice3A_415, %select_n3A_388 : vector<256x128xf32>
    %select_n3A_419 = arith.select %lt3A_418, %slice3A_415, %select_n3A_388 : vector<256x128xi1>, vector<256x128xf32>
    %select_n3A_420 = arith.select %lt3A_418, %select_n3A_388, %slice3A_415 : vector<256x128xi1>, vector<256x128xf32>
    %select_n3A_421 = arith.select %lt3A_418, %broadcast_in_dim3A_417, %select_n3A_390 : vector<256x128xi1>, vector<256x128xi32>
    %select_n3A_422 = arith.select %lt3A_418, %select_n3A_390, %broadcast_in_dim3A_417 : vector<256x128xi1>, vector<256x128xi32>
    %lt3A_423 = arith.cmpf olt, %select_n3A_420, %select_n3A_393 : vector<256x128xf32>
    %select_n3A_424 = arith.select %lt3A_423, %select_n3A_420, %select_n3A_393 : vector<256x128xi1>, vector<256x128xf32>
    %select_n3A_425 = arith.select %lt3A_423, %select_n3A_393, %select_n3A_420 : vector<256x128xi1>, vector<256x128xf32>
    %select_n3A_426 = arith.select %lt3A_423, %select_n3A_422, %select_n3A_395 : vector<256x128xi1>, vector<256x128xi32>
    %select_n3A_427 = arith.select %lt3A_423, %select_n3A_395, %select_n3A_422 : vector<256x128xi1>, vector<256x128xi32>
    %lt3A_428 = arith.cmpf olt, %select_n3A_425, %select_n3A_398 : vector<256x128xf32>
    %select_n3A_429 = arith.select %lt3A_428, %select_n3A_425, %select_n3A_398 : vector<256x128xi1>, vector<256x128xf32>
    %select_n3A_430 = arith.select %lt3A_428, %select_n3A_398, %select_n3A_425 : vector<256x128xi1>, vector<256x128xf32>
    %select_n3A_431 = arith.select %lt3A_428, %select_n3A_427, %select_n3A_400 : vector<256x128xi1>, vector<256x128xi32>
    %select_n3A_432 = arith.select %lt3A_428, %select_n3A_400, %select_n3A_427 : vector<256x128xi1>, vector<256x128xi32>
    %lt3A_433 = arith.cmpf olt, %select_n3A_430, %select_n3A_403 : vector<256x128xf32>
    %select_n3A_434 = arith.select %lt3A_433, %select_n3A_430, %select_n3A_403 : vector<256x128xi1>, vector<256x128xf32>
    %select_n3A_435 = arith.select %lt3A_433, %select_n3A_403, %select_n3A_430 : vector<256x128xi1>, vector<256x128xf32>
    %select_n3A_436 = arith.select %lt3A_433, %select_n3A_432, %select_n3A_405 : vector<256x128xi1>, vector<256x128xi32>
    %select_n3A_437 = arith.select %lt3A_433, %select_n3A_405, %select_n3A_432 : vector<256x128xi1>, vector<256x128xi32>
    %lt3A_438 = arith.cmpf olt, %select_n3A_435, %select_n3A_408 : vector<256x128xf32>
    %select_n3A_439 = arith.select %lt3A_438, %select_n3A_435, %select_n3A_408 : vector<256x128xi1>, vector<256x128xf32>
    %select_n3A_440 = arith.select %lt3A_438, %select_n3A_408, %select_n3A_435 : vector<256x128xi1>, vector<256x128xf32>
    %select_n3A_441 = arith.select %lt3A_438, %select_n3A_437, %select_n3A_410 : vector<256x128xi1>, vector<256x128xi32>
    %select_n3A_442 = arith.select %lt3A_438, %select_n3A_410, %select_n3A_437 : vector<256x128xi1>, vector<256x128xi32>
    %lt3A_443 = arith.cmpf olt, %select_n3A_440, %select_n3A_413 : vector<256x128xf32>
    %select_n3A_444 = arith.select %lt3A_443, %select_n3A_440, %select_n3A_413 : vector<256x128xi1>, vector<256x128xf32>
    %select_n3A_445 = arith.select %lt3A_443, %select_n3A_442, %select_n3A_414 : vector<256x128xi1>, vector<256x128xi32>
    %slice3A_446 = vector.extract_strided_slice %add3A_19 {offsets = [0, 1664], sizes = [256, 128], strides = [1, 1]} : vector<256x8192xf32> to vector<256x128xf32>
    %broadcast_in_dim3A_447 = arith.constant 13 : i32
    %broadcast_in_dim3A_448 = vector.broadcast %broadcast_in_dim3A_447 : i32 to vector<256x128xi32>
    %lt3A_449 = arith.cmpf olt, %slice3A_446, %select_n3A_419 : vector<256x128xf32>
    %select_n3A_450 = arith.select %lt3A_449, %slice3A_446, %select_n3A_419 : vector<256x128xi1>, vector<256x128xf32>
    %select_n3A_451 = arith.select %lt3A_449, %select_n3A_419, %slice3A_446 : vector<256x128xi1>, vector<256x128xf32>
    %select_n3A_452 = arith.select %lt3A_449, %broadcast_in_dim3A_448, %select_n3A_421 : vector<256x128xi1>, vector<256x128xi32>
    %select_n3A_453 = arith.select %lt3A_449, %select_n3A_421, %broadcast_in_dim3A_448 : vector<256x128xi1>, vector<256x128xi32>
    %lt3A_454 = arith.cmpf olt, %select_n3A_451, %select_n3A_424 : vector<256x128xf32>
    %select_n3A_455 = arith.select %lt3A_454, %select_n3A_451, %select_n3A_424 : vector<256x128xi1>, vector<256x128xf32>
    %select_n3A_456 = arith.select %lt3A_454, %select_n3A_424, %select_n3A_451 : vector<256x128xi1>, vector<256x128xf32>
    %select_n3A_457 = arith.select %lt3A_454, %select_n3A_453, %select_n3A_426 : vector<256x128xi1>, vector<256x128xi32>
    %select_n3A_458 = arith.select %lt3A_454, %select_n3A_426, %select_n3A_453 : vector<256x128xi1>, vector<256x128xi32>
    %lt3A_459 = arith.cmpf olt, %select_n3A_456, %select_n3A_429 : vector<256x128xf32>
    %select_n3A_460 = arith.select %lt3A_459, %select_n3A_456, %select_n3A_429 : vector<256x128xi1>, vector<256x128xf32>
    %select_n3A_461 = arith.select %lt3A_459, %select_n3A_429, %select_n3A_456 : vector<256x128xi1>, vector<256x128xf32>
    %select_n3A_462 = arith.select %lt3A_459, %select_n3A_458, %select_n3A_431 : vector<256x128xi1>, vector<256x128xi32>
    %select_n3A_463 = arith.select %lt3A_459, %select_n3A_431, %select_n3A_458 : vector<256x128xi1>, vector<256x128xi32>
    %lt3A_464 = arith.cmpf olt, %select_n3A_461, %select_n3A_434 : vector<256x128xf32>
    %select_n3A_465 = arith.select %lt3A_464, %select_n3A_461, %select_n3A_434 : vector<256x128xi1>, vector<256x128xf32>
    %select_n3A_466 = arith.select %lt3A_464, %select_n3A_434, %select_n3A_461 : vector<256x128xi1>, vector<256x128xf32>
    %select_n3A_467 = arith.select %lt3A_464, %select_n3A_463, %select_n3A_436 : vector<256x128xi1>, vector<256x128xi32>
    %select_n3A_468 = arith.select %lt3A_464, %select_n3A_436, %select_n3A_463 : vector<256x128xi1>, vector<256x128xi32>
    %lt3A_469 = arith.cmpf olt, %select_n3A_466, %select_n3A_439 : vector<256x128xf32>
    %select_n3A_470 = arith.select %lt3A_469, %select_n3A_466, %select_n3A_439 : vector<256x128xi1>, vector<256x128xf32>
    %select_n3A_471 = arith.select %lt3A_469, %select_n3A_439, %select_n3A_466 : vector<256x128xi1>, vector<256x128xf32>
    %select_n3A_472 = arith.select %lt3A_469, %select_n3A_468, %select_n3A_441 : vector<256x128xi1>, vector<256x128xi32>
    %select_n3A_473 = arith.select %lt3A_469, %select_n3A_441, %select_n3A_468 : vector<256x128xi1>, vector<256x128xi32>
    %lt3A_474 = arith.cmpf olt, %select_n3A_471, %select_n3A_444 : vector<256x128xf32>
    %select_n3A_475 = arith.select %lt3A_474, %select_n3A_471, %select_n3A_444 : vector<256x128xi1>, vector<256x128xf32>
    %select_n3A_476 = arith.select %lt3A_474, %select_n3A_473, %select_n3A_445 : vector<256x128xi1>, vector<256x128xi32>
    %slice3A_477 = vector.extract_strided_slice %add3A_19 {offsets = [0, 1792], sizes = [256, 128], strides = [1, 1]} : vector<256x8192xf32> to vector<256x128xf32>
    %broadcast_in_dim3A_478 = arith.constant 14 : i32
    %broadcast_in_dim3A_479 = vector.broadcast %broadcast_in_dim3A_478 : i32 to vector<256x128xi32>
    %lt3A_480 = arith.cmpf olt, %slice3A_477, %select_n3A_450 : vector<256x128xf32>
    %select_n3A_481 = arith.select %lt3A_480, %slice3A_477, %select_n3A_450 : vector<256x128xi1>, vector<256x128xf32>
    %select_n3A_482 = arith.select %lt3A_480, %select_n3A_450, %slice3A_477 : vector<256x128xi1>, vector<256x128xf32>
    %select_n3A_483 = arith.select %lt3A_480, %broadcast_in_dim3A_479, %select_n3A_452 : vector<256x128xi1>, vector<256x128xi32>
    %select_n3A_484 = arith.select %lt3A_480, %select_n3A_452, %broadcast_in_dim3A_479 : vector<256x128xi1>, vector<256x128xi32>
    %lt3A_485 = arith.cmpf olt, %select_n3A_482, %select_n3A_455 : vector<256x128xf32>
    %select_n3A_486 = arith.select %lt3A_485, %select_n3A_482, %select_n3A_455 : vector<256x128xi1>, vector<256x128xf32>
    %select_n3A_487 = arith.select %lt3A_485, %select_n3A_455, %select_n3A_482 : vector<256x128xi1>, vector<256x128xf32>
    %select_n3A_488 = arith.select %lt3A_485, %select_n3A_484, %select_n3A_457 : vector<256x128xi1>, vector<256x128xi32>
    %select_n3A_489 = arith.select %lt3A_485, %select_n3A_457, %select_n3A_484 : vector<256x128xi1>, vector<256x128xi32>
    %lt3A_490 = arith.cmpf olt, %select_n3A_487, %select_n3A_460 : vector<256x128xf32>
    %select_n3A_491 = arith.select %lt3A_490, %select_n3A_487, %select_n3A_460 : vector<256x128xi1>, vector<256x128xf32>
    %select_n3A_492 = arith.select %lt3A_490, %select_n3A_460, %select_n3A_487 : vector<256x128xi1>, vector<256x128xf32>
    %select_n3A_493 = arith.select %lt3A_490, %select_n3A_489, %select_n3A_462 : vector<256x128xi1>, vector<256x128xi32>
    %select_n3A_494 = arith.select %lt3A_490, %select_n3A_462, %select_n3A_489 : vector<256x128xi1>, vector<256x128xi32>
    %lt3A_495 = arith.cmpf olt, %select_n3A_492, %select_n3A_465 : vector<256x128xf32>
    %select_n3A_496 = arith.select %lt3A_495, %select_n3A_492, %select_n3A_465 : vector<256x128xi1>, vector<256x128xf32>
    %select_n3A_497 = arith.select %lt3A_495, %select_n3A_465, %select_n3A_492 : vector<256x128xi1>, vector<256x128xf32>
    %select_n3A_498 = arith.select %lt3A_495, %select_n3A_494, %select_n3A_467 : vector<256x128xi1>, vector<256x128xi32>
    %select_n3A_499 = arith.select %lt3A_495, %select_n3A_467, %select_n3A_494 : vector<256x128xi1>, vector<256x128xi32>
    %lt3A_500 = arith.cmpf olt, %select_n3A_497, %select_n3A_470 : vector<256x128xf32>
    %select_n3A_501 = arith.select %lt3A_500, %select_n3A_497, %select_n3A_470 : vector<256x128xi1>, vector<256x128xf32>
    %select_n3A_502 = arith.select %lt3A_500, %select_n3A_470, %select_n3A_497 : vector<256x128xi1>, vector<256x128xf32>
    %select_n3A_503 = arith.select %lt3A_500, %select_n3A_499, %select_n3A_472 : vector<256x128xi1>, vector<256x128xi32>
    %select_n3A_504 = arith.select %lt3A_500, %select_n3A_472, %select_n3A_499 : vector<256x128xi1>, vector<256x128xi32>
    %lt3A_505 = arith.cmpf olt, %select_n3A_502, %select_n3A_475 : vector<256x128xf32>
    %select_n3A_506 = arith.select %lt3A_505, %select_n3A_502, %select_n3A_475 : vector<256x128xi1>, vector<256x128xf32>
    %select_n3A_507 = arith.select %lt3A_505, %select_n3A_504, %select_n3A_476 : vector<256x128xi1>, vector<256x128xi32>
    %slice3A_508 = vector.extract_strided_slice %add3A_19 {offsets = [0, 1920], sizes = [256, 128], strides = [1, 1]} : vector<256x8192xf32> to vector<256x128xf32>
    %broadcast_in_dim3A_509 = arith.constant 15 : i32
    %broadcast_in_dim3A_510 = vector.broadcast %broadcast_in_dim3A_509 : i32 to vector<256x128xi32>
    %lt3A_511 = arith.cmpf olt, %slice3A_508, %select_n3A_481 : vector<256x128xf32>
    %select_n3A_512 = arith.select %lt3A_511, %slice3A_508, %select_n3A_481 : vector<256x128xi1>, vector<256x128xf32>
    %select_n3A_513 = arith.select %lt3A_511, %select_n3A_481, %slice3A_508 : vector<256x128xi1>, vector<256x128xf32>
    %select_n3A_514 = arith.select %lt3A_511, %broadcast_in_dim3A_510, %select_n3A_483 : vector<256x128xi1>, vector<256x128xi32>
    %select_n3A_515 = arith.select %lt3A_511, %select_n3A_483, %broadcast_in_dim3A_510 : vector<256x128xi1>, vector<256x128xi32>
    %lt3A_516 = arith.cmpf olt, %select_n3A_513, %select_n3A_486 : vector<256x128xf32>
    %select_n3A_517 = arith.select %lt3A_516, %select_n3A_513, %select_n3A_486 : vector<256x128xi1>, vector<256x128xf32>
    %select_n3A_518 = arith.select %lt3A_516, %select_n3A_486, %select_n3A_513 : vector<256x128xi1>, vector<256x128xf32>
    %select_n3A_519 = arith.select %lt3A_516, %select_n3A_515, %select_n3A_488 : vector<256x128xi1>, vector<256x128xi32>
    %select_n3A_520 = arith.select %lt3A_516, %select_n3A_488, %select_n3A_515 : vector<256x128xi1>, vector<256x128xi32>
    %lt3A_521 = arith.cmpf olt, %select_n3A_518, %select_n3A_491 : vector<256x128xf32>
    %select_n3A_522 = arith.select %lt3A_521, %select_n3A_518, %select_n3A_491 : vector<256x128xi1>, vector<256x128xf32>
    %select_n3A_523 = arith.select %lt3A_521, %select_n3A_491, %select_n3A_518 : vector<256x128xi1>, vector<256x128xf32>
    %select_n3A_524 = arith.select %lt3A_521, %select_n3A_520, %select_n3A_493 : vector<256x128xi1>, vector<256x128xi32>
    %select_n3A_525 = arith.select %lt3A_521, %select_n3A_493, %select_n3A_520 : vector<256x128xi1>, vector<256x128xi32>
    %lt3A_526 = arith.cmpf olt, %select_n3A_523, %select_n3A_496 : vector<256x128xf32>
    %select_n3A_527 = arith.select %lt3A_526, %select_n3A_523, %select_n3A_496 : vector<256x128xi1>, vector<256x128xf32>
    %select_n3A_528 = arith.select %lt3A_526, %select_n3A_496, %select_n3A_523 : vector<256x128xi1>, vector<256x128xf32>
    %select_n3A_529 = arith.select %lt3A_526, %select_n3A_525, %select_n3A_498 : vector<256x128xi1>, vector<256x128xi32>
    %select_n3A_530 = arith.select %lt3A_526, %select_n3A_498, %select_n3A_525 : vector<256x128xi1>, vector<256x128xi32>
    %lt3A_531 = arith.cmpf olt, %select_n3A_528, %select_n3A_501 : vector<256x128xf32>
    %select_n3A_532 = arith.select %lt3A_531, %select_n3A_528, %select_n3A_501 : vector<256x128xi1>, vector<256x128xf32>
    %select_n3A_533 = arith.select %lt3A_531, %select_n3A_501, %select_n3A_528 : vector<256x128xi1>, vector<256x128xf32>
    %select_n3A_534 = arith.select %lt3A_531, %select_n3A_530, %select_n3A_503 : vector<256x128xi1>, vector<256x128xi32>
    %select_n3A_535 = arith.select %lt3A_531, %select_n3A_503, %select_n3A_530 : vector<256x128xi1>, vector<256x128xi32>
    %lt3A_536 = arith.cmpf olt, %select_n3A_533, %select_n3A_506 : vector<256x128xf32>
    %select_n3A_537 = arith.select %lt3A_536, %select_n3A_533, %select_n3A_506 : vector<256x128xi1>, vector<256x128xf32>
    %select_n3A_538 = arith.select %lt3A_536, %select_n3A_535, %select_n3A_507 : vector<256x128xi1>, vector<256x128xi32>
    %slice3A_539 = vector.extract_strided_slice %add3A_19 {offsets = [0, 2048], sizes = [256, 128], strides = [1, 1]} : vector<256x8192xf32> to vector<256x128xf32>
    %broadcast_in_dim3A_540 = arith.constant 16 : i32
    %broadcast_in_dim3A_541 = vector.broadcast %broadcast_in_dim3A_540 : i32 to vector<256x128xi32>
    %lt3A_542 = arith.cmpf olt, %slice3A_539, %select_n3A_512 : vector<256x128xf32>
    %select_n3A_543 = arith.select %lt3A_542, %slice3A_539, %select_n3A_512 : vector<256x128xi1>, vector<256x128xf32>
    %select_n3A_544 = arith.select %lt3A_542, %select_n3A_512, %slice3A_539 : vector<256x128xi1>, vector<256x128xf32>
    %select_n3A_545 = arith.select %lt3A_542, %broadcast_in_dim3A_541, %select_n3A_514 : vector<256x128xi1>, vector<256x128xi32>
    %select_n3A_546 = arith.select %lt3A_542, %select_n3A_514, %broadcast_in_dim3A_541 : vector<256x128xi1>, vector<256x128xi32>
    %lt3A_547 = arith.cmpf olt, %select_n3A_544, %select_n3A_517 : vector<256x128xf32>
    %select_n3A_548 = arith.select %lt3A_547, %select_n3A_544, %select_n3A_517 : vector<256x128xi1>, vector<256x128xf32>
    %select_n3A_549 = arith.select %lt3A_547, %select_n3A_517, %select_n3A_544 : vector<256x128xi1>, vector<256x128xf32>
    %select_n3A_550 = arith.select %lt3A_547, %select_n3A_546, %select_n3A_519 : vector<256x128xi1>, vector<256x128xi32>
    %select_n3A_551 = arith.select %lt3A_547, %select_n3A_519, %select_n3A_546 : vector<256x128xi1>, vector<256x128xi32>
    %lt3A_552 = arith.cmpf olt, %select_n3A_549, %select_n3A_522 : vector<256x128xf32>
    %select_n3A_553 = arith.select %lt3A_552, %select_n3A_549, %select_n3A_522 : vector<256x128xi1>, vector<256x128xf32>
    %select_n3A_554 = arith.select %lt3A_552, %select_n3A_522, %select_n3A_549 : vector<256x128xi1>, vector<256x128xf32>
    %select_n3A_555 = arith.select %lt3A_552, %select_n3A_551, %select_n3A_524 : vector<256x128xi1>, vector<256x128xi32>
    %select_n3A_556 = arith.select %lt3A_552, %select_n3A_524, %select_n3A_551 : vector<256x128xi1>, vector<256x128xi32>
    %lt3A_557 = arith.cmpf olt, %select_n3A_554, %select_n3A_527 : vector<256x128xf32>
    %select_n3A_558 = arith.select %lt3A_557, %select_n3A_554, %select_n3A_527 : vector<256x128xi1>, vector<256x128xf32>
    %select_n3A_559 = arith.select %lt3A_557, %select_n3A_527, %select_n3A_554 : vector<256x128xi1>, vector<256x128xf32>
    %select_n3A_560 = arith.select %lt3A_557, %select_n3A_556, %select_n3A_529 : vector<256x128xi1>, vector<256x128xi32>
    %select_n3A_561 = arith.select %lt3A_557, %select_n3A_529, %select_n3A_556 : vector<256x128xi1>, vector<256x128xi32>
    %lt3A_562 = arith.cmpf olt, %select_n3A_559, %select_n3A_532 : vector<256x128xf32>
    %select_n3A_563 = arith.select %lt3A_562, %select_n3A_559, %select_n3A_532 : vector<256x128xi1>, vector<256x128xf32>
    %select_n3A_564 = arith.select %lt3A_562, %select_n3A_532, %select_n3A_559 : vector<256x128xi1>, vector<256x128xf32>
    %select_n3A_565 = arith.select %lt3A_562, %select_n3A_561, %select_n3A_534 : vector<256x128xi1>, vector<256x128xi32>
    %select_n3A_566 = arith.select %lt3A_562, %select_n3A_534, %select_n3A_561 : vector<256x128xi1>, vector<256x128xi32>
    %lt3A_567 = arith.cmpf olt, %select_n3A_564, %select_n3A_537 : vector<256x128xf32>
    %select_n3A_568 = arith.select %lt3A_567, %select_n3A_564, %select_n3A_537 : vector<256x128xi1>, vector<256x128xf32>
    %select_n3A_569 = arith.select %lt3A_567, %select_n3A_566, %select_n3A_538 : vector<256x128xi1>, vector<256x128xi32>
    %slice3A_570 = vector.extract_strided_slice %add3A_19 {offsets = [0, 2176], sizes = [256, 128], strides = [1, 1]} : vector<256x8192xf32> to vector<256x128xf32>
    %broadcast_in_dim3A_571 = arith.constant 17 : i32
    %broadcast_in_dim3A_572 = vector.broadcast %broadcast_in_dim3A_571 : i32 to vector<256x128xi32>
    %lt3A_573 = arith.cmpf olt, %slice3A_570, %select_n3A_543 : vector<256x128xf32>
    %select_n3A_574 = arith.select %lt3A_573, %slice3A_570, %select_n3A_543 : vector<256x128xi1>, vector<256x128xf32>
    %select_n3A_575 = arith.select %lt3A_573, %select_n3A_543, %slice3A_570 : vector<256x128xi1>, vector<256x128xf32>
    %select_n3A_576 = arith.select %lt3A_573, %broadcast_in_dim3A_572, %select_n3A_545 : vector<256x128xi1>, vector<256x128xi32>
    %select_n3A_577 = arith.select %lt3A_573, %select_n3A_545, %broadcast_in_dim3A_572 : vector<256x128xi1>, vector<256x128xi32>
    %lt3A_578 = arith.cmpf olt, %select_n3A_575, %select_n3A_548 : vector<256x128xf32>
    %select_n3A_579 = arith.select %lt3A_578, %select_n3A_575, %select_n3A_548 : vector<256x128xi1>, vector<256x128xf32>
    %select_n3A_580 = arith.select %lt3A_578, %select_n3A_548, %select_n3A_575 : vector<256x128xi1>, vector<256x128xf32>
    %select_n3A_581 = arith.select %lt3A_578, %select_n3A_577, %select_n3A_550 : vector<256x128xi1>, vector<256x128xi32>
    %select_n3A_582 = arith.select %lt3A_578, %select_n3A_550, %select_n3A_577 : vector<256x128xi1>, vector<256x128xi32>
    %lt3A_583 = arith.cmpf olt, %select_n3A_580, %select_n3A_553 : vector<256x128xf32>
    %select_n3A_584 = arith.select %lt3A_583, %select_n3A_580, %select_n3A_553 : vector<256x128xi1>, vector<256x128xf32>
    %select_n3A_585 = arith.select %lt3A_583, %select_n3A_553, %select_n3A_580 : vector<256x128xi1>, vector<256x128xf32>
    %select_n3A_586 = arith.select %lt3A_583, %select_n3A_582, %select_n3A_555 : vector<256x128xi1>, vector<256x128xi32>
    %select_n3A_587 = arith.select %lt3A_583, %select_n3A_555, %select_n3A_582 : vector<256x128xi1>, vector<256x128xi32>
    %lt3A_588 = arith.cmpf olt, %select_n3A_585, %select_n3A_558 : vector<256x128xf32>
    %select_n3A_589 = arith.select %lt3A_588, %select_n3A_585, %select_n3A_558 : vector<256x128xi1>, vector<256x128xf32>
    %select_n3A_590 = arith.select %lt3A_588, %select_n3A_558, %select_n3A_585 : vector<256x128xi1>, vector<256x128xf32>
    %select_n3A_591 = arith.select %lt3A_588, %select_n3A_587, %select_n3A_560 : vector<256x128xi1>, vector<256x128xi32>
    %select_n3A_592 = arith.select %lt3A_588, %select_n3A_560, %select_n3A_587 : vector<256x128xi1>, vector<256x128xi32>
    %lt3A_593 = arith.cmpf olt, %select_n3A_590, %select_n3A_563 : vector<256x128xf32>
    %select_n3A_594 = arith.select %lt3A_593, %select_n3A_590, %select_n3A_563 : vector<256x128xi1>, vector<256x128xf32>
    %select_n3A_595 = arith.select %lt3A_593, %select_n3A_563, %select_n3A_590 : vector<256x128xi1>, vector<256x128xf32>
    %select_n3A_596 = arith.select %lt3A_593, %select_n3A_592, %select_n3A_565 : vector<256x128xi1>, vector<256x128xi32>
    %select_n3A_597 = arith.select %lt3A_593, %select_n3A_565, %select_n3A_592 : vector<256x128xi1>, vector<256x128xi32>
    %lt3A_598 = arith.cmpf olt, %select_n3A_595, %select_n3A_568 : vector<256x128xf32>
    %select_n3A_599 = arith.select %lt3A_598, %select_n3A_595, %select_n3A_568 : vector<256x128xi1>, vector<256x128xf32>
    %select_n3A_600 = arith.select %lt3A_598, %select_n3A_597, %select_n3A_569 : vector<256x128xi1>, vector<256x128xi32>
    %slice3A_601 = vector.extract_strided_slice %add3A_19 {offsets = [0, 2304], sizes = [256, 128], strides = [1, 1]} : vector<256x8192xf32> to vector<256x128xf32>
    %broadcast_in_dim3A_602 = arith.constant 18 : i32
    %broadcast_in_dim3A_603 = vector.broadcast %broadcast_in_dim3A_602 : i32 to vector<256x128xi32>
    %lt3A_604 = arith.cmpf olt, %slice3A_601, %select_n3A_574 : vector<256x128xf32>
    %select_n3A_605 = arith.select %lt3A_604, %slice3A_601, %select_n3A_574 : vector<256x128xi1>, vector<256x128xf32>
    %select_n3A_606 = arith.select %lt3A_604, %select_n3A_574, %slice3A_601 : vector<256x128xi1>, vector<256x128xf32>
    %select_n3A_607 = arith.select %lt3A_604, %broadcast_in_dim3A_603, %select_n3A_576 : vector<256x128xi1>, vector<256x128xi32>
    %select_n3A_608 = arith.select %lt3A_604, %select_n3A_576, %broadcast_in_dim3A_603 : vector<256x128xi1>, vector<256x128xi32>
    %lt3A_609 = arith.cmpf olt, %select_n3A_606, %select_n3A_579 : vector<256x128xf32>
    %select_n3A_610 = arith.select %lt3A_609, %select_n3A_606, %select_n3A_579 : vector<256x128xi1>, vector<256x128xf32>
    %select_n3A_611 = arith.select %lt3A_609, %select_n3A_579, %select_n3A_606 : vector<256x128xi1>, vector<256x128xf32>
    %select_n3A_612 = arith.select %lt3A_609, %select_n3A_608, %select_n3A_581 : vector<256x128xi1>, vector<256x128xi32>
    %select_n3A_613 = arith.select %lt3A_609, %select_n3A_581, %select_n3A_608 : vector<256x128xi1>, vector<256x128xi32>
    %lt3A_614 = arith.cmpf olt, %select_n3A_611, %select_n3A_584 : vector<256x128xf32>
    %select_n3A_615 = arith.select %lt3A_614, %select_n3A_611, %select_n3A_584 : vector<256x128xi1>, vector<256x128xf32>
    %select_n3A_616 = arith.select %lt3A_614, %select_n3A_584, %select_n3A_611 : vector<256x128xi1>, vector<256x128xf32>
    %select_n3A_617 = arith.select %lt3A_614, %select_n3A_613, %select_n3A_586 : vector<256x128xi1>, vector<256x128xi32>
    %select_n3A_618 = arith.select %lt3A_614, %select_n3A_586, %select_n3A_613 : vector<256x128xi1>, vector<256x128xi32>
    %lt3A_619 = arith.cmpf olt, %select_n3A_616, %select_n3A_589 : vector<256x128xf32>
    %select_n3A_620 = arith.select %lt3A_619, %select_n3A_616, %select_n3A_589 : vector<256x128xi1>, vector<256x128xf32>
    %select_n3A_621 = arith.select %lt3A_619, %select_n3A_589, %select_n3A_616 : vector<256x128xi1>, vector<256x128xf32>
    %select_n3A_622 = arith.select %lt3A_619, %select_n3A_618, %select_n3A_591 : vector<256x128xi1>, vector<256x128xi32>
    %select_n3A_623 = arith.select %lt3A_619, %select_n3A_591, %select_n3A_618 : vector<256x128xi1>, vector<256x128xi32>
    %lt3A_624 = arith.cmpf olt, %select_n3A_621, %select_n3A_594 : vector<256x128xf32>
    %select_n3A_625 = arith.select %lt3A_624, %select_n3A_621, %select_n3A_594 : vector<256x128xi1>, vector<256x128xf32>
    %select_n3A_626 = arith.select %lt3A_624, %select_n3A_594, %select_n3A_621 : vector<256x128xi1>, vector<256x128xf32>
    %select_n3A_627 = arith.select %lt3A_624, %select_n3A_623, %select_n3A_596 : vector<256x128xi1>, vector<256x128xi32>
    %select_n3A_628 = arith.select %lt3A_624, %select_n3A_596, %select_n3A_623 : vector<256x128xi1>, vector<256x128xi32>
    %lt3A_629 = arith.cmpf olt, %select_n3A_626, %select_n3A_599 : vector<256x128xf32>
    %select_n3A_630 = arith.select %lt3A_629, %select_n3A_626, %select_n3A_599 : vector<256x128xi1>, vector<256x128xf32>
    %select_n3A_631 = arith.select %lt3A_629, %select_n3A_628, %select_n3A_600 : vector<256x128xi1>, vector<256x128xi32>
    %slice3A_632 = vector.extract_strided_slice %add3A_19 {offsets = [0, 2432], sizes = [256, 128], strides = [1, 1]} : vector<256x8192xf32> to vector<256x128xf32>
    %broadcast_in_dim3A_633 = arith.constant 19 : i32
    %broadcast_in_dim3A_634 = vector.broadcast %broadcast_in_dim3A_633 : i32 to vector<256x128xi32>
    %lt3A_635 = arith.cmpf olt, %slice3A_632, %select_n3A_605 : vector<256x128xf32>
    %select_n3A_636 = arith.select %lt3A_635, %slice3A_632, %select_n3A_605 : vector<256x128xi1>, vector<256x128xf32>
    %select_n3A_637 = arith.select %lt3A_635, %select_n3A_605, %slice3A_632 : vector<256x128xi1>, vector<256x128xf32>
    %select_n3A_638 = arith.select %lt3A_635, %broadcast_in_dim3A_634, %select_n3A_607 : vector<256x128xi1>, vector<256x128xi32>
    %select_n3A_639 = arith.select %lt3A_635, %select_n3A_607, %broadcast_in_dim3A_634 : vector<256x128xi1>, vector<256x128xi32>
    %lt3A_640 = arith.cmpf olt, %select_n3A_637, %select_n3A_610 : vector<256x128xf32>
    %select_n3A_641 = arith.select %lt3A_640, %select_n3A_637, %select_n3A_610 : vector<256x128xi1>, vector<256x128xf32>
    %select_n3A_642 = arith.select %lt3A_640, %select_n3A_610, %select_n3A_637 : vector<256x128xi1>, vector<256x128xf32>
    %select_n3A_643 = arith.select %lt3A_640, %select_n3A_639, %select_n3A_612 : vector<256x128xi1>, vector<256x128xi32>
    %select_n3A_644 = arith.select %lt3A_640, %select_n3A_612, %select_n3A_639 : vector<256x128xi1>, vector<256x128xi32>
    %lt3A_645 = arith.cmpf olt, %select_n3A_642, %select_n3A_615 : vector<256x128xf32>
    %select_n3A_646 = arith.select %lt3A_645, %select_n3A_642, %select_n3A_615 : vector<256x128xi1>, vector<256x128xf32>
    %select_n3A_647 = arith.select %lt3A_645, %select_n3A_615, %select_n3A_642 : vector<256x128xi1>, vector<256x128xf32>
    %select_n3A_648 = arith.select %lt3A_645, %select_n3A_644, %select_n3A_617 : vector<256x128xi1>, vector<256x128xi32>
    %select_n3A_649 = arith.select %lt3A_645, %select_n3A_617, %select_n3A_644 : vector<256x128xi1>, vector<256x128xi32>
    %lt3A_650 = arith.cmpf olt, %select_n3A_647, %select_n3A_620 : vector<256x128xf32>
    %select_n3A_651 = arith.select %lt3A_650, %select_n3A_647, %select_n3A_620 : vector<256x128xi1>, vector<256x128xf32>
    %select_n3A_652 = arith.select %lt3A_650, %select_n3A_620, %select_n3A_647 : vector<256x128xi1>, vector<256x128xf32>
    %select_n3A_653 = arith.select %lt3A_650, %select_n3A_649, %select_n3A_622 : vector<256x128xi1>, vector<256x128xi32>
    %select_n3A_654 = arith.select %lt3A_650, %select_n3A_622, %select_n3A_649 : vector<256x128xi1>, vector<256x128xi32>
    %lt3A_655 = arith.cmpf olt, %select_n3A_652, %select_n3A_625 : vector<256x128xf32>
    %select_n3A_656 = arith.select %lt3A_655, %select_n3A_652, %select_n3A_625 : vector<256x128xi1>, vector<256x128xf32>
    %select_n3A_657 = arith.select %lt3A_655, %select_n3A_625, %select_n3A_652 : vector<256x128xi1>, vector<256x128xf32>
    %select_n3A_658 = arith.select %lt3A_655, %select_n3A_654, %select_n3A_627 : vector<256x128xi1>, vector<256x128xi32>
    %select_n3A_659 = arith.select %lt3A_655, %select_n3A_627, %select_n3A_654 : vector<256x128xi1>, vector<256x128xi32>
    %lt3A_660 = arith.cmpf olt, %select_n3A_657, %select_n3A_630 : vector<256x128xf32>
    %select_n3A_661 = arith.select %lt3A_660, %select_n3A_657, %select_n3A_630 : vector<256x128xi1>, vector<256x128xf32>
    %select_n3A_662 = arith.select %lt3A_660, %select_n3A_659, %select_n3A_631 : vector<256x128xi1>, vector<256x128xi32>
    %slice3A_663 = vector.extract_strided_slice %add3A_19 {offsets = [0, 2560], sizes = [256, 128], strides = [1, 1]} : vector<256x8192xf32> to vector<256x128xf32>
    %broadcast_in_dim3A_664 = arith.constant 20 : i32
    %broadcast_in_dim3A_665 = vector.broadcast %broadcast_in_dim3A_664 : i32 to vector<256x128xi32>
    %lt3A_666 = arith.cmpf olt, %slice3A_663, %select_n3A_636 : vector<256x128xf32>
    %select_n3A_667 = arith.select %lt3A_666, %slice3A_663, %select_n3A_636 : vector<256x128xi1>, vector<256x128xf32>
    %select_n3A_668 = arith.select %lt3A_666, %select_n3A_636, %slice3A_663 : vector<256x128xi1>, vector<256x128xf32>
    %select_n3A_669 = arith.select %lt3A_666, %broadcast_in_dim3A_665, %select_n3A_638 : vector<256x128xi1>, vector<256x128xi32>
    %select_n3A_670 = arith.select %lt3A_666, %select_n3A_638, %broadcast_in_dim3A_665 : vector<256x128xi1>, vector<256x128xi32>
    %lt3A_671 = arith.cmpf olt, %select_n3A_668, %select_n3A_641 : vector<256x128xf32>
    %select_n3A_672 = arith.select %lt3A_671, %select_n3A_668, %select_n3A_641 : vector<256x128xi1>, vector<256x128xf32>
    %select_n3A_673 = arith.select %lt3A_671, %select_n3A_641, %select_n3A_668 : vector<256x128xi1>, vector<256x128xf32>
    %select_n3A_674 = arith.select %lt3A_671, %select_n3A_670, %select_n3A_643 : vector<256x128xi1>, vector<256x128xi32>
    %select_n3A_675 = arith.select %lt3A_671, %select_n3A_643, %select_n3A_670 : vector<256x128xi1>, vector<256x128xi32>
    %lt3A_676 = arith.cmpf olt, %select_n3A_673, %select_n3A_646 : vector<256x128xf32>
    %select_n3A_677 = arith.select %lt3A_676, %select_n3A_673, %select_n3A_646 : vector<256x128xi1>, vector<256x128xf32>
    %select_n3A_678 = arith.select %lt3A_676, %select_n3A_646, %select_n3A_673 : vector<256x128xi1>, vector<256x128xf32>
    %select_n3A_679 = arith.select %lt3A_676, %select_n3A_675, %select_n3A_648 : vector<256x128xi1>, vector<256x128xi32>
    %select_n3A_680 = arith.select %lt3A_676, %select_n3A_648, %select_n3A_675 : vector<256x128xi1>, vector<256x128xi32>
    %lt3A_681 = arith.cmpf olt, %select_n3A_678, %select_n3A_651 : vector<256x128xf32>
    %select_n3A_682 = arith.select %lt3A_681, %select_n3A_678, %select_n3A_651 : vector<256x128xi1>, vector<256x128xf32>
    %select_n3A_683 = arith.select %lt3A_681, %select_n3A_651, %select_n3A_678 : vector<256x128xi1>, vector<256x128xf32>
    %select_n3A_684 = arith.select %lt3A_681, %select_n3A_680, %select_n3A_653 : vector<256x128xi1>, vector<256x128xi32>
    %select_n3A_685 = arith.select %lt3A_681, %select_n3A_653, %select_n3A_680 : vector<256x128xi1>, vector<256x128xi32>
    %lt3A_686 = arith.cmpf olt, %select_n3A_683, %select_n3A_656 : vector<256x128xf32>
    %select_n3A_687 = arith.select %lt3A_686, %select_n3A_683, %select_n3A_656 : vector<256x128xi1>, vector<256x128xf32>
    %select_n3A_688 = arith.select %lt3A_686, %select_n3A_656, %select_n3A_683 : vector<256x128xi1>, vector<256x128xf32>
    %select_n3A_689 = arith.select %lt3A_686, %select_n3A_685, %select_n3A_658 : vector<256x128xi1>, vector<256x128xi32>
    %select_n3A_690 = arith.select %lt3A_686, %select_n3A_658, %select_n3A_685 : vector<256x128xi1>, vector<256x128xi32>
    %lt3A_691 = arith.cmpf olt, %select_n3A_688, %select_n3A_661 : vector<256x128xf32>
    %select_n3A_692 = arith.select %lt3A_691, %select_n3A_688, %select_n3A_661 : vector<256x128xi1>, vector<256x128xf32>
    %select_n3A_693 = arith.select %lt3A_691, %select_n3A_690, %select_n3A_662 : vector<256x128xi1>, vector<256x128xi32>
    %slice3A_694 = vector.extract_strided_slice %add3A_19 {offsets = [0, 2688], sizes = [256, 128], strides = [1, 1]} : vector<256x8192xf32> to vector<256x128xf32>
    %broadcast_in_dim3A_695 = arith.constant 21 : i32
    %broadcast_in_dim3A_696 = vector.broadcast %broadcast_in_dim3A_695 : i32 to vector<256x128xi32>
    %lt3A_697 = arith.cmpf olt, %slice3A_694, %select_n3A_667 : vector<256x128xf32>
    %select_n3A_698 = arith.select %lt3A_697, %slice3A_694, %select_n3A_667 : vector<256x128xi1>, vector<256x128xf32>
    %select_n3A_699 = arith.select %lt3A_697, %select_n3A_667, %slice3A_694 : vector<256x128xi1>, vector<256x128xf32>
    %select_n3A_700 = arith.select %lt3A_697, %broadcast_in_dim3A_696, %select_n3A_669 : vector<256x128xi1>, vector<256x128xi32>
    %select_n3A_701 = arith.select %lt3A_697, %select_n3A_669, %broadcast_in_dim3A_696 : vector<256x128xi1>, vector<256x128xi32>
    %lt3A_702 = arith.cmpf olt, %select_n3A_699, %select_n3A_672 : vector<256x128xf32>
    %select_n3A_703 = arith.select %lt3A_702, %select_n3A_699, %select_n3A_672 : vector<256x128xi1>, vector<256x128xf32>
    %select_n3A_704 = arith.select %lt3A_702, %select_n3A_672, %select_n3A_699 : vector<256x128xi1>, vector<256x128xf32>
    %select_n3A_705 = arith.select %lt3A_702, %select_n3A_701, %select_n3A_674 : vector<256x128xi1>, vector<256x128xi32>
    %select_n3A_706 = arith.select %lt3A_702, %select_n3A_674, %select_n3A_701 : vector<256x128xi1>, vector<256x128xi32>
    %lt3A_707 = arith.cmpf olt, %select_n3A_704, %select_n3A_677 : vector<256x128xf32>
    %select_n3A_708 = arith.select %lt3A_707, %select_n3A_704, %select_n3A_677 : vector<256x128xi1>, vector<256x128xf32>
    %select_n3A_709 = arith.select %lt3A_707, %select_n3A_677, %select_n3A_704 : vector<256x128xi1>, vector<256x128xf32>
    %select_n3A_710 = arith.select %lt3A_707, %select_n3A_706, %select_n3A_679 : vector<256x128xi1>, vector<256x128xi32>
    %select_n3A_711 = arith.select %lt3A_707, %select_n3A_679, %select_n3A_706 : vector<256x128xi1>, vector<256x128xi32>
    %lt3A_712 = arith.cmpf olt, %select_n3A_709, %select_n3A_682 : vector<256x128xf32>
    %select_n3A_713 = arith.select %lt3A_712, %select_n3A_709, %select_n3A_682 : vector<256x128xi1>, vector<256x128xf32>
    %select_n3A_714 = arith.select %lt3A_712, %select_n3A_682, %select_n3A_709 : vector<256x128xi1>, vector<256x128xf32>
    %select_n3A_715 = arith.select %lt3A_712, %select_n3A_711, %select_n3A_684 : vector<256x128xi1>, vector<256x128xi32>
    %select_n3A_716 = arith.select %lt3A_712, %select_n3A_684, %select_n3A_711 : vector<256x128xi1>, vector<256x128xi32>
    %lt3A_717 = arith.cmpf olt, %select_n3A_714, %select_n3A_687 : vector<256x128xf32>
    %select_n3A_718 = arith.select %lt3A_717, %select_n3A_714, %select_n3A_687 : vector<256x128xi1>, vector<256x128xf32>
    %select_n3A_719 = arith.select %lt3A_717, %select_n3A_687, %select_n3A_714 : vector<256x128xi1>, vector<256x128xf32>
    %select_n3A_720 = arith.select %lt3A_717, %select_n3A_716, %select_n3A_689 : vector<256x128xi1>, vector<256x128xi32>
    %select_n3A_721 = arith.select %lt3A_717, %select_n3A_689, %select_n3A_716 : vector<256x128xi1>, vector<256x128xi32>
    %lt3A_722 = arith.cmpf olt, %select_n3A_719, %select_n3A_692 : vector<256x128xf32>
    %select_n3A_723 = arith.select %lt3A_722, %select_n3A_719, %select_n3A_692 : vector<256x128xi1>, vector<256x128xf32>
    %select_n3A_724 = arith.select %lt3A_722, %select_n3A_721, %select_n3A_693 : vector<256x128xi1>, vector<256x128xi32>
    %slice3A_725 = vector.extract_strided_slice %add3A_19 {offsets = [0, 2816], sizes = [256, 128], strides = [1, 1]} : vector<256x8192xf32> to vector<256x128xf32>
    %broadcast_in_dim3A_726 = arith.constant 22 : i32
    %broadcast_in_dim3A_727 = vector.broadcast %broadcast_in_dim3A_726 : i32 to vector<256x128xi32>
    %lt3A_728 = arith.cmpf olt, %slice3A_725, %select_n3A_698 : vector<256x128xf32>
    %select_n3A_729 = arith.select %lt3A_728, %slice3A_725, %select_n3A_698 : vector<256x128xi1>, vector<256x128xf32>
    %select_n3A_730 = arith.select %lt3A_728, %select_n3A_698, %slice3A_725 : vector<256x128xi1>, vector<256x128xf32>
    %select_n3A_731 = arith.select %lt3A_728, %broadcast_in_dim3A_727, %select_n3A_700 : vector<256x128xi1>, vector<256x128xi32>
    %select_n3A_732 = arith.select %lt3A_728, %select_n3A_700, %broadcast_in_dim3A_727 : vector<256x128xi1>, vector<256x128xi32>
    %lt3A_733 = arith.cmpf olt, %select_n3A_730, %select_n3A_703 : vector<256x128xf32>
    %select_n3A_734 = arith.select %lt3A_733, %select_n3A_730, %select_n3A_703 : vector<256x128xi1>, vector<256x128xf32>
    %select_n3A_735 = arith.select %lt3A_733, %select_n3A_703, %select_n3A_730 : vector<256x128xi1>, vector<256x128xf32>
    %select_n3A_736 = arith.select %lt3A_733, %select_n3A_732, %select_n3A_705 : vector<256x128xi1>, vector<256x128xi32>
    %select_n3A_737 = arith.select %lt3A_733, %select_n3A_705, %select_n3A_732 : vector<256x128xi1>, vector<256x128xi32>
    %lt3A_738 = arith.cmpf olt, %select_n3A_735, %select_n3A_708 : vector<256x128xf32>
    %select_n3A_739 = arith.select %lt3A_738, %select_n3A_735, %select_n3A_708 : vector<256x128xi1>, vector<256x128xf32>
    %select_n3A_740 = arith.select %lt3A_738, %select_n3A_708, %select_n3A_735 : vector<256x128xi1>, vector<256x128xf32>
    %select_n3A_741 = arith.select %lt3A_738, %select_n3A_737, %select_n3A_710 : vector<256x128xi1>, vector<256x128xi32>
    %select_n3A_742 = arith.select %lt3A_738, %select_n3A_710, %select_n3A_737 : vector<256x128xi1>, vector<256x128xi32>
    %lt3A_743 = arith.cmpf olt, %select_n3A_740, %select_n3A_713 : vector<256x128xf32>
    %select_n3A_744 = arith.select %lt3A_743, %select_n3A_740, %select_n3A_713 : vector<256x128xi1>, vector<256x128xf32>
    %select_n3A_745 = arith.select %lt3A_743, %select_n3A_713, %select_n3A_740 : vector<256x128xi1>, vector<256x128xf32>
    %select_n3A_746 = arith.select %lt3A_743, %select_n3A_742, %select_n3A_715 : vector<256x128xi1>, vector<256x128xi32>
    %select_n3A_747 = arith.select %lt3A_743, %select_n3A_715, %select_n3A_742 : vector<256x128xi1>, vector<256x128xi32>
    %lt3A_748 = arith.cmpf olt, %select_n3A_745, %select_n3A_718 : vector<256x128xf32>
    %select_n3A_749 = arith.select %lt3A_748, %select_n3A_745, %select_n3A_718 : vector<256x128xi1>, vector<256x128xf32>
    %select_n3A_750 = arith.select %lt3A_748, %select_n3A_718, %select_n3A_745 : vector<256x128xi1>, vector<256x128xf32>
    %select_n3A_751 = arith.select %lt3A_748, %select_n3A_747, %select_n3A_720 : vector<256x128xi1>, vector<256x128xi32>
    %select_n3A_752 = arith.select %lt3A_748, %select_n3A_720, %select_n3A_747 : vector<256x128xi1>, vector<256x128xi32>
    %lt3A_753 = arith.cmpf olt, %select_n3A_750, %select_n3A_723 : vector<256x128xf32>
    %select_n3A_754 = arith.select %lt3A_753, %select_n3A_750, %select_n3A_723 : vector<256x128xi1>, vector<256x128xf32>
    %select_n3A_755 = arith.select %lt3A_753, %select_n3A_752, %select_n3A_724 : vector<256x128xi1>, vector<256x128xi32>
    %slice3A_756 = vector.extract_strided_slice %add3A_19 {offsets = [0, 2944], sizes = [256, 128], strides = [1, 1]} : vector<256x8192xf32> to vector<256x128xf32>
    %broadcast_in_dim3A_757 = arith.constant 23 : i32
    %broadcast_in_dim3A_758 = vector.broadcast %broadcast_in_dim3A_757 : i32 to vector<256x128xi32>
    %lt3A_759 = arith.cmpf olt, %slice3A_756, %select_n3A_729 : vector<256x128xf32>
    %select_n3A_760 = arith.select %lt3A_759, %slice3A_756, %select_n3A_729 : vector<256x128xi1>, vector<256x128xf32>
    %select_n3A_761 = arith.select %lt3A_759, %select_n3A_729, %slice3A_756 : vector<256x128xi1>, vector<256x128xf32>
    %select_n3A_762 = arith.select %lt3A_759, %broadcast_in_dim3A_758, %select_n3A_731 : vector<256x128xi1>, vector<256x128xi32>
    %select_n3A_763 = arith.select %lt3A_759, %select_n3A_731, %broadcast_in_dim3A_758 : vector<256x128xi1>, vector<256x128xi32>
    %lt3A_764 = arith.cmpf olt, %select_n3A_761, %select_n3A_734 : vector<256x128xf32>
    %select_n3A_765 = arith.select %lt3A_764, %select_n3A_761, %select_n3A_734 : vector<256x128xi1>, vector<256x128xf32>
    %select_n3A_766 = arith.select %lt3A_764, %select_n3A_734, %select_n3A_761 : vector<256x128xi1>, vector<256x128xf32>
    %select_n3A_767 = arith.select %lt3A_764, %select_n3A_763, %select_n3A_736 : vector<256x128xi1>, vector<256x128xi32>
    %select_n3A_768 = arith.select %lt3A_764, %select_n3A_736, %select_n3A_763 : vector<256x128xi1>, vector<256x128xi32>
    %lt3A_769 = arith.cmpf olt, %select_n3A_766, %select_n3A_739 : vector<256x128xf32>
    %select_n3A_770 = arith.select %lt3A_769, %select_n3A_766, %select_n3A_739 : vector<256x128xi1>, vector<256x128xf32>
    %select_n3A_771 = arith.select %lt3A_769, %select_n3A_739, %select_n3A_766 : vector<256x128xi1>, vector<256x128xf32>
    %select_n3A_772 = arith.select %lt3A_769, %select_n3A_768, %select_n3A_741 : vector<256x128xi1>, vector<256x128xi32>
    %select_n3A_773 = arith.select %lt3A_769, %select_n3A_741, %select_n3A_768 : vector<256x128xi1>, vector<256x128xi32>
    %lt3A_774 = arith.cmpf olt, %select_n3A_771, %select_n3A_744 : vector<256x128xf32>
    %select_n3A_775 = arith.select %lt3A_774, %select_n3A_771, %select_n3A_744 : vector<256x128xi1>, vector<256x128xf32>
    %select_n3A_776 = arith.select %lt3A_774, %select_n3A_744, %select_n3A_771 : vector<256x128xi1>, vector<256x128xf32>
    %select_n3A_777 = arith.select %lt3A_774, %select_n3A_773, %select_n3A_746 : vector<256x128xi1>, vector<256x128xi32>
    %select_n3A_778 = arith.select %lt3A_774, %select_n3A_746, %select_n3A_773 : vector<256x128xi1>, vector<256x128xi32>
    %lt3A_779 = arith.cmpf olt, %select_n3A_776, %select_n3A_749 : vector<256x128xf32>
    %select_n3A_780 = arith.select %lt3A_779, %select_n3A_776, %select_n3A_749 : vector<256x128xi1>, vector<256x128xf32>
    %select_n3A_781 = arith.select %lt3A_779, %select_n3A_749, %select_n3A_776 : vector<256x128xi1>, vector<256x128xf32>
    %select_n3A_782 = arith.select %lt3A_779, %select_n3A_778, %select_n3A_751 : vector<256x128xi1>, vector<256x128xi32>
    %select_n3A_783 = arith.select %lt3A_779, %select_n3A_751, %select_n3A_778 : vector<256x128xi1>, vector<256x128xi32>
    %lt3A_784 = arith.cmpf olt, %select_n3A_781, %select_n3A_754 : vector<256x128xf32>
    %select_n3A_785 = arith.select %lt3A_784, %select_n3A_781, %select_n3A_754 : vector<256x128xi1>, vector<256x128xf32>
    %select_n3A_786 = arith.select %lt3A_784, %select_n3A_783, %select_n3A_755 : vector<256x128xi1>, vector<256x128xi32>
    %slice3A_787 = vector.extract_strided_slice %add3A_19 {offsets = [0, 3072], sizes = [256, 128], strides = [1, 1]} : vector<256x8192xf32> to vector<256x128xf32>
    %broadcast_in_dim3A_788 = arith.constant 24 : i32
    %broadcast_in_dim3A_789 = vector.broadcast %broadcast_in_dim3A_788 : i32 to vector<256x128xi32>
    %lt3A_790 = arith.cmpf olt, %slice3A_787, %select_n3A_760 : vector<256x128xf32>
    %select_n3A_791 = arith.select %lt3A_790, %slice3A_787, %select_n3A_760 : vector<256x128xi1>, vector<256x128xf32>
    %select_n3A_792 = arith.select %lt3A_790, %select_n3A_760, %slice3A_787 : vector<256x128xi1>, vector<256x128xf32>
    %select_n3A_793 = arith.select %lt3A_790, %broadcast_in_dim3A_789, %select_n3A_762 : vector<256x128xi1>, vector<256x128xi32>
    %select_n3A_794 = arith.select %lt3A_790, %select_n3A_762, %broadcast_in_dim3A_789 : vector<256x128xi1>, vector<256x128xi32>
    %lt3A_795 = arith.cmpf olt, %select_n3A_792, %select_n3A_765 : vector<256x128xf32>
    %select_n3A_796 = arith.select %lt3A_795, %select_n3A_792, %select_n3A_765 : vector<256x128xi1>, vector<256x128xf32>
    %select_n3A_797 = arith.select %lt3A_795, %select_n3A_765, %select_n3A_792 : vector<256x128xi1>, vector<256x128xf32>
    %select_n3A_798 = arith.select %lt3A_795, %select_n3A_794, %select_n3A_767 : vector<256x128xi1>, vector<256x128xi32>
    %select_n3A_799 = arith.select %lt3A_795, %select_n3A_767, %select_n3A_794 : vector<256x128xi1>, vector<256x128xi32>
    %lt3A_800 = arith.cmpf olt, %select_n3A_797, %select_n3A_770 : vector<256x128xf32>
    %select_n3A_801 = arith.select %lt3A_800, %select_n3A_797, %select_n3A_770 : vector<256x128xi1>, vector<256x128xf32>
    %select_n3A_802 = arith.select %lt3A_800, %select_n3A_770, %select_n3A_797 : vector<256x128xi1>, vector<256x128xf32>
    %select_n3A_803 = arith.select %lt3A_800, %select_n3A_799, %select_n3A_772 : vector<256x128xi1>, vector<256x128xi32>
    %select_n3A_804 = arith.select %lt3A_800, %select_n3A_772, %select_n3A_799 : vector<256x128xi1>, vector<256x128xi32>
    %lt3A_805 = arith.cmpf olt, %select_n3A_802, %select_n3A_775 : vector<256x128xf32>
    %select_n3A_806 = arith.select %lt3A_805, %select_n3A_802, %select_n3A_775 : vector<256x128xi1>, vector<256x128xf32>
    %select_n3A_807 = arith.select %lt3A_805, %select_n3A_775, %select_n3A_802 : vector<256x128xi1>, vector<256x128xf32>
    %select_n3A_808 = arith.select %lt3A_805, %select_n3A_804, %select_n3A_777 : vector<256x128xi1>, vector<256x128xi32>
    %select_n3A_809 = arith.select %lt3A_805, %select_n3A_777, %select_n3A_804 : vector<256x128xi1>, vector<256x128xi32>
    %lt3A_810 = arith.cmpf olt, %select_n3A_807, %select_n3A_780 : vector<256x128xf32>
    %select_n3A_811 = arith.select %lt3A_810, %select_n3A_807, %select_n3A_780 : vector<256x128xi1>, vector<256x128xf32>
    %select_n3A_812 = arith.select %lt3A_810, %select_n3A_780, %select_n3A_807 : vector<256x128xi1>, vector<256x128xf32>
    %select_n3A_813 = arith.select %lt3A_810, %select_n3A_809, %select_n3A_782 : vector<256x128xi1>, vector<256x128xi32>
    %select_n3A_814 = arith.select %lt3A_810, %select_n3A_782, %select_n3A_809 : vector<256x128xi1>, vector<256x128xi32>
    %lt3A_815 = arith.cmpf olt, %select_n3A_812, %select_n3A_785 : vector<256x128xf32>
    %select_n3A_816 = arith.select %lt3A_815, %select_n3A_812, %select_n3A_785 : vector<256x128xi1>, vector<256x128xf32>
    %select_n3A_817 = arith.select %lt3A_815, %select_n3A_814, %select_n3A_786 : vector<256x128xi1>, vector<256x128xi32>
    %slice3A_818 = vector.extract_strided_slice %add3A_19 {offsets = [0, 3200], sizes = [256, 128], strides = [1, 1]} : vector<256x8192xf32> to vector<256x128xf32>
    %broadcast_in_dim3A_819 = arith.constant 25 : i32
    %broadcast_in_dim3A_820 = vector.broadcast %broadcast_in_dim3A_819 : i32 to vector<256x128xi32>
    %lt3A_821 = arith.cmpf olt, %slice3A_818, %select_n3A_791 : vector<256x128xf32>
    %select_n3A_822 = arith.select %lt3A_821, %slice3A_818, %select_n3A_791 : vector<256x128xi1>, vector<256x128xf32>
    %select_n3A_823 = arith.select %lt3A_821, %select_n3A_791, %slice3A_818 : vector<256x128xi1>, vector<256x128xf32>
    %select_n3A_824 = arith.select %lt3A_821, %broadcast_in_dim3A_820, %select_n3A_793 : vector<256x128xi1>, vector<256x128xi32>
    %select_n3A_825 = arith.select %lt3A_821, %select_n3A_793, %broadcast_in_dim3A_820 : vector<256x128xi1>, vector<256x128xi32>
    %lt3A_826 = arith.cmpf olt, %select_n3A_823, %select_n3A_796 : vector<256x128xf32>
    %select_n3A_827 = arith.select %lt3A_826, %select_n3A_823, %select_n3A_796 : vector<256x128xi1>, vector<256x128xf32>
    %select_n3A_828 = arith.select %lt3A_826, %select_n3A_796, %select_n3A_823 : vector<256x128xi1>, vector<256x128xf32>
    %select_n3A_829 = arith.select %lt3A_826, %select_n3A_825, %select_n3A_798 : vector<256x128xi1>, vector<256x128xi32>
    %select_n3A_830 = arith.select %lt3A_826, %select_n3A_798, %select_n3A_825 : vector<256x128xi1>, vector<256x128xi32>
    %lt3A_831 = arith.cmpf olt, %select_n3A_828, %select_n3A_801 : vector<256x128xf32>
    %select_n3A_832 = arith.select %lt3A_831, %select_n3A_828, %select_n3A_801 : vector<256x128xi1>, vector<256x128xf32>
    %select_n3A_833 = arith.select %lt3A_831, %select_n3A_801, %select_n3A_828 : vector<256x128xi1>, vector<256x128xf32>
    %select_n3A_834 = arith.select %lt3A_831, %select_n3A_830, %select_n3A_803 : vector<256x128xi1>, vector<256x128xi32>
    %select_n3A_835 = arith.select %lt3A_831, %select_n3A_803, %select_n3A_830 : vector<256x128xi1>, vector<256x128xi32>
    %lt3A_836 = arith.cmpf olt, %select_n3A_833, %select_n3A_806 : vector<256x128xf32>
    %select_n3A_837 = arith.select %lt3A_836, %select_n3A_833, %select_n3A_806 : vector<256x128xi1>, vector<256x128xf32>
    %select_n3A_838 = arith.select %lt3A_836, %select_n3A_806, %select_n3A_833 : vector<256x128xi1>, vector<256x128xf32>
    %select_n3A_839 = arith.select %lt3A_836, %select_n3A_835, %select_n3A_808 : vector<256x128xi1>, vector<256x128xi32>
    %select_n3A_840 = arith.select %lt3A_836, %select_n3A_808, %select_n3A_835 : vector<256x128xi1>, vector<256x128xi32>
    %lt3A_841 = arith.cmpf olt, %select_n3A_838, %select_n3A_811 : vector<256x128xf32>
    %select_n3A_842 = arith.select %lt3A_841, %select_n3A_838, %select_n3A_811 : vector<256x128xi1>, vector<256x128xf32>
    %select_n3A_843 = arith.select %lt3A_841, %select_n3A_811, %select_n3A_838 : vector<256x128xi1>, vector<256x128xf32>
    %select_n3A_844 = arith.select %lt3A_841, %select_n3A_840, %select_n3A_813 : vector<256x128xi1>, vector<256x128xi32>
    %select_n3A_845 = arith.select %lt3A_841, %select_n3A_813, %select_n3A_840 : vector<256x128xi1>, vector<256x128xi32>
    %lt3A_846 = arith.cmpf olt, %select_n3A_843, %select_n3A_816 : vector<256x128xf32>
    %select_n3A_847 = arith.select %lt3A_846, %select_n3A_843, %select_n3A_816 : vector<256x128xi1>, vector<256x128xf32>
    %select_n3A_848 = arith.select %lt3A_846, %select_n3A_845, %select_n3A_817 : vector<256x128xi1>, vector<256x128xi32>
    %slice3A_849 = vector.extract_strided_slice %add3A_19 {offsets = [0, 3328], sizes = [256, 128], strides = [1, 1]} : vector<256x8192xf32> to vector<256x128xf32>
    %broadcast_in_dim3A_850 = arith.constant 26 : i32
    %broadcast_in_dim3A_851 = vector.broadcast %broadcast_in_dim3A_850 : i32 to vector<256x128xi32>
    %lt3A_852 = arith.cmpf olt, %slice3A_849, %select_n3A_822 : vector<256x128xf32>
    %select_n3A_853 = arith.select %lt3A_852, %slice3A_849, %select_n3A_822 : vector<256x128xi1>, vector<256x128xf32>
    %select_n3A_854 = arith.select %lt3A_852, %select_n3A_822, %slice3A_849 : vector<256x128xi1>, vector<256x128xf32>
    %select_n3A_855 = arith.select %lt3A_852, %broadcast_in_dim3A_851, %select_n3A_824 : vector<256x128xi1>, vector<256x128xi32>
    %select_n3A_856 = arith.select %lt3A_852, %select_n3A_824, %broadcast_in_dim3A_851 : vector<256x128xi1>, vector<256x128xi32>
    %lt3A_857 = arith.cmpf olt, %select_n3A_854, %select_n3A_827 : vector<256x128xf32>
    %select_n3A_858 = arith.select %lt3A_857, %select_n3A_854, %select_n3A_827 : vector<256x128xi1>, vector<256x128xf32>
    %select_n3A_859 = arith.select %lt3A_857, %select_n3A_827, %select_n3A_854 : vector<256x128xi1>, vector<256x128xf32>
    %select_n3A_860 = arith.select %lt3A_857, %select_n3A_856, %select_n3A_829 : vector<256x128xi1>, vector<256x128xi32>
    %select_n3A_861 = arith.select %lt3A_857, %select_n3A_829, %select_n3A_856 : vector<256x128xi1>, vector<256x128xi32>
    %lt3A_862 = arith.cmpf olt, %select_n3A_859, %select_n3A_832 : vector<256x128xf32>
    %select_n3A_863 = arith.select %lt3A_862, %select_n3A_859, %select_n3A_832 : vector<256x128xi1>, vector<256x128xf32>
    %select_n3A_864 = arith.select %lt3A_862, %select_n3A_832, %select_n3A_859 : vector<256x128xi1>, vector<256x128xf32>
    %select_n3A_865 = arith.select %lt3A_862, %select_n3A_861, %select_n3A_834 : vector<256x128xi1>, vector<256x128xi32>
    %select_n3A_866 = arith.select %lt3A_862, %select_n3A_834, %select_n3A_861 : vector<256x128xi1>, vector<256x128xi32>
    %lt3A_867 = arith.cmpf olt, %select_n3A_864, %select_n3A_837 : vector<256x128xf32>
    %select_n3A_868 = arith.select %lt3A_867, %select_n3A_864, %select_n3A_837 : vector<256x128xi1>, vector<256x128xf32>
    %select_n3A_869 = arith.select %lt3A_867, %select_n3A_837, %select_n3A_864 : vector<256x128xi1>, vector<256x128xf32>
    %select_n3A_870 = arith.select %lt3A_867, %select_n3A_866, %select_n3A_839 : vector<256x128xi1>, vector<256x128xi32>
    %select_n3A_871 = arith.select %lt3A_867, %select_n3A_839, %select_n3A_866 : vector<256x128xi1>, vector<256x128xi32>
    %lt3A_872 = arith.cmpf olt, %select_n3A_869, %select_n3A_842 : vector<256x128xf32>
    %select_n3A_873 = arith.select %lt3A_872, %select_n3A_869, %select_n3A_842 : vector<256x128xi1>, vector<256x128xf32>
    %select_n3A_874 = arith.select %lt3A_872, %select_n3A_842, %select_n3A_869 : vector<256x128xi1>, vector<256x128xf32>
    %select_n3A_875 = arith.select %lt3A_872, %select_n3A_871, %select_n3A_844 : vector<256x128xi1>, vector<256x128xi32>
    %select_n3A_876 = arith.select %lt3A_872, %select_n3A_844, %select_n3A_871 : vector<256x128xi1>, vector<256x128xi32>
    %lt3A_877 = arith.cmpf olt, %select_n3A_874, %select_n3A_847 : vector<256x128xf32>
    %select_n3A_878 = arith.select %lt3A_877, %select_n3A_874, %select_n3A_847 : vector<256x128xi1>, vector<256x128xf32>
    %select_n3A_879 = arith.select %lt3A_877, %select_n3A_876, %select_n3A_848 : vector<256x128xi1>, vector<256x128xi32>
    %slice3A_880 = vector.extract_strided_slice %add3A_19 {offsets = [0, 3456], sizes = [256, 128], strides = [1, 1]} : vector<256x8192xf32> to vector<256x128xf32>
    %broadcast_in_dim3A_881 = arith.constant 27 : i32
    %broadcast_in_dim3A_882 = vector.broadcast %broadcast_in_dim3A_881 : i32 to vector<256x128xi32>
    %lt3A_883 = arith.cmpf olt, %slice3A_880, %select_n3A_853 : vector<256x128xf32>
    %select_n3A_884 = arith.select %lt3A_883, %slice3A_880, %select_n3A_853 : vector<256x128xi1>, vector<256x128xf32>
    %select_n3A_885 = arith.select %lt3A_883, %select_n3A_853, %slice3A_880 : vector<256x128xi1>, vector<256x128xf32>
    %select_n3A_886 = arith.select %lt3A_883, %broadcast_in_dim3A_882, %select_n3A_855 : vector<256x128xi1>, vector<256x128xi32>
    %select_n3A_887 = arith.select %lt3A_883, %select_n3A_855, %broadcast_in_dim3A_882 : vector<256x128xi1>, vector<256x128xi32>
    %lt3A_888 = arith.cmpf olt, %select_n3A_885, %select_n3A_858 : vector<256x128xf32>
    %select_n3A_889 = arith.select %lt3A_888, %select_n3A_885, %select_n3A_858 : vector<256x128xi1>, vector<256x128xf32>
    %select_n3A_890 = arith.select %lt3A_888, %select_n3A_858, %select_n3A_885 : vector<256x128xi1>, vector<256x128xf32>
    %select_n3A_891 = arith.select %lt3A_888, %select_n3A_887, %select_n3A_860 : vector<256x128xi1>, vector<256x128xi32>
    %select_n3A_892 = arith.select %lt3A_888, %select_n3A_860, %select_n3A_887 : vector<256x128xi1>, vector<256x128xi32>
    %lt3A_893 = arith.cmpf olt, %select_n3A_890, %select_n3A_863 : vector<256x128xf32>
    %select_n3A_894 = arith.select %lt3A_893, %select_n3A_890, %select_n3A_863 : vector<256x128xi1>, vector<256x128xf32>
    %select_n3A_895 = arith.select %lt3A_893, %select_n3A_863, %select_n3A_890 : vector<256x128xi1>, vector<256x128xf32>
    %select_n3A_896 = arith.select %lt3A_893, %select_n3A_892, %select_n3A_865 : vector<256x128xi1>, vector<256x128xi32>
    %select_n3A_897 = arith.select %lt3A_893, %select_n3A_865, %select_n3A_892 : vector<256x128xi1>, vector<256x128xi32>
    %lt3A_898 = arith.cmpf olt, %select_n3A_895, %select_n3A_868 : vector<256x128xf32>
    %select_n3A_899 = arith.select %lt3A_898, %select_n3A_895, %select_n3A_868 : vector<256x128xi1>, vector<256x128xf32>
    %select_n3A_900 = arith.select %lt3A_898, %select_n3A_868, %select_n3A_895 : vector<256x128xi1>, vector<256x128xf32>
    %select_n3A_901 = arith.select %lt3A_898, %select_n3A_897, %select_n3A_870 : vector<256x128xi1>, vector<256x128xi32>
    %select_n3A_902 = arith.select %lt3A_898, %select_n3A_870, %select_n3A_897 : vector<256x128xi1>, vector<256x128xi32>
    %lt3A_903 = arith.cmpf olt, %select_n3A_900, %select_n3A_873 : vector<256x128xf32>
    %select_n3A_904 = arith.select %lt3A_903, %select_n3A_900, %select_n3A_873 : vector<256x128xi1>, vector<256x128xf32>
    %select_n3A_905 = arith.select %lt3A_903, %select_n3A_873, %select_n3A_900 : vector<256x128xi1>, vector<256x128xf32>
    %select_n3A_906 = arith.select %lt3A_903, %select_n3A_902, %select_n3A_875 : vector<256x128xi1>, vector<256x128xi32>
    %select_n3A_907 = arith.select %lt3A_903, %select_n3A_875, %select_n3A_902 : vector<256x128xi1>, vector<256x128xi32>
    %lt3A_908 = arith.cmpf olt, %select_n3A_905, %select_n3A_878 : vector<256x128xf32>
    %select_n3A_909 = arith.select %lt3A_908, %select_n3A_905, %select_n3A_878 : vector<256x128xi1>, vector<256x128xf32>
    %select_n3A_910 = arith.select %lt3A_908, %select_n3A_907, %select_n3A_879 : vector<256x128xi1>, vector<256x128xi32>
    %slice3A_911 = vector.extract_strided_slice %add3A_19 {offsets = [0, 3584], sizes = [256, 128], strides = [1, 1]} : vector<256x8192xf32> to vector<256x128xf32>
    %broadcast_in_dim3A_912 = arith.constant 28 : i32
    %broadcast_in_dim3A_913 = vector.broadcast %broadcast_in_dim3A_912 : i32 to vector<256x128xi32>
    %lt3A_914 = arith.cmpf olt, %slice3A_911, %select_n3A_884 : vector<256x128xf32>
    %select_n3A_915 = arith.select %lt3A_914, %slice3A_911, %select_n3A_884 : vector<256x128xi1>, vector<256x128xf32>
    %select_n3A_916 = arith.select %lt3A_914, %select_n3A_884, %slice3A_911 : vector<256x128xi1>, vector<256x128xf32>
    %select_n3A_917 = arith.select %lt3A_914, %broadcast_in_dim3A_913, %select_n3A_886 : vector<256x128xi1>, vector<256x128xi32>
    %select_n3A_918 = arith.select %lt3A_914, %select_n3A_886, %broadcast_in_dim3A_913 : vector<256x128xi1>, vector<256x128xi32>
    %lt3A_919 = arith.cmpf olt, %select_n3A_916, %select_n3A_889 : vector<256x128xf32>
    %select_n3A_920 = arith.select %lt3A_919, %select_n3A_916, %select_n3A_889 : vector<256x128xi1>, vector<256x128xf32>
    %select_n3A_921 = arith.select %lt3A_919, %select_n3A_889, %select_n3A_916 : vector<256x128xi1>, vector<256x128xf32>
    %select_n3A_922 = arith.select %lt3A_919, %select_n3A_918, %select_n3A_891 : vector<256x128xi1>, vector<256x128xi32>
    %select_n3A_923 = arith.select %lt3A_919, %select_n3A_891, %select_n3A_918 : vector<256x128xi1>, vector<256x128xi32>
    %lt3A_924 = arith.cmpf olt, %select_n3A_921, %select_n3A_894 : vector<256x128xf32>
    %select_n3A_925 = arith.select %lt3A_924, %select_n3A_921, %select_n3A_894 : vector<256x128xi1>, vector<256x128xf32>
    %select_n3A_926 = arith.select %lt3A_924, %select_n3A_894, %select_n3A_921 : vector<256x128xi1>, vector<256x128xf32>
    %select_n3A_927 = arith.select %lt3A_924, %select_n3A_923, %select_n3A_896 : vector<256x128xi1>, vector<256x128xi32>
    %select_n3A_928 = arith.select %lt3A_924, %select_n3A_896, %select_n3A_923 : vector<256x128xi1>, vector<256x128xi32>
    %lt3A_929 = arith.cmpf olt, %select_n3A_926, %select_n3A_899 : vector<256x128xf32>
    %select_n3A_930 = arith.select %lt3A_929, %select_n3A_926, %select_n3A_899 : vector<256x128xi1>, vector<256x128xf32>
    %select_n3A_931 = arith.select %lt3A_929, %select_n3A_899, %select_n3A_926 : vector<256x128xi1>, vector<256x128xf32>
    %select_n3A_932 = arith.select %lt3A_929, %select_n3A_928, %select_n3A_901 : vector<256x128xi1>, vector<256x128xi32>
    %select_n3A_933 = arith.select %lt3A_929, %select_n3A_901, %select_n3A_928 : vector<256x128xi1>, vector<256x128xi32>
    %lt3A_934 = arith.cmpf olt, %select_n3A_931, %select_n3A_904 : vector<256x128xf32>
    %select_n3A_935 = arith.select %lt3A_934, %select_n3A_931, %select_n3A_904 : vector<256x128xi1>, vector<256x128xf32>
    %select_n3A_936 = arith.select %lt3A_934, %select_n3A_904, %select_n3A_931 : vector<256x128xi1>, vector<256x128xf32>
    %select_n3A_937 = arith.select %lt3A_934, %select_n3A_933, %select_n3A_906 : vector<256x128xi1>, vector<256x128xi32>
    %select_n3A_938 = arith.select %lt3A_934, %select_n3A_906, %select_n3A_933 : vector<256x128xi1>, vector<256x128xi32>
    %lt3A_939 = arith.cmpf olt, %select_n3A_936, %select_n3A_909 : vector<256x128xf32>
    %select_n3A_940 = arith.select %lt3A_939, %select_n3A_936, %select_n3A_909 : vector<256x128xi1>, vector<256x128xf32>
    %select_n3A_941 = arith.select %lt3A_939, %select_n3A_938, %select_n3A_910 : vector<256x128xi1>, vector<256x128xi32>
    %slice3A_942 = vector.extract_strided_slice %add3A_19 {offsets = [0, 3712], sizes = [256, 128], strides = [1, 1]} : vector<256x8192xf32> to vector<256x128xf32>
    %broadcast_in_dim3A_943 = arith.constant 29 : i32
    %broadcast_in_dim3A_944 = vector.broadcast %broadcast_in_dim3A_943 : i32 to vector<256x128xi32>
    %lt3A_945 = arith.cmpf olt, %slice3A_942, %select_n3A_915 : vector<256x128xf32>
    %select_n3A_946 = arith.select %lt3A_945, %slice3A_942, %select_n3A_915 : vector<256x128xi1>, vector<256x128xf32>
    %select_n3A_947 = arith.select %lt3A_945, %select_n3A_915, %slice3A_942 : vector<256x128xi1>, vector<256x128xf32>
    %select_n3A_948 = arith.select %lt3A_945, %broadcast_in_dim3A_944, %select_n3A_917 : vector<256x128xi1>, vector<256x128xi32>
    %select_n3A_949 = arith.select %lt3A_945, %select_n3A_917, %broadcast_in_dim3A_944 : vector<256x128xi1>, vector<256x128xi32>
    %lt3A_950 = arith.cmpf olt, %select_n3A_947, %select_n3A_920 : vector<256x128xf32>
    %select_n3A_951 = arith.select %lt3A_950, %select_n3A_947, %select_n3A_920 : vector<256x128xi1>, vector<256x128xf32>
    %select_n3A_952 = arith.select %lt3A_950, %select_n3A_920, %select_n3A_947 : vector<256x128xi1>, vector<256x128xf32>
    %select_n3A_953 = arith.select %lt3A_950, %select_n3A_949, %select_n3A_922 : vector<256x128xi1>, vector<256x128xi32>
    %select_n3A_954 = arith.select %lt3A_950, %select_n3A_922, %select_n3A_949 : vector<256x128xi1>, vector<256x128xi32>
    %lt3A_955 = arith.cmpf olt, %select_n3A_952, %select_n3A_925 : vector<256x128xf32>
    %select_n3A_956 = arith.select %lt3A_955, %select_n3A_952, %select_n3A_925 : vector<256x128xi1>, vector<256x128xf32>
    %select_n3A_957 = arith.select %lt3A_955, %select_n3A_925, %select_n3A_952 : vector<256x128xi1>, vector<256x128xf32>
    %select_n3A_958 = arith.select %lt3A_955, %select_n3A_954, %select_n3A_927 : vector<256x128xi1>, vector<256x128xi32>
    %select_n3A_959 = arith.select %lt3A_955, %select_n3A_927, %select_n3A_954 : vector<256x128xi1>, vector<256x128xi32>
    %lt3A_960 = arith.cmpf olt, %select_n3A_957, %select_n3A_930 : vector<256x128xf32>
    %select_n3A_961 = arith.select %lt3A_960, %select_n3A_957, %select_n3A_930 : vector<256x128xi1>, vector<256x128xf32>
    %select_n3A_962 = arith.select %lt3A_960, %select_n3A_930, %select_n3A_957 : vector<256x128xi1>, vector<256x128xf32>
    %select_n3A_963 = arith.select %lt3A_960, %select_n3A_959, %select_n3A_932 : vector<256x128xi1>, vector<256x128xi32>
    %select_n3A_964 = arith.select %lt3A_960, %select_n3A_932, %select_n3A_959 : vector<256x128xi1>, vector<256x128xi32>
    %lt3A_965 = arith.cmpf olt, %select_n3A_962, %select_n3A_935 : vector<256x128xf32>
    %select_n3A_966 = arith.select %lt3A_965, %select_n3A_962, %select_n3A_935 : vector<256x128xi1>, vector<256x128xf32>
    %select_n3A_967 = arith.select %lt3A_965, %select_n3A_935, %select_n3A_962 : vector<256x128xi1>, vector<256x128xf32>
    %select_n3A_968 = arith.select %lt3A_965, %select_n3A_964, %select_n3A_937 : vector<256x128xi1>, vector<256x128xi32>
    %select_n3A_969 = arith.select %lt3A_965, %select_n3A_937, %select_n3A_964 : vector<256x128xi1>, vector<256x128xi32>
    %lt3A_970 = arith.cmpf olt, %select_n3A_967, %select_n3A_940 : vector<256x128xf32>
    %select_n3A_971 = arith.select %lt3A_970, %select_n3A_967, %select_n3A_940 : vector<256x128xi1>, vector<256x128xf32>
    %select_n3A_972 = arith.select %lt3A_970, %select_n3A_969, %select_n3A_941 : vector<256x128xi1>, vector<256x128xi32>
    %slice3A_973 = vector.extract_strided_slice %add3A_19 {offsets = [0, 3840], sizes = [256, 128], strides = [1, 1]} : vector<256x8192xf32> to vector<256x128xf32>
    %broadcast_in_dim3A_974 = arith.constant 30 : i32
    %broadcast_in_dim3A_975 = vector.broadcast %broadcast_in_dim3A_974 : i32 to vector<256x128xi32>
    %lt3A_976 = arith.cmpf olt, %slice3A_973, %select_n3A_946 : vector<256x128xf32>
    %select_n3A_977 = arith.select %lt3A_976, %slice3A_973, %select_n3A_946 : vector<256x128xi1>, vector<256x128xf32>
    %select_n3A_978 = arith.select %lt3A_976, %select_n3A_946, %slice3A_973 : vector<256x128xi1>, vector<256x128xf32>
    %select_n3A_979 = arith.select %lt3A_976, %broadcast_in_dim3A_975, %select_n3A_948 : vector<256x128xi1>, vector<256x128xi32>
    %select_n3A_980 = arith.select %lt3A_976, %select_n3A_948, %broadcast_in_dim3A_975 : vector<256x128xi1>, vector<256x128xi32>
    %lt3A_981 = arith.cmpf olt, %select_n3A_978, %select_n3A_951 : vector<256x128xf32>
    %select_n3A_982 = arith.select %lt3A_981, %select_n3A_978, %select_n3A_951 : vector<256x128xi1>, vector<256x128xf32>
    %select_n3A_983 = arith.select %lt3A_981, %select_n3A_951, %select_n3A_978 : vector<256x128xi1>, vector<256x128xf32>
    %select_n3A_984 = arith.select %lt3A_981, %select_n3A_980, %select_n3A_953 : vector<256x128xi1>, vector<256x128xi32>
    %select_n3A_985 = arith.select %lt3A_981, %select_n3A_953, %select_n3A_980 : vector<256x128xi1>, vector<256x128xi32>
    %lt3A_986 = arith.cmpf olt, %select_n3A_983, %select_n3A_956 : vector<256x128xf32>
    %select_n3A_987 = arith.select %lt3A_986, %select_n3A_983, %select_n3A_956 : vector<256x128xi1>, vector<256x128xf32>
    %select_n3A_988 = arith.select %lt3A_986, %select_n3A_956, %select_n3A_983 : vector<256x128xi1>, vector<256x128xf32>
    %select_n3A_989 = arith.select %lt3A_986, %select_n3A_985, %select_n3A_958 : vector<256x128xi1>, vector<256x128xi32>
    %select_n3A_990 = arith.select %lt3A_986, %select_n3A_958, %select_n3A_985 : vector<256x128xi1>, vector<256x128xi32>
    %lt3A_991 = arith.cmpf olt, %select_n3A_988, %select_n3A_961 : vector<256x128xf32>
    %select_n3A_992 = arith.select %lt3A_991, %select_n3A_988, %select_n3A_961 : vector<256x128xi1>, vector<256x128xf32>
    %select_n3A_993 = arith.select %lt3A_991, %select_n3A_961, %select_n3A_988 : vector<256x128xi1>, vector<256x128xf32>
    %select_n3A_994 = arith.select %lt3A_991, %select_n3A_990, %select_n3A_963 : vector<256x128xi1>, vector<256x128xi32>
    %select_n3A_995 = arith.select %lt3A_991, %select_n3A_963, %select_n3A_990 : vector<256x128xi1>, vector<256x128xi32>
    %lt3A_996 = arith.cmpf olt, %select_n3A_993, %select_n3A_966 : vector<256x128xf32>
    %select_n3A_997 = arith.select %lt3A_996, %select_n3A_993, %select_n3A_966 : vector<256x128xi1>, vector<256x128xf32>
    %select_n3A_998 = arith.select %lt3A_996, %select_n3A_966, %select_n3A_993 : vector<256x128xi1>, vector<256x128xf32>
    %select_n3A_999 = arith.select %lt3A_996, %select_n3A_995, %select_n3A_968 : vector<256x128xi1>, vector<256x128xi32>
    %select_n3A_1000 = arith.select %lt3A_996, %select_n3A_968, %select_n3A_995 : vector<256x128xi1>, vector<256x128xi32>
    %lt3A_1001 = arith.cmpf olt, %select_n3A_998, %select_n3A_971 : vector<256x128xf32>
    %select_n3A_1002 = arith.select %lt3A_1001, %select_n3A_998, %select_n3A_971 : vector<256x128xi1>, vector<256x128xf32>
    %select_n3A_1003 = arith.select %lt3A_1001, %select_n3A_1000, %select_n3A_972 : vector<256x128xi1>, vector<256x128xi32>
    %slice3A_1004 = vector.extract_strided_slice %add3A_19 {offsets = [0, 3968], sizes = [256, 128], strides = [1, 1]} : vector<256x8192xf32> to vector<256x128xf32>
    %broadcast_in_dim3A_1005 = arith.constant 31 : i32
    %broadcast_in_dim3A_1006 = vector.broadcast %broadcast_in_dim3A_1005 : i32 to vector<256x128xi32>
    %lt3A_1007 = arith.cmpf olt, %slice3A_1004, %select_n3A_977 : vector<256x128xf32>
    %select_n3A_1008 = arith.select %lt3A_1007, %slice3A_1004, %select_n3A_977 : vector<256x128xi1>, vector<256x128xf32>
    %select_n3A_1009 = arith.select %lt3A_1007, %select_n3A_977, %slice3A_1004 : vector<256x128xi1>, vector<256x128xf32>
    %select_n3A_1010 = arith.select %lt3A_1007, %broadcast_in_dim3A_1006, %select_n3A_979 : vector<256x128xi1>, vector<256x128xi32>
    %select_n3A_1011 = arith.select %lt3A_1007, %select_n3A_979, %broadcast_in_dim3A_1006 : vector<256x128xi1>, vector<256x128xi32>
    %lt3A_1012 = arith.cmpf olt, %select_n3A_1009, %select_n3A_982 : vector<256x128xf32>
    %select_n3A_1013 = arith.select %lt3A_1012, %select_n3A_1009, %select_n3A_982 : vector<256x128xi1>, vector<256x128xf32>
    %select_n3A_1014 = arith.select %lt3A_1012, %select_n3A_982, %select_n3A_1009 : vector<256x128xi1>, vector<256x128xf32>
    %select_n3A_1015 = arith.select %lt3A_1012, %select_n3A_1011, %select_n3A_984 : vector<256x128xi1>, vector<256x128xi32>
    %select_n3A_1016 = arith.select %lt3A_1012, %select_n3A_984, %select_n3A_1011 : vector<256x128xi1>, vector<256x128xi32>
    %lt3A_1017 = arith.cmpf olt, %select_n3A_1014, %select_n3A_987 : vector<256x128xf32>
    %select_n3A_1018 = arith.select %lt3A_1017, %select_n3A_1014, %select_n3A_987 : vector<256x128xi1>, vector<256x128xf32>
    %select_n3A_1019 = arith.select %lt3A_1017, %select_n3A_987, %select_n3A_1014 : vector<256x128xi1>, vector<256x128xf32>
    %select_n3A_1020 = arith.select %lt3A_1017, %select_n3A_1016, %select_n3A_989 : vector<256x128xi1>, vector<256x128xi32>
    %select_n3A_1021 = arith.select %lt3A_1017, %select_n3A_989, %select_n3A_1016 : vector<256x128xi1>, vector<256x128xi32>
    %lt3A_1022 = arith.cmpf olt, %select_n3A_1019, %select_n3A_992 : vector<256x128xf32>
    %select_n3A_1023 = arith.select %lt3A_1022, %select_n3A_1019, %select_n3A_992 : vector<256x128xi1>, vector<256x128xf32>
    %select_n3A_1024 = arith.select %lt3A_1022, %select_n3A_992, %select_n3A_1019 : vector<256x128xi1>, vector<256x128xf32>
    %select_n3A_1025 = arith.select %lt3A_1022, %select_n3A_1021, %select_n3A_994 : vector<256x128xi1>, vector<256x128xi32>
    %select_n3A_1026 = arith.select %lt3A_1022, %select_n3A_994, %select_n3A_1021 : vector<256x128xi1>, vector<256x128xi32>
    %lt3A_1027 = arith.cmpf olt, %select_n3A_1024, %select_n3A_997 : vector<256x128xf32>
    %select_n3A_1028 = arith.select %lt3A_1027, %select_n3A_1024, %select_n3A_997 : vector<256x128xi1>, vector<256x128xf32>
    %select_n3A_1029 = arith.select %lt3A_1027, %select_n3A_997, %select_n3A_1024 : vector<256x128xi1>, vector<256x128xf32>
    %select_n3A_1030 = arith.select %lt3A_1027, %select_n3A_1026, %select_n3A_999 : vector<256x128xi1>, vector<256x128xi32>
    %select_n3A_1031 = arith.select %lt3A_1027, %select_n3A_999, %select_n3A_1026 : vector<256x128xi1>, vector<256x128xi32>
    %lt3A_1032 = arith.cmpf olt, %select_n3A_1029, %select_n3A_1002 : vector<256x128xf32>
    %select_n3A_1033 = arith.select %lt3A_1032, %select_n3A_1029, %select_n3A_1002 : vector<256x128xi1>, vector<256x128xf32>
    %select_n3A_1034 = arith.select %lt3A_1032, %select_n3A_1031, %select_n3A_1003 : vector<256x128xi1>, vector<256x128xi32>
    %slice3A_1035 = vector.extract_strided_slice %add3A_19 {offsets = [0, 4096], sizes = [256, 128], strides = [1, 1]} : vector<256x8192xf32> to vector<256x128xf32>
    %broadcast_in_dim3A_1036 = arith.constant 32 : i32
    %broadcast_in_dim3A_1037 = vector.broadcast %broadcast_in_dim3A_1036 : i32 to vector<256x128xi32>
    %lt3A_1038 = arith.cmpf olt, %slice3A_1035, %select_n3A_1008 : vector<256x128xf32>
    %select_n3A_1039 = arith.select %lt3A_1038, %slice3A_1035, %select_n3A_1008 : vector<256x128xi1>, vector<256x128xf32>
    %select_n3A_1040 = arith.select %lt3A_1038, %select_n3A_1008, %slice3A_1035 : vector<256x128xi1>, vector<256x128xf32>
    %select_n3A_1041 = arith.select %lt3A_1038, %broadcast_in_dim3A_1037, %select_n3A_1010 : vector<256x128xi1>, vector<256x128xi32>
    %select_n3A_1042 = arith.select %lt3A_1038, %select_n3A_1010, %broadcast_in_dim3A_1037 : vector<256x128xi1>, vector<256x128xi32>
    %lt3A_1043 = arith.cmpf olt, %select_n3A_1040, %select_n3A_1013 : vector<256x128xf32>
    %select_n3A_1044 = arith.select %lt3A_1043, %select_n3A_1040, %select_n3A_1013 : vector<256x128xi1>, vector<256x128xf32>
    %select_n3A_1045 = arith.select %lt3A_1043, %select_n3A_1013, %select_n3A_1040 : vector<256x128xi1>, vector<256x128xf32>
    %select_n3A_1046 = arith.select %lt3A_1043, %select_n3A_1042, %select_n3A_1015 : vector<256x128xi1>, vector<256x128xi32>
    %select_n3A_1047 = arith.select %lt3A_1043, %select_n3A_1015, %select_n3A_1042 : vector<256x128xi1>, vector<256x128xi32>
    %lt3A_1048 = arith.cmpf olt, %select_n3A_1045, %select_n3A_1018 : vector<256x128xf32>
    %select_n3A_1049 = arith.select %lt3A_1048, %select_n3A_1045, %select_n3A_1018 : vector<256x128xi1>, vector<256x128xf32>
    %select_n3A_1050 = arith.select %lt3A_1048, %select_n3A_1018, %select_n3A_1045 : vector<256x128xi1>, vector<256x128xf32>
    %select_n3A_1051 = arith.select %lt3A_1048, %select_n3A_1047, %select_n3A_1020 : vector<256x128xi1>, vector<256x128xi32>
    %select_n3A_1052 = arith.select %lt3A_1048, %select_n3A_1020, %select_n3A_1047 : vector<256x128xi1>, vector<256x128xi32>
    %lt3A_1053 = arith.cmpf olt, %select_n3A_1050, %select_n3A_1023 : vector<256x128xf32>
    %select_n3A_1054 = arith.select %lt3A_1053, %select_n3A_1050, %select_n3A_1023 : vector<256x128xi1>, vector<256x128xf32>
    %select_n3A_1055 = arith.select %lt3A_1053, %select_n3A_1023, %select_n3A_1050 : vector<256x128xi1>, vector<256x128xf32>
    %select_n3A_1056 = arith.select %lt3A_1053, %select_n3A_1052, %select_n3A_1025 : vector<256x128xi1>, vector<256x128xi32>
    %select_n3A_1057 = arith.select %lt3A_1053, %select_n3A_1025, %select_n3A_1052 : vector<256x128xi1>, vector<256x128xi32>
    %lt3A_1058 = arith.cmpf olt, %select_n3A_1055, %select_n3A_1028 : vector<256x128xf32>
    %select_n3A_1059 = arith.select %lt3A_1058, %select_n3A_1055, %select_n3A_1028 : vector<256x128xi1>, vector<256x128xf32>
    %select_n3A_1060 = arith.select %lt3A_1058, %select_n3A_1028, %select_n3A_1055 : vector<256x128xi1>, vector<256x128xf32>
    %select_n3A_1061 = arith.select %lt3A_1058, %select_n3A_1057, %select_n3A_1030 : vector<256x128xi1>, vector<256x128xi32>
    %select_n3A_1062 = arith.select %lt3A_1058, %select_n3A_1030, %select_n3A_1057 : vector<256x128xi1>, vector<256x128xi32>
    %lt3A_1063 = arith.cmpf olt, %select_n3A_1060, %select_n3A_1033 : vector<256x128xf32>
    %select_n3A_1064 = arith.select %lt3A_1063, %select_n3A_1060, %select_n3A_1033 : vector<256x128xi1>, vector<256x128xf32>
    %select_n3A_1065 = arith.select %lt3A_1063, %select_n3A_1062, %select_n3A_1034 : vector<256x128xi1>, vector<256x128xi32>
    %slice3A_1066 = vector.extract_strided_slice %add3A_19 {offsets = [0, 4224], sizes = [256, 128], strides = [1, 1]} : vector<256x8192xf32> to vector<256x128xf32>
    %broadcast_in_dim3A_1067 = arith.constant 33 : i32
    %broadcast_in_dim3A_1068 = vector.broadcast %broadcast_in_dim3A_1067 : i32 to vector<256x128xi32>
    %lt3A_1069 = arith.cmpf olt, %slice3A_1066, %select_n3A_1039 : vector<256x128xf32>
    %select_n3A_1070 = arith.select %lt3A_1069, %slice3A_1066, %select_n3A_1039 : vector<256x128xi1>, vector<256x128xf32>
    %select_n3A_1071 = arith.select %lt3A_1069, %select_n3A_1039, %slice3A_1066 : vector<256x128xi1>, vector<256x128xf32>
    %select_n3A_1072 = arith.select %lt3A_1069, %broadcast_in_dim3A_1068, %select_n3A_1041 : vector<256x128xi1>, vector<256x128xi32>
    %select_n3A_1073 = arith.select %lt3A_1069, %select_n3A_1041, %broadcast_in_dim3A_1068 : vector<256x128xi1>, vector<256x128xi32>
    %lt3A_1074 = arith.cmpf olt, %select_n3A_1071, %select_n3A_1044 : vector<256x128xf32>
    %select_n3A_1075 = arith.select %lt3A_1074, %select_n3A_1071, %select_n3A_1044 : vector<256x128xi1>, vector<256x128xf32>
    %select_n3A_1076 = arith.select %lt3A_1074, %select_n3A_1044, %select_n3A_1071 : vector<256x128xi1>, vector<256x128xf32>
    %select_n3A_1077 = arith.select %lt3A_1074, %select_n3A_1073, %select_n3A_1046 : vector<256x128xi1>, vector<256x128xi32>
    %select_n3A_1078 = arith.select %lt3A_1074, %select_n3A_1046, %select_n3A_1073 : vector<256x128xi1>, vector<256x128xi32>
    %lt3A_1079 = arith.cmpf olt, %select_n3A_1076, %select_n3A_1049 : vector<256x128xf32>
    %select_n3A_1080 = arith.select %lt3A_1079, %select_n3A_1076, %select_n3A_1049 : vector<256x128xi1>, vector<256x128xf32>
    %select_n3A_1081 = arith.select %lt3A_1079, %select_n3A_1049, %select_n3A_1076 : vector<256x128xi1>, vector<256x128xf32>
    %select_n3A_1082 = arith.select %lt3A_1079, %select_n3A_1078, %select_n3A_1051 : vector<256x128xi1>, vector<256x128xi32>
    %select_n3A_1083 = arith.select %lt3A_1079, %select_n3A_1051, %select_n3A_1078 : vector<256x128xi1>, vector<256x128xi32>
    %lt3A_1084 = arith.cmpf olt, %select_n3A_1081, %select_n3A_1054 : vector<256x128xf32>
    %select_n3A_1085 = arith.select %lt3A_1084, %select_n3A_1081, %select_n3A_1054 : vector<256x128xi1>, vector<256x128xf32>
    %select_n3A_1086 = arith.select %lt3A_1084, %select_n3A_1054, %select_n3A_1081 : vector<256x128xi1>, vector<256x128xf32>
    %select_n3A_1087 = arith.select %lt3A_1084, %select_n3A_1083, %select_n3A_1056 : vector<256x128xi1>, vector<256x128xi32>
    %select_n3A_1088 = arith.select %lt3A_1084, %select_n3A_1056, %select_n3A_1083 : vector<256x128xi1>, vector<256x128xi32>
    %lt3A_1089 = arith.cmpf olt, %select_n3A_1086, %select_n3A_1059 : vector<256x128xf32>
    %select_n3A_1090 = arith.select %lt3A_1089, %select_n3A_1086, %select_n3A_1059 : vector<256x128xi1>, vector<256x128xf32>
    %select_n3A_1091 = arith.select %lt3A_1089, %select_n3A_1059, %select_n3A_1086 : vector<256x128xi1>, vector<256x128xf32>
    %select_n3A_1092 = arith.select %lt3A_1089, %select_n3A_1088, %select_n3A_1061 : vector<256x128xi1>, vector<256x128xi32>
    %select_n3A_1093 = arith.select %lt3A_1089, %select_n3A_1061, %select_n3A_1088 : vector<256x128xi1>, vector<256x128xi32>
    %lt3A_1094 = arith.cmpf olt, %select_n3A_1091, %select_n3A_1064 : vector<256x128xf32>
    %select_n3A_1095 = arith.select %lt3A_1094, %select_n3A_1091, %select_n3A_1064 : vector<256x128xi1>, vector<256x128xf32>
    %select_n3A_1096 = arith.select %lt3A_1094, %select_n3A_1093, %select_n3A_1065 : vector<256x128xi1>, vector<256x128xi32>
    %slice3A_1097 = vector.extract_strided_slice %add3A_19 {offsets = [0, 4352], sizes = [256, 128], strides = [1, 1]} : vector<256x8192xf32> to vector<256x128xf32>
    %broadcast_in_dim3A_1098 = arith.constant 34 : i32
    %broadcast_in_dim3A_1099 = vector.broadcast %broadcast_in_dim3A_1098 : i32 to vector<256x128xi32>
    %lt3A_1100 = arith.cmpf olt, %slice3A_1097, %select_n3A_1070 : vector<256x128xf32>
    %select_n3A_1101 = arith.select %lt3A_1100, %slice3A_1097, %select_n3A_1070 : vector<256x128xi1>, vector<256x128xf32>
    %select_n3A_1102 = arith.select %lt3A_1100, %select_n3A_1070, %slice3A_1097 : vector<256x128xi1>, vector<256x128xf32>
    %select_n3A_1103 = arith.select %lt3A_1100, %broadcast_in_dim3A_1099, %select_n3A_1072 : vector<256x128xi1>, vector<256x128xi32>
    %select_n3A_1104 = arith.select %lt3A_1100, %select_n3A_1072, %broadcast_in_dim3A_1099 : vector<256x128xi1>, vector<256x128xi32>
    %lt3A_1105 = arith.cmpf olt, %select_n3A_1102, %select_n3A_1075 : vector<256x128xf32>
    %select_n3A_1106 = arith.select %lt3A_1105, %select_n3A_1102, %select_n3A_1075 : vector<256x128xi1>, vector<256x128xf32>
    %select_n3A_1107 = arith.select %lt3A_1105, %select_n3A_1075, %select_n3A_1102 : vector<256x128xi1>, vector<256x128xf32>
    %select_n3A_1108 = arith.select %lt3A_1105, %select_n3A_1104, %select_n3A_1077 : vector<256x128xi1>, vector<256x128xi32>
    %select_n3A_1109 = arith.select %lt3A_1105, %select_n3A_1077, %select_n3A_1104 : vector<256x128xi1>, vector<256x128xi32>
    %lt3A_1110 = arith.cmpf olt, %select_n3A_1107, %select_n3A_1080 : vector<256x128xf32>
    %select_n3A_1111 = arith.select %lt3A_1110, %select_n3A_1107, %select_n3A_1080 : vector<256x128xi1>, vector<256x128xf32>
    %select_n3A_1112 = arith.select %lt3A_1110, %select_n3A_1080, %select_n3A_1107 : vector<256x128xi1>, vector<256x128xf32>
    %select_n3A_1113 = arith.select %lt3A_1110, %select_n3A_1109, %select_n3A_1082 : vector<256x128xi1>, vector<256x128xi32>
    %select_n3A_1114 = arith.select %lt3A_1110, %select_n3A_1082, %select_n3A_1109 : vector<256x128xi1>, vector<256x128xi32>
    %lt3A_1115 = arith.cmpf olt, %select_n3A_1112, %select_n3A_1085 : vector<256x128xf32>
    %select_n3A_1116 = arith.select %lt3A_1115, %select_n3A_1112, %select_n3A_1085 : vector<256x128xi1>, vector<256x128xf32>
    %select_n3A_1117 = arith.select %lt3A_1115, %select_n3A_1085, %select_n3A_1112 : vector<256x128xi1>, vector<256x128xf32>
    %select_n3A_1118 = arith.select %lt3A_1115, %select_n3A_1114, %select_n3A_1087 : vector<256x128xi1>, vector<256x128xi32>
    %select_n3A_1119 = arith.select %lt3A_1115, %select_n3A_1087, %select_n3A_1114 : vector<256x128xi1>, vector<256x128xi32>
    %lt3A_1120 = arith.cmpf olt, %select_n3A_1117, %select_n3A_1090 : vector<256x128xf32>
    %select_n3A_1121 = arith.select %lt3A_1120, %select_n3A_1117, %select_n3A_1090 : vector<256x128xi1>, vector<256x128xf32>
    %select_n3A_1122 = arith.select %lt3A_1120, %select_n3A_1090, %select_n3A_1117 : vector<256x128xi1>, vector<256x128xf32>
    %select_n3A_1123 = arith.select %lt3A_1120, %select_n3A_1119, %select_n3A_1092 : vector<256x128xi1>, vector<256x128xi32>
    %select_n3A_1124 = arith.select %lt3A_1120, %select_n3A_1092, %select_n3A_1119 : vector<256x128xi1>, vector<256x128xi32>
    %lt3A_1125 = arith.cmpf olt, %select_n3A_1122, %select_n3A_1095 : vector<256x128xf32>
    %select_n3A_1126 = arith.select %lt3A_1125, %select_n3A_1122, %select_n3A_1095 : vector<256x128xi1>, vector<256x128xf32>
    %select_n3A_1127 = arith.select %lt3A_1125, %select_n3A_1124, %select_n3A_1096 : vector<256x128xi1>, vector<256x128xi32>
    %slice3A_1128 = vector.extract_strided_slice %add3A_19 {offsets = [0, 4480], sizes = [256, 128], strides = [1, 1]} : vector<256x8192xf32> to vector<256x128xf32>
    %broadcast_in_dim3A_1129 = arith.constant 35 : i32
    %broadcast_in_dim3A_1130 = vector.broadcast %broadcast_in_dim3A_1129 : i32 to vector<256x128xi32>
    %lt3A_1131 = arith.cmpf olt, %slice3A_1128, %select_n3A_1101 : vector<256x128xf32>
    %select_n3A_1132 = arith.select %lt3A_1131, %slice3A_1128, %select_n3A_1101 : vector<256x128xi1>, vector<256x128xf32>
    %select_n3A_1133 = arith.select %lt3A_1131, %select_n3A_1101, %slice3A_1128 : vector<256x128xi1>, vector<256x128xf32>
    %select_n3A_1134 = arith.select %lt3A_1131, %broadcast_in_dim3A_1130, %select_n3A_1103 : vector<256x128xi1>, vector<256x128xi32>
    %select_n3A_1135 = arith.select %lt3A_1131, %select_n3A_1103, %broadcast_in_dim3A_1130 : vector<256x128xi1>, vector<256x128xi32>
    %lt3A_1136 = arith.cmpf olt, %select_n3A_1133, %select_n3A_1106 : vector<256x128xf32>
    %select_n3A_1137 = arith.select %lt3A_1136, %select_n3A_1133, %select_n3A_1106 : vector<256x128xi1>, vector<256x128xf32>
    %select_n3A_1138 = arith.select %lt3A_1136, %select_n3A_1106, %select_n3A_1133 : vector<256x128xi1>, vector<256x128xf32>
    %select_n3A_1139 = arith.select %lt3A_1136, %select_n3A_1135, %select_n3A_1108 : vector<256x128xi1>, vector<256x128xi32>
    %select_n3A_1140 = arith.select %lt3A_1136, %select_n3A_1108, %select_n3A_1135 : vector<256x128xi1>, vector<256x128xi32>
    %lt3A_1141 = arith.cmpf olt, %select_n3A_1138, %select_n3A_1111 : vector<256x128xf32>
    %select_n3A_1142 = arith.select %lt3A_1141, %select_n3A_1138, %select_n3A_1111 : vector<256x128xi1>, vector<256x128xf32>
    %select_n3A_1143 = arith.select %lt3A_1141, %select_n3A_1111, %select_n3A_1138 : vector<256x128xi1>, vector<256x128xf32>
    %select_n3A_1144 = arith.select %lt3A_1141, %select_n3A_1140, %select_n3A_1113 : vector<256x128xi1>, vector<256x128xi32>
    %select_n3A_1145 = arith.select %lt3A_1141, %select_n3A_1113, %select_n3A_1140 : vector<256x128xi1>, vector<256x128xi32>
    %lt3A_1146 = arith.cmpf olt, %select_n3A_1143, %select_n3A_1116 : vector<256x128xf32>
    %select_n3A_1147 = arith.select %lt3A_1146, %select_n3A_1143, %select_n3A_1116 : vector<256x128xi1>, vector<256x128xf32>
    %select_n3A_1148 = arith.select %lt3A_1146, %select_n3A_1116, %select_n3A_1143 : vector<256x128xi1>, vector<256x128xf32>
    %select_n3A_1149 = arith.select %lt3A_1146, %select_n3A_1145, %select_n3A_1118 : vector<256x128xi1>, vector<256x128xi32>
    %select_n3A_1150 = arith.select %lt3A_1146, %select_n3A_1118, %select_n3A_1145 : vector<256x128xi1>, vector<256x128xi32>
    %lt3A_1151 = arith.cmpf olt, %select_n3A_1148, %select_n3A_1121 : vector<256x128xf32>
    %select_n3A_1152 = arith.select %lt3A_1151, %select_n3A_1148, %select_n3A_1121 : vector<256x128xi1>, vector<256x128xf32>
    %select_n3A_1153 = arith.select %lt3A_1151, %select_n3A_1121, %select_n3A_1148 : vector<256x128xi1>, vector<256x128xf32>
    %select_n3A_1154 = arith.select %lt3A_1151, %select_n3A_1150, %select_n3A_1123 : vector<256x128xi1>, vector<256x128xi32>
    %select_n3A_1155 = arith.select %lt3A_1151, %select_n3A_1123, %select_n3A_1150 : vector<256x128xi1>, vector<256x128xi32>
    %lt3A_1156 = arith.cmpf olt, %select_n3A_1153, %select_n3A_1126 : vector<256x128xf32>
    %select_n3A_1157 = arith.select %lt3A_1156, %select_n3A_1153, %select_n3A_1126 : vector<256x128xi1>, vector<256x128xf32>
    %select_n3A_1158 = arith.select %lt3A_1156, %select_n3A_1155, %select_n3A_1127 : vector<256x128xi1>, vector<256x128xi32>
    %slice3A_1159 = vector.extract_strided_slice %add3A_19 {offsets = [0, 4608], sizes = [256, 128], strides = [1, 1]} : vector<256x8192xf32> to vector<256x128xf32>
    %broadcast_in_dim3A_1160 = arith.constant 36 : i32
    %broadcast_in_dim3A_1161 = vector.broadcast %broadcast_in_dim3A_1160 : i32 to vector<256x128xi32>
    %lt3A_1162 = arith.cmpf olt, %slice3A_1159, %select_n3A_1132 : vector<256x128xf32>
    %select_n3A_1163 = arith.select %lt3A_1162, %slice3A_1159, %select_n3A_1132 : vector<256x128xi1>, vector<256x128xf32>
    %select_n3A_1164 = arith.select %lt3A_1162, %select_n3A_1132, %slice3A_1159 : vector<256x128xi1>, vector<256x128xf32>
    %select_n3A_1165 = arith.select %lt3A_1162, %broadcast_in_dim3A_1161, %select_n3A_1134 : vector<256x128xi1>, vector<256x128xi32>
    %select_n3A_1166 = arith.select %lt3A_1162, %select_n3A_1134, %broadcast_in_dim3A_1161 : vector<256x128xi1>, vector<256x128xi32>
    %lt3A_1167 = arith.cmpf olt, %select_n3A_1164, %select_n3A_1137 : vector<256x128xf32>
    %select_n3A_1168 = arith.select %lt3A_1167, %select_n3A_1164, %select_n3A_1137 : vector<256x128xi1>, vector<256x128xf32>
    %select_n3A_1169 = arith.select %lt3A_1167, %select_n3A_1137, %select_n3A_1164 : vector<256x128xi1>, vector<256x128xf32>
    %select_n3A_1170 = arith.select %lt3A_1167, %select_n3A_1166, %select_n3A_1139 : vector<256x128xi1>, vector<256x128xi32>
    %select_n3A_1171 = arith.select %lt3A_1167, %select_n3A_1139, %select_n3A_1166 : vector<256x128xi1>, vector<256x128xi32>
    %lt3A_1172 = arith.cmpf olt, %select_n3A_1169, %select_n3A_1142 : vector<256x128xf32>
    %select_n3A_1173 = arith.select %lt3A_1172, %select_n3A_1169, %select_n3A_1142 : vector<256x128xi1>, vector<256x128xf32>
    %select_n3A_1174 = arith.select %lt3A_1172, %select_n3A_1142, %select_n3A_1169 : vector<256x128xi1>, vector<256x128xf32>
    %select_n3A_1175 = arith.select %lt3A_1172, %select_n3A_1171, %select_n3A_1144 : vector<256x128xi1>, vector<256x128xi32>
    %select_n3A_1176 = arith.select %lt3A_1172, %select_n3A_1144, %select_n3A_1171 : vector<256x128xi1>, vector<256x128xi32>
    %lt3A_1177 = arith.cmpf olt, %select_n3A_1174, %select_n3A_1147 : vector<256x128xf32>
    %select_n3A_1178 = arith.select %lt3A_1177, %select_n3A_1174, %select_n3A_1147 : vector<256x128xi1>, vector<256x128xf32>
    %select_n3A_1179 = arith.select %lt3A_1177, %select_n3A_1147, %select_n3A_1174 : vector<256x128xi1>, vector<256x128xf32>
    %select_n3A_1180 = arith.select %lt3A_1177, %select_n3A_1176, %select_n3A_1149 : vector<256x128xi1>, vector<256x128xi32>
    %select_n3A_1181 = arith.select %lt3A_1177, %select_n3A_1149, %select_n3A_1176 : vector<256x128xi1>, vector<256x128xi32>
    %lt3A_1182 = arith.cmpf olt, %select_n3A_1179, %select_n3A_1152 : vector<256x128xf32>
    %select_n3A_1183 = arith.select %lt3A_1182, %select_n3A_1179, %select_n3A_1152 : vector<256x128xi1>, vector<256x128xf32>
    %select_n3A_1184 = arith.select %lt3A_1182, %select_n3A_1152, %select_n3A_1179 : vector<256x128xi1>, vector<256x128xf32>
    %select_n3A_1185 = arith.select %lt3A_1182, %select_n3A_1181, %select_n3A_1154 : vector<256x128xi1>, vector<256x128xi32>
    %select_n3A_1186 = arith.select %lt3A_1182, %select_n3A_1154, %select_n3A_1181 : vector<256x128xi1>, vector<256x128xi32>
    %lt3A_1187 = arith.cmpf olt, %select_n3A_1184, %select_n3A_1157 : vector<256x128xf32>
    %select_n3A_1188 = arith.select %lt3A_1187, %select_n3A_1184, %select_n3A_1157 : vector<256x128xi1>, vector<256x128xf32>
    %select_n3A_1189 = arith.select %lt3A_1187, %select_n3A_1186, %select_n3A_1158 : vector<256x128xi1>, vector<256x128xi32>
    %slice3A_1190 = vector.extract_strided_slice %add3A_19 {offsets = [0, 4736], sizes = [256, 128], strides = [1, 1]} : vector<256x8192xf32> to vector<256x128xf32>
    %broadcast_in_dim3A_1191 = arith.constant 37 : i32
    %broadcast_in_dim3A_1192 = vector.broadcast %broadcast_in_dim3A_1191 : i32 to vector<256x128xi32>
    %lt3A_1193 = arith.cmpf olt, %slice3A_1190, %select_n3A_1163 : vector<256x128xf32>
    %select_n3A_1194 = arith.select %lt3A_1193, %slice3A_1190, %select_n3A_1163 : vector<256x128xi1>, vector<256x128xf32>
    %select_n3A_1195 = arith.select %lt3A_1193, %select_n3A_1163, %slice3A_1190 : vector<256x128xi1>, vector<256x128xf32>
    %select_n3A_1196 = arith.select %lt3A_1193, %broadcast_in_dim3A_1192, %select_n3A_1165 : vector<256x128xi1>, vector<256x128xi32>
    %select_n3A_1197 = arith.select %lt3A_1193, %select_n3A_1165, %broadcast_in_dim3A_1192 : vector<256x128xi1>, vector<256x128xi32>
    %lt3A_1198 = arith.cmpf olt, %select_n3A_1195, %select_n3A_1168 : vector<256x128xf32>
    %select_n3A_1199 = arith.select %lt3A_1198, %select_n3A_1195, %select_n3A_1168 : vector<256x128xi1>, vector<256x128xf32>
    %select_n3A_1200 = arith.select %lt3A_1198, %select_n3A_1168, %select_n3A_1195 : vector<256x128xi1>, vector<256x128xf32>
    %select_n3A_1201 = arith.select %lt3A_1198, %select_n3A_1197, %select_n3A_1170 : vector<256x128xi1>, vector<256x128xi32>
    %select_n3A_1202 = arith.select %lt3A_1198, %select_n3A_1170, %select_n3A_1197 : vector<256x128xi1>, vector<256x128xi32>
    %lt3A_1203 = arith.cmpf olt, %select_n3A_1200, %select_n3A_1173 : vector<256x128xf32>
    %select_n3A_1204 = arith.select %lt3A_1203, %select_n3A_1200, %select_n3A_1173 : vector<256x128xi1>, vector<256x128xf32>
    %select_n3A_1205 = arith.select %lt3A_1203, %select_n3A_1173, %select_n3A_1200 : vector<256x128xi1>, vector<256x128xf32>
    %select_n3A_1206 = arith.select %lt3A_1203, %select_n3A_1202, %select_n3A_1175 : vector<256x128xi1>, vector<256x128xi32>
    %select_n3A_1207 = arith.select %lt3A_1203, %select_n3A_1175, %select_n3A_1202 : vector<256x128xi1>, vector<256x128xi32>
    %lt3A_1208 = arith.cmpf olt, %select_n3A_1205, %select_n3A_1178 : vector<256x128xf32>
    %select_n3A_1209 = arith.select %lt3A_1208, %select_n3A_1205, %select_n3A_1178 : vector<256x128xi1>, vector<256x128xf32>
    %select_n3A_1210 = arith.select %lt3A_1208, %select_n3A_1178, %select_n3A_1205 : vector<256x128xi1>, vector<256x128xf32>
    %select_n3A_1211 = arith.select %lt3A_1208, %select_n3A_1207, %select_n3A_1180 : vector<256x128xi1>, vector<256x128xi32>
    %select_n3A_1212 = arith.select %lt3A_1208, %select_n3A_1180, %select_n3A_1207 : vector<256x128xi1>, vector<256x128xi32>
    %lt3A_1213 = arith.cmpf olt, %select_n3A_1210, %select_n3A_1183 : vector<256x128xf32>
    %select_n3A_1214 = arith.select %lt3A_1213, %select_n3A_1210, %select_n3A_1183 : vector<256x128xi1>, vector<256x128xf32>
    %select_n3A_1215 = arith.select %lt3A_1213, %select_n3A_1183, %select_n3A_1210 : vector<256x128xi1>, vector<256x128xf32>
    %select_n3A_1216 = arith.select %lt3A_1213, %select_n3A_1212, %select_n3A_1185 : vector<256x128xi1>, vector<256x128xi32>
    %select_n3A_1217 = arith.select %lt3A_1213, %select_n3A_1185, %select_n3A_1212 : vector<256x128xi1>, vector<256x128xi32>
    %lt3A_1218 = arith.cmpf olt, %select_n3A_1215, %select_n3A_1188 : vector<256x128xf32>
    %select_n3A_1219 = arith.select %lt3A_1218, %select_n3A_1215, %select_n3A_1188 : vector<256x128xi1>, vector<256x128xf32>
    %select_n3A_1220 = arith.select %lt3A_1218, %select_n3A_1217, %select_n3A_1189 : vector<256x128xi1>, vector<256x128xi32>
    %slice3A_1221 = vector.extract_strided_slice %add3A_19 {offsets = [0, 4864], sizes = [256, 128], strides = [1, 1]} : vector<256x8192xf32> to vector<256x128xf32>
    %broadcast_in_dim3A_1222 = arith.constant 38 : i32
    %broadcast_in_dim3A_1223 = vector.broadcast %broadcast_in_dim3A_1222 : i32 to vector<256x128xi32>
    %lt3A_1224 = arith.cmpf olt, %slice3A_1221, %select_n3A_1194 : vector<256x128xf32>
    %select_n3A_1225 = arith.select %lt3A_1224, %slice3A_1221, %select_n3A_1194 : vector<256x128xi1>, vector<256x128xf32>
    %select_n3A_1226 = arith.select %lt3A_1224, %select_n3A_1194, %slice3A_1221 : vector<256x128xi1>, vector<256x128xf32>
    %select_n3A_1227 = arith.select %lt3A_1224, %broadcast_in_dim3A_1223, %select_n3A_1196 : vector<256x128xi1>, vector<256x128xi32>
    %select_n3A_1228 = arith.select %lt3A_1224, %select_n3A_1196, %broadcast_in_dim3A_1223 : vector<256x128xi1>, vector<256x128xi32>
    %lt3A_1229 = arith.cmpf olt, %select_n3A_1226, %select_n3A_1199 : vector<256x128xf32>
    %select_n3A_1230 = arith.select %lt3A_1229, %select_n3A_1226, %select_n3A_1199 : vector<256x128xi1>, vector<256x128xf32>
    %select_n3A_1231 = arith.select %lt3A_1229, %select_n3A_1199, %select_n3A_1226 : vector<256x128xi1>, vector<256x128xf32>
    %select_n3A_1232 = arith.select %lt3A_1229, %select_n3A_1228, %select_n3A_1201 : vector<256x128xi1>, vector<256x128xi32>
    %select_n3A_1233 = arith.select %lt3A_1229, %select_n3A_1201, %select_n3A_1228 : vector<256x128xi1>, vector<256x128xi32>
    %lt3A_1234 = arith.cmpf olt, %select_n3A_1231, %select_n3A_1204 : vector<256x128xf32>
    %select_n3A_1235 = arith.select %lt3A_1234, %select_n3A_1231, %select_n3A_1204 : vector<256x128xi1>, vector<256x128xf32>
    %select_n3A_1236 = arith.select %lt3A_1234, %select_n3A_1204, %select_n3A_1231 : vector<256x128xi1>, vector<256x128xf32>
    %select_n3A_1237 = arith.select %lt3A_1234, %select_n3A_1233, %select_n3A_1206 : vector<256x128xi1>, vector<256x128xi32>
    %select_n3A_1238 = arith.select %lt3A_1234, %select_n3A_1206, %select_n3A_1233 : vector<256x128xi1>, vector<256x128xi32>
    %lt3A_1239 = arith.cmpf olt, %select_n3A_1236, %select_n3A_1209 : vector<256x128xf32>
    %select_n3A_1240 = arith.select %lt3A_1239, %select_n3A_1236, %select_n3A_1209 : vector<256x128xi1>, vector<256x128xf32>
    %select_n3A_1241 = arith.select %lt3A_1239, %select_n3A_1209, %select_n3A_1236 : vector<256x128xi1>, vector<256x128xf32>
    %select_n3A_1242 = arith.select %lt3A_1239, %select_n3A_1238, %select_n3A_1211 : vector<256x128xi1>, vector<256x128xi32>
    %select_n3A_1243 = arith.select %lt3A_1239, %select_n3A_1211, %select_n3A_1238 : vector<256x128xi1>, vector<256x128xi32>
    %lt3A_1244 = arith.cmpf olt, %select_n3A_1241, %select_n3A_1214 : vector<256x128xf32>
    %select_n3A_1245 = arith.select %lt3A_1244, %select_n3A_1241, %select_n3A_1214 : vector<256x128xi1>, vector<256x128xf32>
    %select_n3A_1246 = arith.select %lt3A_1244, %select_n3A_1214, %select_n3A_1241 : vector<256x128xi1>, vector<256x128xf32>
    %select_n3A_1247 = arith.select %lt3A_1244, %select_n3A_1243, %select_n3A_1216 : vector<256x128xi1>, vector<256x128xi32>
    %select_n3A_1248 = arith.select %lt3A_1244, %select_n3A_1216, %select_n3A_1243 : vector<256x128xi1>, vector<256x128xi32>
    %lt3A_1249 = arith.cmpf olt, %select_n3A_1246, %select_n3A_1219 : vector<256x128xf32>
    %select_n3A_1250 = arith.select %lt3A_1249, %select_n3A_1246, %select_n3A_1219 : vector<256x128xi1>, vector<256x128xf32>
    %select_n3A_1251 = arith.select %lt3A_1249, %select_n3A_1248, %select_n3A_1220 : vector<256x128xi1>, vector<256x128xi32>
    %slice3A_1252 = vector.extract_strided_slice %add3A_19 {offsets = [0, 4992], sizes = [256, 128], strides = [1, 1]} : vector<256x8192xf32> to vector<256x128xf32>
    %broadcast_in_dim3A_1253 = arith.constant 39 : i32
    %broadcast_in_dim3A_1254 = vector.broadcast %broadcast_in_dim3A_1253 : i32 to vector<256x128xi32>
    %lt3A_1255 = arith.cmpf olt, %slice3A_1252, %select_n3A_1225 : vector<256x128xf32>
    %select_n3A_1256 = arith.select %lt3A_1255, %slice3A_1252, %select_n3A_1225 : vector<256x128xi1>, vector<256x128xf32>
    %select_n3A_1257 = arith.select %lt3A_1255, %select_n3A_1225, %slice3A_1252 : vector<256x128xi1>, vector<256x128xf32>
    %select_n3A_1258 = arith.select %lt3A_1255, %broadcast_in_dim3A_1254, %select_n3A_1227 : vector<256x128xi1>, vector<256x128xi32>
    %select_n3A_1259 = arith.select %lt3A_1255, %select_n3A_1227, %broadcast_in_dim3A_1254 : vector<256x128xi1>, vector<256x128xi32>
    %lt3A_1260 = arith.cmpf olt, %select_n3A_1257, %select_n3A_1230 : vector<256x128xf32>
    %select_n3A_1261 = arith.select %lt3A_1260, %select_n3A_1257, %select_n3A_1230 : vector<256x128xi1>, vector<256x128xf32>
    %select_n3A_1262 = arith.select %lt3A_1260, %select_n3A_1230, %select_n3A_1257 : vector<256x128xi1>, vector<256x128xf32>
    %select_n3A_1263 = arith.select %lt3A_1260, %select_n3A_1259, %select_n3A_1232 : vector<256x128xi1>, vector<256x128xi32>
    %select_n3A_1264 = arith.select %lt3A_1260, %select_n3A_1232, %select_n3A_1259 : vector<256x128xi1>, vector<256x128xi32>
    %lt3A_1265 = arith.cmpf olt, %select_n3A_1262, %select_n3A_1235 : vector<256x128xf32>
    %select_n3A_1266 = arith.select %lt3A_1265, %select_n3A_1262, %select_n3A_1235 : vector<256x128xi1>, vector<256x128xf32>
    %select_n3A_1267 = arith.select %lt3A_1265, %select_n3A_1235, %select_n3A_1262 : vector<256x128xi1>, vector<256x128xf32>
    %select_n3A_1268 = arith.select %lt3A_1265, %select_n3A_1264, %select_n3A_1237 : vector<256x128xi1>, vector<256x128xi32>
    %select_n3A_1269 = arith.select %lt3A_1265, %select_n3A_1237, %select_n3A_1264 : vector<256x128xi1>, vector<256x128xi32>
    %lt3A_1270 = arith.cmpf olt, %select_n3A_1267, %select_n3A_1240 : vector<256x128xf32>
    %select_n3A_1271 = arith.select %lt3A_1270, %select_n3A_1267, %select_n3A_1240 : vector<256x128xi1>, vector<256x128xf32>
    %select_n3A_1272 = arith.select %lt3A_1270, %select_n3A_1240, %select_n3A_1267 : vector<256x128xi1>, vector<256x128xf32>
    %select_n3A_1273 = arith.select %lt3A_1270, %select_n3A_1269, %select_n3A_1242 : vector<256x128xi1>, vector<256x128xi32>
    %select_n3A_1274 = arith.select %lt3A_1270, %select_n3A_1242, %select_n3A_1269 : vector<256x128xi1>, vector<256x128xi32>
    %lt3A_1275 = arith.cmpf olt, %select_n3A_1272, %select_n3A_1245 : vector<256x128xf32>
    %select_n3A_1276 = arith.select %lt3A_1275, %select_n3A_1272, %select_n3A_1245 : vector<256x128xi1>, vector<256x128xf32>
    %select_n3A_1277 = arith.select %lt3A_1275, %select_n3A_1245, %select_n3A_1272 : vector<256x128xi1>, vector<256x128xf32>
    %select_n3A_1278 = arith.select %lt3A_1275, %select_n3A_1274, %select_n3A_1247 : vector<256x128xi1>, vector<256x128xi32>
    %select_n3A_1279 = arith.select %lt3A_1275, %select_n3A_1247, %select_n3A_1274 : vector<256x128xi1>, vector<256x128xi32>
    %lt3A_1280 = arith.cmpf olt, %select_n3A_1277, %select_n3A_1250 : vector<256x128xf32>
    %select_n3A_1281 = arith.select %lt3A_1280, %select_n3A_1277, %select_n3A_1250 : vector<256x128xi1>, vector<256x128xf32>
    %select_n3A_1282 = arith.select %lt3A_1280, %select_n3A_1279, %select_n3A_1251 : vector<256x128xi1>, vector<256x128xi32>
    %slice3A_1283 = vector.extract_strided_slice %add3A_19 {offsets = [0, 5120], sizes = [256, 128], strides = [1, 1]} : vector<256x8192xf32> to vector<256x128xf32>
    %broadcast_in_dim3A_1284 = arith.constant 40 : i32
    %broadcast_in_dim3A_1285 = vector.broadcast %broadcast_in_dim3A_1284 : i32 to vector<256x128xi32>
    %lt3A_1286 = arith.cmpf olt, %slice3A_1283, %select_n3A_1256 : vector<256x128xf32>
    %select_n3A_1287 = arith.select %lt3A_1286, %slice3A_1283, %select_n3A_1256 : vector<256x128xi1>, vector<256x128xf32>
    %select_n3A_1288 = arith.select %lt3A_1286, %select_n3A_1256, %slice3A_1283 : vector<256x128xi1>, vector<256x128xf32>
    %select_n3A_1289 = arith.select %lt3A_1286, %broadcast_in_dim3A_1285, %select_n3A_1258 : vector<256x128xi1>, vector<256x128xi32>
    %select_n3A_1290 = arith.select %lt3A_1286, %select_n3A_1258, %broadcast_in_dim3A_1285 : vector<256x128xi1>, vector<256x128xi32>
    %lt3A_1291 = arith.cmpf olt, %select_n3A_1288, %select_n3A_1261 : vector<256x128xf32>
    %select_n3A_1292 = arith.select %lt3A_1291, %select_n3A_1288, %select_n3A_1261 : vector<256x128xi1>, vector<256x128xf32>
    %select_n3A_1293 = arith.select %lt3A_1291, %select_n3A_1261, %select_n3A_1288 : vector<256x128xi1>, vector<256x128xf32>
    %select_n3A_1294 = arith.select %lt3A_1291, %select_n3A_1290, %select_n3A_1263 : vector<256x128xi1>, vector<256x128xi32>
    %select_n3A_1295 = arith.select %lt3A_1291, %select_n3A_1263, %select_n3A_1290 : vector<256x128xi1>, vector<256x128xi32>
    %lt3A_1296 = arith.cmpf olt, %select_n3A_1293, %select_n3A_1266 : vector<256x128xf32>
    %select_n3A_1297 = arith.select %lt3A_1296, %select_n3A_1293, %select_n3A_1266 : vector<256x128xi1>, vector<256x128xf32>
    %select_n3A_1298 = arith.select %lt3A_1296, %select_n3A_1266, %select_n3A_1293 : vector<256x128xi1>, vector<256x128xf32>
    %select_n3A_1299 = arith.select %lt3A_1296, %select_n3A_1295, %select_n3A_1268 : vector<256x128xi1>, vector<256x128xi32>
    %select_n3A_1300 = arith.select %lt3A_1296, %select_n3A_1268, %select_n3A_1295 : vector<256x128xi1>, vector<256x128xi32>
    %lt3A_1301 = arith.cmpf olt, %select_n3A_1298, %select_n3A_1271 : vector<256x128xf32>
    %select_n3A_1302 = arith.select %lt3A_1301, %select_n3A_1298, %select_n3A_1271 : vector<256x128xi1>, vector<256x128xf32>
    %select_n3A_1303 = arith.select %lt3A_1301, %select_n3A_1271, %select_n3A_1298 : vector<256x128xi1>, vector<256x128xf32>
    %select_n3A_1304 = arith.select %lt3A_1301, %select_n3A_1300, %select_n3A_1273 : vector<256x128xi1>, vector<256x128xi32>
    %select_n3A_1305 = arith.select %lt3A_1301, %select_n3A_1273, %select_n3A_1300 : vector<256x128xi1>, vector<256x128xi32>
    %lt3A_1306 = arith.cmpf olt, %select_n3A_1303, %select_n3A_1276 : vector<256x128xf32>
    %select_n3A_1307 = arith.select %lt3A_1306, %select_n3A_1303, %select_n3A_1276 : vector<256x128xi1>, vector<256x128xf32>
    %select_n3A_1308 = arith.select %lt3A_1306, %select_n3A_1276, %select_n3A_1303 : vector<256x128xi1>, vector<256x128xf32>
    %select_n3A_1309 = arith.select %lt3A_1306, %select_n3A_1305, %select_n3A_1278 : vector<256x128xi1>, vector<256x128xi32>
    %select_n3A_1310 = arith.select %lt3A_1306, %select_n3A_1278, %select_n3A_1305 : vector<256x128xi1>, vector<256x128xi32>
    %lt3A_1311 = arith.cmpf olt, %select_n3A_1308, %select_n3A_1281 : vector<256x128xf32>
    %select_n3A_1312 = arith.select %lt3A_1311, %select_n3A_1308, %select_n3A_1281 : vector<256x128xi1>, vector<256x128xf32>
    %select_n3A_1313 = arith.select %lt3A_1311, %select_n3A_1310, %select_n3A_1282 : vector<256x128xi1>, vector<256x128xi32>
    %slice3A_1314 = vector.extract_strided_slice %add3A_19 {offsets = [0, 5248], sizes = [256, 128], strides = [1, 1]} : vector<256x8192xf32> to vector<256x128xf32>
    %broadcast_in_dim3A_1315 = arith.constant 41 : i32
    %broadcast_in_dim3A_1316 = vector.broadcast %broadcast_in_dim3A_1315 : i32 to vector<256x128xi32>
    %lt3A_1317 = arith.cmpf olt, %slice3A_1314, %select_n3A_1287 : vector<256x128xf32>
    %select_n3A_1318 = arith.select %lt3A_1317, %slice3A_1314, %select_n3A_1287 : vector<256x128xi1>, vector<256x128xf32>
    %select_n3A_1319 = arith.select %lt3A_1317, %select_n3A_1287, %slice3A_1314 : vector<256x128xi1>, vector<256x128xf32>
    %select_n3A_1320 = arith.select %lt3A_1317, %broadcast_in_dim3A_1316, %select_n3A_1289 : vector<256x128xi1>, vector<256x128xi32>
    %select_n3A_1321 = arith.select %lt3A_1317, %select_n3A_1289, %broadcast_in_dim3A_1316 : vector<256x128xi1>, vector<256x128xi32>
    %lt3A_1322 = arith.cmpf olt, %select_n3A_1319, %select_n3A_1292 : vector<256x128xf32>
    %select_n3A_1323 = arith.select %lt3A_1322, %select_n3A_1319, %select_n3A_1292 : vector<256x128xi1>, vector<256x128xf32>
    %select_n3A_1324 = arith.select %lt3A_1322, %select_n3A_1292, %select_n3A_1319 : vector<256x128xi1>, vector<256x128xf32>
    %select_n3A_1325 = arith.select %lt3A_1322, %select_n3A_1321, %select_n3A_1294 : vector<256x128xi1>, vector<256x128xi32>
    %select_n3A_1326 = arith.select %lt3A_1322, %select_n3A_1294, %select_n3A_1321 : vector<256x128xi1>, vector<256x128xi32>
    %lt3A_1327 = arith.cmpf olt, %select_n3A_1324, %select_n3A_1297 : vector<256x128xf32>
    %select_n3A_1328 = arith.select %lt3A_1327, %select_n3A_1324, %select_n3A_1297 : vector<256x128xi1>, vector<256x128xf32>
    %select_n3A_1329 = arith.select %lt3A_1327, %select_n3A_1297, %select_n3A_1324 : vector<256x128xi1>, vector<256x128xf32>
    %select_n3A_1330 = arith.select %lt3A_1327, %select_n3A_1326, %select_n3A_1299 : vector<256x128xi1>, vector<256x128xi32>
    %select_n3A_1331 = arith.select %lt3A_1327, %select_n3A_1299, %select_n3A_1326 : vector<256x128xi1>, vector<256x128xi32>
    %lt3A_1332 = arith.cmpf olt, %select_n3A_1329, %select_n3A_1302 : vector<256x128xf32>
    %select_n3A_1333 = arith.select %lt3A_1332, %select_n3A_1329, %select_n3A_1302 : vector<256x128xi1>, vector<256x128xf32>
    %select_n3A_1334 = arith.select %lt3A_1332, %select_n3A_1302, %select_n3A_1329 : vector<256x128xi1>, vector<256x128xf32>
    %select_n3A_1335 = arith.select %lt3A_1332, %select_n3A_1331, %select_n3A_1304 : vector<256x128xi1>, vector<256x128xi32>
    %select_n3A_1336 = arith.select %lt3A_1332, %select_n3A_1304, %select_n3A_1331 : vector<256x128xi1>, vector<256x128xi32>
    %lt3A_1337 = arith.cmpf olt, %select_n3A_1334, %select_n3A_1307 : vector<256x128xf32>
    %select_n3A_1338 = arith.select %lt3A_1337, %select_n3A_1334, %select_n3A_1307 : vector<256x128xi1>, vector<256x128xf32>
    %select_n3A_1339 = arith.select %lt3A_1337, %select_n3A_1307, %select_n3A_1334 : vector<256x128xi1>, vector<256x128xf32>
    %select_n3A_1340 = arith.select %lt3A_1337, %select_n3A_1336, %select_n3A_1309 : vector<256x128xi1>, vector<256x128xi32>
    %select_n3A_1341 = arith.select %lt3A_1337, %select_n3A_1309, %select_n3A_1336 : vector<256x128xi1>, vector<256x128xi32>
    %lt3A_1342 = arith.cmpf olt, %select_n3A_1339, %select_n3A_1312 : vector<256x128xf32>
    %select_n3A_1343 = arith.select %lt3A_1342, %select_n3A_1339, %select_n3A_1312 : vector<256x128xi1>, vector<256x128xf32>
    %select_n3A_1344 = arith.select %lt3A_1342, %select_n3A_1341, %select_n3A_1313 : vector<256x128xi1>, vector<256x128xi32>
    %slice3A_1345 = vector.extract_strided_slice %add3A_19 {offsets = [0, 5376], sizes = [256, 128], strides = [1, 1]} : vector<256x8192xf32> to vector<256x128xf32>
    %broadcast_in_dim3A_1346 = arith.constant 42 : i32
    %broadcast_in_dim3A_1347 = vector.broadcast %broadcast_in_dim3A_1346 : i32 to vector<256x128xi32>
    %lt3A_1348 = arith.cmpf olt, %slice3A_1345, %select_n3A_1318 : vector<256x128xf32>
    %select_n3A_1349 = arith.select %lt3A_1348, %slice3A_1345, %select_n3A_1318 : vector<256x128xi1>, vector<256x128xf32>
    %select_n3A_1350 = arith.select %lt3A_1348, %select_n3A_1318, %slice3A_1345 : vector<256x128xi1>, vector<256x128xf32>
    %select_n3A_1351 = arith.select %lt3A_1348, %broadcast_in_dim3A_1347, %select_n3A_1320 : vector<256x128xi1>, vector<256x128xi32>
    %select_n3A_1352 = arith.select %lt3A_1348, %select_n3A_1320, %broadcast_in_dim3A_1347 : vector<256x128xi1>, vector<256x128xi32>
    %lt3A_1353 = arith.cmpf olt, %select_n3A_1350, %select_n3A_1323 : vector<256x128xf32>
    %select_n3A_1354 = arith.select %lt3A_1353, %select_n3A_1350, %select_n3A_1323 : vector<256x128xi1>, vector<256x128xf32>
    %select_n3A_1355 = arith.select %lt3A_1353, %select_n3A_1323, %select_n3A_1350 : vector<256x128xi1>, vector<256x128xf32>
    %select_n3A_1356 = arith.select %lt3A_1353, %select_n3A_1352, %select_n3A_1325 : vector<256x128xi1>, vector<256x128xi32>
    %select_n3A_1357 = arith.select %lt3A_1353, %select_n3A_1325, %select_n3A_1352 : vector<256x128xi1>, vector<256x128xi32>
    %lt3A_1358 = arith.cmpf olt, %select_n3A_1355, %select_n3A_1328 : vector<256x128xf32>
    %select_n3A_1359 = arith.select %lt3A_1358, %select_n3A_1355, %select_n3A_1328 : vector<256x128xi1>, vector<256x128xf32>
    %select_n3A_1360 = arith.select %lt3A_1358, %select_n3A_1328, %select_n3A_1355 : vector<256x128xi1>, vector<256x128xf32>
    %select_n3A_1361 = arith.select %lt3A_1358, %select_n3A_1357, %select_n3A_1330 : vector<256x128xi1>, vector<256x128xi32>
    %select_n3A_1362 = arith.select %lt3A_1358, %select_n3A_1330, %select_n3A_1357 : vector<256x128xi1>, vector<256x128xi32>
    %lt3A_1363 = arith.cmpf olt, %select_n3A_1360, %select_n3A_1333 : vector<256x128xf32>
    %select_n3A_1364 = arith.select %lt3A_1363, %select_n3A_1360, %select_n3A_1333 : vector<256x128xi1>, vector<256x128xf32>
    %select_n3A_1365 = arith.select %lt3A_1363, %select_n3A_1333, %select_n3A_1360 : vector<256x128xi1>, vector<256x128xf32>
    %select_n3A_1366 = arith.select %lt3A_1363, %select_n3A_1362, %select_n3A_1335 : vector<256x128xi1>, vector<256x128xi32>
    %select_n3A_1367 = arith.select %lt3A_1363, %select_n3A_1335, %select_n3A_1362 : vector<256x128xi1>, vector<256x128xi32>
    %lt3A_1368 = arith.cmpf olt, %select_n3A_1365, %select_n3A_1338 : vector<256x128xf32>
    %select_n3A_1369 = arith.select %lt3A_1368, %select_n3A_1365, %select_n3A_1338 : vector<256x128xi1>, vector<256x128xf32>
    %select_n3A_1370 = arith.select %lt3A_1368, %select_n3A_1338, %select_n3A_1365 : vector<256x128xi1>, vector<256x128xf32>
    %select_n3A_1371 = arith.select %lt3A_1368, %select_n3A_1367, %select_n3A_1340 : vector<256x128xi1>, vector<256x128xi32>
    %select_n3A_1372 = arith.select %lt3A_1368, %select_n3A_1340, %select_n3A_1367 : vector<256x128xi1>, vector<256x128xi32>
    %lt3A_1373 = arith.cmpf olt, %select_n3A_1370, %select_n3A_1343 : vector<256x128xf32>
    %select_n3A_1374 = arith.select %lt3A_1373, %select_n3A_1370, %select_n3A_1343 : vector<256x128xi1>, vector<256x128xf32>
    %select_n3A_1375 = arith.select %lt3A_1373, %select_n3A_1372, %select_n3A_1344 : vector<256x128xi1>, vector<256x128xi32>
    %slice3A_1376 = vector.extract_strided_slice %add3A_19 {offsets = [0, 5504], sizes = [256, 128], strides = [1, 1]} : vector<256x8192xf32> to vector<256x128xf32>
    %broadcast_in_dim3A_1377 = arith.constant 43 : i32
    %broadcast_in_dim3A_1378 = vector.broadcast %broadcast_in_dim3A_1377 : i32 to vector<256x128xi32>
    %lt3A_1379 = arith.cmpf olt, %slice3A_1376, %select_n3A_1349 : vector<256x128xf32>
    %select_n3A_1380 = arith.select %lt3A_1379, %slice3A_1376, %select_n3A_1349 : vector<256x128xi1>, vector<256x128xf32>
    %select_n3A_1381 = arith.select %lt3A_1379, %select_n3A_1349, %slice3A_1376 : vector<256x128xi1>, vector<256x128xf32>
    %select_n3A_1382 = arith.select %lt3A_1379, %broadcast_in_dim3A_1378, %select_n3A_1351 : vector<256x128xi1>, vector<256x128xi32>
    %select_n3A_1383 = arith.select %lt3A_1379, %select_n3A_1351, %broadcast_in_dim3A_1378 : vector<256x128xi1>, vector<256x128xi32>
    %lt3A_1384 = arith.cmpf olt, %select_n3A_1381, %select_n3A_1354 : vector<256x128xf32>
    %select_n3A_1385 = arith.select %lt3A_1384, %select_n3A_1381, %select_n3A_1354 : vector<256x128xi1>, vector<256x128xf32>
    %select_n3A_1386 = arith.select %lt3A_1384, %select_n3A_1354, %select_n3A_1381 : vector<256x128xi1>, vector<256x128xf32>
    %select_n3A_1387 = arith.select %lt3A_1384, %select_n3A_1383, %select_n3A_1356 : vector<256x128xi1>, vector<256x128xi32>
    %select_n3A_1388 = arith.select %lt3A_1384, %select_n3A_1356, %select_n3A_1383 : vector<256x128xi1>, vector<256x128xi32>
    %lt3A_1389 = arith.cmpf olt, %select_n3A_1386, %select_n3A_1359 : vector<256x128xf32>
    %select_n3A_1390 = arith.select %lt3A_1389, %select_n3A_1386, %select_n3A_1359 : vector<256x128xi1>, vector<256x128xf32>
    %select_n3A_1391 = arith.select %lt3A_1389, %select_n3A_1359, %select_n3A_1386 : vector<256x128xi1>, vector<256x128xf32>
    %select_n3A_1392 = arith.select %lt3A_1389, %select_n3A_1388, %select_n3A_1361 : vector<256x128xi1>, vector<256x128xi32>
    %select_n3A_1393 = arith.select %lt3A_1389, %select_n3A_1361, %select_n3A_1388 : vector<256x128xi1>, vector<256x128xi32>
    %lt3A_1394 = arith.cmpf olt, %select_n3A_1391, %select_n3A_1364 : vector<256x128xf32>
    %select_n3A_1395 = arith.select %lt3A_1394, %select_n3A_1391, %select_n3A_1364 : vector<256x128xi1>, vector<256x128xf32>
    %select_n3A_1396 = arith.select %lt3A_1394, %select_n3A_1364, %select_n3A_1391 : vector<256x128xi1>, vector<256x128xf32>
    %select_n3A_1397 = arith.select %lt3A_1394, %select_n3A_1393, %select_n3A_1366 : vector<256x128xi1>, vector<256x128xi32>
    %select_n3A_1398 = arith.select %lt3A_1394, %select_n3A_1366, %select_n3A_1393 : vector<256x128xi1>, vector<256x128xi32>
    %lt3A_1399 = arith.cmpf olt, %select_n3A_1396, %select_n3A_1369 : vector<256x128xf32>
    %select_n3A_1400 = arith.select %lt3A_1399, %select_n3A_1396, %select_n3A_1369 : vector<256x128xi1>, vector<256x128xf32>
    %select_n3A_1401 = arith.select %lt3A_1399, %select_n3A_1369, %select_n3A_1396 : vector<256x128xi1>, vector<256x128xf32>
    %select_n3A_1402 = arith.select %lt3A_1399, %select_n3A_1398, %select_n3A_1371 : vector<256x128xi1>, vector<256x128xi32>
    %select_n3A_1403 = arith.select %lt3A_1399, %select_n3A_1371, %select_n3A_1398 : vector<256x128xi1>, vector<256x128xi32>
    %lt3A_1404 = arith.cmpf olt, %select_n3A_1401, %select_n3A_1374 : vector<256x128xf32>
    %select_n3A_1405 = arith.select %lt3A_1404, %select_n3A_1401, %select_n3A_1374 : vector<256x128xi1>, vector<256x128xf32>
    %select_n3A_1406 = arith.select %lt3A_1404, %select_n3A_1403, %select_n3A_1375 : vector<256x128xi1>, vector<256x128xi32>
    %slice3A_1407 = vector.extract_strided_slice %add3A_19 {offsets = [0, 5632], sizes = [256, 128], strides = [1, 1]} : vector<256x8192xf32> to vector<256x128xf32>
    %broadcast_in_dim3A_1408 = arith.constant 44 : i32
    %broadcast_in_dim3A_1409 = vector.broadcast %broadcast_in_dim3A_1408 : i32 to vector<256x128xi32>
    %lt3A_1410 = arith.cmpf olt, %slice3A_1407, %select_n3A_1380 : vector<256x128xf32>
    %select_n3A_1411 = arith.select %lt3A_1410, %slice3A_1407, %select_n3A_1380 : vector<256x128xi1>, vector<256x128xf32>
    %select_n3A_1412 = arith.select %lt3A_1410, %select_n3A_1380, %slice3A_1407 : vector<256x128xi1>, vector<256x128xf32>
    %select_n3A_1413 = arith.select %lt3A_1410, %broadcast_in_dim3A_1409, %select_n3A_1382 : vector<256x128xi1>, vector<256x128xi32>
    %select_n3A_1414 = arith.select %lt3A_1410, %select_n3A_1382, %broadcast_in_dim3A_1409 : vector<256x128xi1>, vector<256x128xi32>
    %lt3A_1415 = arith.cmpf olt, %select_n3A_1412, %select_n3A_1385 : vector<256x128xf32>
    %select_n3A_1416 = arith.select %lt3A_1415, %select_n3A_1412, %select_n3A_1385 : vector<256x128xi1>, vector<256x128xf32>
    %select_n3A_1417 = arith.select %lt3A_1415, %select_n3A_1385, %select_n3A_1412 : vector<256x128xi1>, vector<256x128xf32>
    %select_n3A_1418 = arith.select %lt3A_1415, %select_n3A_1414, %select_n3A_1387 : vector<256x128xi1>, vector<256x128xi32>
    %select_n3A_1419 = arith.select %lt3A_1415, %select_n3A_1387, %select_n3A_1414 : vector<256x128xi1>, vector<256x128xi32>
    %lt3A_1420 = arith.cmpf olt, %select_n3A_1417, %select_n3A_1390 : vector<256x128xf32>
    %select_n3A_1421 = arith.select %lt3A_1420, %select_n3A_1417, %select_n3A_1390 : vector<256x128xi1>, vector<256x128xf32>
    %select_n3A_1422 = arith.select %lt3A_1420, %select_n3A_1390, %select_n3A_1417 : vector<256x128xi1>, vector<256x128xf32>
    %select_n3A_1423 = arith.select %lt3A_1420, %select_n3A_1419, %select_n3A_1392 : vector<256x128xi1>, vector<256x128xi32>
    %select_n3A_1424 = arith.select %lt3A_1420, %select_n3A_1392, %select_n3A_1419 : vector<256x128xi1>, vector<256x128xi32>
    %lt3A_1425 = arith.cmpf olt, %select_n3A_1422, %select_n3A_1395 : vector<256x128xf32>
    %select_n3A_1426 = arith.select %lt3A_1425, %select_n3A_1422, %select_n3A_1395 : vector<256x128xi1>, vector<256x128xf32>
    %select_n3A_1427 = arith.select %lt3A_1425, %select_n3A_1395, %select_n3A_1422 : vector<256x128xi1>, vector<256x128xf32>
    %select_n3A_1428 = arith.select %lt3A_1425, %select_n3A_1424, %select_n3A_1397 : vector<256x128xi1>, vector<256x128xi32>
    %select_n3A_1429 = arith.select %lt3A_1425, %select_n3A_1397, %select_n3A_1424 : vector<256x128xi1>, vector<256x128xi32>
    %lt3A_1430 = arith.cmpf olt, %select_n3A_1427, %select_n3A_1400 : vector<256x128xf32>
    %select_n3A_1431 = arith.select %lt3A_1430, %select_n3A_1427, %select_n3A_1400 : vector<256x128xi1>, vector<256x128xf32>
    %select_n3A_1432 = arith.select %lt3A_1430, %select_n3A_1400, %select_n3A_1427 : vector<256x128xi1>, vector<256x128xf32>
    %select_n3A_1433 = arith.select %lt3A_1430, %select_n3A_1429, %select_n3A_1402 : vector<256x128xi1>, vector<256x128xi32>
    %select_n3A_1434 = arith.select %lt3A_1430, %select_n3A_1402, %select_n3A_1429 : vector<256x128xi1>, vector<256x128xi32>
    %lt3A_1435 = arith.cmpf olt, %select_n3A_1432, %select_n3A_1405 : vector<256x128xf32>
    %select_n3A_1436 = arith.select %lt3A_1435, %select_n3A_1432, %select_n3A_1405 : vector<256x128xi1>, vector<256x128xf32>
    %select_n3A_1437 = arith.select %lt3A_1435, %select_n3A_1434, %select_n3A_1406 : vector<256x128xi1>, vector<256x128xi32>
    %slice3A_1438 = vector.extract_strided_slice %add3A_19 {offsets = [0, 5760], sizes = [256, 128], strides = [1, 1]} : vector<256x8192xf32> to vector<256x128xf32>
    %broadcast_in_dim3A_1439 = arith.constant 45 : i32
    %broadcast_in_dim3A_1440 = vector.broadcast %broadcast_in_dim3A_1439 : i32 to vector<256x128xi32>
    %lt3A_1441 = arith.cmpf olt, %slice3A_1438, %select_n3A_1411 : vector<256x128xf32>
    %select_n3A_1442 = arith.select %lt3A_1441, %slice3A_1438, %select_n3A_1411 : vector<256x128xi1>, vector<256x128xf32>
    %select_n3A_1443 = arith.select %lt3A_1441, %select_n3A_1411, %slice3A_1438 : vector<256x128xi1>, vector<256x128xf32>
    %select_n3A_1444 = arith.select %lt3A_1441, %broadcast_in_dim3A_1440, %select_n3A_1413 : vector<256x128xi1>, vector<256x128xi32>
    %select_n3A_1445 = arith.select %lt3A_1441, %select_n3A_1413, %broadcast_in_dim3A_1440 : vector<256x128xi1>, vector<256x128xi32>
    %lt3A_1446 = arith.cmpf olt, %select_n3A_1443, %select_n3A_1416 : vector<256x128xf32>
    %select_n3A_1447 = arith.select %lt3A_1446, %select_n3A_1443, %select_n3A_1416 : vector<256x128xi1>, vector<256x128xf32>
    %select_n3A_1448 = arith.select %lt3A_1446, %select_n3A_1416, %select_n3A_1443 : vector<256x128xi1>, vector<256x128xf32>
    %select_n3A_1449 = arith.select %lt3A_1446, %select_n3A_1445, %select_n3A_1418 : vector<256x128xi1>, vector<256x128xi32>
    %select_n3A_1450 = arith.select %lt3A_1446, %select_n3A_1418, %select_n3A_1445 : vector<256x128xi1>, vector<256x128xi32>
    %lt3A_1451 = arith.cmpf olt, %select_n3A_1448, %select_n3A_1421 : vector<256x128xf32>
    %select_n3A_1452 = arith.select %lt3A_1451, %select_n3A_1448, %select_n3A_1421 : vector<256x128xi1>, vector<256x128xf32>
    %select_n3A_1453 = arith.select %lt3A_1451, %select_n3A_1421, %select_n3A_1448 : vector<256x128xi1>, vector<256x128xf32>
    %select_n3A_1454 = arith.select %lt3A_1451, %select_n3A_1450, %select_n3A_1423 : vector<256x128xi1>, vector<256x128xi32>
    %select_n3A_1455 = arith.select %lt3A_1451, %select_n3A_1423, %select_n3A_1450 : vector<256x128xi1>, vector<256x128xi32>
    %lt3A_1456 = arith.cmpf olt, %select_n3A_1453, %select_n3A_1426 : vector<256x128xf32>
    %select_n3A_1457 = arith.select %lt3A_1456, %select_n3A_1453, %select_n3A_1426 : vector<256x128xi1>, vector<256x128xf32>
    %select_n3A_1458 = arith.select %lt3A_1456, %select_n3A_1426, %select_n3A_1453 : vector<256x128xi1>, vector<256x128xf32>
    %select_n3A_1459 = arith.select %lt3A_1456, %select_n3A_1455, %select_n3A_1428 : vector<256x128xi1>, vector<256x128xi32>
    %select_n3A_1460 = arith.select %lt3A_1456, %select_n3A_1428, %select_n3A_1455 : vector<256x128xi1>, vector<256x128xi32>
    %lt3A_1461 = arith.cmpf olt, %select_n3A_1458, %select_n3A_1431 : vector<256x128xf32>
    %select_n3A_1462 = arith.select %lt3A_1461, %select_n3A_1458, %select_n3A_1431 : vector<256x128xi1>, vector<256x128xf32>
    %select_n3A_1463 = arith.select %lt3A_1461, %select_n3A_1431, %select_n3A_1458 : vector<256x128xi1>, vector<256x128xf32>
    %select_n3A_1464 = arith.select %lt3A_1461, %select_n3A_1460, %select_n3A_1433 : vector<256x128xi1>, vector<256x128xi32>
    %select_n3A_1465 = arith.select %lt3A_1461, %select_n3A_1433, %select_n3A_1460 : vector<256x128xi1>, vector<256x128xi32>
    %lt3A_1466 = arith.cmpf olt, %select_n3A_1463, %select_n3A_1436 : vector<256x128xf32>
    %select_n3A_1467 = arith.select %lt3A_1466, %select_n3A_1463, %select_n3A_1436 : vector<256x128xi1>, vector<256x128xf32>
    %select_n3A_1468 = arith.select %lt3A_1466, %select_n3A_1465, %select_n3A_1437 : vector<256x128xi1>, vector<256x128xi32>
    %slice3A_1469 = vector.extract_strided_slice %add3A_19 {offsets = [0, 5888], sizes = [256, 128], strides = [1, 1]} : vector<256x8192xf32> to vector<256x128xf32>
    %broadcast_in_dim3A_1470 = arith.constant 46 : i32
    %broadcast_in_dim3A_1471 = vector.broadcast %broadcast_in_dim3A_1470 : i32 to vector<256x128xi32>
    %lt3A_1472 = arith.cmpf olt, %slice3A_1469, %select_n3A_1442 : vector<256x128xf32>
    %select_n3A_1473 = arith.select %lt3A_1472, %slice3A_1469, %select_n3A_1442 : vector<256x128xi1>, vector<256x128xf32>
    %select_n3A_1474 = arith.select %lt3A_1472, %select_n3A_1442, %slice3A_1469 : vector<256x128xi1>, vector<256x128xf32>
    %select_n3A_1475 = arith.select %lt3A_1472, %broadcast_in_dim3A_1471, %select_n3A_1444 : vector<256x128xi1>, vector<256x128xi32>
    %select_n3A_1476 = arith.select %lt3A_1472, %select_n3A_1444, %broadcast_in_dim3A_1471 : vector<256x128xi1>, vector<256x128xi32>
    %lt3A_1477 = arith.cmpf olt, %select_n3A_1474, %select_n3A_1447 : vector<256x128xf32>
    %select_n3A_1478 = arith.select %lt3A_1477, %select_n3A_1474, %select_n3A_1447 : vector<256x128xi1>, vector<256x128xf32>
    %select_n3A_1479 = arith.select %lt3A_1477, %select_n3A_1447, %select_n3A_1474 : vector<256x128xi1>, vector<256x128xf32>
    %select_n3A_1480 = arith.select %lt3A_1477, %select_n3A_1476, %select_n3A_1449 : vector<256x128xi1>, vector<256x128xi32>
    %select_n3A_1481 = arith.select %lt3A_1477, %select_n3A_1449, %select_n3A_1476 : vector<256x128xi1>, vector<256x128xi32>
    %lt3A_1482 = arith.cmpf olt, %select_n3A_1479, %select_n3A_1452 : vector<256x128xf32>
    %select_n3A_1483 = arith.select %lt3A_1482, %select_n3A_1479, %select_n3A_1452 : vector<256x128xi1>, vector<256x128xf32>
    %select_n3A_1484 = arith.select %lt3A_1482, %select_n3A_1452, %select_n3A_1479 : vector<256x128xi1>, vector<256x128xf32>
    %select_n3A_1485 = arith.select %lt3A_1482, %select_n3A_1481, %select_n3A_1454 : vector<256x128xi1>, vector<256x128xi32>
    %select_n3A_1486 = arith.select %lt3A_1482, %select_n3A_1454, %select_n3A_1481 : vector<256x128xi1>, vector<256x128xi32>
    %lt3A_1487 = arith.cmpf olt, %select_n3A_1484, %select_n3A_1457 : vector<256x128xf32>
    %select_n3A_1488 = arith.select %lt3A_1487, %select_n3A_1484, %select_n3A_1457 : vector<256x128xi1>, vector<256x128xf32>
    %select_n3A_1489 = arith.select %lt3A_1487, %select_n3A_1457, %select_n3A_1484 : vector<256x128xi1>, vector<256x128xf32>
    %select_n3A_1490 = arith.select %lt3A_1487, %select_n3A_1486, %select_n3A_1459 : vector<256x128xi1>, vector<256x128xi32>
    %select_n3A_1491 = arith.select %lt3A_1487, %select_n3A_1459, %select_n3A_1486 : vector<256x128xi1>, vector<256x128xi32>
    %lt3A_1492 = arith.cmpf olt, %select_n3A_1489, %select_n3A_1462 : vector<256x128xf32>
    %select_n3A_1493 = arith.select %lt3A_1492, %select_n3A_1489, %select_n3A_1462 : vector<256x128xi1>, vector<256x128xf32>
    %select_n3A_1494 = arith.select %lt3A_1492, %select_n3A_1462, %select_n3A_1489 : vector<256x128xi1>, vector<256x128xf32>
    %select_n3A_1495 = arith.select %lt3A_1492, %select_n3A_1491, %select_n3A_1464 : vector<256x128xi1>, vector<256x128xi32>
    %select_n3A_1496 = arith.select %lt3A_1492, %select_n3A_1464, %select_n3A_1491 : vector<256x128xi1>, vector<256x128xi32>
    %lt3A_1497 = arith.cmpf olt, %select_n3A_1494, %select_n3A_1467 : vector<256x128xf32>
    %select_n3A_1498 = arith.select %lt3A_1497, %select_n3A_1494, %select_n3A_1467 : vector<256x128xi1>, vector<256x128xf32>
    %select_n3A_1499 = arith.select %lt3A_1497, %select_n3A_1496, %select_n3A_1468 : vector<256x128xi1>, vector<256x128xi32>
    %slice3A_1500 = vector.extract_strided_slice %add3A_19 {offsets = [0, 6016], sizes = [256, 128], strides = [1, 1]} : vector<256x8192xf32> to vector<256x128xf32>
    %broadcast_in_dim3A_1501 = arith.constant 47 : i32
    %broadcast_in_dim3A_1502 = vector.broadcast %broadcast_in_dim3A_1501 : i32 to vector<256x128xi32>
    %lt3A_1503 = arith.cmpf olt, %slice3A_1500, %select_n3A_1473 : vector<256x128xf32>
    %select_n3A_1504 = arith.select %lt3A_1503, %slice3A_1500, %select_n3A_1473 : vector<256x128xi1>, vector<256x128xf32>
    %select_n3A_1505 = arith.select %lt3A_1503, %select_n3A_1473, %slice3A_1500 : vector<256x128xi1>, vector<256x128xf32>
    %select_n3A_1506 = arith.select %lt3A_1503, %broadcast_in_dim3A_1502, %select_n3A_1475 : vector<256x128xi1>, vector<256x128xi32>
    %select_n3A_1507 = arith.select %lt3A_1503, %select_n3A_1475, %broadcast_in_dim3A_1502 : vector<256x128xi1>, vector<256x128xi32>
    %lt3A_1508 = arith.cmpf olt, %select_n3A_1505, %select_n3A_1478 : vector<256x128xf32>
    %select_n3A_1509 = arith.select %lt3A_1508, %select_n3A_1505, %select_n3A_1478 : vector<256x128xi1>, vector<256x128xf32>
    %select_n3A_1510 = arith.select %lt3A_1508, %select_n3A_1478, %select_n3A_1505 : vector<256x128xi1>, vector<256x128xf32>
    %select_n3A_1511 = arith.select %lt3A_1508, %select_n3A_1507, %select_n3A_1480 : vector<256x128xi1>, vector<256x128xi32>
    %select_n3A_1512 = arith.select %lt3A_1508, %select_n3A_1480, %select_n3A_1507 : vector<256x128xi1>, vector<256x128xi32>
    %lt3A_1513 = arith.cmpf olt, %select_n3A_1510, %select_n3A_1483 : vector<256x128xf32>
    %select_n3A_1514 = arith.select %lt3A_1513, %select_n3A_1510, %select_n3A_1483 : vector<256x128xi1>, vector<256x128xf32>
    %select_n3A_1515 = arith.select %lt3A_1513, %select_n3A_1483, %select_n3A_1510 : vector<256x128xi1>, vector<256x128xf32>
    %select_n3A_1516 = arith.select %lt3A_1513, %select_n3A_1512, %select_n3A_1485 : vector<256x128xi1>, vector<256x128xi32>
    %select_n3A_1517 = arith.select %lt3A_1513, %select_n3A_1485, %select_n3A_1512 : vector<256x128xi1>, vector<256x128xi32>
    %lt3A_1518 = arith.cmpf olt, %select_n3A_1515, %select_n3A_1488 : vector<256x128xf32>
    %select_n3A_1519 = arith.select %lt3A_1518, %select_n3A_1515, %select_n3A_1488 : vector<256x128xi1>, vector<256x128xf32>
    %select_n3A_1520 = arith.select %lt3A_1518, %select_n3A_1488, %select_n3A_1515 : vector<256x128xi1>, vector<256x128xf32>
    %select_n3A_1521 = arith.select %lt3A_1518, %select_n3A_1517, %select_n3A_1490 : vector<256x128xi1>, vector<256x128xi32>
    %select_n3A_1522 = arith.select %lt3A_1518, %select_n3A_1490, %select_n3A_1517 : vector<256x128xi1>, vector<256x128xi32>
    %lt3A_1523 = arith.cmpf olt, %select_n3A_1520, %select_n3A_1493 : vector<256x128xf32>
    %select_n3A_1524 = arith.select %lt3A_1523, %select_n3A_1520, %select_n3A_1493 : vector<256x128xi1>, vector<256x128xf32>
    %select_n3A_1525 = arith.select %lt3A_1523, %select_n3A_1493, %select_n3A_1520 : vector<256x128xi1>, vector<256x128xf32>
    %select_n3A_1526 = arith.select %lt3A_1523, %select_n3A_1522, %select_n3A_1495 : vector<256x128xi1>, vector<256x128xi32>
    %select_n3A_1527 = arith.select %lt3A_1523, %select_n3A_1495, %select_n3A_1522 : vector<256x128xi1>, vector<256x128xi32>
    %lt3A_1528 = arith.cmpf olt, %select_n3A_1525, %select_n3A_1498 : vector<256x128xf32>
    %select_n3A_1529 = arith.select %lt3A_1528, %select_n3A_1525, %select_n3A_1498 : vector<256x128xi1>, vector<256x128xf32>
    %select_n3A_1530 = arith.select %lt3A_1528, %select_n3A_1527, %select_n3A_1499 : vector<256x128xi1>, vector<256x128xi32>
    %slice3A_1531 = vector.extract_strided_slice %add3A_19 {offsets = [0, 6144], sizes = [256, 128], strides = [1, 1]} : vector<256x8192xf32> to vector<256x128xf32>
    %broadcast_in_dim3A_1532 = arith.constant 48 : i32
    %broadcast_in_dim3A_1533 = vector.broadcast %broadcast_in_dim3A_1532 : i32 to vector<256x128xi32>
    %lt3A_1534 = arith.cmpf olt, %slice3A_1531, %select_n3A_1504 : vector<256x128xf32>
    %select_n3A_1535 = arith.select %lt3A_1534, %slice3A_1531, %select_n3A_1504 : vector<256x128xi1>, vector<256x128xf32>
    %select_n3A_1536 = arith.select %lt3A_1534, %select_n3A_1504, %slice3A_1531 : vector<256x128xi1>, vector<256x128xf32>
    %select_n3A_1537 = arith.select %lt3A_1534, %broadcast_in_dim3A_1533, %select_n3A_1506 : vector<256x128xi1>, vector<256x128xi32>
    %select_n3A_1538 = arith.select %lt3A_1534, %select_n3A_1506, %broadcast_in_dim3A_1533 : vector<256x128xi1>, vector<256x128xi32>
    %lt3A_1539 = arith.cmpf olt, %select_n3A_1536, %select_n3A_1509 : vector<256x128xf32>
    %select_n3A_1540 = arith.select %lt3A_1539, %select_n3A_1536, %select_n3A_1509 : vector<256x128xi1>, vector<256x128xf32>
    %select_n3A_1541 = arith.select %lt3A_1539, %select_n3A_1509, %select_n3A_1536 : vector<256x128xi1>, vector<256x128xf32>
    %select_n3A_1542 = arith.select %lt3A_1539, %select_n3A_1538, %select_n3A_1511 : vector<256x128xi1>, vector<256x128xi32>
    %select_n3A_1543 = arith.select %lt3A_1539, %select_n3A_1511, %select_n3A_1538 : vector<256x128xi1>, vector<256x128xi32>
    %lt3A_1544 = arith.cmpf olt, %select_n3A_1541, %select_n3A_1514 : vector<256x128xf32>
    %select_n3A_1545 = arith.select %lt3A_1544, %select_n3A_1541, %select_n3A_1514 : vector<256x128xi1>, vector<256x128xf32>
    %select_n3A_1546 = arith.select %lt3A_1544, %select_n3A_1514, %select_n3A_1541 : vector<256x128xi1>, vector<256x128xf32>
    %select_n3A_1547 = arith.select %lt3A_1544, %select_n3A_1543, %select_n3A_1516 : vector<256x128xi1>, vector<256x128xi32>
    %select_n3A_1548 = arith.select %lt3A_1544, %select_n3A_1516, %select_n3A_1543 : vector<256x128xi1>, vector<256x128xi32>
    %lt3A_1549 = arith.cmpf olt, %select_n3A_1546, %select_n3A_1519 : vector<256x128xf32>
    %select_n3A_1550 = arith.select %lt3A_1549, %select_n3A_1546, %select_n3A_1519 : vector<256x128xi1>, vector<256x128xf32>
    %select_n3A_1551 = arith.select %lt3A_1549, %select_n3A_1519, %select_n3A_1546 : vector<256x128xi1>, vector<256x128xf32>
    %select_n3A_1552 = arith.select %lt3A_1549, %select_n3A_1548, %select_n3A_1521 : vector<256x128xi1>, vector<256x128xi32>
    %select_n3A_1553 = arith.select %lt3A_1549, %select_n3A_1521, %select_n3A_1548 : vector<256x128xi1>, vector<256x128xi32>
    %lt3A_1554 = arith.cmpf olt, %select_n3A_1551, %select_n3A_1524 : vector<256x128xf32>
    %select_n3A_1555 = arith.select %lt3A_1554, %select_n3A_1551, %select_n3A_1524 : vector<256x128xi1>, vector<256x128xf32>
    %select_n3A_1556 = arith.select %lt3A_1554, %select_n3A_1524, %select_n3A_1551 : vector<256x128xi1>, vector<256x128xf32>
    %select_n3A_1557 = arith.select %lt3A_1554, %select_n3A_1553, %select_n3A_1526 : vector<256x128xi1>, vector<256x128xi32>
    %select_n3A_1558 = arith.select %lt3A_1554, %select_n3A_1526, %select_n3A_1553 : vector<256x128xi1>, vector<256x128xi32>
    %lt3A_1559 = arith.cmpf olt, %select_n3A_1556, %select_n3A_1529 : vector<256x128xf32>
    %select_n3A_1560 = arith.select %lt3A_1559, %select_n3A_1556, %select_n3A_1529 : vector<256x128xi1>, vector<256x128xf32>
    %select_n3A_1561 = arith.select %lt3A_1559, %select_n3A_1558, %select_n3A_1530 : vector<256x128xi1>, vector<256x128xi32>
    %slice3A_1562 = vector.extract_strided_slice %add3A_19 {offsets = [0, 6272], sizes = [256, 128], strides = [1, 1]} : vector<256x8192xf32> to vector<256x128xf32>
    %broadcast_in_dim3A_1563 = arith.constant 49 : i32
    %broadcast_in_dim3A_1564 = vector.broadcast %broadcast_in_dim3A_1563 : i32 to vector<256x128xi32>
    %lt3A_1565 = arith.cmpf olt, %slice3A_1562, %select_n3A_1535 : vector<256x128xf32>
    %select_n3A_1566 = arith.select %lt3A_1565, %slice3A_1562, %select_n3A_1535 : vector<256x128xi1>, vector<256x128xf32>
    %select_n3A_1567 = arith.select %lt3A_1565, %select_n3A_1535, %slice3A_1562 : vector<256x128xi1>, vector<256x128xf32>
    %select_n3A_1568 = arith.select %lt3A_1565, %broadcast_in_dim3A_1564, %select_n3A_1537 : vector<256x128xi1>, vector<256x128xi32>
    %select_n3A_1569 = arith.select %lt3A_1565, %select_n3A_1537, %broadcast_in_dim3A_1564 : vector<256x128xi1>, vector<256x128xi32>
    %lt3A_1570 = arith.cmpf olt, %select_n3A_1567, %select_n3A_1540 : vector<256x128xf32>
    %select_n3A_1571 = arith.select %lt3A_1570, %select_n3A_1567, %select_n3A_1540 : vector<256x128xi1>, vector<256x128xf32>
    %select_n3A_1572 = arith.select %lt3A_1570, %select_n3A_1540, %select_n3A_1567 : vector<256x128xi1>, vector<256x128xf32>
    %select_n3A_1573 = arith.select %lt3A_1570, %select_n3A_1569, %select_n3A_1542 : vector<256x128xi1>, vector<256x128xi32>
    %select_n3A_1574 = arith.select %lt3A_1570, %select_n3A_1542, %select_n3A_1569 : vector<256x128xi1>, vector<256x128xi32>
    %lt3A_1575 = arith.cmpf olt, %select_n3A_1572, %select_n3A_1545 : vector<256x128xf32>
    %select_n3A_1576 = arith.select %lt3A_1575, %select_n3A_1572, %select_n3A_1545 : vector<256x128xi1>, vector<256x128xf32>
    %select_n3A_1577 = arith.select %lt3A_1575, %select_n3A_1545, %select_n3A_1572 : vector<256x128xi1>, vector<256x128xf32>
    %select_n3A_1578 = arith.select %lt3A_1575, %select_n3A_1574, %select_n3A_1547 : vector<256x128xi1>, vector<256x128xi32>
    %select_n3A_1579 = arith.select %lt3A_1575, %select_n3A_1547, %select_n3A_1574 : vector<256x128xi1>, vector<256x128xi32>
    %lt3A_1580 = arith.cmpf olt, %select_n3A_1577, %select_n3A_1550 : vector<256x128xf32>
    %select_n3A_1581 = arith.select %lt3A_1580, %select_n3A_1577, %select_n3A_1550 : vector<256x128xi1>, vector<256x128xf32>
    %select_n3A_1582 = arith.select %lt3A_1580, %select_n3A_1550, %select_n3A_1577 : vector<256x128xi1>, vector<256x128xf32>
    %select_n3A_1583 = arith.select %lt3A_1580, %select_n3A_1579, %select_n3A_1552 : vector<256x128xi1>, vector<256x128xi32>
    %select_n3A_1584 = arith.select %lt3A_1580, %select_n3A_1552, %select_n3A_1579 : vector<256x128xi1>, vector<256x128xi32>
    %lt3A_1585 = arith.cmpf olt, %select_n3A_1582, %select_n3A_1555 : vector<256x128xf32>
    %select_n3A_1586 = arith.select %lt3A_1585, %select_n3A_1582, %select_n3A_1555 : vector<256x128xi1>, vector<256x128xf32>
    %select_n3A_1587 = arith.select %lt3A_1585, %select_n3A_1555, %select_n3A_1582 : vector<256x128xi1>, vector<256x128xf32>
    %select_n3A_1588 = arith.select %lt3A_1585, %select_n3A_1584, %select_n3A_1557 : vector<256x128xi1>, vector<256x128xi32>
    %select_n3A_1589 = arith.select %lt3A_1585, %select_n3A_1557, %select_n3A_1584 : vector<256x128xi1>, vector<256x128xi32>
    %lt3A_1590 = arith.cmpf olt, %select_n3A_1587, %select_n3A_1560 : vector<256x128xf32>
    %select_n3A_1591 = arith.select %lt3A_1590, %select_n3A_1587, %select_n3A_1560 : vector<256x128xi1>, vector<256x128xf32>
    %select_n3A_1592 = arith.select %lt3A_1590, %select_n3A_1589, %select_n3A_1561 : vector<256x128xi1>, vector<256x128xi32>
    %slice3A_1593 = vector.extract_strided_slice %add3A_19 {offsets = [0, 6400], sizes = [256, 128], strides = [1, 1]} : vector<256x8192xf32> to vector<256x128xf32>
    %broadcast_in_dim3A_1594 = arith.constant 50 : i32
    %broadcast_in_dim3A_1595 = vector.broadcast %broadcast_in_dim3A_1594 : i32 to vector<256x128xi32>
    %lt3A_1596 = arith.cmpf olt, %slice3A_1593, %select_n3A_1566 : vector<256x128xf32>
    %select_n3A_1597 = arith.select %lt3A_1596, %slice3A_1593, %select_n3A_1566 : vector<256x128xi1>, vector<256x128xf32>
    %select_n3A_1598 = arith.select %lt3A_1596, %select_n3A_1566, %slice3A_1593 : vector<256x128xi1>, vector<256x128xf32>
    %select_n3A_1599 = arith.select %lt3A_1596, %broadcast_in_dim3A_1595, %select_n3A_1568 : vector<256x128xi1>, vector<256x128xi32>
    %select_n3A_1600 = arith.select %lt3A_1596, %select_n3A_1568, %broadcast_in_dim3A_1595 : vector<256x128xi1>, vector<256x128xi32>
    %lt3A_1601 = arith.cmpf olt, %select_n3A_1598, %select_n3A_1571 : vector<256x128xf32>
    %select_n3A_1602 = arith.select %lt3A_1601, %select_n3A_1598, %select_n3A_1571 : vector<256x128xi1>, vector<256x128xf32>
    %select_n3A_1603 = arith.select %lt3A_1601, %select_n3A_1571, %select_n3A_1598 : vector<256x128xi1>, vector<256x128xf32>
    %select_n3A_1604 = arith.select %lt3A_1601, %select_n3A_1600, %select_n3A_1573 : vector<256x128xi1>, vector<256x128xi32>
    %select_n3A_1605 = arith.select %lt3A_1601, %select_n3A_1573, %select_n3A_1600 : vector<256x128xi1>, vector<256x128xi32>
    %lt3A_1606 = arith.cmpf olt, %select_n3A_1603, %select_n3A_1576 : vector<256x128xf32>
    %select_n3A_1607 = arith.select %lt3A_1606, %select_n3A_1603, %select_n3A_1576 : vector<256x128xi1>, vector<256x128xf32>
    %select_n3A_1608 = arith.select %lt3A_1606, %select_n3A_1576, %select_n3A_1603 : vector<256x128xi1>, vector<256x128xf32>
    %select_n3A_1609 = arith.select %lt3A_1606, %select_n3A_1605, %select_n3A_1578 : vector<256x128xi1>, vector<256x128xi32>
    %select_n3A_1610 = arith.select %lt3A_1606, %select_n3A_1578, %select_n3A_1605 : vector<256x128xi1>, vector<256x128xi32>
    %lt3A_1611 = arith.cmpf olt, %select_n3A_1608, %select_n3A_1581 : vector<256x128xf32>
    %select_n3A_1612 = arith.select %lt3A_1611, %select_n3A_1608, %select_n3A_1581 : vector<256x128xi1>, vector<256x128xf32>
    %select_n3A_1613 = arith.select %lt3A_1611, %select_n3A_1581, %select_n3A_1608 : vector<256x128xi1>, vector<256x128xf32>
    %select_n3A_1614 = arith.select %lt3A_1611, %select_n3A_1610, %select_n3A_1583 : vector<256x128xi1>, vector<256x128xi32>
    %select_n3A_1615 = arith.select %lt3A_1611, %select_n3A_1583, %select_n3A_1610 : vector<256x128xi1>, vector<256x128xi32>
    %lt3A_1616 = arith.cmpf olt, %select_n3A_1613, %select_n3A_1586 : vector<256x128xf32>
    %select_n3A_1617 = arith.select %lt3A_1616, %select_n3A_1613, %select_n3A_1586 : vector<256x128xi1>, vector<256x128xf32>
    %select_n3A_1618 = arith.select %lt3A_1616, %select_n3A_1586, %select_n3A_1613 : vector<256x128xi1>, vector<256x128xf32>
    %select_n3A_1619 = arith.select %lt3A_1616, %select_n3A_1615, %select_n3A_1588 : vector<256x128xi1>, vector<256x128xi32>
    %select_n3A_1620 = arith.select %lt3A_1616, %select_n3A_1588, %select_n3A_1615 : vector<256x128xi1>, vector<256x128xi32>
    %lt3A_1621 = arith.cmpf olt, %select_n3A_1618, %select_n3A_1591 : vector<256x128xf32>
    %select_n3A_1622 = arith.select %lt3A_1621, %select_n3A_1618, %select_n3A_1591 : vector<256x128xi1>, vector<256x128xf32>
    %select_n3A_1623 = arith.select %lt3A_1621, %select_n3A_1620, %select_n3A_1592 : vector<256x128xi1>, vector<256x128xi32>
    %slice3A_1624 = vector.extract_strided_slice %add3A_19 {offsets = [0, 6528], sizes = [256, 128], strides = [1, 1]} : vector<256x8192xf32> to vector<256x128xf32>
    %broadcast_in_dim3A_1625 = arith.constant 51 : i32
    %broadcast_in_dim3A_1626 = vector.broadcast %broadcast_in_dim3A_1625 : i32 to vector<256x128xi32>
    %lt3A_1627 = arith.cmpf olt, %slice3A_1624, %select_n3A_1597 : vector<256x128xf32>
    %select_n3A_1628 = arith.select %lt3A_1627, %slice3A_1624, %select_n3A_1597 : vector<256x128xi1>, vector<256x128xf32>
    %select_n3A_1629 = arith.select %lt3A_1627, %select_n3A_1597, %slice3A_1624 : vector<256x128xi1>, vector<256x128xf32>
    %select_n3A_1630 = arith.select %lt3A_1627, %broadcast_in_dim3A_1626, %select_n3A_1599 : vector<256x128xi1>, vector<256x128xi32>
    %select_n3A_1631 = arith.select %lt3A_1627, %select_n3A_1599, %broadcast_in_dim3A_1626 : vector<256x128xi1>, vector<256x128xi32>
    %lt3A_1632 = arith.cmpf olt, %select_n3A_1629, %select_n3A_1602 : vector<256x128xf32>
    %select_n3A_1633 = arith.select %lt3A_1632, %select_n3A_1629, %select_n3A_1602 : vector<256x128xi1>, vector<256x128xf32>
    %select_n3A_1634 = arith.select %lt3A_1632, %select_n3A_1602, %select_n3A_1629 : vector<256x128xi1>, vector<256x128xf32>
    %select_n3A_1635 = arith.select %lt3A_1632, %select_n3A_1631, %select_n3A_1604 : vector<256x128xi1>, vector<256x128xi32>
    %select_n3A_1636 = arith.select %lt3A_1632, %select_n3A_1604, %select_n3A_1631 : vector<256x128xi1>, vector<256x128xi32>
    %lt3A_1637 = arith.cmpf olt, %select_n3A_1634, %select_n3A_1607 : vector<256x128xf32>
    %select_n3A_1638 = arith.select %lt3A_1637, %select_n3A_1634, %select_n3A_1607 : vector<256x128xi1>, vector<256x128xf32>
    %select_n3A_1639 = arith.select %lt3A_1637, %select_n3A_1607, %select_n3A_1634 : vector<256x128xi1>, vector<256x128xf32>
    %select_n3A_1640 = arith.select %lt3A_1637, %select_n3A_1636, %select_n3A_1609 : vector<256x128xi1>, vector<256x128xi32>
    %select_n3A_1641 = arith.select %lt3A_1637, %select_n3A_1609, %select_n3A_1636 : vector<256x128xi1>, vector<256x128xi32>
    %lt3A_1642 = arith.cmpf olt, %select_n3A_1639, %select_n3A_1612 : vector<256x128xf32>
    %select_n3A_1643 = arith.select %lt3A_1642, %select_n3A_1639, %select_n3A_1612 : vector<256x128xi1>, vector<256x128xf32>
    %select_n3A_1644 = arith.select %lt3A_1642, %select_n3A_1612, %select_n3A_1639 : vector<256x128xi1>, vector<256x128xf32>
    %select_n3A_1645 = arith.select %lt3A_1642, %select_n3A_1641, %select_n3A_1614 : vector<256x128xi1>, vector<256x128xi32>
    %select_n3A_1646 = arith.select %lt3A_1642, %select_n3A_1614, %select_n3A_1641 : vector<256x128xi1>, vector<256x128xi32>
    %lt3A_1647 = arith.cmpf olt, %select_n3A_1644, %select_n3A_1617 : vector<256x128xf32>
    %select_n3A_1648 = arith.select %lt3A_1647, %select_n3A_1644, %select_n3A_1617 : vector<256x128xi1>, vector<256x128xf32>
    %select_n3A_1649 = arith.select %lt3A_1647, %select_n3A_1617, %select_n3A_1644 : vector<256x128xi1>, vector<256x128xf32>
    %select_n3A_1650 = arith.select %lt3A_1647, %select_n3A_1646, %select_n3A_1619 : vector<256x128xi1>, vector<256x128xi32>
    %select_n3A_1651 = arith.select %lt3A_1647, %select_n3A_1619, %select_n3A_1646 : vector<256x128xi1>, vector<256x128xi32>
    %lt3A_1652 = arith.cmpf olt, %select_n3A_1649, %select_n3A_1622 : vector<256x128xf32>
    %select_n3A_1653 = arith.select %lt3A_1652, %select_n3A_1649, %select_n3A_1622 : vector<256x128xi1>, vector<256x128xf32>
    %select_n3A_1654 = arith.select %lt3A_1652, %select_n3A_1651, %select_n3A_1623 : vector<256x128xi1>, vector<256x128xi32>
    %slice3A_1655 = vector.extract_strided_slice %add3A_19 {offsets = [0, 6656], sizes = [256, 128], strides = [1, 1]} : vector<256x8192xf32> to vector<256x128xf32>
    %broadcast_in_dim3A_1656 = arith.constant 52 : i32
    %broadcast_in_dim3A_1657 = vector.broadcast %broadcast_in_dim3A_1656 : i32 to vector<256x128xi32>
    %lt3A_1658 = arith.cmpf olt, %slice3A_1655, %select_n3A_1628 : vector<256x128xf32>
    %select_n3A_1659 = arith.select %lt3A_1658, %slice3A_1655, %select_n3A_1628 : vector<256x128xi1>, vector<256x128xf32>
    %select_n3A_1660 = arith.select %lt3A_1658, %select_n3A_1628, %slice3A_1655 : vector<256x128xi1>, vector<256x128xf32>
    %select_n3A_1661 = arith.select %lt3A_1658, %broadcast_in_dim3A_1657, %select_n3A_1630 : vector<256x128xi1>, vector<256x128xi32>
    %select_n3A_1662 = arith.select %lt3A_1658, %select_n3A_1630, %broadcast_in_dim3A_1657 : vector<256x128xi1>, vector<256x128xi32>
    %lt3A_1663 = arith.cmpf olt, %select_n3A_1660, %select_n3A_1633 : vector<256x128xf32>
    %select_n3A_1664 = arith.select %lt3A_1663, %select_n3A_1660, %select_n3A_1633 : vector<256x128xi1>, vector<256x128xf32>
    %select_n3A_1665 = arith.select %lt3A_1663, %select_n3A_1633, %select_n3A_1660 : vector<256x128xi1>, vector<256x128xf32>
    %select_n3A_1666 = arith.select %lt3A_1663, %select_n3A_1662, %select_n3A_1635 : vector<256x128xi1>, vector<256x128xi32>
    %select_n3A_1667 = arith.select %lt3A_1663, %select_n3A_1635, %select_n3A_1662 : vector<256x128xi1>, vector<256x128xi32>
    %lt3A_1668 = arith.cmpf olt, %select_n3A_1665, %select_n3A_1638 : vector<256x128xf32>
    %select_n3A_1669 = arith.select %lt3A_1668, %select_n3A_1665, %select_n3A_1638 : vector<256x128xi1>, vector<256x128xf32>
    %select_n3A_1670 = arith.select %lt3A_1668, %select_n3A_1638, %select_n3A_1665 : vector<256x128xi1>, vector<256x128xf32>
    %select_n3A_1671 = arith.select %lt3A_1668, %select_n3A_1667, %select_n3A_1640 : vector<256x128xi1>, vector<256x128xi32>
    %select_n3A_1672 = arith.select %lt3A_1668, %select_n3A_1640, %select_n3A_1667 : vector<256x128xi1>, vector<256x128xi32>
    %lt3A_1673 = arith.cmpf olt, %select_n3A_1670, %select_n3A_1643 : vector<256x128xf32>
    %select_n3A_1674 = arith.select %lt3A_1673, %select_n3A_1670, %select_n3A_1643 : vector<256x128xi1>, vector<256x128xf32>
    %select_n3A_1675 = arith.select %lt3A_1673, %select_n3A_1643, %select_n3A_1670 : vector<256x128xi1>, vector<256x128xf32>
    %select_n3A_1676 = arith.select %lt3A_1673, %select_n3A_1672, %select_n3A_1645 : vector<256x128xi1>, vector<256x128xi32>
    %select_n3A_1677 = arith.select %lt3A_1673, %select_n3A_1645, %select_n3A_1672 : vector<256x128xi1>, vector<256x128xi32>
    %lt3A_1678 = arith.cmpf olt, %select_n3A_1675, %select_n3A_1648 : vector<256x128xf32>
    %select_n3A_1679 = arith.select %lt3A_1678, %select_n3A_1675, %select_n3A_1648 : vector<256x128xi1>, vector<256x128xf32>
    %select_n3A_1680 = arith.select %lt3A_1678, %select_n3A_1648, %select_n3A_1675 : vector<256x128xi1>, vector<256x128xf32>
    %select_n3A_1681 = arith.select %lt3A_1678, %select_n3A_1677, %select_n3A_1650 : vector<256x128xi1>, vector<256x128xi32>
    %select_n3A_1682 = arith.select %lt3A_1678, %select_n3A_1650, %select_n3A_1677 : vector<256x128xi1>, vector<256x128xi32>
    %lt3A_1683 = arith.cmpf olt, %select_n3A_1680, %select_n3A_1653 : vector<256x128xf32>
    %select_n3A_1684 = arith.select %lt3A_1683, %select_n3A_1680, %select_n3A_1653 : vector<256x128xi1>, vector<256x128xf32>
    %select_n3A_1685 = arith.select %lt3A_1683, %select_n3A_1682, %select_n3A_1654 : vector<256x128xi1>, vector<256x128xi32>
    %slice3A_1686 = vector.extract_strided_slice %add3A_19 {offsets = [0, 6784], sizes = [256, 128], strides = [1, 1]} : vector<256x8192xf32> to vector<256x128xf32>
    %broadcast_in_dim3A_1687 = arith.constant 53 : i32
    %broadcast_in_dim3A_1688 = vector.broadcast %broadcast_in_dim3A_1687 : i32 to vector<256x128xi32>
    %lt3A_1689 = arith.cmpf olt, %slice3A_1686, %select_n3A_1659 : vector<256x128xf32>
    %select_n3A_1690 = arith.select %lt3A_1689, %slice3A_1686, %select_n3A_1659 : vector<256x128xi1>, vector<256x128xf32>
    %select_n3A_1691 = arith.select %lt3A_1689, %select_n3A_1659, %slice3A_1686 : vector<256x128xi1>, vector<256x128xf32>
    %select_n3A_1692 = arith.select %lt3A_1689, %broadcast_in_dim3A_1688, %select_n3A_1661 : vector<256x128xi1>, vector<256x128xi32>
    %select_n3A_1693 = arith.select %lt3A_1689, %select_n3A_1661, %broadcast_in_dim3A_1688 : vector<256x128xi1>, vector<256x128xi32>
    %lt3A_1694 = arith.cmpf olt, %select_n3A_1691, %select_n3A_1664 : vector<256x128xf32>
    %select_n3A_1695 = arith.select %lt3A_1694, %select_n3A_1691, %select_n3A_1664 : vector<256x128xi1>, vector<256x128xf32>
    %select_n3A_1696 = arith.select %lt3A_1694, %select_n3A_1664, %select_n3A_1691 : vector<256x128xi1>, vector<256x128xf32>
    %select_n3A_1697 = arith.select %lt3A_1694, %select_n3A_1693, %select_n3A_1666 : vector<256x128xi1>, vector<256x128xi32>
    %select_n3A_1698 = arith.select %lt3A_1694, %select_n3A_1666, %select_n3A_1693 : vector<256x128xi1>, vector<256x128xi32>
    %lt3A_1699 = arith.cmpf olt, %select_n3A_1696, %select_n3A_1669 : vector<256x128xf32>
    %select_n3A_1700 = arith.select %lt3A_1699, %select_n3A_1696, %select_n3A_1669 : vector<256x128xi1>, vector<256x128xf32>
    %select_n3A_1701 = arith.select %lt3A_1699, %select_n3A_1669, %select_n3A_1696 : vector<256x128xi1>, vector<256x128xf32>
    %select_n3A_1702 = arith.select %lt3A_1699, %select_n3A_1698, %select_n3A_1671 : vector<256x128xi1>, vector<256x128xi32>
    %select_n3A_1703 = arith.select %lt3A_1699, %select_n3A_1671, %select_n3A_1698 : vector<256x128xi1>, vector<256x128xi32>
    %lt3A_1704 = arith.cmpf olt, %select_n3A_1701, %select_n3A_1674 : vector<256x128xf32>
    %select_n3A_1705 = arith.select %lt3A_1704, %select_n3A_1701, %select_n3A_1674 : vector<256x128xi1>, vector<256x128xf32>
    %select_n3A_1706 = arith.select %lt3A_1704, %select_n3A_1674, %select_n3A_1701 : vector<256x128xi1>, vector<256x128xf32>
    %select_n3A_1707 = arith.select %lt3A_1704, %select_n3A_1703, %select_n3A_1676 : vector<256x128xi1>, vector<256x128xi32>
    %select_n3A_1708 = arith.select %lt3A_1704, %select_n3A_1676, %select_n3A_1703 : vector<256x128xi1>, vector<256x128xi32>
    %lt3A_1709 = arith.cmpf olt, %select_n3A_1706, %select_n3A_1679 : vector<256x128xf32>
    %select_n3A_1710 = arith.select %lt3A_1709, %select_n3A_1706, %select_n3A_1679 : vector<256x128xi1>, vector<256x128xf32>
    %select_n3A_1711 = arith.select %lt3A_1709, %select_n3A_1679, %select_n3A_1706 : vector<256x128xi1>, vector<256x128xf32>
    %select_n3A_1712 = arith.select %lt3A_1709, %select_n3A_1708, %select_n3A_1681 : vector<256x128xi1>, vector<256x128xi32>
    %select_n3A_1713 = arith.select %lt3A_1709, %select_n3A_1681, %select_n3A_1708 : vector<256x128xi1>, vector<256x128xi32>
    %lt3A_1714 = arith.cmpf olt, %select_n3A_1711, %select_n3A_1684 : vector<256x128xf32>
    %select_n3A_1715 = arith.select %lt3A_1714, %select_n3A_1711, %select_n3A_1684 : vector<256x128xi1>, vector<256x128xf32>
    %select_n3A_1716 = arith.select %lt3A_1714, %select_n3A_1713, %select_n3A_1685 : vector<256x128xi1>, vector<256x128xi32>
    %slice3A_1717 = vector.extract_strided_slice %add3A_19 {offsets = [0, 6912], sizes = [256, 128], strides = [1, 1]} : vector<256x8192xf32> to vector<256x128xf32>
    %broadcast_in_dim3A_1718 = arith.constant 54 : i32
    %broadcast_in_dim3A_1719 = vector.broadcast %broadcast_in_dim3A_1718 : i32 to vector<256x128xi32>
    %lt3A_1720 = arith.cmpf olt, %slice3A_1717, %select_n3A_1690 : vector<256x128xf32>
    %select_n3A_1721 = arith.select %lt3A_1720, %slice3A_1717, %select_n3A_1690 : vector<256x128xi1>, vector<256x128xf32>
    %select_n3A_1722 = arith.select %lt3A_1720, %select_n3A_1690, %slice3A_1717 : vector<256x128xi1>, vector<256x128xf32>
    %select_n3A_1723 = arith.select %lt3A_1720, %broadcast_in_dim3A_1719, %select_n3A_1692 : vector<256x128xi1>, vector<256x128xi32>
    %select_n3A_1724 = arith.select %lt3A_1720, %select_n3A_1692, %broadcast_in_dim3A_1719 : vector<256x128xi1>, vector<256x128xi32>
    %lt3A_1725 = arith.cmpf olt, %select_n3A_1722, %select_n3A_1695 : vector<256x128xf32>
    %select_n3A_1726 = arith.select %lt3A_1725, %select_n3A_1722, %select_n3A_1695 : vector<256x128xi1>, vector<256x128xf32>
    %select_n3A_1727 = arith.select %lt3A_1725, %select_n3A_1695, %select_n3A_1722 : vector<256x128xi1>, vector<256x128xf32>
    %select_n3A_1728 = arith.select %lt3A_1725, %select_n3A_1724, %select_n3A_1697 : vector<256x128xi1>, vector<256x128xi32>
    %select_n3A_1729 = arith.select %lt3A_1725, %select_n3A_1697, %select_n3A_1724 : vector<256x128xi1>, vector<256x128xi32>
    %lt3A_1730 = arith.cmpf olt, %select_n3A_1727, %select_n3A_1700 : vector<256x128xf32>
    %select_n3A_1731 = arith.select %lt3A_1730, %select_n3A_1727, %select_n3A_1700 : vector<256x128xi1>, vector<256x128xf32>
    %select_n3A_1732 = arith.select %lt3A_1730, %select_n3A_1700, %select_n3A_1727 : vector<256x128xi1>, vector<256x128xf32>
    %select_n3A_1733 = arith.select %lt3A_1730, %select_n3A_1729, %select_n3A_1702 : vector<256x128xi1>, vector<256x128xi32>
    %select_n3A_1734 = arith.select %lt3A_1730, %select_n3A_1702, %select_n3A_1729 : vector<256x128xi1>, vector<256x128xi32>
    %lt3A_1735 = arith.cmpf olt, %select_n3A_1732, %select_n3A_1705 : vector<256x128xf32>
    %select_n3A_1736 = arith.select %lt3A_1735, %select_n3A_1732, %select_n3A_1705 : vector<256x128xi1>, vector<256x128xf32>
    %select_n3A_1737 = arith.select %lt3A_1735, %select_n3A_1705, %select_n3A_1732 : vector<256x128xi1>, vector<256x128xf32>
    %select_n3A_1738 = arith.select %lt3A_1735, %select_n3A_1734, %select_n3A_1707 : vector<256x128xi1>, vector<256x128xi32>
    %select_n3A_1739 = arith.select %lt3A_1735, %select_n3A_1707, %select_n3A_1734 : vector<256x128xi1>, vector<256x128xi32>
    %lt3A_1740 = arith.cmpf olt, %select_n3A_1737, %select_n3A_1710 : vector<256x128xf32>
    %select_n3A_1741 = arith.select %lt3A_1740, %select_n3A_1737, %select_n3A_1710 : vector<256x128xi1>, vector<256x128xf32>
    %select_n3A_1742 = arith.select %lt3A_1740, %select_n3A_1710, %select_n3A_1737 : vector<256x128xi1>, vector<256x128xf32>
    %select_n3A_1743 = arith.select %lt3A_1740, %select_n3A_1739, %select_n3A_1712 : vector<256x128xi1>, vector<256x128xi32>
    %select_n3A_1744 = arith.select %lt3A_1740, %select_n3A_1712, %select_n3A_1739 : vector<256x128xi1>, vector<256x128xi32>
    %lt3A_1745 = arith.cmpf olt, %select_n3A_1742, %select_n3A_1715 : vector<256x128xf32>
    %select_n3A_1746 = arith.select %lt3A_1745, %select_n3A_1742, %select_n3A_1715 : vector<256x128xi1>, vector<256x128xf32>
    %select_n3A_1747 = arith.select %lt3A_1745, %select_n3A_1744, %select_n3A_1716 : vector<256x128xi1>, vector<256x128xi32>
    %slice3A_1748 = vector.extract_strided_slice %add3A_19 {offsets = [0, 7040], sizes = [256, 128], strides = [1, 1]} : vector<256x8192xf32> to vector<256x128xf32>
    %broadcast_in_dim3A_1749 = arith.constant 55 : i32
    %broadcast_in_dim3A_1750 = vector.broadcast %broadcast_in_dim3A_1749 : i32 to vector<256x128xi32>
    %lt3A_1751 = arith.cmpf olt, %slice3A_1748, %select_n3A_1721 : vector<256x128xf32>
    %select_n3A_1752 = arith.select %lt3A_1751, %slice3A_1748, %select_n3A_1721 : vector<256x128xi1>, vector<256x128xf32>
    %select_n3A_1753 = arith.select %lt3A_1751, %select_n3A_1721, %slice3A_1748 : vector<256x128xi1>, vector<256x128xf32>
    %select_n3A_1754 = arith.select %lt3A_1751, %broadcast_in_dim3A_1750, %select_n3A_1723 : vector<256x128xi1>, vector<256x128xi32>
    %select_n3A_1755 = arith.select %lt3A_1751, %select_n3A_1723, %broadcast_in_dim3A_1750 : vector<256x128xi1>, vector<256x128xi32>
    %lt3A_1756 = arith.cmpf olt, %select_n3A_1753, %select_n3A_1726 : vector<256x128xf32>
    %select_n3A_1757 = arith.select %lt3A_1756, %select_n3A_1753, %select_n3A_1726 : vector<256x128xi1>, vector<256x128xf32>
    %select_n3A_1758 = arith.select %lt3A_1756, %select_n3A_1726, %select_n3A_1753 : vector<256x128xi1>, vector<256x128xf32>
    %select_n3A_1759 = arith.select %lt3A_1756, %select_n3A_1755, %select_n3A_1728 : vector<256x128xi1>, vector<256x128xi32>
    %select_n3A_1760 = arith.select %lt3A_1756, %select_n3A_1728, %select_n3A_1755 : vector<256x128xi1>, vector<256x128xi32>
    %lt3A_1761 = arith.cmpf olt, %select_n3A_1758, %select_n3A_1731 : vector<256x128xf32>
    %select_n3A_1762 = arith.select %lt3A_1761, %select_n3A_1758, %select_n3A_1731 : vector<256x128xi1>, vector<256x128xf32>
    %select_n3A_1763 = arith.select %lt3A_1761, %select_n3A_1731, %select_n3A_1758 : vector<256x128xi1>, vector<256x128xf32>
    %select_n3A_1764 = arith.select %lt3A_1761, %select_n3A_1760, %select_n3A_1733 : vector<256x128xi1>, vector<256x128xi32>
    %select_n3A_1765 = arith.select %lt3A_1761, %select_n3A_1733, %select_n3A_1760 : vector<256x128xi1>, vector<256x128xi32>
    %lt3A_1766 = arith.cmpf olt, %select_n3A_1763, %select_n3A_1736 : vector<256x128xf32>
    %select_n3A_1767 = arith.select %lt3A_1766, %select_n3A_1763, %select_n3A_1736 : vector<256x128xi1>, vector<256x128xf32>
    %select_n3A_1768 = arith.select %lt3A_1766, %select_n3A_1736, %select_n3A_1763 : vector<256x128xi1>, vector<256x128xf32>
    %select_n3A_1769 = arith.select %lt3A_1766, %select_n3A_1765, %select_n3A_1738 : vector<256x128xi1>, vector<256x128xi32>
    %select_n3A_1770 = arith.select %lt3A_1766, %select_n3A_1738, %select_n3A_1765 : vector<256x128xi1>, vector<256x128xi32>
    %lt3A_1771 = arith.cmpf olt, %select_n3A_1768, %select_n3A_1741 : vector<256x128xf32>
    %select_n3A_1772 = arith.select %lt3A_1771, %select_n3A_1768, %select_n3A_1741 : vector<256x128xi1>, vector<256x128xf32>
    %select_n3A_1773 = arith.select %lt3A_1771, %select_n3A_1741, %select_n3A_1768 : vector<256x128xi1>, vector<256x128xf32>
    %select_n3A_1774 = arith.select %lt3A_1771, %select_n3A_1770, %select_n3A_1743 : vector<256x128xi1>, vector<256x128xi32>
    %select_n3A_1775 = arith.select %lt3A_1771, %select_n3A_1743, %select_n3A_1770 : vector<256x128xi1>, vector<256x128xi32>
    %lt3A_1776 = arith.cmpf olt, %select_n3A_1773, %select_n3A_1746 : vector<256x128xf32>
    %select_n3A_1777 = arith.select %lt3A_1776, %select_n3A_1773, %select_n3A_1746 : vector<256x128xi1>, vector<256x128xf32>
    %select_n3A_1778 = arith.select %lt3A_1776, %select_n3A_1775, %select_n3A_1747 : vector<256x128xi1>, vector<256x128xi32>
    %slice3A_1779 = vector.extract_strided_slice %add3A_19 {offsets = [0, 7168], sizes = [256, 128], strides = [1, 1]} : vector<256x8192xf32> to vector<256x128xf32>
    %broadcast_in_dim3A_1780 = arith.constant 56 : i32
    %broadcast_in_dim3A_1781 = vector.broadcast %broadcast_in_dim3A_1780 : i32 to vector<256x128xi32>
    %lt3A_1782 = arith.cmpf olt, %slice3A_1779, %select_n3A_1752 : vector<256x128xf32>
    %select_n3A_1783 = arith.select %lt3A_1782, %slice3A_1779, %select_n3A_1752 : vector<256x128xi1>, vector<256x128xf32>
    %select_n3A_1784 = arith.select %lt3A_1782, %select_n3A_1752, %slice3A_1779 : vector<256x128xi1>, vector<256x128xf32>
    %select_n3A_1785 = arith.select %lt3A_1782, %broadcast_in_dim3A_1781, %select_n3A_1754 : vector<256x128xi1>, vector<256x128xi32>
    %select_n3A_1786 = arith.select %lt3A_1782, %select_n3A_1754, %broadcast_in_dim3A_1781 : vector<256x128xi1>, vector<256x128xi32>
    %lt3A_1787 = arith.cmpf olt, %select_n3A_1784, %select_n3A_1757 : vector<256x128xf32>
    %select_n3A_1788 = arith.select %lt3A_1787, %select_n3A_1784, %select_n3A_1757 : vector<256x128xi1>, vector<256x128xf32>
    %select_n3A_1789 = arith.select %lt3A_1787, %select_n3A_1757, %select_n3A_1784 : vector<256x128xi1>, vector<256x128xf32>
    %select_n3A_1790 = arith.select %lt3A_1787, %select_n3A_1786, %select_n3A_1759 : vector<256x128xi1>, vector<256x128xi32>
    %select_n3A_1791 = arith.select %lt3A_1787, %select_n3A_1759, %select_n3A_1786 : vector<256x128xi1>, vector<256x128xi32>
    %lt3A_1792 = arith.cmpf olt, %select_n3A_1789, %select_n3A_1762 : vector<256x128xf32>
    %select_n3A_1793 = arith.select %lt3A_1792, %select_n3A_1789, %select_n3A_1762 : vector<256x128xi1>, vector<256x128xf32>
    %select_n3A_1794 = arith.select %lt3A_1792, %select_n3A_1762, %select_n3A_1789 : vector<256x128xi1>, vector<256x128xf32>
    %select_n3A_1795 = arith.select %lt3A_1792, %select_n3A_1791, %select_n3A_1764 : vector<256x128xi1>, vector<256x128xi32>
    %select_n3A_1796 = arith.select %lt3A_1792, %select_n3A_1764, %select_n3A_1791 : vector<256x128xi1>, vector<256x128xi32>
    %lt3A_1797 = arith.cmpf olt, %select_n3A_1794, %select_n3A_1767 : vector<256x128xf32>
    %select_n3A_1798 = arith.select %lt3A_1797, %select_n3A_1794, %select_n3A_1767 : vector<256x128xi1>, vector<256x128xf32>
    %select_n3A_1799 = arith.select %lt3A_1797, %select_n3A_1767, %select_n3A_1794 : vector<256x128xi1>, vector<256x128xf32>
    %select_n3A_1800 = arith.select %lt3A_1797, %select_n3A_1796, %select_n3A_1769 : vector<256x128xi1>, vector<256x128xi32>
    %select_n3A_1801 = arith.select %lt3A_1797, %select_n3A_1769, %select_n3A_1796 : vector<256x128xi1>, vector<256x128xi32>
    %lt3A_1802 = arith.cmpf olt, %select_n3A_1799, %select_n3A_1772 : vector<256x128xf32>
    %select_n3A_1803 = arith.select %lt3A_1802, %select_n3A_1799, %select_n3A_1772 : vector<256x128xi1>, vector<256x128xf32>
    %select_n3A_1804 = arith.select %lt3A_1802, %select_n3A_1772, %select_n3A_1799 : vector<256x128xi1>, vector<256x128xf32>
    %select_n3A_1805 = arith.select %lt3A_1802, %select_n3A_1801, %select_n3A_1774 : vector<256x128xi1>, vector<256x128xi32>
    %select_n3A_1806 = arith.select %lt3A_1802, %select_n3A_1774, %select_n3A_1801 : vector<256x128xi1>, vector<256x128xi32>
    %lt3A_1807 = arith.cmpf olt, %select_n3A_1804, %select_n3A_1777 : vector<256x128xf32>
    %select_n3A_1808 = arith.select %lt3A_1807, %select_n3A_1804, %select_n3A_1777 : vector<256x128xi1>, vector<256x128xf32>
    %select_n3A_1809 = arith.select %lt3A_1807, %select_n3A_1806, %select_n3A_1778 : vector<256x128xi1>, vector<256x128xi32>
    %slice3A_1810 = vector.extract_strided_slice %add3A_19 {offsets = [0, 7296], sizes = [256, 128], strides = [1, 1]} : vector<256x8192xf32> to vector<256x128xf32>
    %broadcast_in_dim3A_1811 = arith.constant 57 : i32
    %broadcast_in_dim3A_1812 = vector.broadcast %broadcast_in_dim3A_1811 : i32 to vector<256x128xi32>
    %lt3A_1813 = arith.cmpf olt, %slice3A_1810, %select_n3A_1783 : vector<256x128xf32>
    %select_n3A_1814 = arith.select %lt3A_1813, %slice3A_1810, %select_n3A_1783 : vector<256x128xi1>, vector<256x128xf32>
    %select_n3A_1815 = arith.select %lt3A_1813, %select_n3A_1783, %slice3A_1810 : vector<256x128xi1>, vector<256x128xf32>
    %select_n3A_1816 = arith.select %lt3A_1813, %broadcast_in_dim3A_1812, %select_n3A_1785 : vector<256x128xi1>, vector<256x128xi32>
    %select_n3A_1817 = arith.select %lt3A_1813, %select_n3A_1785, %broadcast_in_dim3A_1812 : vector<256x128xi1>, vector<256x128xi32>
    %lt3A_1818 = arith.cmpf olt, %select_n3A_1815, %select_n3A_1788 : vector<256x128xf32>
    %select_n3A_1819 = arith.select %lt3A_1818, %select_n3A_1815, %select_n3A_1788 : vector<256x128xi1>, vector<256x128xf32>
    %select_n3A_1820 = arith.select %lt3A_1818, %select_n3A_1788, %select_n3A_1815 : vector<256x128xi1>, vector<256x128xf32>
    %select_n3A_1821 = arith.select %lt3A_1818, %select_n3A_1817, %select_n3A_1790 : vector<256x128xi1>, vector<256x128xi32>
    %select_n3A_1822 = arith.select %lt3A_1818, %select_n3A_1790, %select_n3A_1817 : vector<256x128xi1>, vector<256x128xi32>
    %lt3A_1823 = arith.cmpf olt, %select_n3A_1820, %select_n3A_1793 : vector<256x128xf32>
    %select_n3A_1824 = arith.select %lt3A_1823, %select_n3A_1820, %select_n3A_1793 : vector<256x128xi1>, vector<256x128xf32>
    %select_n3A_1825 = arith.select %lt3A_1823, %select_n3A_1793, %select_n3A_1820 : vector<256x128xi1>, vector<256x128xf32>
    %select_n3A_1826 = arith.select %lt3A_1823, %select_n3A_1822, %select_n3A_1795 : vector<256x128xi1>, vector<256x128xi32>
    %select_n3A_1827 = arith.select %lt3A_1823, %select_n3A_1795, %select_n3A_1822 : vector<256x128xi1>, vector<256x128xi32>
    %lt3A_1828 = arith.cmpf olt, %select_n3A_1825, %select_n3A_1798 : vector<256x128xf32>
    %select_n3A_1829 = arith.select %lt3A_1828, %select_n3A_1825, %select_n3A_1798 : vector<256x128xi1>, vector<256x128xf32>
    %select_n3A_1830 = arith.select %lt3A_1828, %select_n3A_1798, %select_n3A_1825 : vector<256x128xi1>, vector<256x128xf32>
    %select_n3A_1831 = arith.select %lt3A_1828, %select_n3A_1827, %select_n3A_1800 : vector<256x128xi1>, vector<256x128xi32>
    %select_n3A_1832 = arith.select %lt3A_1828, %select_n3A_1800, %select_n3A_1827 : vector<256x128xi1>, vector<256x128xi32>
    %lt3A_1833 = arith.cmpf olt, %select_n3A_1830, %select_n3A_1803 : vector<256x128xf32>
    %select_n3A_1834 = arith.select %lt3A_1833, %select_n3A_1830, %select_n3A_1803 : vector<256x128xi1>, vector<256x128xf32>
    %select_n3A_1835 = arith.select %lt3A_1833, %select_n3A_1803, %select_n3A_1830 : vector<256x128xi1>, vector<256x128xf32>
    %select_n3A_1836 = arith.select %lt3A_1833, %select_n3A_1832, %select_n3A_1805 : vector<256x128xi1>, vector<256x128xi32>
    %select_n3A_1837 = arith.select %lt3A_1833, %select_n3A_1805, %select_n3A_1832 : vector<256x128xi1>, vector<256x128xi32>
    %lt3A_1838 = arith.cmpf olt, %select_n3A_1835, %select_n3A_1808 : vector<256x128xf32>
    %select_n3A_1839 = arith.select %lt3A_1838, %select_n3A_1835, %select_n3A_1808 : vector<256x128xi1>, vector<256x128xf32>
    %select_n3A_1840 = arith.select %lt3A_1838, %select_n3A_1837, %select_n3A_1809 : vector<256x128xi1>, vector<256x128xi32>
    %slice3A_1841 = vector.extract_strided_slice %add3A_19 {offsets = [0, 7424], sizes = [256, 128], strides = [1, 1]} : vector<256x8192xf32> to vector<256x128xf32>
    %broadcast_in_dim3A_1842 = arith.constant 58 : i32
    %broadcast_in_dim3A_1843 = vector.broadcast %broadcast_in_dim3A_1842 : i32 to vector<256x128xi32>
    %lt3A_1844 = arith.cmpf olt, %slice3A_1841, %select_n3A_1814 : vector<256x128xf32>
    %select_n3A_1845 = arith.select %lt3A_1844, %slice3A_1841, %select_n3A_1814 : vector<256x128xi1>, vector<256x128xf32>
    %select_n3A_1846 = arith.select %lt3A_1844, %select_n3A_1814, %slice3A_1841 : vector<256x128xi1>, vector<256x128xf32>
    %select_n3A_1847 = arith.select %lt3A_1844, %broadcast_in_dim3A_1843, %select_n3A_1816 : vector<256x128xi1>, vector<256x128xi32>
    %select_n3A_1848 = arith.select %lt3A_1844, %select_n3A_1816, %broadcast_in_dim3A_1843 : vector<256x128xi1>, vector<256x128xi32>
    %lt3A_1849 = arith.cmpf olt, %select_n3A_1846, %select_n3A_1819 : vector<256x128xf32>
    %select_n3A_1850 = arith.select %lt3A_1849, %select_n3A_1846, %select_n3A_1819 : vector<256x128xi1>, vector<256x128xf32>
    %select_n3A_1851 = arith.select %lt3A_1849, %select_n3A_1819, %select_n3A_1846 : vector<256x128xi1>, vector<256x128xf32>
    %select_n3A_1852 = arith.select %lt3A_1849, %select_n3A_1848, %select_n3A_1821 : vector<256x128xi1>, vector<256x128xi32>
    %select_n3A_1853 = arith.select %lt3A_1849, %select_n3A_1821, %select_n3A_1848 : vector<256x128xi1>, vector<256x128xi32>
    %lt3A_1854 = arith.cmpf olt, %select_n3A_1851, %select_n3A_1824 : vector<256x128xf32>
    %select_n3A_1855 = arith.select %lt3A_1854, %select_n3A_1851, %select_n3A_1824 : vector<256x128xi1>, vector<256x128xf32>
    %select_n3A_1856 = arith.select %lt3A_1854, %select_n3A_1824, %select_n3A_1851 : vector<256x128xi1>, vector<256x128xf32>
    %select_n3A_1857 = arith.select %lt3A_1854, %select_n3A_1853, %select_n3A_1826 : vector<256x128xi1>, vector<256x128xi32>
    %select_n3A_1858 = arith.select %lt3A_1854, %select_n3A_1826, %select_n3A_1853 : vector<256x128xi1>, vector<256x128xi32>
    %lt3A_1859 = arith.cmpf olt, %select_n3A_1856, %select_n3A_1829 : vector<256x128xf32>
    %select_n3A_1860 = arith.select %lt3A_1859, %select_n3A_1856, %select_n3A_1829 : vector<256x128xi1>, vector<256x128xf32>
    %select_n3A_1861 = arith.select %lt3A_1859, %select_n3A_1829, %select_n3A_1856 : vector<256x128xi1>, vector<256x128xf32>
    %select_n3A_1862 = arith.select %lt3A_1859, %select_n3A_1858, %select_n3A_1831 : vector<256x128xi1>, vector<256x128xi32>
    %select_n3A_1863 = arith.select %lt3A_1859, %select_n3A_1831, %select_n3A_1858 : vector<256x128xi1>, vector<256x128xi32>
    %lt3A_1864 = arith.cmpf olt, %select_n3A_1861, %select_n3A_1834 : vector<256x128xf32>
    %select_n3A_1865 = arith.select %lt3A_1864, %select_n3A_1861, %select_n3A_1834 : vector<256x128xi1>, vector<256x128xf32>
    %select_n3A_1866 = arith.select %lt3A_1864, %select_n3A_1834, %select_n3A_1861 : vector<256x128xi1>, vector<256x128xf32>
    %select_n3A_1867 = arith.select %lt3A_1864, %select_n3A_1863, %select_n3A_1836 : vector<256x128xi1>, vector<256x128xi32>
    %select_n3A_1868 = arith.select %lt3A_1864, %select_n3A_1836, %select_n3A_1863 : vector<256x128xi1>, vector<256x128xi32>
    %lt3A_1869 = arith.cmpf olt, %select_n3A_1866, %select_n3A_1839 : vector<256x128xf32>
    %select_n3A_1870 = arith.select %lt3A_1869, %select_n3A_1866, %select_n3A_1839 : vector<256x128xi1>, vector<256x128xf32>
    %select_n3A_1871 = arith.select %lt3A_1869, %select_n3A_1868, %select_n3A_1840 : vector<256x128xi1>, vector<256x128xi32>
    %slice3A_1872 = vector.extract_strided_slice %add3A_19 {offsets = [0, 7552], sizes = [256, 128], strides = [1, 1]} : vector<256x8192xf32> to vector<256x128xf32>
    %broadcast_in_dim3A_1873 = arith.constant 59 : i32
    %broadcast_in_dim3A_1874 = vector.broadcast %broadcast_in_dim3A_1873 : i32 to vector<256x128xi32>
    %lt3A_1875 = arith.cmpf olt, %slice3A_1872, %select_n3A_1845 : vector<256x128xf32>
    %select_n3A_1876 = arith.select %lt3A_1875, %slice3A_1872, %select_n3A_1845 : vector<256x128xi1>, vector<256x128xf32>
    %select_n3A_1877 = arith.select %lt3A_1875, %select_n3A_1845, %slice3A_1872 : vector<256x128xi1>, vector<256x128xf32>
    %select_n3A_1878 = arith.select %lt3A_1875, %broadcast_in_dim3A_1874, %select_n3A_1847 : vector<256x128xi1>, vector<256x128xi32>
    %select_n3A_1879 = arith.select %lt3A_1875, %select_n3A_1847, %broadcast_in_dim3A_1874 : vector<256x128xi1>, vector<256x128xi32>
    %lt3A_1880 = arith.cmpf olt, %select_n3A_1877, %select_n3A_1850 : vector<256x128xf32>
    %select_n3A_1881 = arith.select %lt3A_1880, %select_n3A_1877, %select_n3A_1850 : vector<256x128xi1>, vector<256x128xf32>
    %select_n3A_1882 = arith.select %lt3A_1880, %select_n3A_1850, %select_n3A_1877 : vector<256x128xi1>, vector<256x128xf32>
    %select_n3A_1883 = arith.select %lt3A_1880, %select_n3A_1879, %select_n3A_1852 : vector<256x128xi1>, vector<256x128xi32>
    %select_n3A_1884 = arith.select %lt3A_1880, %select_n3A_1852, %select_n3A_1879 : vector<256x128xi1>, vector<256x128xi32>
    %lt3A_1885 = arith.cmpf olt, %select_n3A_1882, %select_n3A_1855 : vector<256x128xf32>
    %select_n3A_1886 = arith.select %lt3A_1885, %select_n3A_1882, %select_n3A_1855 : vector<256x128xi1>, vector<256x128xf32>
    %select_n3A_1887 = arith.select %lt3A_1885, %select_n3A_1855, %select_n3A_1882 : vector<256x128xi1>, vector<256x128xf32>
    %select_n3A_1888 = arith.select %lt3A_1885, %select_n3A_1884, %select_n3A_1857 : vector<256x128xi1>, vector<256x128xi32>
    %select_n3A_1889 = arith.select %lt3A_1885, %select_n3A_1857, %select_n3A_1884 : vector<256x128xi1>, vector<256x128xi32>
    %lt3A_1890 = arith.cmpf olt, %select_n3A_1887, %select_n3A_1860 : vector<256x128xf32>
    %select_n3A_1891 = arith.select %lt3A_1890, %select_n3A_1887, %select_n3A_1860 : vector<256x128xi1>, vector<256x128xf32>
    %select_n3A_1892 = arith.select %lt3A_1890, %select_n3A_1860, %select_n3A_1887 : vector<256x128xi1>, vector<256x128xf32>
    %select_n3A_1893 = arith.select %lt3A_1890, %select_n3A_1889, %select_n3A_1862 : vector<256x128xi1>, vector<256x128xi32>
    %select_n3A_1894 = arith.select %lt3A_1890, %select_n3A_1862, %select_n3A_1889 : vector<256x128xi1>, vector<256x128xi32>
    %lt3A_1895 = arith.cmpf olt, %select_n3A_1892, %select_n3A_1865 : vector<256x128xf32>
    %select_n3A_1896 = arith.select %lt3A_1895, %select_n3A_1892, %select_n3A_1865 : vector<256x128xi1>, vector<256x128xf32>
    %select_n3A_1897 = arith.select %lt3A_1895, %select_n3A_1865, %select_n3A_1892 : vector<256x128xi1>, vector<256x128xf32>
    %select_n3A_1898 = arith.select %lt3A_1895, %select_n3A_1894, %select_n3A_1867 : vector<256x128xi1>, vector<256x128xi32>
    %select_n3A_1899 = arith.select %lt3A_1895, %select_n3A_1867, %select_n3A_1894 : vector<256x128xi1>, vector<256x128xi32>
    %lt3A_1900 = arith.cmpf olt, %select_n3A_1897, %select_n3A_1870 : vector<256x128xf32>
    %select_n3A_1901 = arith.select %lt3A_1900, %select_n3A_1897, %select_n3A_1870 : vector<256x128xi1>, vector<256x128xf32>
    %select_n3A_1902 = arith.select %lt3A_1900, %select_n3A_1899, %select_n3A_1871 : vector<256x128xi1>, vector<256x128xi32>
    %slice3A_1903 = vector.extract_strided_slice %add3A_19 {offsets = [0, 7680], sizes = [256, 128], strides = [1, 1]} : vector<256x8192xf32> to vector<256x128xf32>
    %broadcast_in_dim3A_1904 = arith.constant 60 : i32
    %broadcast_in_dim3A_1905 = vector.broadcast %broadcast_in_dim3A_1904 : i32 to vector<256x128xi32>
    %lt3A_1906 = arith.cmpf olt, %slice3A_1903, %select_n3A_1876 : vector<256x128xf32>
    %select_n3A_1907 = arith.select %lt3A_1906, %slice3A_1903, %select_n3A_1876 : vector<256x128xi1>, vector<256x128xf32>
    %select_n3A_1908 = arith.select %lt3A_1906, %select_n3A_1876, %slice3A_1903 : vector<256x128xi1>, vector<256x128xf32>
    %select_n3A_1909 = arith.select %lt3A_1906, %broadcast_in_dim3A_1905, %select_n3A_1878 : vector<256x128xi1>, vector<256x128xi32>
    %select_n3A_1910 = arith.select %lt3A_1906, %select_n3A_1878, %broadcast_in_dim3A_1905 : vector<256x128xi1>, vector<256x128xi32>
    %lt3A_1911 = arith.cmpf olt, %select_n3A_1908, %select_n3A_1881 : vector<256x128xf32>
    %select_n3A_1912 = arith.select %lt3A_1911, %select_n3A_1908, %select_n3A_1881 : vector<256x128xi1>, vector<256x128xf32>
    %select_n3A_1913 = arith.select %lt3A_1911, %select_n3A_1881, %select_n3A_1908 : vector<256x128xi1>, vector<256x128xf32>
    %select_n3A_1914 = arith.select %lt3A_1911, %select_n3A_1910, %select_n3A_1883 : vector<256x128xi1>, vector<256x128xi32>
    %select_n3A_1915 = arith.select %lt3A_1911, %select_n3A_1883, %select_n3A_1910 : vector<256x128xi1>, vector<256x128xi32>
    %lt3A_1916 = arith.cmpf olt, %select_n3A_1913, %select_n3A_1886 : vector<256x128xf32>
    %select_n3A_1917 = arith.select %lt3A_1916, %select_n3A_1913, %select_n3A_1886 : vector<256x128xi1>, vector<256x128xf32>
    %select_n3A_1918 = arith.select %lt3A_1916, %select_n3A_1886, %select_n3A_1913 : vector<256x128xi1>, vector<256x128xf32>
    %select_n3A_1919 = arith.select %lt3A_1916, %select_n3A_1915, %select_n3A_1888 : vector<256x128xi1>, vector<256x128xi32>
    %select_n3A_1920 = arith.select %lt3A_1916, %select_n3A_1888, %select_n3A_1915 : vector<256x128xi1>, vector<256x128xi32>
    %lt3A_1921 = arith.cmpf olt, %select_n3A_1918, %select_n3A_1891 : vector<256x128xf32>
    %select_n3A_1922 = arith.select %lt3A_1921, %select_n3A_1918, %select_n3A_1891 : vector<256x128xi1>, vector<256x128xf32>
    %select_n3A_1923 = arith.select %lt3A_1921, %select_n3A_1891, %select_n3A_1918 : vector<256x128xi1>, vector<256x128xf32>
    %select_n3A_1924 = arith.select %lt3A_1921, %select_n3A_1920, %select_n3A_1893 : vector<256x128xi1>, vector<256x128xi32>
    %select_n3A_1925 = arith.select %lt3A_1921, %select_n3A_1893, %select_n3A_1920 : vector<256x128xi1>, vector<256x128xi32>
    %lt3A_1926 = arith.cmpf olt, %select_n3A_1923, %select_n3A_1896 : vector<256x128xf32>
    %select_n3A_1927 = arith.select %lt3A_1926, %select_n3A_1923, %select_n3A_1896 : vector<256x128xi1>, vector<256x128xf32>
    %select_n3A_1928 = arith.select %lt3A_1926, %select_n3A_1896, %select_n3A_1923 : vector<256x128xi1>, vector<256x128xf32>
    %select_n3A_1929 = arith.select %lt3A_1926, %select_n3A_1925, %select_n3A_1898 : vector<256x128xi1>, vector<256x128xi32>
    %select_n3A_1930 = arith.select %lt3A_1926, %select_n3A_1898, %select_n3A_1925 : vector<256x128xi1>, vector<256x128xi32>
    %lt3A_1931 = arith.cmpf olt, %select_n3A_1928, %select_n3A_1901 : vector<256x128xf32>
    %select_n3A_1932 = arith.select %lt3A_1931, %select_n3A_1928, %select_n3A_1901 : vector<256x128xi1>, vector<256x128xf32>
    %select_n3A_1933 = arith.select %lt3A_1931, %select_n3A_1930, %select_n3A_1902 : vector<256x128xi1>, vector<256x128xi32>
    %slice3A_1934 = vector.extract_strided_slice %add3A_19 {offsets = [0, 7808], sizes = [256, 128], strides = [1, 1]} : vector<256x8192xf32> to vector<256x128xf32>
    %broadcast_in_dim3A_1935 = arith.constant 61 : i32
    %broadcast_in_dim3A_1936 = vector.broadcast %broadcast_in_dim3A_1935 : i32 to vector<256x128xi32>
    %lt3A_1937 = arith.cmpf olt, %slice3A_1934, %select_n3A_1907 : vector<256x128xf32>
    %select_n3A_1938 = arith.select %lt3A_1937, %slice3A_1934, %select_n3A_1907 : vector<256x128xi1>, vector<256x128xf32>
    %select_n3A_1939 = arith.select %lt3A_1937, %select_n3A_1907, %slice3A_1934 : vector<256x128xi1>, vector<256x128xf32>
    %select_n3A_1940 = arith.select %lt3A_1937, %broadcast_in_dim3A_1936, %select_n3A_1909 : vector<256x128xi1>, vector<256x128xi32>
    %select_n3A_1941 = arith.select %lt3A_1937, %select_n3A_1909, %broadcast_in_dim3A_1936 : vector<256x128xi1>, vector<256x128xi32>
    %lt3A_1942 = arith.cmpf olt, %select_n3A_1939, %select_n3A_1912 : vector<256x128xf32>
    %select_n3A_1943 = arith.select %lt3A_1942, %select_n3A_1939, %select_n3A_1912 : vector<256x128xi1>, vector<256x128xf32>
    %select_n3A_1944 = arith.select %lt3A_1942, %select_n3A_1912, %select_n3A_1939 : vector<256x128xi1>, vector<256x128xf32>
    %select_n3A_1945 = arith.select %lt3A_1942, %select_n3A_1941, %select_n3A_1914 : vector<256x128xi1>, vector<256x128xi32>
    %select_n3A_1946 = arith.select %lt3A_1942, %select_n3A_1914, %select_n3A_1941 : vector<256x128xi1>, vector<256x128xi32>
    %lt3A_1947 = arith.cmpf olt, %select_n3A_1944, %select_n3A_1917 : vector<256x128xf32>
    %select_n3A_1948 = arith.select %lt3A_1947, %select_n3A_1944, %select_n3A_1917 : vector<256x128xi1>, vector<256x128xf32>
    %select_n3A_1949 = arith.select %lt3A_1947, %select_n3A_1917, %select_n3A_1944 : vector<256x128xi1>, vector<256x128xf32>
    %select_n3A_1950 = arith.select %lt3A_1947, %select_n3A_1946, %select_n3A_1919 : vector<256x128xi1>, vector<256x128xi32>
    %select_n3A_1951 = arith.select %lt3A_1947, %select_n3A_1919, %select_n3A_1946 : vector<256x128xi1>, vector<256x128xi32>
    %lt3A_1952 = arith.cmpf olt, %select_n3A_1949, %select_n3A_1922 : vector<256x128xf32>
    %select_n3A_1953 = arith.select %lt3A_1952, %select_n3A_1949, %select_n3A_1922 : vector<256x128xi1>, vector<256x128xf32>
    %select_n3A_1954 = arith.select %lt3A_1952, %select_n3A_1922, %select_n3A_1949 : vector<256x128xi1>, vector<256x128xf32>
    %select_n3A_1955 = arith.select %lt3A_1952, %select_n3A_1951, %select_n3A_1924 : vector<256x128xi1>, vector<256x128xi32>
    %select_n3A_1956 = arith.select %lt3A_1952, %select_n3A_1924, %select_n3A_1951 : vector<256x128xi1>, vector<256x128xi32>
    %lt3A_1957 = arith.cmpf olt, %select_n3A_1954, %select_n3A_1927 : vector<256x128xf32>
    %select_n3A_1958 = arith.select %lt3A_1957, %select_n3A_1954, %select_n3A_1927 : vector<256x128xi1>, vector<256x128xf32>
    %select_n3A_1959 = arith.select %lt3A_1957, %select_n3A_1927, %select_n3A_1954 : vector<256x128xi1>, vector<256x128xf32>
    %select_n3A_1960 = arith.select %lt3A_1957, %select_n3A_1956, %select_n3A_1929 : vector<256x128xi1>, vector<256x128xi32>
    %select_n3A_1961 = arith.select %lt3A_1957, %select_n3A_1929, %select_n3A_1956 : vector<256x128xi1>, vector<256x128xi32>
    %lt3A_1962 = arith.cmpf olt, %select_n3A_1959, %select_n3A_1932 : vector<256x128xf32>
    %select_n3A_1963 = arith.select %lt3A_1962, %select_n3A_1959, %select_n3A_1932 : vector<256x128xi1>, vector<256x128xf32>
    %select_n3A_1964 = arith.select %lt3A_1962, %select_n3A_1961, %select_n3A_1933 : vector<256x128xi1>, vector<256x128xi32>
    %slice3A_1965 = vector.extract_strided_slice %add3A_19 {offsets = [0, 7936], sizes = [256, 128], strides = [1, 1]} : vector<256x8192xf32> to vector<256x128xf32>
    %broadcast_in_dim3A_1966 = arith.constant 62 : i32
    %broadcast_in_dim3A_1967 = vector.broadcast %broadcast_in_dim3A_1966 : i32 to vector<256x128xi32>
    %lt3A_1968 = arith.cmpf olt, %slice3A_1965, %select_n3A_1938 : vector<256x128xf32>
    %select_n3A_1969 = arith.select %lt3A_1968, %slice3A_1965, %select_n3A_1938 : vector<256x128xi1>, vector<256x128xf32>
    %select_n3A_1970 = arith.select %lt3A_1968, %select_n3A_1938, %slice3A_1965 : vector<256x128xi1>, vector<256x128xf32>
    %select_n3A_1971 = arith.select %lt3A_1968, %broadcast_in_dim3A_1967, %select_n3A_1940 : vector<256x128xi1>, vector<256x128xi32>
    %select_n3A_1972 = arith.select %lt3A_1968, %select_n3A_1940, %broadcast_in_dim3A_1967 : vector<256x128xi1>, vector<256x128xi32>
    %lt3A_1973 = arith.cmpf olt, %select_n3A_1970, %select_n3A_1943 : vector<256x128xf32>
    %select_n3A_1974 = arith.select %lt3A_1973, %select_n3A_1970, %select_n3A_1943 : vector<256x128xi1>, vector<256x128xf32>
    %select_n3A_1975 = arith.select %lt3A_1973, %select_n3A_1943, %select_n3A_1970 : vector<256x128xi1>, vector<256x128xf32>
    %select_n3A_1976 = arith.select %lt3A_1973, %select_n3A_1972, %select_n3A_1945 : vector<256x128xi1>, vector<256x128xi32>
    %select_n3A_1977 = arith.select %lt3A_1973, %select_n3A_1945, %select_n3A_1972 : vector<256x128xi1>, vector<256x128xi32>
    %lt3A_1978 = arith.cmpf olt, %select_n3A_1975, %select_n3A_1948 : vector<256x128xf32>
    %select_n3A_1979 = arith.select %lt3A_1978, %select_n3A_1975, %select_n3A_1948 : vector<256x128xi1>, vector<256x128xf32>
    %select_n3A_1980 = arith.select %lt3A_1978, %select_n3A_1948, %select_n3A_1975 : vector<256x128xi1>, vector<256x128xf32>
    %select_n3A_1981 = arith.select %lt3A_1978, %select_n3A_1977, %select_n3A_1950 : vector<256x128xi1>, vector<256x128xi32>
    %select_n3A_1982 = arith.select %lt3A_1978, %select_n3A_1950, %select_n3A_1977 : vector<256x128xi1>, vector<256x128xi32>
    %lt3A_1983 = arith.cmpf olt, %select_n3A_1980, %select_n3A_1953 : vector<256x128xf32>
    %select_n3A_1984 = arith.select %lt3A_1983, %select_n3A_1980, %select_n3A_1953 : vector<256x128xi1>, vector<256x128xf32>
    %select_n3A_1985 = arith.select %lt3A_1983, %select_n3A_1953, %select_n3A_1980 : vector<256x128xi1>, vector<256x128xf32>
    %select_n3A_1986 = arith.select %lt3A_1983, %select_n3A_1982, %select_n3A_1955 : vector<256x128xi1>, vector<256x128xi32>
    %select_n3A_1987 = arith.select %lt3A_1983, %select_n3A_1955, %select_n3A_1982 : vector<256x128xi1>, vector<256x128xi32>
    %lt3A_1988 = arith.cmpf olt, %select_n3A_1985, %select_n3A_1958 : vector<256x128xf32>
    %select_n3A_1989 = arith.select %lt3A_1988, %select_n3A_1985, %select_n3A_1958 : vector<256x128xi1>, vector<256x128xf32>
    %select_n3A_1990 = arith.select %lt3A_1988, %select_n3A_1958, %select_n3A_1985 : vector<256x128xi1>, vector<256x128xf32>
    %select_n3A_1991 = arith.select %lt3A_1988, %select_n3A_1987, %select_n3A_1960 : vector<256x128xi1>, vector<256x128xi32>
    %select_n3A_1992 = arith.select %lt3A_1988, %select_n3A_1960, %select_n3A_1987 : vector<256x128xi1>, vector<256x128xi32>
    %lt3A_1993 = arith.cmpf olt, %select_n3A_1990, %select_n3A_1963 : vector<256x128xf32>
    %select_n3A_1994 = arith.select %lt3A_1993, %select_n3A_1990, %select_n3A_1963 : vector<256x128xi1>, vector<256x128xf32>
    %select_n3A_1995 = arith.select %lt3A_1993, %select_n3A_1992, %select_n3A_1964 : vector<256x128xi1>, vector<256x128xi32>
    %slice3A_1996 = vector.extract_strided_slice %add3A_19 {offsets = [0, 8064], sizes = [256, 128], strides = [1, 1]} : vector<256x8192xf32> to vector<256x128xf32>
    %broadcast_in_dim3A_1997 = arith.constant 63 : i32
    %broadcast_in_dim3A_1998 = vector.broadcast %broadcast_in_dim3A_1997 : i32 to vector<256x128xi32>
    %lt3A_1999 = arith.cmpf olt, %slice3A_1996, %select_n3A_1969 : vector<256x128xf32>
    %select_n3A_2000 = arith.select %lt3A_1999, %slice3A_1996, %select_n3A_1969 : vector<256x128xi1>, vector<256x128xf32>
    %select_n3A_2001 = arith.select %lt3A_1999, %select_n3A_1969, %slice3A_1996 : vector<256x128xi1>, vector<256x128xf32>
    %select_n3A_2002 = arith.select %lt3A_1999, %broadcast_in_dim3A_1998, %select_n3A_1971 : vector<256x128xi1>, vector<256x128xi32>
    %select_n3A_2003 = arith.select %lt3A_1999, %select_n3A_1971, %broadcast_in_dim3A_1998 : vector<256x128xi1>, vector<256x128xi32>
    %lt3A_2004 = arith.cmpf olt, %select_n3A_2001, %select_n3A_1974 : vector<256x128xf32>
    %select_n3A_2005 = arith.select %lt3A_2004, %select_n3A_2001, %select_n3A_1974 : vector<256x128xi1>, vector<256x128xf32>
    %select_n3A_2006 = arith.select %lt3A_2004, %select_n3A_1974, %select_n3A_2001 : vector<256x128xi1>, vector<256x128xf32>
    %select_n3A_2007 = arith.select %lt3A_2004, %select_n3A_2003, %select_n3A_1976 : vector<256x128xi1>, vector<256x128xi32>
    %select_n3A_2008 = arith.select %lt3A_2004, %select_n3A_1976, %select_n3A_2003 : vector<256x128xi1>, vector<256x128xi32>
    %lt3A_2009 = arith.cmpf olt, %select_n3A_2006, %select_n3A_1979 : vector<256x128xf32>
    %select_n3A_2010 = arith.select %lt3A_2009, %select_n3A_2006, %select_n3A_1979 : vector<256x128xi1>, vector<256x128xf32>
    %select_n3A_2011 = arith.select %lt3A_2009, %select_n3A_1979, %select_n3A_2006 : vector<256x128xi1>, vector<256x128xf32>
    %select_n3A_2012 = arith.select %lt3A_2009, %select_n3A_2008, %select_n3A_1981 : vector<256x128xi1>, vector<256x128xi32>
    %select_n3A_2013 = arith.select %lt3A_2009, %select_n3A_1981, %select_n3A_2008 : vector<256x128xi1>, vector<256x128xi32>
    %lt3A_2014 = arith.cmpf olt, %select_n3A_2011, %select_n3A_1984 : vector<256x128xf32>
    %select_n3A_2015 = arith.select %lt3A_2014, %select_n3A_2011, %select_n3A_1984 : vector<256x128xi1>, vector<256x128xf32>
    %select_n3A_2016 = arith.select %lt3A_2014, %select_n3A_1984, %select_n3A_2011 : vector<256x128xi1>, vector<256x128xf32>
    %select_n3A_2017 = arith.select %lt3A_2014, %select_n3A_2013, %select_n3A_1986 : vector<256x128xi1>, vector<256x128xi32>
    %select_n3A_2018 = arith.select %lt3A_2014, %select_n3A_1986, %select_n3A_2013 : vector<256x128xi1>, vector<256x128xi32>
    %lt3A_2019 = arith.cmpf olt, %select_n3A_2016, %select_n3A_1989 : vector<256x128xf32>
    %select_n3A_2020 = arith.select %lt3A_2019, %select_n3A_2016, %select_n3A_1989 : vector<256x128xi1>, vector<256x128xf32>
    %select_n3A_2021 = arith.select %lt3A_2019, %select_n3A_1989, %select_n3A_2016 : vector<256x128xi1>, vector<256x128xf32>
    %select_n3A_2022 = arith.select %lt3A_2019, %select_n3A_2018, %select_n3A_1991 : vector<256x128xi1>, vector<256x128xi32>
    %select_n3A_2023 = arith.select %lt3A_2019, %select_n3A_1991, %select_n3A_2018 : vector<256x128xi1>, vector<256x128xi32>
    %lt3A_2024 = arith.cmpf olt, %select_n3A_2021, %select_n3A_1994 : vector<256x128xf32>
    %select_n3A_2025 = arith.select %lt3A_2024, %select_n3A_2021, %select_n3A_1994 : vector<256x128xi1>, vector<256x128xf32>
    %select_n3A_2026 = arith.select %lt3A_2024, %select_n3A_2023, %select_n3A_1995 : vector<256x128xi1>, vector<256x128xi32>
    %iota3A = tpu.iota {dimensions = array<i32: 1>} : vector<256x128xi32>
    %concatenate3A = tpu.concatenate %select_n3A_2000, %select_n3A_2005, %select_n3A_2010, %select_n3A_2015, %select_n3A_2020, %select_n3A_2025 in 1 : vector<256x128xf32>, vector<256x128xf32>, vector<256x128xf32>, vector<256x128xf32>, vector<256x128xf32>, vector<256x128xf32> -> vector<256x768xf32>
    %mul3A_2027 = arith.constant 128 : i32
    %mul3A_2028 = vector.broadcast %mul3A_2027 : i32 to vector<256x128xi32>
    %mul3A_2029 = arith.muli %select_n3A_2002, %mul3A_2028 : vector<256x128xi32>
    %add3A_2030 = arith.addi %mul3A_2029, %iota3A : vector<256x128xi32>
    %mul3A_2031 = arith.constant 128 : i32
    %mul3A_2032 = vector.broadcast %mul3A_2031 : i32 to vector<256x128xi32>
    %mul3A_2033 = arith.muli %select_n3A_2007, %mul3A_2032 : vector<256x128xi32>
    %add3A_2034 = arith.addi %mul3A_2033, %iota3A : vector<256x128xi32>
    %mul3A_2035 = arith.constant 128 : i32
    %mul3A_2036 = vector.broadcast %mul3A_2035 : i32 to vector<256x128xi32>
    %mul3A_2037 = arith.muli %select_n3A_2012, %mul3A_2036 : vector<256x128xi32>
    %add3A_2038 = arith.addi %mul3A_2037, %iota3A : vector<256x128xi32>
    %mul3A_2039 = arith.constant 128 : i32
    %mul3A_2040 = vector.broadcast %mul3A_2039 : i32 to vector<256x128xi32>
    %mul3A_2041 = arith.muli %select_n3A_2017, %mul3A_2040 : vector<256x128xi32>
    %add3A_2042 = arith.addi %mul3A_2041, %iota3A : vector<256x128xi32>
    %mul3A_2043 = arith.constant 128 : i32
    %mul3A_2044 = vector.broadcast %mul3A_2043 : i32 to vector<256x128xi32>
    %mul3A_2045 = arith.muli %select_n3A_2022, %mul3A_2044 : vector<256x128xi32>
    %add3A_2046 = arith.addi %mul3A_2045, %iota3A : vector<256x128xi32>
    %mul3A_2047 = arith.constant 128 : i32
    %mul3A_2048 = vector.broadcast %mul3A_2047 : i32 to vector<256x128xi32>
    %mul3A_2049 = arith.muli %select_n3A_2026, %mul3A_2048 : vector<256x128xi32>
    %add3A_2050 = arith.addi %mul3A_2049, %iota3A : vector<256x128xi32>
    %concatenate3A_2051 = tpu.concatenate %add3A_2030, %add3A_2034, %add3A_2038, %add3A_2042, %add3A_2046, %add3A_2050 in 1 : vector<256x128xi32>, vector<256x128xi32>, vector<256x128xi32>, vector<256x128xi32>, vector<256x128xi32>, vector<256x128xi32> -> vector<256x768xi32>
    %reduce_min3A = arith.constant dense<0x7F800000> : vector<256xf32>
    %reduce_min3A_2052 = vector.multi_reduction <minimumf>, %concatenate3A, %reduce_min3A [1] : vector<256x768xf32> to vector<256xf32>
    %broadcast_in_dim3A_2053 = vector.shape_cast %reduce_min3A_2052 : vector<256xf32> to vector<256x1xf32>
    %eq3A = vector.broadcast %broadcast_in_dim3A_2053 : vector<256x1xf32> to vector<256x768xf32>
    %eq3A_2054 = arith.cmpf oeq, %concatenate3A, %eq3A : vector<256x768xf32>
    %jit3A = arith.constant 8192 : i32
    %broadcast_in_dim3A_2055 = vector.broadcast %jit3A : i32 to vector<256x768xi32>
    %select_n3A_2056 = arith.select %eq3A_2054, %concatenate3A_2051, %broadcast_in_dim3A_2055 : vector<256x768xi1>, vector<256x768xi32>
    %reduce_min3A_2057 = arith.constant dense<2147483647> : vector<256xi32>
    %reduce_min3A_2058 = vector.multi_reduction <minsi>, %select_n3A_2056, %reduce_min3A_2057 [1] : vector<256x768xi32> to vector<256xi32>
    %add3A_2059 = vector.broadcast %mul3A_21 : i32 to vector<256xi32>
    %add3A_2060 = arith.addi %reduce_min3A_2058, %add3A_2059 : vector<256xi32>
    %swap3A = arith.constant 0 : index
    %swap3A_2061 = arith.constant 0 : index
    %swap3A_2062 = arith.constant 0 : index
    %swap3A_2063 = vector.load %arg4[%swap3A, %swap3A_2061, %swap3A_2062] : memref<1x32x256xi32, #tpu.memory_space<vmem>>, vector<1x1x256xi32>
    %swap3A_2064 = vector.shape_cast %swap3A_2063 : vector<1x1x256xi32> to vector<256xi32>
    %swap3A_2065 = vector.shape_cast %add3A_2060 : vector<256xi32> to vector<1x1x256xi32>
    tpu.vector_store %arg4[%swap3A, %swap3A_2061, %swap3A_2062], %swap3A_2065 {strides = array<i32>} : memref<1x32x256xi32, #tpu.memory_space<vmem>>, vector<1x1x256xi32>,
    %broadcast_in_dim3A_2066 = vector.shape_cast %reduce_min3A_2058 : vector<256xi32> to vector<256x1xi32>
    %eq3A_2067 = vector.broadcast %broadcast_in_dim3A_2066 : vector<256x1xi32> to vector<256x768xi32>
    %eq3A_2068 = arith.cmpi eq, %concatenate3A_2051, %eq3A_2067 : vector<256x768xi32>
    %jit3A_2069 = arith.constant 0x7F800000 : f32
    %broadcast_in_dim3A_2070 = vector.broadcast %jit3A_2069 : f32 to vector<256x768xf32>
    %select_n3A_2071 = arith.select %eq3A_2068, %broadcast_in_dim3A_2070, %concatenate3A : vector<256x768xi1>, vector<256x768xf32>
    %reduce_min3A_2072 = arith.constant dense<0x7F800000> : vector<256xf32>
    %reduce_min3A_2073 = vector.multi_reduction <minimumf>, %select_n3A_2071, %reduce_min3A_2072 [1] : vector<256x768xf32> to vector<256xf32>
    %broadcast_in_dim3A_2074 = vector.shape_cast %reduce_min3A_2073 : vector<256xf32> to vector<256x1xf32>
    %eq3A_2075 = vector.broadcast %broadcast_in_dim3A_2074 : vector<256x1xf32> to vector<256x768xf32>
    %eq3A_2076 = arith.cmpf oeq, %select_n3A_2071, %eq3A_2075 : vector<256x768xf32>
    %jit3A_2077 = arith.constant 8192 : i32
    %broadcast_in_dim3A_2078 = vector.broadcast %jit3A_2077 : i32 to vector<256x768xi32>
    %select_n3A_2079 = arith.select %eq3A_2076, %concatenate3A_2051, %broadcast_in_dim3A_2078 : vector<256x768xi1>, vector<256x768xi32>
    %reduce_min3A_2080 = arith.constant dense<2147483647> : vector<256xi32>
    %reduce_min3A_2081 = vector.multi_reduction <minsi>, %select_n3A_2079, %reduce_min3A_2080 [1] : vector<256x768xi32> to vector<256xi32>
    %add3A_2082 = vector.broadcast %mul3A_21 : i32 to vector<256xi32>
    %add3A_2083 = arith.addi %reduce_min3A_2081, %add3A_2082 : vector<256xi32>
    %swap3A_2084 = arith.constant 0 : index
    %swap3A_2085 = arith.constant 1 : index
    %swap3A_2086 = arith.constant 0 : index
    %swap3A_2087 = vector.load %arg4[%swap3A_2084, %swap3A_2085, %swap3A_2086] : memref<1x32x256xi32, #tpu.memory_space<vmem>>, vector<1x1x256xi32>
    %swap3A_2088 = vector.shape_cast %swap3A_2087 : vector<1x1x256xi32> to vector<256xi32>
    %swap3A_2089 = vector.shape_cast %add3A_2083 : vector<256xi32> to vector<1x1x256xi32>
    tpu.vector_store %arg4[%swap3A_2084, %swap3A_2085, %swap3A_2086], %swap3A_2089 {strides = array<i32>} : memref<1x32x256xi32, #tpu.memory_space<vmem>>, vector<1x1x256xi32>,
    %broadcast_in_dim3A_2090 = vector.shape_cast %reduce_min3A_2081 : vector<256xi32> to vector<256x1xi32>
    %eq3A_2091 = vector.broadcast %broadcast_in_dim3A_2090 : vector<256x1xi32> to vector<256x768xi32>
    %eq3A_2092 = arith.cmpi eq, %concatenate3A_2051, %eq3A_2091 : vector<256x768xi32>
    %jit3A_2093 = arith.constant 0x7F800000 : f32
    %broadcast_in_dim3A_2094 = vector.broadcast %jit3A_2093 : f32 to vector<256x768xf32>
    %select_n3A_2095 = arith.select %eq3A_2092, %broadcast_in_dim3A_2094, %select_n3A_2071 : vector<256x768xi1>, vector<256x768xf32>
    %reduce_min3A_2096 = arith.constant dense<0x7F800000> : vector<256xf32>
    %reduce_min3A_2097 = vector.multi_reduction <minimumf>, %select_n3A_2095, %reduce_min3A_2096 [1] : vector<256x768xf32> to vector<256xf32>
    %broadcast_in_dim3A_2098 = vector.shape_cast %reduce_min3A_2097 : vector<256xf32> to vector<256x1xf32>
    %eq3A_2099 = vector.broadcast %broadcast_in_dim3A_2098 : vector<256x1xf32> to vector<256x768xf32>
    %eq3A_2100 = arith.cmpf oeq, %select_n3A_2095, %eq3A_2099 : vector<256x768xf32>
    %jit3A_2101 = arith.constant 8192 : i32
    %broadcast_in_dim3A_2102 = vector.broadcast %jit3A_2101 : i32 to vector<256x768xi32>
    %select_n3A_2103 = arith.select %eq3A_2100, %concatenate3A_2051, %broadcast_in_dim3A_2102 : vector<256x768xi1>, vector<256x768xi32>
    %reduce_min3A_2104 = arith.constant dense<2147483647> : vector<256xi32>
    %reduce_min3A_2105 = vector.multi_reduction <minsi>, %select_n3A_2103, %reduce_min3A_2104 [1] : vector<256x768xi32> to vector<256xi32>
    %add3A_2106 = vector.broadcast %mul3A_21 : i32 to vector<256xi32>
    %add3A_2107 = arith.addi %reduce_min3A_2105, %add3A_2106 : vector<256xi32>
    %swap3A_2108 = arith.constant 0 : index
    %swap3A_2109 = arith.constant 2 : index
    %swap3A_2110 = arith.constant 0 : index
    %swap3A_2111 = vector.load %arg4[%swap3A_2108, %swap3A_2109, %swap3A_2110] : memref<1x32x256xi32, #tpu.memory_space<vmem>>, vector<1x1x256xi32>
    %swap3A_2112 = vector.shape_cast %swap3A_2111 : vector<1x1x256xi32> to vector<256xi32>
    %swap3A_2113 = vector.shape_cast %add3A_2107 : vector<256xi32> to vector<1x1x256xi32>
    tpu.vector_store %arg4[%swap3A_2108, %swap3A_2109, %swap3A_2110], %swap3A_2113 {strides = array<i32>} : memref<1x32x256xi32, #tpu.memory_space<vmem>>, vector<1x1x256xi32>,
    %broadcast_in_dim3A_2114 = vector.shape_cast %reduce_min3A_2105 : vector<256xi32> to vector<256x1xi32>
    %eq3A_2115 = vector.broadcast %broadcast_in_dim3A_2114 : vector<256x1xi32> to vector<256x768xi32>
    %eq3A_2116 = arith.cmpi eq, %concatenate3A_2051, %eq3A_2115 : vector<256x768xi32>
    %jit3A_2117 = arith.constant 0x7F800000 : f32
    %broadcast_in_dim3A_2118 = vector.broadcast %jit3A_2117 : f32 to vector<256x768xf32>
    %select_n3A_2119 = arith.select %eq3A_2116, %broadcast_in_dim3A_2118, %select_n3A_2095 : vector<256x768xi1>, vector<256x768xf32>
    %reduce_min3A_2120 = arith.constant dense<0x7F800000> : vector<256xf32>
    %reduce_min3A_2121 = vector.multi_reduction <minimumf>, %select_n3A_2119, %reduce_min3A_2120 [1] : vector<256x768xf32> to vector<256xf32>
    %broadcast_in_dim3A_2122 = vector.shape_cast %reduce_min3A_2121 : vector<256xf32> to vector<256x1xf32>
    %eq3A_2123 = vector.broadcast %broadcast_in_dim3A_2122 : vector<256x1xf32> to vector<256x768xf32>
    %eq3A_2124 = arith.cmpf oeq, %select_n3A_2119, %eq3A_2123 : vector<256x768xf32>
    %jit3A_2125 = arith.constant 8192 : i32
    %broadcast_in_dim3A_2126 = vector.broadcast %jit3A_2125 : i32 to vector<256x768xi32>
    %select_n3A_2127 = arith.select %eq3A_2124, %concatenate3A_2051, %broadcast_in_dim3A_2126 : vector<256x768xi1>, vector<256x768xi32>
    %reduce_min3A_2128 = arith.constant dense<2147483647> : vector<256xi32>
    %reduce_min3A_2129 = vector.multi_reduction <minsi>, %select_n3A_2127, %reduce_min3A_2128 [1] : vector<256x768xi32> to vector<256xi32>
    %add3A_2130 = vector.broadcast %mul3A_21 : i32 to vector<256xi32>
    %add3A_2131 = arith.addi %reduce_min3A_2129, %add3A_2130 : vector<256xi32>
    %swap3A_2132 = arith.constant 0 : index
    %swap3A_2133 = arith.constant 3 : index
    %swap3A_2134 = arith.constant 0 : index
    %swap3A_2135 = vector.load %arg4[%swap3A_2132, %swap3A_2133, %swap3A_2134] : memref<1x32x256xi32, #tpu.memory_space<vmem>>, vector<1x1x256xi32>
    %swap3A_2136 = vector.shape_cast %swap3A_2135 : vector<1x1x256xi32> to vector<256xi32>
    %swap3A_2137 = vector.shape_cast %add3A_2131 : vector<256xi32> to vector<1x1x256xi32>
    tpu.vector_store %arg4[%swap3A_2132, %swap3A_2133, %swap3A_2134], %swap3A_2137 {strides = array<i32>} : memref<1x32x256xi32, #tpu.memory_space<vmem>>, vector<1x1x256xi32>,
    %broadcast_in_dim3A_2138 = vector.shape_cast %reduce_min3A_2129 : vector<256xi32> to vector<256x1xi32>
    %eq3A_2139 = vector.broadcast %broadcast_in_dim3A_2138 : vector<256x1xi32> to vector<256x768xi32>
    %eq3A_2140 = arith.cmpi eq, %concatenate3A_2051, %eq3A_2139 : vector<256x768xi32>
    %jit3A_2141 = arith.constant 0x7F800000 : f32
    %broadcast_in_dim3A_2142 = vector.broadcast %jit3A_2141 : f32 to vector<256x768xf32>
    %select_n3A_2143 = arith.select %eq3A_2140, %broadcast_in_dim3A_2142, %select_n3A_2119 : vector<256x768xi1>, vector<256x768xf32>
    %reduce_min3A_2144 = arith.constant dense<0x7F800000> : vector<256xf32>
    %reduce_min3A_2145 = vector.multi_reduction <minimumf>, %select_n3A_2143, %reduce_min3A_2144 [1] : vector<256x768xf32> to vector<256xf32>
    %broadcast_in_dim3A_2146 = vector.shape_cast %reduce_min3A_2145 : vector<256xf32> to vector<256x1xf32>
    %eq3A_2147 = vector.broadcast %broadcast_in_dim3A_2146 : vector<256x1xf32> to vector<256x768xf32>
    %eq3A_2148 = arith.cmpf oeq, %select_n3A_2143, %eq3A_2147 : vector<256x768xf32>
    %jit3A_2149 = arith.constant 8192 : i32
    %broadcast_in_dim3A_2150 = vector.broadcast %jit3A_2149 : i32 to vector<256x768xi32>
    %select_n3A_2151 = arith.select %eq3A_2148, %concatenate3A_2051, %broadcast_in_dim3A_2150 : vector<256x768xi1>, vector<256x768xi32>
    %reduce_min3A_2152 = arith.constant dense<2147483647> : vector<256xi32>
    %reduce_min3A_2153 = vector.multi_reduction <minsi>, %select_n3A_2151, %reduce_min3A_2152 [1] : vector<256x768xi32> to vector<256xi32>
    %add3A_2154 = vector.broadcast %mul3A_21 : i32 to vector<256xi32>
    %add3A_2155 = arith.addi %reduce_min3A_2153, %add3A_2154 : vector<256xi32>
    %swap3A_2156 = arith.constant 0 : index
    %swap3A_2157 = arith.constant 4 : index
    %swap3A_2158 = arith.constant 0 : index
    %swap3A_2159 = vector.load %arg4[%swap3A_2156, %swap3A_2157, %swap3A_2158] : memref<1x32x256xi32, #tpu.memory_space<vmem>>, vector<1x1x256xi32>
    %swap3A_2160 = vector.shape_cast %swap3A_2159 : vector<1x1x256xi32> to vector<256xi32>
    %swap3A_2161 = vector.shape_cast %add3A_2155 : vector<256xi32> to vector<1x1x256xi32>
    tpu.vector_store %arg4[%swap3A_2156, %swap3A_2157, %swap3A_2158], %swap3A_2161 {strides = array<i32>} : memref<1x32x256xi32, #tpu.memory_space<vmem>>, vector<1x1x256xi32>,
    %broadcast_in_dim3A_2162 = vector.shape_cast %reduce_min3A_2153 : vector<256xi32> to vector<256x1xi32>
    %eq3A_2163 = vector.broadcast %broadcast_in_dim3A_2162 : vector<256x1xi32> to vector<256x768xi32>
    %eq3A_2164 = arith.cmpi eq, %concatenate3A_2051, %eq3A_2163 : vector<256x768xi32>
    %jit3A_2165 = arith.constant 0x7F800000 : f32
    %broadcast_in_dim3A_2166 = vector.broadcast %jit3A_2165 : f32 to vector<256x768xf32>
    %select_n3A_2167 = arith.select %eq3A_2164, %broadcast_in_dim3A_2166, %select_n3A_2143 : vector<256x768xi1>, vector<256x768xf32>
    %reduce_min3A_2168 = arith.constant dense<0x7F800000> : vector<256xf32>
    %reduce_min3A_2169 = vector.multi_reduction <minimumf>, %select_n3A_2167, %reduce_min3A_2168 [1] : vector<256x768xf32> to vector<256xf32>
    %broadcast_in_dim3A_2170 = vector.shape_cast %reduce_min3A_2169 : vector<256xf32> to vector<256x1xf32>
    %eq3A_2171 = vector.broadcast %broadcast_in_dim3A_2170 : vector<256x1xf32> to vector<256x768xf32>
    %eq3A_2172 = arith.cmpf oeq, %select_n3A_2167, %eq3A_2171 : vector<256x768xf32>
    %jit3A_2173 = arith.constant 8192 : i32
    %broadcast_in_dim3A_2174 = vector.broadcast %jit3A_2173 : i32 to vector<256x768xi32>
    %select_n3A_2175 = arith.select %eq3A_2172, %concatenate3A_2051, %broadcast_in_dim3A_2174 : vector<256x768xi1>, vector<256x768xi32>
    %reduce_min3A_2176 = arith.constant dense<2147483647> : vector<256xi32>
    %reduce_min3A_2177 = vector.multi_reduction <minsi>, %select_n3A_2175, %reduce_min3A_2176 [1] : vector<256x768xi32> to vector<256xi32>
    %add3A_2178 = vector.broadcast %mul3A_21 : i32 to vector<256xi32>
    %add3A_2179 = arith.addi %reduce_min3A_2177, %add3A_2178 : vector<256xi32>
    %swap3A_2180 = arith.constant 0 : index
    %swap3A_2181 = arith.constant 5 : index
    %swap3A_2182 = arith.constant 0 : index
    %swap3A_2183 = vector.load %arg4[%swap3A_2180, %swap3A_2181, %swap3A_2182] : memref<1x32x256xi32, #tpu.memory_space<vmem>>, vector<1x1x256xi32>
    %swap3A_2184 = vector.shape_cast %swap3A_2183 : vector<1x1x256xi32> to vector<256xi32>
    %swap3A_2185 = vector.shape_cast %add3A_2179 : vector<256xi32> to vector<1x1x256xi32>
    tpu.vector_store %arg4[%swap3A_2180, %swap3A_2181, %swap3A_2182], %swap3A_2185 {strides = array<i32>} : memref<1x32x256xi32, #tpu.memory_space<vmem>>, vector<1x1x256xi32>,
    %broadcast_in_dim3A_2186 = vector.shape_cast %reduce_min3A_2177 : vector<256xi32> to vector<256x1xi32>
    %eq3A_2187 = vector.broadcast %broadcast_in_dim3A_2186 : vector<256x1xi32> to vector<256x768xi32>
    %eq3A_2188 = arith.cmpi eq, %concatenate3A_2051, %eq3A_2187 : vector<256x768xi32>
    %jit3A_2189 = arith.constant 0x7F800000 : f32
    %broadcast_in_dim3A_2190 = vector.broadcast %jit3A_2189 : f32 to vector<256x768xf32>
    %select_n3A_2191 = arith.select %eq3A_2188, %broadcast_in_dim3A_2190, %select_n3A_2167 : vector<256x768xi1>, vector<256x768xf32>
    %reduce_min3A_2192 = arith.constant dense<0x7F800000> : vector<256xf32>
    %reduce_min3A_2193 = vector.multi_reduction <minimumf>, %select_n3A_2191, %reduce_min3A_2192 [1] : vector<256x768xf32> to vector<256xf32>
    %broadcast_in_dim3A_2194 = vector.shape_cast %reduce_min3A_2193 : vector<256xf32> to vector<256x1xf32>
    %eq3A_2195 = vector.broadcast %broadcast_in_dim3A_2194 : vector<256x1xf32> to vector<256x768xf32>
    %eq3A_2196 = arith.cmpf oeq, %select_n3A_2191, %eq3A_2195 : vector<256x768xf32>
    %jit3A_2197 = arith.constant 8192 : i32
    %broadcast_in_dim3A_2198 = vector.broadcast %jit3A_2197 : i32 to vector<256x768xi32>
    %select_n3A_2199 = arith.select %eq3A_2196, %concatenate3A_2051, %broadcast_in_dim3A_2198 : vector<256x768xi1>, vector<256x768xi32>
    %reduce_min3A_2200 = arith.constant dense<2147483647> : vector<256xi32>
    %reduce_min3A_2201 = vector.multi_reduction <minsi>, %select_n3A_2199, %reduce_min3A_2200 [1] : vector<256x768xi32> to vector<256xi32>
    %add3A_2202 = vector.broadcast %mul3A_21 : i32 to vector<256xi32>
    %add3A_2203 = arith.addi %reduce_min3A_2201, %add3A_2202 : vector<256xi32>
    %swap3A_2204 = arith.constant 0 : index
    %swap3A_2205 = arith.constant 6 : index
    %swap3A_2206 = arith.constant 0 : index
    %swap3A_2207 = vector.load %arg4[%swap3A_2204, %swap3A_2205, %swap3A_2206] : memref<1x32x256xi32, #tpu.memory_space<vmem>>, vector<1x1x256xi32>
    %swap3A_2208 = vector.shape_cast %swap3A_2207 : vector<1x1x256xi32> to vector<256xi32>
    %swap3A_2209 = vector.shape_cast %add3A_2203 : vector<256xi32> to vector<1x1x256xi32>
    tpu.vector_store %arg4[%swap3A_2204, %swap3A_2205, %swap3A_2206], %swap3A_2209 {strides = array<i32>} : memref<1x32x256xi32, #tpu.memory_space<vmem>>, vector<1x1x256xi32>,
    %broadcast_in_dim3A_2210 = vector.shape_cast %reduce_min3A_2201 : vector<256xi32> to vector<256x1xi32>
    %eq3A_2211 = vector.broadcast %broadcast_in_dim3A_2210 : vector<256x1xi32> to vector<256x768xi32>
    %eq3A_2212 = arith.cmpi eq, %concatenate3A_2051, %eq3A_2211 : vector<256x768xi32>
    %jit3A_2213 = arith.constant 0x7F800000 : f32
    %broadcast_in_dim3A_2214 = vector.broadcast %jit3A_2213 : f32 to vector<256x768xf32>
    %select_n3A_2215 = arith.select %eq3A_2212, %broadcast_in_dim3A_2214, %select_n3A_2191 : vector<256x768xi1>, vector<256x768xf32>
    %reduce_min3A_2216 = arith.constant dense<0x7F800000> : vector<256xf32>
    %reduce_min3A_2217 = vector.multi_reduction <minimumf>, %select_n3A_2215, %reduce_min3A_2216 [1] : vector<256x768xf32> to vector<256xf32>
    %broadcast_in_dim3A_2218 = vector.shape_cast %reduce_min3A_2217 : vector<256xf32> to vector<256x1xf32>
    %eq3A_2219 = vector.broadcast %broadcast_in_dim3A_2218 : vector<256x1xf32> to vector<256x768xf32>
    %eq3A_2220 = arith.cmpf oeq, %select_n3A_2215, %eq3A_2219 : vector<256x768xf32>
    %jit3A_2221 = arith.constant 8192 : i32
    %broadcast_in_dim3A_2222 = vector.broadcast %jit3A_2221 : i32 to vector<256x768xi32>
    %select_n3A_2223 = arith.select %eq3A_2220, %concatenate3A_2051, %broadcast_in_dim3A_2222 : vector<256x768xi1>, vector<256x768xi32>
    %reduce_min3A_2224 = arith.constant dense<2147483647> : vector<256xi32>
    %reduce_min3A_2225 = vector.multi_reduction <minsi>, %select_n3A_2223, %reduce_min3A_2224 [1] : vector<256x768xi32> to vector<256xi32>
    %add3A_2226 = vector.broadcast %mul3A_21 : i32 to vector<256xi32>
    %add3A_2227 = arith.addi %reduce_min3A_2225, %add3A_2226 : vector<256xi32>
    %swap3A_2228 = arith.constant 0 : index
    %swap3A_2229 = arith.constant 7 : index
    %swap3A_2230 = arith.constant 0 : index
    %swap3A_2231 = vector.load %arg4[%swap3A_2228, %swap3A_2229, %swap3A_2230] : memref<1x32x256xi32, #tpu.memory_space<vmem>>, vector<1x1x256xi32>
    %swap3A_2232 = vector.shape_cast %swap3A_2231 : vector<1x1x256xi32> to vector<256xi32>
    %swap3A_2233 = vector.shape_cast %add3A_2227 : vector<256xi32> to vector<1x1x256xi32>
    tpu.vector_store %arg4[%swap3A_2228, %swap3A_2229, %swap3A_2230], %swap3A_2233 {strides = array<i32>} : memref<1x32x256xi32, #tpu.memory_space<vmem>>, vector<1x1x256xi32>,
    %broadcast_in_dim3A_2234 = vector.shape_cast %reduce_min3A_2225 : vector<256xi32> to vector<256x1xi32>
    %eq3A_2235 = vector.broadcast %broadcast_in_dim3A_2234 : vector<256x1xi32> to vector<256x768xi32>
    %eq3A_2236 = arith.cmpi eq, %concatenate3A_2051, %eq3A_2235 : vector<256x768xi32>
    %jit3A_2237 = arith.constant 0x7F800000 : f32
    %broadcast_in_dim3A_2238 = vector.broadcast %jit3A_2237 : f32 to vector<256x768xf32>
    %select_n3A_2239 = arith.select %eq3A_2236, %broadcast_in_dim3A_2238, %select_n3A_2215 : vector<256x768xi1>, vector<256x768xf32>
    %reduce_min3A_2240 = arith.constant dense<0x7F800000> : vector<256xf32>
    %reduce_min3A_2241 = vector.multi_reduction <minimumf>, %select_n3A_2239, %reduce_min3A_2240 [1] : vector<256x768xf32> to vector<256xf32>
    %broadcast_in_dim3A_2242 = vector.shape_cast %reduce_min3A_2241 : vector<256xf32> to vector<256x1xf32>
    %eq3A_2243 = vector.broadcast %broadcast_in_dim3A_2242 : vector<256x1xf32> to vector<256x768xf32>
    %eq3A_2244 = arith.cmpf oeq, %select_n3A_2239, %eq3A_2243 : vector<256x768xf32>
    %jit3A_2245 = arith.constant 8192 : i32
    %broadcast_in_dim3A_2246 = vector.broadcast %jit3A_2245 : i32 to vector<256x768xi32>
    %select_n3A_2247 = arith.select %eq3A_2244, %concatenate3A_2051, %broadcast_in_dim3A_2246 : vector<256x768xi1>, vector<256x768xi32>
    %reduce_min3A_2248 = arith.constant dense<2147483647> : vector<256xi32>
    %reduce_min3A_2249 = vector.multi_reduction <minsi>, %select_n3A_2247, %reduce_min3A_2248 [1] : vector<256x768xi32> to vector<256xi32>
    %add3A_2250 = vector.broadcast %mul3A_21 : i32 to vector<256xi32>
    %add3A_2251 = arith.addi %reduce_min3A_2249, %add3A_2250 : vector<256xi32>
    %swap3A_2252 = arith.constant 0 : index
    %swap3A_2253 = arith.constant 8 : index
    %swap3A_2254 = arith.constant 0 : index
    %swap3A_2255 = vector.load %arg4[%swap3A_2252, %swap3A_2253, %swap3A_2254] : memref<1x32x256xi32, #tpu.memory_space<vmem>>, vector<1x1x256xi32>
    %swap3A_2256 = vector.shape_cast %swap3A_2255 : vector<1x1x256xi32> to vector<256xi32>
    %swap3A_2257 = vector.shape_cast %add3A_2251 : vector<256xi32> to vector<1x1x256xi32>
    tpu.vector_store %arg4[%swap3A_2252, %swap3A_2253, %swap3A_2254], %swap3A_2257 {strides = array<i32>} : memref<1x32x256xi32, #tpu.memory_space<vmem>>, vector<1x1x256xi32>,
    %broadcast_in_dim3A_2258 = vector.shape_cast %reduce_min3A_2249 : vector<256xi32> to vector<256x1xi32>
    %eq3A_2259 = vector.broadcast %broadcast_in_dim3A_2258 : vector<256x1xi32> to vector<256x768xi32>
    %eq3A_2260 = arith.cmpi eq, %concatenate3A_2051, %eq3A_2259 : vector<256x768xi32>
    %jit3A_2261 = arith.constant 0x7F800000 : f32
    %broadcast_in_dim3A_2262 = vector.broadcast %jit3A_2261 : f32 to vector<256x768xf32>
    %select_n3A_2263 = arith.select %eq3A_2260, %broadcast_in_dim3A_2262, %select_n3A_2239 : vector<256x768xi1>, vector<256x768xf32>
    %reduce_min3A_2264 = arith.constant dense<0x7F800000> : vector<256xf32>
    %reduce_min3A_2265 = vector.multi_reduction <minimumf>, %select_n3A_2263, %reduce_min3A_2264 [1] : vector<256x768xf32> to vector<256xf32>
    %broadcast_in_dim3A_2266 = vector.shape_cast %reduce_min3A_2265 : vector<256xf32> to vector<256x1xf32>
    %eq3A_2267 = vector.broadcast %broadcast_in_dim3A_2266 : vector<256x1xf32> to vector<256x768xf32>
    %eq3A_2268 = arith.cmpf oeq, %select_n3A_2263, %eq3A_2267 : vector<256x768xf32>
    %jit3A_2269 = arith.constant 8192 : i32
    %broadcast_in_dim3A_2270 = vector.broadcast %jit3A_2269 : i32 to vector<256x768xi32>
    %select_n3A_2271 = arith.select %eq3A_2268, %concatenate3A_2051, %broadcast_in_dim3A_2270 : vector<256x768xi1>, vector<256x768xi32>
    %reduce_min3A_2272 = arith.constant dense<2147483647> : vector<256xi32>
    %reduce_min3A_2273 = vector.multi_reduction <minsi>, %select_n3A_2271, %reduce_min3A_2272 [1] : vector<256x768xi32> to vector<256xi32>
    %add3A_2274 = vector.broadcast %mul3A_21 : i32 to vector<256xi32>
    %add3A_2275 = arith.addi %reduce_min3A_2273, %add3A_2274 : vector<256xi32>
    %swap3A_2276 = arith.constant 0 : index
    %swap3A_2277 = arith.constant 9 : index
    %swap3A_2278 = arith.constant 0 : index
    %swap3A_2279 = vector.load %arg4[%swap3A_2276, %swap3A_2277, %swap3A_2278] : memref<1x32x256xi32, #tpu.memory_space<vmem>>, vector<1x1x256xi32>
    %swap3A_2280 = vector.shape_cast %swap3A_2279 : vector<1x1x256xi32> to vector<256xi32>
    %swap3A_2281 = vector.shape_cast %add3A_2275 : vector<256xi32> to vector<1x1x256xi32>
    tpu.vector_store %arg4[%swap3A_2276, %swap3A_2277, %swap3A_2278], %swap3A_2281 {strides = array<i32>} : memref<1x32x256xi32, #tpu.memory_space<vmem>>, vector<1x1x256xi32>,
    %broadcast_in_dim3A_2282 = vector.shape_cast %reduce_min3A_2273 : vector<256xi32> to vector<256x1xi32>
    %eq3A_2283 = vector.broadcast %broadcast_in_dim3A_2282 : vector<256x1xi32> to vector<256x768xi32>
    %eq3A_2284 = arith.cmpi eq, %concatenate3A_2051, %eq3A_2283 : vector<256x768xi32>
    %jit3A_2285 = arith.constant 0x7F800000 : f32
    %broadcast_in_dim3A_2286 = vector.broadcast %jit3A_2285 : f32 to vector<256x768xf32>
    %select_n3A_2287 = arith.select %eq3A_2284, %broadcast_in_dim3A_2286, %select_n3A_2263 : vector<256x768xi1>, vector<256x768xf32>
    %reduce_min3A_2288 = arith.constant dense<0x7F800000> : vector<256xf32>
    %reduce_min3A_2289 = vector.multi_reduction <minimumf>, %select_n3A_2287, %reduce_min3A_2288 [1] : vector<256x768xf32> to vector<256xf32>
    %broadcast_in_dim3A_2290 = vector.shape_cast %reduce_min3A_2289 : vector<256xf32> to vector<256x1xf32>
    %eq3A_2291 = vector.broadcast %broadcast_in_dim3A_2290 : vector<256x1xf32> to vector<256x768xf32>
    %eq3A_2292 = arith.cmpf oeq, %select_n3A_2287, %eq3A_2291 : vector<256x768xf32>
    %jit3A_2293 = arith.constant 8192 : i32
    %broadcast_in_dim3A_2294 = vector.broadcast %jit3A_2293 : i32 to vector<256x768xi32>
    %select_n3A_2295 = arith.select %eq3A_2292, %concatenate3A_2051, %broadcast_in_dim3A_2294 : vector<256x768xi1>, vector<256x768xi32>
    %reduce_min3A_2296 = arith.constant dense<2147483647> : vector<256xi32>
    %reduce_min3A_2297 = vector.multi_reduction <minsi>, %select_n3A_2295, %reduce_min3A_2296 [1] : vector<256x768xi32> to vector<256xi32>
    %add3A_2298 = vector.broadcast %mul3A_21 : i32 to vector<256xi32>
    %add3A_2299 = arith.addi %reduce_min3A_2297, %add3A_2298 : vector<256xi32>
    %swap3A_2300 = arith.constant 0 : index
    %swap3A_2301 = arith.constant 10 : index
    %swap3A_2302 = arith.constant 0 : index
    %swap3A_2303 = vector.load %arg4[%swap3A_2300, %swap3A_2301, %swap3A_2302] : memref<1x32x256xi32, #tpu.memory_space<vmem>>, vector<1x1x256xi32>
    %swap3A_2304 = vector.shape_cast %swap3A_2303 : vector<1x1x256xi32> to vector<256xi32>
    %swap3A_2305 = vector.shape_cast %add3A_2299 : vector<256xi32> to vector<1x1x256xi32>
    tpu.vector_store %arg4[%swap3A_2300, %swap3A_2301, %swap3A_2302], %swap3A_2305 {strides = array<i32>} : memref<1x32x256xi32, #tpu.memory_space<vmem>>, vector<1x1x256xi32>,
    %broadcast_in_dim3A_2306 = vector.shape_cast %reduce_min3A_2297 : vector<256xi32> to vector<256x1xi32>
    %eq3A_2307 = vector.broadcast %broadcast_in_dim3A_2306 : vector<256x1xi32> to vector<256x768xi32>
    %eq3A_2308 = arith.cmpi eq, %concatenate3A_2051, %eq3A_2307 : vector<256x768xi32>
    %jit3A_2309 = arith.constant 0x7F800000 : f32
    %broadcast_in_dim3A_2310 = vector.broadcast %jit3A_2309 : f32 to vector<256x768xf32>
    %select_n3A_2311 = arith.select %eq3A_2308, %broadcast_in_dim3A_2310, %select_n3A_2287 : vector<256x768xi1>, vector<256x768xf32>
    %reduce_min3A_2312 = arith.constant dense<0x7F800000> : vector<256xf32>
    %reduce_min3A_2313 = vector.multi_reduction <minimumf>, %select_n3A_2311, %reduce_min3A_2312 [1] : vector<256x768xf32> to vector<256xf32>
    %broadcast_in_dim3A_2314 = vector.shape_cast %reduce_min3A_2313 : vector<256xf32> to vector<256x1xf32>
    %eq3A_2315 = vector.broadcast %broadcast_in_dim3A_2314 : vector<256x1xf32> to vector<256x768xf32>
    %eq3A_2316 = arith.cmpf oeq, %select_n3A_2311, %eq3A_2315 : vector<256x768xf32>
    %jit3A_2317 = arith.constant 8192 : i32
    %broadcast_in_dim3A_2318 = vector.broadcast %jit3A_2317 : i32 to vector<256x768xi32>
    %select_n3A_2319 = arith.select %eq3A_2316, %concatenate3A_2051, %broadcast_in_dim3A_2318 : vector<256x768xi1>, vector<256x768xi32>
    %reduce_min3A_2320 = arith.constant dense<2147483647> : vector<256xi32>
    %reduce_min3A_2321 = vector.multi_reduction <minsi>, %select_n3A_2319, %reduce_min3A_2320 [1] : vector<256x768xi32> to vector<256xi32>
    %add3A_2322 = vector.broadcast %mul3A_21 : i32 to vector<256xi32>
    %add3A_2323 = arith.addi %reduce_min3A_2321, %add3A_2322 : vector<256xi32>
    %swap3A_2324 = arith.constant 0 : index
    %swap3A_2325 = arith.constant 11 : index
    %swap3A_2326 = arith.constant 0 : index
    %swap3A_2327 = vector.load %arg4[%swap3A_2324, %swap3A_2325, %swap3A_2326] : memref<1x32x256xi32, #tpu.memory_space<vmem>>, vector<1x1x256xi32>
    %swap3A_2328 = vector.shape_cast %swap3A_2327 : vector<1x1x256xi32> to vector<256xi32>
    %swap3A_2329 = vector.shape_cast %add3A_2323 : vector<256xi32> to vector<1x1x256xi32>
    tpu.vector_store %arg4[%swap3A_2324, %swap3A_2325, %swap3A_2326], %swap3A_2329 {strides = array<i32>} : memref<1x32x256xi32, #tpu.memory_space<vmem>>, vector<1x1x256xi32>,
    %broadcast_in_dim3A_2330 = vector.shape_cast %reduce_min3A_2321 : vector<256xi32> to vector<256x1xi32>
    %eq3A_2331 = vector.broadcast %broadcast_in_dim3A_2330 : vector<256x1xi32> to vector<256x768xi32>
    %eq3A_2332 = arith.cmpi eq, %concatenate3A_2051, %eq3A_2331 : vector<256x768xi32>
    %jit3A_2333 = arith.constant 0x7F800000 : f32
    %broadcast_in_dim3A_2334 = vector.broadcast %jit3A_2333 : f32 to vector<256x768xf32>
    %select_n3A_2335 = arith.select %eq3A_2332, %broadcast_in_dim3A_2334, %select_n3A_2311 : vector<256x768xi1>, vector<256x768xf32>
    %reduce_min3A_2336 = arith.constant dense<0x7F800000> : vector<256xf32>
    %reduce_min3A_2337 = vector.multi_reduction <minimumf>, %select_n3A_2335, %reduce_min3A_2336 [1] : vector<256x768xf32> to vector<256xf32>
    %broadcast_in_dim3A_2338 = vector.shape_cast %reduce_min3A_2337 : vector<256xf32> to vector<256x1xf32>
    %eq3A_2339 = vector.broadcast %broadcast_in_dim3A_2338 : vector<256x1xf32> to vector<256x768xf32>
    %eq3A_2340 = arith.cmpf oeq, %select_n3A_2335, %eq3A_2339 : vector<256x768xf32>
    %jit3A_2341 = arith.constant 8192 : i32
    %broadcast_in_dim3A_2342 = vector.broadcast %jit3A_2341 : i32 to vector<256x768xi32>
    %select_n3A_2343 = arith.select %eq3A_2340, %concatenate3A_2051, %broadcast_in_dim3A_2342 : vector<256x768xi1>, vector<256x768xi32>
    %reduce_min3A_2344 = arith.constant dense<2147483647> : vector<256xi32>
    %reduce_min3A_2345 = vector.multi_reduction <minsi>, %select_n3A_2343, %reduce_min3A_2344 [1] : vector<256x768xi32> to vector<256xi32>
    %add3A_2346 = vector.broadcast %mul3A_21 : i32 to vector<256xi32>
    %add3A_2347 = arith.addi %reduce_min3A_2345, %add3A_2346 : vector<256xi32>
    %swap3A_2348 = arith.constant 0 : index
    %swap3A_2349 = arith.constant 12 : index
    %swap3A_2350 = arith.constant 0 : index
    %swap3A_2351 = vector.load %arg4[%swap3A_2348, %swap3A_2349, %swap3A_2350] : memref<1x32x256xi32, #tpu.memory_space<vmem>>, vector<1x1x256xi32>
    %swap3A_2352 = vector.shape_cast %swap3A_2351 : vector<1x1x256xi32> to vector<256xi32>
    %swap3A_2353 = vector.shape_cast %add3A_2347 : vector<256xi32> to vector<1x1x256xi32>
    tpu.vector_store %arg4[%swap3A_2348, %swap3A_2349, %swap3A_2350], %swap3A_2353 {strides = array<i32>} : memref<1x32x256xi32, #tpu.memory_space<vmem>>, vector<1x1x256xi32>,
    %broadcast_in_dim3A_2354 = vector.shape_cast %reduce_min3A_2345 : vector<256xi32> to vector<256x1xi32>
    %eq3A_2355 = vector.broadcast %broadcast_in_dim3A_2354 : vector<256x1xi32> to vector<256x768xi32>
    %eq3A_2356 = arith.cmpi eq, %concatenate3A_2051, %eq3A_2355 : vector<256x768xi32>
    %jit3A_2357 = arith.constant 0x7F800000 : f32
    %broadcast_in_dim3A_2358 = vector.broadcast %jit3A_2357 : f32 to vector<256x768xf32>
    %select_n3A_2359 = arith.select %eq3A_2356, %broadcast_in_dim3A_2358, %select_n3A_2335 : vector<256x768xi1>, vector<256x768xf32>
    %reduce_min3A_2360 = arith.constant dense<0x7F800000> : vector<256xf32>
    %reduce_min3A_2361 = vector.multi_reduction <minimumf>, %select_n3A_2359, %reduce_min3A_2360 [1] : vector<256x768xf32> to vector<256xf32>
    %broadcast_in_dim3A_2362 = vector.shape_cast %reduce_min3A_2361 : vector<256xf32> to vector<256x1xf32>
    %eq3A_2363 = vector.broadcast %broadcast_in_dim3A_2362 : vector<256x1xf32> to vector<256x768xf32>
    %eq3A_2364 = arith.cmpf oeq, %select_n3A_2359, %eq3A_2363 : vector<256x768xf32>
    %jit3A_2365 = arith.constant 8192 : i32
    %broadcast_in_dim3A_2366 = vector.broadcast %jit3A_2365 : i32 to vector<256x768xi32>
    %select_n3A_2367 = arith.select %eq3A_2364, %concatenate3A_2051, %broadcast_in_dim3A_2366 : vector<256x768xi1>, vector<256x768xi32>
    %reduce_min3A_2368 = arith.constant dense<2147483647> : vector<256xi32>
    %reduce_min3A_2369 = vector.multi_reduction <minsi>, %select_n3A_2367, %reduce_min3A_2368 [1] : vector<256x768xi32> to vector<256xi32>
    %add3A_2370 = vector.broadcast %mul3A_21 : i32 to vector<256xi32>
    %add3A_2371 = arith.addi %reduce_min3A_2369, %add3A_2370 : vector<256xi32>
    %swap3A_2372 = arith.constant 0 : index
    %swap3A_2373 = arith.constant 13 : index
    %swap3A_2374 = arith.constant 0 : index
    %swap3A_2375 = vector.load %arg4[%swap3A_2372, %swap3A_2373, %swap3A_2374] : memref<1x32x256xi32, #tpu.memory_space<vmem>>, vector<1x1x256xi32>
    %swap3A_2376 = vector.shape_cast %swap3A_2375 : vector<1x1x256xi32> to vector<256xi32>
    %swap3A_2377 = vector.shape_cast %add3A_2371 : vector<256xi32> to vector<1x1x256xi32>
    tpu.vector_store %arg4[%swap3A_2372, %swap3A_2373, %swap3A_2374], %swap3A_2377 {strides = array<i32>} : memref<1x32x256xi32, #tpu.memory_space<vmem>>, vector<1x1x256xi32>,
    %broadcast_in_dim3A_2378 = vector.shape_cast %reduce_min3A_2369 : vector<256xi32> to vector<256x1xi32>
    %eq3A_2379 = vector.broadcast %broadcast_in_dim3A_2378 : vector<256x1xi32> to vector<256x768xi32>
    %eq3A_2380 = arith.cmpi eq, %concatenate3A_2051, %eq3A_2379 : vector<256x768xi32>
    %jit3A_2381 = arith.constant 0x7F800000 : f32
    %broadcast_in_dim3A_2382 = vector.broadcast %jit3A_2381 : f32 to vector<256x768xf32>
    %select_n3A_2383 = arith.select %eq3A_2380, %broadcast_in_dim3A_2382, %select_n3A_2359 : vector<256x768xi1>, vector<256x768xf32>
    %reduce_min3A_2384 = arith.constant dense<0x7F800000> : vector<256xf32>
    %reduce_min3A_2385 = vector.multi_reduction <minimumf>, %select_n3A_2383, %reduce_min3A_2384 [1] : vector<256x768xf32> to vector<256xf32>
    %broadcast_in_dim3A_2386 = vector.shape_cast %reduce_min3A_2385 : vector<256xf32> to vector<256x1xf32>
    %eq3A_2387 = vector.broadcast %broadcast_in_dim3A_2386 : vector<256x1xf32> to vector<256x768xf32>
    %eq3A_2388 = arith.cmpf oeq, %select_n3A_2383, %eq3A_2387 : vector<256x768xf32>
    %jit3A_2389 = arith.constant 8192 : i32
    %broadcast_in_dim3A_2390 = vector.broadcast %jit3A_2389 : i32 to vector<256x768xi32>
    %select_n3A_2391 = arith.select %eq3A_2388, %concatenate3A_2051, %broadcast_in_dim3A_2390 : vector<256x768xi1>, vector<256x768xi32>
    %reduce_min3A_2392 = arith.constant dense<2147483647> : vector<256xi32>
    %reduce_min3A_2393 = vector.multi_reduction <minsi>, %select_n3A_2391, %reduce_min3A_2392 [1] : vector<256x768xi32> to vector<256xi32>
    %add3A_2394 = vector.broadcast %mul3A_21 : i32 to vector<256xi32>
    %add3A_2395 = arith.addi %reduce_min3A_2393, %add3A_2394 : vector<256xi32>
    %swap3A_2396 = arith.constant 0 : index
    %swap3A_2397 = arith.constant 14 : index
    %swap3A_2398 = arith.constant 0 : index
    %swap3A_2399 = vector.load %arg4[%swap3A_2396, %swap3A_2397, %swap3A_2398] : memref<1x32x256xi32, #tpu.memory_space<vmem>>, vector<1x1x256xi32>
    %swap3A_2400 = vector.shape_cast %swap3A_2399 : vector<1x1x256xi32> to vector<256xi32>
    %swap3A_2401 = vector.shape_cast %add3A_2395 : vector<256xi32> to vector<1x1x256xi32>
    tpu.vector_store %arg4[%swap3A_2396, %swap3A_2397, %swap3A_2398], %swap3A_2401 {strides = array<i32>} : memref<1x32x256xi32, #tpu.memory_space<vmem>>, vector<1x1x256xi32>,
    %broadcast_in_dim3A_2402 = vector.shape_cast %reduce_min3A_2393 : vector<256xi32> to vector<256x1xi32>
    %eq3A_2403 = vector.broadcast %broadcast_in_dim3A_2402 : vector<256x1xi32> to vector<256x768xi32>
    %eq3A_2404 = arith.cmpi eq, %concatenate3A_2051, %eq3A_2403 : vector<256x768xi32>
    %jit3A_2405 = arith.constant 0x7F800000 : f32
    %broadcast_in_dim3A_2406 = vector.broadcast %jit3A_2405 : f32 to vector<256x768xf32>
    %select_n3A_2407 = arith.select %eq3A_2404, %broadcast_in_dim3A_2406, %select_n3A_2383 : vector<256x768xi1>, vector<256x768xf32>
    %reduce_min3A_2408 = arith.constant dense<0x7F800000> : vector<256xf32>
    %reduce_min3A_2409 = vector.multi_reduction <minimumf>, %select_n3A_2407, %reduce_min3A_2408 [1] : vector<256x768xf32> to vector<256xf32>
    %broadcast_in_dim3A_2410 = vector.shape_cast %reduce_min3A_2409 : vector<256xf32> to vector<256x1xf32>
    %eq3A_2411 = vector.broadcast %broadcast_in_dim3A_2410 : vector<256x1xf32> to vector<256x768xf32>
    %eq3A_2412 = arith.cmpf oeq, %select_n3A_2407, %eq3A_2411 : vector<256x768xf32>
    %jit3A_2413 = arith.constant 8192 : i32
    %broadcast_in_dim3A_2414 = vector.broadcast %jit3A_2413 : i32 to vector<256x768xi32>
    %select_n3A_2415 = arith.select %eq3A_2412, %concatenate3A_2051, %broadcast_in_dim3A_2414 : vector<256x768xi1>, vector<256x768xi32>
    %reduce_min3A_2416 = arith.constant dense<2147483647> : vector<256xi32>
    %reduce_min3A_2417 = vector.multi_reduction <minsi>, %select_n3A_2415, %reduce_min3A_2416 [1] : vector<256x768xi32> to vector<256xi32>
    %add3A_2418 = vector.broadcast %mul3A_21 : i32 to vector<256xi32>
    %add3A_2419 = arith.addi %reduce_min3A_2417, %add3A_2418 : vector<256xi32>
    %swap3A_2420 = arith.constant 0 : index
    %swap3A_2421 = arith.constant 15 : index
    %swap3A_2422 = arith.constant 0 : index
    %swap3A_2423 = vector.load %arg4[%swap3A_2420, %swap3A_2421, %swap3A_2422] : memref<1x32x256xi32, #tpu.memory_space<vmem>>, vector<1x1x256xi32>
    %swap3A_2424 = vector.shape_cast %swap3A_2423 : vector<1x1x256xi32> to vector<256xi32>
    %swap3A_2425 = vector.shape_cast %add3A_2419 : vector<256xi32> to vector<1x1x256xi32>
    tpu.vector_store %arg4[%swap3A_2420, %swap3A_2421, %swap3A_2422], %swap3A_2425 {strides = array<i32>} : memref<1x32x256xi32, #tpu.memory_space<vmem>>, vector<1x1x256xi32>,
    %broadcast_in_dim3A_2426 = vector.shape_cast %reduce_min3A_2417 : vector<256xi32> to vector<256x1xi32>
    %eq3A_2427 = vector.broadcast %broadcast_in_dim3A_2426 : vector<256x1xi32> to vector<256x768xi32>
    %eq3A_2428 = arith.cmpi eq, %concatenate3A_2051, %eq3A_2427 : vector<256x768xi32>
    %jit3A_2429 = arith.constant 0x7F800000 : f32
    %broadcast_in_dim3A_2430 = vector.broadcast %jit3A_2429 : f32 to vector<256x768xf32>
    %select_n3A_2431 = arith.select %eq3A_2428, %broadcast_in_dim3A_2430, %select_n3A_2407 : vector<256x768xi1>, vector<256x768xf32>
    %reduce_min3A_2432 = arith.constant dense<0x7F800000> : vector<256xf32>
    %reduce_min3A_2433 = vector.multi_reduction <minimumf>, %select_n3A_2431, %reduce_min3A_2432 [1] : vector<256x768xf32> to vector<256xf32>
    %broadcast_in_dim3A_2434 = vector.shape_cast %reduce_min3A_2433 : vector<256xf32> to vector<256x1xf32>
    %eq3A_2435 = vector.broadcast %broadcast_in_dim3A_2434 : vector<256x1xf32> to vector<256x768xf32>
    %eq3A_2436 = arith.cmpf oeq, %select_n3A_2431, %eq3A_2435 : vector<256x768xf32>
    %jit3A_2437 = arith.constant 8192 : i32
    %broadcast_in_dim3A_2438 = vector.broadcast %jit3A_2437 : i32 to vector<256x768xi32>
    %select_n3A_2439 = arith.select %eq3A_2436, %concatenate3A_2051, %broadcast_in_dim3A_2438 : vector<256x768xi1>, vector<256x768xi32>
    %reduce_min3A_2440 = arith.constant dense<2147483647> : vector<256xi32>
    %reduce_min3A_2441 = vector.multi_reduction <minsi>, %select_n3A_2439, %reduce_min3A_2440 [1] : vector<256x768xi32> to vector<256xi32>
    %add3A_2442 = vector.broadcast %mul3A_21 : i32 to vector<256xi32>
    %add3A_2443 = arith.addi %reduce_min3A_2441, %add3A_2442 : vector<256xi32>
    %swap3A_2444 = arith.constant 0 : index
    %swap3A_2445 = arith.constant 16 : index
    %swap3A_2446 = arith.constant 0 : index
    %swap3A_2447 = vector.load %arg4[%swap3A_2444, %swap3A_2445, %swap3A_2446] : memref<1x32x256xi32, #tpu.memory_space<vmem>>, vector<1x1x256xi32>
    %swap3A_2448 = vector.shape_cast %swap3A_2447 : vector<1x1x256xi32> to vector<256xi32>
    %swap3A_2449 = vector.shape_cast %add3A_2443 : vector<256xi32> to vector<1x1x256xi32>
    tpu.vector_store %arg4[%swap3A_2444, %swap3A_2445, %swap3A_2446], %swap3A_2449 {strides = array<i32>} : memref<1x32x256xi32, #tpu.memory_space<vmem>>, vector<1x1x256xi32>,
    %broadcast_in_dim3A_2450 = vector.shape_cast %reduce_min3A_2441 : vector<256xi32> to vector<256x1xi32>
    %eq3A_2451 = vector.broadcast %broadcast_in_dim3A_2450 : vector<256x1xi32> to vector<256x768xi32>
    %eq3A_2452 = arith.cmpi eq, %concatenate3A_2051, %eq3A_2451 : vector<256x768xi32>
    %jit3A_2453 = arith.constant 0x7F800000 : f32
    %broadcast_in_dim3A_2454 = vector.broadcast %jit3A_2453 : f32 to vector<256x768xf32>
    %select_n3A_2455 = arith.select %eq3A_2452, %broadcast_in_dim3A_2454, %select_n3A_2431 : vector<256x768xi1>, vector<256x768xf32>
    %reduce_min3A_2456 = arith.constant dense<0x7F800000> : vector<256xf32>
    %reduce_min3A_2457 = vector.multi_reduction <minimumf>, %select_n3A_2455, %reduce_min3A_2456 [1] : vector<256x768xf32> to vector<256xf32>
    %broadcast_in_dim3A_2458 = vector.shape_cast %reduce_min3A_2457 : vector<256xf32> to vector<256x1xf32>
    %eq3A_2459 = vector.broadcast %broadcast_in_dim3A_2458 : vector<256x1xf32> to vector<256x768xf32>
    %eq3A_2460 = arith.cmpf oeq, %select_n3A_2455, %eq3A_2459 : vector<256x768xf32>
    %jit3A_2461 = arith.constant 8192 : i32
    %broadcast_in_dim3A_2462 = vector.broadcast %jit3A_2461 : i32 to vector<256x768xi32>
    %select_n3A_2463 = arith.select %eq3A_2460, %concatenate3A_2051, %broadcast_in_dim3A_2462 : vector<256x768xi1>, vector<256x768xi32>
    %reduce_min3A_2464 = arith.constant dense<2147483647> : vector<256xi32>
    %reduce_min3A_2465 = vector.multi_reduction <minsi>, %select_n3A_2463, %reduce_min3A_2464 [1] : vector<256x768xi32> to vector<256xi32>
    %add3A_2466 = vector.broadcast %mul3A_21 : i32 to vector<256xi32>
    %add3A_2467 = arith.addi %reduce_min3A_2465, %add3A_2466 : vector<256xi32>
    %swap3A_2468 = arith.constant 0 : index
    %swap3A_2469 = arith.constant 17 : index
    %swap3A_2470 = arith.constant 0 : index
    %swap3A_2471 = vector.load %arg4[%swap3A_2468, %swap3A_2469, %swap3A_2470] : memref<1x32x256xi32, #tpu.memory_space<vmem>>, vector<1x1x256xi32>
    %swap3A_2472 = vector.shape_cast %swap3A_2471 : vector<1x1x256xi32> to vector<256xi32>
    %swap3A_2473 = vector.shape_cast %add3A_2467 : vector<256xi32> to vector<1x1x256xi32>
    tpu.vector_store %arg4[%swap3A_2468, %swap3A_2469, %swap3A_2470], %swap3A_2473 {strides = array<i32>} : memref<1x32x256xi32, #tpu.memory_space<vmem>>, vector<1x1x256xi32>,
    %broadcast_in_dim3A_2474 = vector.shape_cast %reduce_min3A_2465 : vector<256xi32> to vector<256x1xi32>
    %eq3A_2475 = vector.broadcast %broadcast_in_dim3A_2474 : vector<256x1xi32> to vector<256x768xi32>
    %eq3A_2476 = arith.cmpi eq, %concatenate3A_2051, %eq3A_2475 : vector<256x768xi32>
    %jit3A_2477 = arith.constant 0x7F800000 : f32
    %broadcast_in_dim3A_2478 = vector.broadcast %jit3A_2477 : f32 to vector<256x768xf32>
    %select_n3A_2479 = arith.select %eq3A_2476, %broadcast_in_dim3A_2478, %select_n3A_2455 : vector<256x768xi1>, vector<256x768xf32>
    %reduce_min3A_2480 = arith.constant dense<0x7F800000> : vector<256xf32>
    %reduce_min3A_2481 = vector.multi_reduction <minimumf>, %select_n3A_2479, %reduce_min3A_2480 [1] : vector<256x768xf32> to vector<256xf32>
    %broadcast_in_dim3A_2482 = vector.shape_cast %reduce_min3A_2481 : vector<256xf32> to vector<256x1xf32>
    %eq3A_2483 = vector.broadcast %broadcast_in_dim3A_2482 : vector<256x1xf32> to vector<256x768xf32>
    %eq3A_2484 = arith.cmpf oeq, %select_n3A_2479, %eq3A_2483 : vector<256x768xf32>
    %jit3A_2485 = arith.constant 8192 : i32
    %broadcast_in_dim3A_2486 = vector.broadcast %jit3A_2485 : i32 to vector<256x768xi32>
    %select_n3A_2487 = arith.select %eq3A_2484, %concatenate3A_2051, %broadcast_in_dim3A_2486 : vector<256x768xi1>, vector<256x768xi32>
    %reduce_min3A_2488 = arith.constant dense<2147483647> : vector<256xi32>
    %reduce_min3A_2489 = vector.multi_reduction <minsi>, %select_n3A_2487, %reduce_min3A_2488 [1] : vector<256x768xi32> to vector<256xi32>
    %add3A_2490 = vector.broadcast %mul3A_21 : i32 to vector<256xi32>
    %add3A_2491 = arith.addi %reduce_min3A_2489, %add3A_2490 : vector<256xi32>
    %swap3A_2492 = arith.constant 0 : index
    %swap3A_2493 = arith.constant 18 : index
    %swap3A_2494 = arith.constant 0 : index
    %swap3A_2495 = vector.load %arg4[%swap3A_2492, %swap3A_2493, %swap3A_2494] : memref<1x32x256xi32, #tpu.memory_space<vmem>>, vector<1x1x256xi32>
    %swap3A_2496 = vector.shape_cast %swap3A_2495 : vector<1x1x256xi32> to vector<256xi32>
    %swap3A_2497 = vector.shape_cast %add3A_2491 : vector<256xi32> to vector<1x1x256xi32>
    tpu.vector_store %arg4[%swap3A_2492, %swap3A_2493, %swap3A_2494], %swap3A_2497 {strides = array<i32>} : memref<1x32x256xi32, #tpu.memory_space<vmem>>, vector<1x1x256xi32>,
    %broadcast_in_dim3A_2498 = vector.shape_cast %reduce_min3A_2489 : vector<256xi32> to vector<256x1xi32>
    %eq3A_2499 = vector.broadcast %broadcast_in_dim3A_2498 : vector<256x1xi32> to vector<256x768xi32>
    %eq3A_2500 = arith.cmpi eq, %concatenate3A_2051, %eq3A_2499 : vector<256x768xi32>
    %jit3A_2501 = arith.constant 0x7F800000 : f32
    %broadcast_in_dim3A_2502 = vector.broadcast %jit3A_2501 : f32 to vector<256x768xf32>
    %select_n3A_2503 = arith.select %eq3A_2500, %broadcast_in_dim3A_2502, %select_n3A_2479 : vector<256x768xi1>, vector<256x768xf32>
    %reduce_min3A_2504 = arith.constant dense<0x7F800000> : vector<256xf32>
    %reduce_min3A_2505 = vector.multi_reduction <minimumf>, %select_n3A_2503, %reduce_min3A_2504 [1] : vector<256x768xf32> to vector<256xf32>
    %broadcast_in_dim3A_2506 = vector.shape_cast %reduce_min3A_2505 : vector<256xf32> to vector<256x1xf32>
    %eq3A_2507 = vector.broadcast %broadcast_in_dim3A_2506 : vector<256x1xf32> to vector<256x768xf32>
    %eq3A_2508 = arith.cmpf oeq, %select_n3A_2503, %eq3A_2507 : vector<256x768xf32>
    %jit3A_2509 = arith.constant 8192 : i32
    %broadcast_in_dim3A_2510 = vector.broadcast %jit3A_2509 : i32 to vector<256x768xi32>
    %select_n3A_2511 = arith.select %eq3A_2508, %concatenate3A_2051, %broadcast_in_dim3A_2510 : vector<256x768xi1>, vector<256x768xi32>
    %reduce_min3A_2512 = arith.constant dense<2147483647> : vector<256xi32>
    %reduce_min3A_2513 = vector.multi_reduction <minsi>, %select_n3A_2511, %reduce_min3A_2512 [1] : vector<256x768xi32> to vector<256xi32>
    %add3A_2514 = vector.broadcast %mul3A_21 : i32 to vector<256xi32>
    %add3A_2515 = arith.addi %reduce_min3A_2513, %add3A_2514 : vector<256xi32>
    %swap3A_2516 = arith.constant 0 : index
    %swap3A_2517 = arith.constant 19 : index
    %swap3A_2518 = arith.constant 0 : index
    %swap3A_2519 = vector.load %arg4[%swap3A_2516, %swap3A_2517, %swap3A_2518] : memref<1x32x256xi32, #tpu.memory_space<vmem>>, vector<1x1x256xi32>
    %swap3A_2520 = vector.shape_cast %swap3A_2519 : vector<1x1x256xi32> to vector<256xi32>
    %swap3A_2521 = vector.shape_cast %add3A_2515 : vector<256xi32> to vector<1x1x256xi32>
    tpu.vector_store %arg4[%swap3A_2516, %swap3A_2517, %swap3A_2518], %swap3A_2521 {strides = array<i32>} : memref<1x32x256xi32, #tpu.memory_space<vmem>>, vector<1x1x256xi32>,
    %broadcast_in_dim3A_2522 = vector.shape_cast %reduce_min3A_2513 : vector<256xi32> to vector<256x1xi32>
    %eq3A_2523 = vector.broadcast %broadcast_in_dim3A_2522 : vector<256x1xi32> to vector<256x768xi32>
    %eq3A_2524 = arith.cmpi eq, %concatenate3A_2051, %eq3A_2523 : vector<256x768xi32>
    %jit3A_2525 = arith.constant 0x7F800000 : f32
    %broadcast_in_dim3A_2526 = vector.broadcast %jit3A_2525 : f32 to vector<256x768xf32>
    %select_n3A_2527 = arith.select %eq3A_2524, %broadcast_in_dim3A_2526, %select_n3A_2503 : vector<256x768xi1>, vector<256x768xf32>
    %reduce_min3A_2528 = arith.constant dense<0x7F800000> : vector<256xf32>
    %reduce_min3A_2529 = vector.multi_reduction <minimumf>, %select_n3A_2527, %reduce_min3A_2528 [1] : vector<256x768xf32> to vector<256xf32>
    %broadcast_in_dim3A_2530 = vector.shape_cast %reduce_min3A_2529 : vector<256xf32> to vector<256x1xf32>
    %eq3A_2531 = vector.broadcast %broadcast_in_dim3A_2530 : vector<256x1xf32> to vector<256x768xf32>
    %eq3A_2532 = arith.cmpf oeq, %select_n3A_2527, %eq3A_2531 : vector<256x768xf32>
    %jit3A_2533 = arith.constant 8192 : i32
    %broadcast_in_dim3A_2534 = vector.broadcast %jit3A_2533 : i32 to vector<256x768xi32>
    %select_n3A_2535 = arith.select %eq3A_2532, %concatenate3A_2051, %broadcast_in_dim3A_2534 : vector<256x768xi1>, vector<256x768xi32>
    %reduce_min3A_2536 = arith.constant dense<2147483647> : vector<256xi32>
    %reduce_min3A_2537 = vector.multi_reduction <minsi>, %select_n3A_2535, %reduce_min3A_2536 [1] : vector<256x768xi32> to vector<256xi32>
    %add3A_2538 = vector.broadcast %mul3A_21 : i32 to vector<256xi32>
    %add3A_2539 = arith.addi %reduce_min3A_2537, %add3A_2538 : vector<256xi32>
    %swap3A_2540 = arith.constant 0 : index
    %swap3A_2541 = arith.constant 20 : index
    %swap3A_2542 = arith.constant 0 : index
    %swap3A_2543 = vector.load %arg4[%swap3A_2540, %swap3A_2541, %swap3A_2542] : memref<1x32x256xi32, #tpu.memory_space<vmem>>, vector<1x1x256xi32>
    %swap3A_2544 = vector.shape_cast %swap3A_2543 : vector<1x1x256xi32> to vector<256xi32>
    %swap3A_2545 = vector.shape_cast %add3A_2539 : vector<256xi32> to vector<1x1x256xi32>
    tpu.vector_store %arg4[%swap3A_2540, %swap3A_2541, %swap3A_2542], %swap3A_2545 {strides = array<i32>} : memref<1x32x256xi32, #tpu.memory_space<vmem>>, vector<1x1x256xi32>,
    %broadcast_in_dim3A_2546 = vector.shape_cast %reduce_min3A_2537 : vector<256xi32> to vector<256x1xi32>
    %eq3A_2547 = vector.broadcast %broadcast_in_dim3A_2546 : vector<256x1xi32> to vector<256x768xi32>
    %eq3A_2548 = arith.cmpi eq, %concatenate3A_2051, %eq3A_2547 : vector<256x768xi32>
    %jit3A_2549 = arith.constant 0x7F800000 : f32
    %broadcast_in_dim3A_2550 = vector.broadcast %jit3A_2549 : f32 to vector<256x768xf32>
    %select_n3A_2551 = arith.select %eq3A_2548, %broadcast_in_dim3A_2550, %select_n3A_2527 : vector<256x768xi1>, vector<256x768xf32>
    %reduce_min3A_2552 = arith.constant dense<0x7F800000> : vector<256xf32>
    %reduce_min3A_2553 = vector.multi_reduction <minimumf>, %select_n3A_2551, %reduce_min3A_2552 [1] : vector<256x768xf32> to vector<256xf32>
    %broadcast_in_dim3A_2554 = vector.shape_cast %reduce_min3A_2553 : vector<256xf32> to vector<256x1xf32>
    %eq3A_2555 = vector.broadcast %broadcast_in_dim3A_2554 : vector<256x1xf32> to vector<256x768xf32>
    %eq3A_2556 = arith.cmpf oeq, %select_n3A_2551, %eq3A_2555 : vector<256x768xf32>
    %jit3A_2557 = arith.constant 8192 : i32
    %broadcast_in_dim3A_2558 = vector.broadcast %jit3A_2557 : i32 to vector<256x768xi32>
    %select_n3A_2559 = arith.select %eq3A_2556, %concatenate3A_2051, %broadcast_in_dim3A_2558 : vector<256x768xi1>, vector<256x768xi32>
    %reduce_min3A_2560 = arith.constant dense<2147483647> : vector<256xi32>
    %reduce_min3A_2561 = vector.multi_reduction <minsi>, %select_n3A_2559, %reduce_min3A_2560 [1] : vector<256x768xi32> to vector<256xi32>
    %add3A_2562 = vector.broadcast %mul3A_21 : i32 to vector<256xi32>
    %add3A_2563 = arith.addi %reduce_min3A_2561, %add3A_2562 : vector<256xi32>
    %swap3A_2564 = arith.constant 0 : index
    %swap3A_2565 = arith.constant 21 : index
    %swap3A_2566 = arith.constant 0 : index
    %swap3A_2567 = vector.load %arg4[%swap3A_2564, %swap3A_2565, %swap3A_2566] : memref<1x32x256xi32, #tpu.memory_space<vmem>>, vector<1x1x256xi32>
    %swap3A_2568 = vector.shape_cast %swap3A_2567 : vector<1x1x256xi32> to vector<256xi32>
    %swap3A_2569 = vector.shape_cast %add3A_2563 : vector<256xi32> to vector<1x1x256xi32>
    tpu.vector_store %arg4[%swap3A_2564, %swap3A_2565, %swap3A_2566], %swap3A_2569 {strides = array<i32>} : memref<1x32x256xi32, #tpu.memory_space<vmem>>, vector<1x1x256xi32>,
    %broadcast_in_dim3A_2570 = vector.shape_cast %reduce_min3A_2561 : vector<256xi32> to vector<256x1xi32>
    %eq3A_2571 = vector.broadcast %broadcast_in_dim3A_2570 : vector<256x1xi32> to vector<256x768xi32>
    %eq3A_2572 = arith.cmpi eq, %concatenate3A_2051, %eq3A_2571 : vector<256x768xi32>
    %jit3A_2573 = arith.constant 0x7F800000 : f32
    %broadcast_in_dim3A_2574 = vector.broadcast %jit3A_2573 : f32 to vector<256x768xf32>
    %select_n3A_2575 = arith.select %eq3A_2572, %broadcast_in_dim3A_2574, %select_n3A_2551 : vector<256x768xi1>, vector<256x768xf32>
    %reduce_min3A_2576 = arith.constant dense<0x7F800000> : vector<256xf32>
    %reduce_min3A_2577 = vector.multi_reduction <minimumf>, %select_n3A_2575, %reduce_min3A_2576 [1] : vector<256x768xf32> to vector<256xf32>
    %broadcast_in_dim3A_2578 = vector.shape_cast %reduce_min3A_2577 : vector<256xf32> to vector<256x1xf32>
    %eq3A_2579 = vector.broadcast %broadcast_in_dim3A_2578 : vector<256x1xf32> to vector<256x768xf32>
    %eq3A_2580 = arith.cmpf oeq, %select_n3A_2575, %eq3A_2579 : vector<256x768xf32>
    %jit3A_2581 = arith.constant 8192 : i32
    %broadcast_in_dim3A_2582 = vector.broadcast %jit3A_2581 : i32 to vector<256x768xi32>
    %select_n3A_2583 = arith.select %eq3A_2580, %concatenate3A_2051, %broadcast_in_dim3A_2582 : vector<256x768xi1>, vector<256x768xi32>
    %reduce_min3A_2584 = arith.constant dense<2147483647> : vector<256xi32>
    %reduce_min3A_2585 = vector.multi_reduction <minsi>, %select_n3A_2583, %reduce_min3A_2584 [1] : vector<256x768xi32> to vector<256xi32>
    %add3A_2586 = vector.broadcast %mul3A_21 : i32 to vector<256xi32>
    %add3A_2587 = arith.addi %reduce_min3A_2585, %add3A_2586 : vector<256xi32>
    %swap3A_2588 = arith.constant 0 : index
    %swap3A_2589 = arith.constant 22 : index
    %swap3A_2590 = arith.constant 0 : index
    %swap3A_2591 = vector.load %arg4[%swap3A_2588, %swap3A_2589, %swap3A_2590] : memref<1x32x256xi32, #tpu.memory_space<vmem>>, vector<1x1x256xi32>
    %swap3A_2592 = vector.shape_cast %swap3A_2591 : vector<1x1x256xi32> to vector<256xi32>
    %swap3A_2593 = vector.shape_cast %add3A_2587 : vector<256xi32> to vector<1x1x256xi32>
    tpu.vector_store %arg4[%swap3A_2588, %swap3A_2589, %swap3A_2590], %swap3A_2593 {strides = array<i32>} : memref<1x32x256xi32, #tpu.memory_space<vmem>>, vector<1x1x256xi32>,
    %broadcast_in_dim3A_2594 = vector.shape_cast %reduce_min3A_2585 : vector<256xi32> to vector<256x1xi32>
    %eq3A_2595 = vector.broadcast %broadcast_in_dim3A_2594 : vector<256x1xi32> to vector<256x768xi32>
    %eq3A_2596 = arith.cmpi eq, %concatenate3A_2051, %eq3A_2595 : vector<256x768xi32>
    %jit3A_2597 = arith.constant 0x7F800000 : f32
    %broadcast_in_dim3A_2598 = vector.broadcast %jit3A_2597 : f32 to vector<256x768xf32>
    %select_n3A_2599 = arith.select %eq3A_2596, %broadcast_in_dim3A_2598, %select_n3A_2575 : vector<256x768xi1>, vector<256x768xf32>
    %reduce_min3A_2600 = arith.constant dense<0x7F800000> : vector<256xf32>
    %reduce_min3A_2601 = vector.multi_reduction <minimumf>, %select_n3A_2599, %reduce_min3A_2600 [1] : vector<256x768xf32> to vector<256xf32>
    %broadcast_in_dim3A_2602 = vector.shape_cast %reduce_min3A_2601 : vector<256xf32> to vector<256x1xf32>
    %eq3A_2603 = vector.broadcast %broadcast_in_dim3A_2602 : vector<256x1xf32> to vector<256x768xf32>
    %eq3A_2604 = arith.cmpf oeq, %select_n3A_2599, %eq3A_2603 : vector<256x768xf32>
    %jit3A_2605 = arith.constant 8192 : i32
    %broadcast_in_dim3A_2606 = vector.broadcast %jit3A_2605 : i32 to vector<256x768xi32>
    %select_n3A_2607 = arith.select %eq3A_2604, %concatenate3A_2051, %broadcast_in_dim3A_2606 : vector<256x768xi1>, vector<256x768xi32>
    %reduce_min3A_2608 = arith.constant dense<2147483647> : vector<256xi32>
    %reduce_min3A_2609 = vector.multi_reduction <minsi>, %select_n3A_2607, %reduce_min3A_2608 [1] : vector<256x768xi32> to vector<256xi32>
    %add3A_2610 = vector.broadcast %mul3A_21 : i32 to vector<256xi32>
    %add3A_2611 = arith.addi %reduce_min3A_2609, %add3A_2610 : vector<256xi32>
    %swap3A_2612 = arith.constant 0 : index
    %swap3A_2613 = arith.constant 23 : index
    %swap3A_2614 = arith.constant 0 : index
    %swap3A_2615 = vector.load %arg4[%swap3A_2612, %swap3A_2613, %swap3A_2614] : memref<1x32x256xi32, #tpu.memory_space<vmem>>, vector<1x1x256xi32>
    %swap3A_2616 = vector.shape_cast %swap3A_2615 : vector<1x1x256xi32> to vector<256xi32>
    %swap3A_2617 = vector.shape_cast %add3A_2611 : vector<256xi32> to vector<1x1x256xi32>
    tpu.vector_store %arg4[%swap3A_2612, %swap3A_2613, %swap3A_2614], %swap3A_2617 {strides = array<i32>} : memref<1x32x256xi32, #tpu.memory_space<vmem>>, vector<1x1x256xi32>,
    %broadcast_in_dim3A_2618 = vector.shape_cast %reduce_min3A_2609 : vector<256xi32> to vector<256x1xi32>
    %eq3A_2619 = vector.broadcast %broadcast_in_dim3A_2618 : vector<256x1xi32> to vector<256x768xi32>
    %eq3A_2620 = arith.cmpi eq, %concatenate3A_2051, %eq3A_2619 : vector<256x768xi32>
    %jit3A_2621 = arith.constant 0x7F800000 : f32
    %broadcast_in_dim3A_2622 = vector.broadcast %jit3A_2621 : f32 to vector<256x768xf32>
    %select_n3A_2623 = arith.select %eq3A_2620, %broadcast_in_dim3A_2622, %select_n3A_2599 : vector<256x768xi1>, vector<256x768xf32>
    %reduce_min3A_2624 = arith.constant dense<0x7F800000> : vector<256xf32>
    %reduce_min3A_2625 = vector.multi_reduction <minimumf>, %select_n3A_2623, %reduce_min3A_2624 [1] : vector<256x768xf32> to vector<256xf32>
    %broadcast_in_dim3A_2626 = vector.shape_cast %reduce_min3A_2625 : vector<256xf32> to vector<256x1xf32>
    %eq3A_2627 = vector.broadcast %broadcast_in_dim3A_2626 : vector<256x1xf32> to vector<256x768xf32>
    %eq3A_2628 = arith.cmpf oeq, %select_n3A_2623, %eq3A_2627 : vector<256x768xf32>
    %jit3A_2629 = arith.constant 8192 : i32
    %broadcast_in_dim3A_2630 = vector.broadcast %jit3A_2629 : i32 to vector<256x768xi32>
    %select_n3A_2631 = arith.select %eq3A_2628, %concatenate3A_2051, %broadcast_in_dim3A_2630 : vector<256x768xi1>, vector<256x768xi32>
    %reduce_min3A_2632 = arith.constant dense<2147483647> : vector<256xi32>
    %reduce_min3A_2633 = vector.multi_reduction <minsi>, %select_n3A_2631, %reduce_min3A_2632 [1] : vector<256x768xi32> to vector<256xi32>
    %add3A_2634 = vector.broadcast %mul3A_21 : i32 to vector<256xi32>
    %add3A_2635 = arith.addi %reduce_min3A_2633, %add3A_2634 : vector<256xi32>
    %swap3A_2636 = arith.constant 0 : index
    %swap3A_2637 = arith.constant 24 : index
    %swap3A_2638 = arith.constant 0 : index
    %swap3A_2639 = vector.load %arg4[%swap3A_2636, %swap3A_2637, %swap3A_2638] : memref<1x32x256xi32, #tpu.memory_space<vmem>>, vector<1x1x256xi32>
    %swap3A_2640 = vector.shape_cast %swap3A_2639 : vector<1x1x256xi32> to vector<256xi32>
    %swap3A_2641 = vector.shape_cast %add3A_2635 : vector<256xi32> to vector<1x1x256xi32>
    tpu.vector_store %arg4[%swap3A_2636, %swap3A_2637, %swap3A_2638], %swap3A_2641 {strides = array<i32>} : memref<1x32x256xi32, #tpu.memory_space<vmem>>, vector<1x1x256xi32>,
    %broadcast_in_dim3A_2642 = vector.shape_cast %reduce_min3A_2633 : vector<256xi32> to vector<256x1xi32>
    %eq3A_2643 = vector.broadcast %broadcast_in_dim3A_2642 : vector<256x1xi32> to vector<256x768xi32>
    %eq3A_2644 = arith.cmpi eq, %concatenate3A_2051, %eq3A_2643 : vector<256x768xi32>
    %jit3A_2645 = arith.constant 0x7F800000 : f32
    %broadcast_in_dim3A_2646 = vector.broadcast %jit3A_2645 : f32 to vector<256x768xf32>
    %select_n3A_2647 = arith.select %eq3A_2644, %broadcast_in_dim3A_2646, %select_n3A_2623 : vector<256x768xi1>, vector<256x768xf32>
    %reduce_min3A_2648 = arith.constant dense<0x7F800000> : vector<256xf32>
    %reduce_min3A_2649 = vector.multi_reduction <minimumf>, %select_n3A_2647, %reduce_min3A_2648 [1] : vector<256x768xf32> to vector<256xf32>
    %broadcast_in_dim3A_2650 = vector.shape_cast %reduce_min3A_2649 : vector<256xf32> to vector<256x1xf32>
    %eq3A_2651 = vector.broadcast %broadcast_in_dim3A_2650 : vector<256x1xf32> to vector<256x768xf32>
    %eq3A_2652 = arith.cmpf oeq, %select_n3A_2647, %eq3A_2651 : vector<256x768xf32>
    %jit3A_2653 = arith.constant 8192 : i32
    %broadcast_in_dim3A_2654 = vector.broadcast %jit3A_2653 : i32 to vector<256x768xi32>
    %select_n3A_2655 = arith.select %eq3A_2652, %concatenate3A_2051, %broadcast_in_dim3A_2654 : vector<256x768xi1>, vector<256x768xi32>
    %reduce_min3A_2656 = arith.constant dense<2147483647> : vector<256xi32>
    %reduce_min3A_2657 = vector.multi_reduction <minsi>, %select_n3A_2655, %reduce_min3A_2656 [1] : vector<256x768xi32> to vector<256xi32>
    %add3A_2658 = vector.broadcast %mul3A_21 : i32 to vector<256xi32>
    %add3A_2659 = arith.addi %reduce_min3A_2657, %add3A_2658 : vector<256xi32>
    %swap3A_2660 = arith.constant 0 : index
    %swap3A_2661 = arith.constant 25 : index
    %swap3A_2662 = arith.constant 0 : index
    %swap3A_2663 = vector.load %arg4[%swap3A_2660, %swap3A_2661, %swap3A_2662] : memref<1x32x256xi32, #tpu.memory_space<vmem>>, vector<1x1x256xi32>
    %swap3A_2664 = vector.shape_cast %swap3A_2663 : vector<1x1x256xi32> to vector<256xi32>
    %swap3A_2665 = vector.shape_cast %add3A_2659 : vector<256xi32> to vector<1x1x256xi32>
    tpu.vector_store %arg4[%swap3A_2660, %swap3A_2661, %swap3A_2662], %swap3A_2665 {strides = array<i32>} : memref<1x32x256xi32, #tpu.memory_space<vmem>>, vector<1x1x256xi32>,
    %broadcast_in_dim3A_2666 = vector.shape_cast %reduce_min3A_2657 : vector<256xi32> to vector<256x1xi32>
    %eq3A_2667 = vector.broadcast %broadcast_in_dim3A_2666 : vector<256x1xi32> to vector<256x768xi32>
    %eq3A_2668 = arith.cmpi eq, %concatenate3A_2051, %eq3A_2667 : vector<256x768xi32>
    %jit3A_2669 = arith.constant 0x7F800000 : f32
    %broadcast_in_dim3A_2670 = vector.broadcast %jit3A_2669 : f32 to vector<256x768xf32>
    %select_n3A_2671 = arith.select %eq3A_2668, %broadcast_in_dim3A_2670, %select_n3A_2647 : vector<256x768xi1>, vector<256x768xf32>
    %reduce_min3A_2672 = arith.constant dense<0x7F800000> : vector<256xf32>
    %reduce_min3A_2673 = vector.multi_reduction <minimumf>, %select_n3A_2671, %reduce_min3A_2672 [1] : vector<256x768xf32> to vector<256xf32>
    %broadcast_in_dim3A_2674 = vector.shape_cast %reduce_min3A_2673 : vector<256xf32> to vector<256x1xf32>
    %eq3A_2675 = vector.broadcast %broadcast_in_dim3A_2674 : vector<256x1xf32> to vector<256x768xf32>
    %eq3A_2676 = arith.cmpf oeq, %select_n3A_2671, %eq3A_2675 : vector<256x768xf32>
    %jit3A_2677 = arith.constant 8192 : i32
    %broadcast_in_dim3A_2678 = vector.broadcast %jit3A_2677 : i32 to vector<256x768xi32>
    %select_n3A_2679 = arith.select %eq3A_2676, %concatenate3A_2051, %broadcast_in_dim3A_2678 : vector<256x768xi1>, vector<256x768xi32>
    %reduce_min3A_2680 = arith.constant dense<2147483647> : vector<256xi32>
    %reduce_min3A_2681 = vector.multi_reduction <minsi>, %select_n3A_2679, %reduce_min3A_2680 [1] : vector<256x768xi32> to vector<256xi32>
    %add3A_2682 = vector.broadcast %mul3A_21 : i32 to vector<256xi32>
    %add3A_2683 = arith.addi %reduce_min3A_2681, %add3A_2682 : vector<256xi32>
    %swap3A_2684 = arith.constant 0 : index
    %swap3A_2685 = arith.constant 26 : index
    %swap3A_2686 = arith.constant 0 : index
    %swap3A_2687 = vector.load %arg4[%swap3A_2684, %swap3A_2685, %swap3A_2686] : memref<1x32x256xi32, #tpu.memory_space<vmem>>, vector<1x1x256xi32>
    %swap3A_2688 = vector.shape_cast %swap3A_2687 : vector<1x1x256xi32> to vector<256xi32>
    %swap3A_2689 = vector.shape_cast %add3A_2683 : vector<256xi32> to vector<1x1x256xi32>
    tpu.vector_store %arg4[%swap3A_2684, %swap3A_2685, %swap3A_2686], %swap3A_2689 {strides = array<i32>} : memref<1x32x256xi32, #tpu.memory_space<vmem>>, vector<1x1x256xi32>,
    %broadcast_in_dim3A_2690 = vector.shape_cast %reduce_min3A_2681 : vector<256xi32> to vector<256x1xi32>
    %eq3A_2691 = vector.broadcast %broadcast_in_dim3A_2690 : vector<256x1xi32> to vector<256x768xi32>
    %eq3A_2692 = arith.cmpi eq, %concatenate3A_2051, %eq3A_2691 : vector<256x768xi32>
    %jit3A_2693 = arith.constant 0x7F800000 : f32
    %broadcast_in_dim3A_2694 = vector.broadcast %jit3A_2693 : f32 to vector<256x768xf32>
    %select_n3A_2695 = arith.select %eq3A_2692, %broadcast_in_dim3A_2694, %select_n3A_2671 : vector<256x768xi1>, vector<256x768xf32>
    %reduce_min3A_2696 = arith.constant dense<0x7F800000> : vector<256xf32>
    %reduce_min3A_2697 = vector.multi_reduction <minimumf>, %select_n3A_2695, %reduce_min3A_2696 [1] : vector<256x768xf32> to vector<256xf32>
    %broadcast_in_dim3A_2698 = vector.shape_cast %reduce_min3A_2697 : vector<256xf32> to vector<256x1xf32>
    %eq3A_2699 = vector.broadcast %broadcast_in_dim3A_2698 : vector<256x1xf32> to vector<256x768xf32>
    %eq3A_2700 = arith.cmpf oeq, %select_n3A_2695, %eq3A_2699 : vector<256x768xf32>
    %jit3A_2701 = arith.constant 8192 : i32
    %broadcast_in_dim3A_2702 = vector.broadcast %jit3A_2701 : i32 to vector<256x768xi32>
    %select_n3A_2703 = arith.select %eq3A_2700, %concatenate3A_2051, %broadcast_in_dim3A_2702 : vector<256x768xi1>, vector<256x768xi32>
    %reduce_min3A_2704 = arith.constant dense<2147483647> : vector<256xi32>
    %reduce_min3A_2705 = vector.multi_reduction <minsi>, %select_n3A_2703, %reduce_min3A_2704 [1] : vector<256x768xi32> to vector<256xi32>
    %add3A_2706 = vector.broadcast %mul3A_21 : i32 to vector<256xi32>
    %add3A_2707 = arith.addi %reduce_min3A_2705, %add3A_2706 : vector<256xi32>
    %swap3A_2708 = arith.constant 0 : index
    %swap3A_2709 = arith.constant 27 : index
    %swap3A_2710 = arith.constant 0 : index
    %swap3A_2711 = vector.load %arg4[%swap3A_2708, %swap3A_2709, %swap3A_2710] : memref<1x32x256xi32, #tpu.memory_space<vmem>>, vector<1x1x256xi32>
    %swap3A_2712 = vector.shape_cast %swap3A_2711 : vector<1x1x256xi32> to vector<256xi32>
    %swap3A_2713 = vector.shape_cast %add3A_2707 : vector<256xi32> to vector<1x1x256xi32>
    tpu.vector_store %arg4[%swap3A_2708, %swap3A_2709, %swap3A_2710], %swap3A_2713 {strides = array<i32>} : memref<1x32x256xi32, #tpu.memory_space<vmem>>, vector<1x1x256xi32>,
    %broadcast_in_dim3A_2714 = vector.shape_cast %reduce_min3A_2705 : vector<256xi32> to vector<256x1xi32>
    %eq3A_2715 = vector.broadcast %broadcast_in_dim3A_2714 : vector<256x1xi32> to vector<256x768xi32>
    %eq3A_2716 = arith.cmpi eq, %concatenate3A_2051, %eq3A_2715 : vector<256x768xi32>
    %jit3A_2717 = arith.constant 0x7F800000 : f32
    %broadcast_in_dim3A_2718 = vector.broadcast %jit3A_2717 : f32 to vector<256x768xf32>
    %select_n3A_2719 = arith.select %eq3A_2716, %broadcast_in_dim3A_2718, %select_n3A_2695 : vector<256x768xi1>, vector<256x768xf32>
    %reduce_min3A_2720 = arith.constant dense<0x7F800000> : vector<256xf32>
    %reduce_min3A_2721 = vector.multi_reduction <minimumf>, %select_n3A_2719, %reduce_min3A_2720 [1] : vector<256x768xf32> to vector<256xf32>
    %broadcast_in_dim3A_2722 = vector.shape_cast %reduce_min3A_2721 : vector<256xf32> to vector<256x1xf32>
    %eq3A_2723 = vector.broadcast %broadcast_in_dim3A_2722 : vector<256x1xf32> to vector<256x768xf32>
    %eq3A_2724 = arith.cmpf oeq, %select_n3A_2719, %eq3A_2723 : vector<256x768xf32>
    %jit3A_2725 = arith.constant 8192 : i32
    %broadcast_in_dim3A_2726 = vector.broadcast %jit3A_2725 : i32 to vector<256x768xi32>
    %select_n3A_2727 = arith.select %eq3A_2724, %concatenate3A_2051, %broadcast_in_dim3A_2726 : vector<256x768xi1>, vector<256x768xi32>
    %reduce_min3A_2728 = arith.constant dense<2147483647> : vector<256xi32>
    %reduce_min3A_2729 = vector.multi_reduction <minsi>, %select_n3A_2727, %reduce_min3A_2728 [1] : vector<256x768xi32> to vector<256xi32>
    %add3A_2730 = vector.broadcast %mul3A_21 : i32 to vector<256xi32>
    %add3A_2731 = arith.addi %reduce_min3A_2729, %add3A_2730 : vector<256xi32>
    %swap3A_2732 = arith.constant 0 : index
    %swap3A_2733 = arith.constant 28 : index
    %swap3A_2734 = arith.constant 0 : index
    %swap3A_2735 = vector.load %arg4[%swap3A_2732, %swap3A_2733, %swap3A_2734] : memref<1x32x256xi32, #tpu.memory_space<vmem>>, vector<1x1x256xi32>
    %swap3A_2736 = vector.shape_cast %swap3A_2735 : vector<1x1x256xi32> to vector<256xi32>
    %swap3A_2737 = vector.shape_cast %add3A_2731 : vector<256xi32> to vector<1x1x256xi32>
    tpu.vector_store %arg4[%swap3A_2732, %swap3A_2733, %swap3A_2734], %swap3A_2737 {strides = array<i32>} : memref<1x32x256xi32, #tpu.memory_space<vmem>>, vector<1x1x256xi32>,
    %broadcast_in_dim3A_2738 = vector.shape_cast %reduce_min3A_2729 : vector<256xi32> to vector<256x1xi32>
    %eq3A_2739 = vector.broadcast %broadcast_in_dim3A_2738 : vector<256x1xi32> to vector<256x768xi32>
    %eq3A_2740 = arith.cmpi eq, %concatenate3A_2051, %eq3A_2739 : vector<256x768xi32>
    %jit3A_2741 = arith.constant 0x7F800000 : f32
    %broadcast_in_dim3A_2742 = vector.broadcast %jit3A_2741 : f32 to vector<256x768xf32>
    %select_n3A_2743 = arith.select %eq3A_2740, %broadcast_in_dim3A_2742, %select_n3A_2719 : vector<256x768xi1>, vector<256x768xf32>
    %reduce_min3A_2744 = arith.constant dense<0x7F800000> : vector<256xf32>
    %reduce_min3A_2745 = vector.multi_reduction <minimumf>, %select_n3A_2743, %reduce_min3A_2744 [1] : vector<256x768xf32> to vector<256xf32>
    %broadcast_in_dim3A_2746 = vector.shape_cast %reduce_min3A_2745 : vector<256xf32> to vector<256x1xf32>
    %eq3A_2747 = vector.broadcast %broadcast_in_dim3A_2746 : vector<256x1xf32> to vector<256x768xf32>
    %eq3A_2748 = arith.cmpf oeq, %select_n3A_2743, %eq3A_2747 : vector<256x768xf32>
    %jit3A_2749 = arith.constant 8192 : i32
    %broadcast_in_dim3A_2750 = vector.broadcast %jit3A_2749 : i32 to vector<256x768xi32>
    %select_n3A_2751 = arith.select %eq3A_2748, %concatenate3A_2051, %broadcast_in_dim3A_2750 : vector<256x768xi1>, vector<256x768xi32>
    %reduce_min3A_2752 = arith.constant dense<2147483647> : vector<256xi32>
    %reduce_min3A_2753 = vector.multi_reduction <minsi>, %select_n3A_2751, %reduce_min3A_2752 [1] : vector<256x768xi32> to vector<256xi32>
    %add3A_2754 = vector.broadcast %mul3A_21 : i32 to vector<256xi32>
    %add3A_2755 = arith.addi %reduce_min3A_2753, %add3A_2754 : vector<256xi32>
    %swap3A_2756 = arith.constant 0 : index
    %swap3A_2757 = arith.constant 29 : index
    %swap3A_2758 = arith.constant 0 : index
    %swap3A_2759 = vector.load %arg4[%swap3A_2756, %swap3A_2757, %swap3A_2758] : memref<1x32x256xi32, #tpu.memory_space<vmem>>, vector<1x1x256xi32>
    %swap3A_2760 = vector.shape_cast %swap3A_2759 : vector<1x1x256xi32> to vector<256xi32>
    %swap3A_2761 = vector.shape_cast %add3A_2755 : vector<256xi32> to vector<1x1x256xi32>
    tpu.vector_store %arg4[%swap3A_2756, %swap3A_2757, %swap3A_2758], %swap3A_2761 {strides = array<i32>} : memref<1x32x256xi32, #tpu.memory_space<vmem>>, vector<1x1x256xi32>,
    %broadcast_in_dim3A_2762 = vector.shape_cast %reduce_min3A_2753 : vector<256xi32> to vector<256x1xi32>
    %eq3A_2763 = vector.broadcast %broadcast_in_dim3A_2762 : vector<256x1xi32> to vector<256x768xi32>
    %eq3A_2764 = arith.cmpi eq, %concatenate3A_2051, %eq3A_2763 : vector<256x768xi32>
    %jit3A_2765 = arith.constant 0x7F800000 : f32
    %broadcast_in_dim3A_2766 = vector.broadcast %jit3A_2765 : f32 to vector<256x768xf32>
    %select_n3A_2767 = arith.select %eq3A_2764, %broadcast_in_dim3A_2766, %select_n3A_2743 : vector<256x768xi1>, vector<256x768xf32>
    %reduce_min3A_2768 = arith.constant dense<0x7F800000> : vector<256xf32>
    %reduce_min3A_2769 = vector.multi_reduction <minimumf>, %select_n3A_2767, %reduce_min3A_2768 [1] : vector<256x768xf32> to vector<256xf32>
    %broadcast_in_dim3A_2770 = vector.shape_cast %reduce_min3A_2769 : vector<256xf32> to vector<256x1xf32>
    %eq3A_2771 = vector.broadcast %broadcast_in_dim3A_2770 : vector<256x1xf32> to vector<256x768xf32>
    %eq3A_2772 = arith.cmpf oeq, %select_n3A_2767, %eq3A_2771 : vector<256x768xf32>
    %jit3A_2773 = arith.constant 8192 : i32
    %broadcast_in_dim3A_2774 = vector.broadcast %jit3A_2773 : i32 to vector<256x768xi32>
    %select_n3A_2775 = arith.select %eq3A_2772, %concatenate3A_2051, %broadcast_in_dim3A_2774 : vector<256x768xi1>, vector<256x768xi32>
    %reduce_min3A_2776 = arith.constant dense<2147483647> : vector<256xi32>
    %reduce_min3A_2777 = vector.multi_reduction <minsi>, %select_n3A_2775, %reduce_min3A_2776 [1] : vector<256x768xi32> to vector<256xi32>
    %add3A_2778 = vector.broadcast %mul3A_21 : i32 to vector<256xi32>
    %add3A_2779 = arith.addi %reduce_min3A_2777, %add3A_2778 : vector<256xi32>
    %swap3A_2780 = arith.constant 0 : index
    %swap3A_2781 = arith.constant 30 : index
    %swap3A_2782 = arith.constant 0 : index
    %swap3A_2783 = vector.load %arg4[%swap3A_2780, %swap3A_2781, %swap3A_2782] : memref<1x32x256xi32, #tpu.memory_space<vmem>>, vector<1x1x256xi32>
    %swap3A_2784 = vector.shape_cast %swap3A_2783 : vector<1x1x256xi32> to vector<256xi32>
    %swap3A_2785 = vector.shape_cast %add3A_2779 : vector<256xi32> to vector<1x1x256xi32>
    tpu.vector_store %arg4[%swap3A_2780, %swap3A_2781, %swap3A_2782], %swap3A_2785 {strides = array<i32>} : memref<1x32x256xi32, #tpu.memory_space<vmem>>, vector<1x1x256xi32>,
    %broadcast_in_dim3A_2786 = vector.shape_cast %reduce_min3A_2777 : vector<256xi32> to vector<256x1xi32>
    %eq3A_2787 = vector.broadcast %broadcast_in_dim3A_2786 : vector<256x1xi32> to vector<256x768xi32>
    %eq3A_2788 = arith.cmpi eq, %concatenate3A_2051, %eq3A_2787 : vector<256x768xi32>
    %jit3A_2789 = arith.constant 0x7F800000 : f32
    %broadcast_in_dim3A_2790 = vector.broadcast %jit3A_2789 : f32 to vector<256x768xf32>
    %select_n3A_2791 = arith.select %eq3A_2788, %broadcast_in_dim3A_2790, %select_n3A_2767 : vector<256x768xi1>, vector<256x768xf32>
    %reduce_min3A_2792 = arith.constant dense<0x7F800000> : vector<256xf32>
    %reduce_min3A_2793 = vector.multi_reduction <minimumf>, %select_n3A_2791, %reduce_min3A_2792 [1] : vector<256x768xf32> to vector<256xf32>
    %broadcast_in_dim3A_2794 = vector.shape_cast %reduce_min3A_2793 : vector<256xf32> to vector<256x1xf32>
    %eq3A_2795 = vector.broadcast %broadcast_in_dim3A_2794 : vector<256x1xf32> to vector<256x768xf32>
    %eq3A_2796 = arith.cmpf oeq, %select_n3A_2791, %eq3A_2795 : vector<256x768xf32>
    %jit3A_2797 = arith.constant 8192 : i32
    %broadcast_in_dim3A_2798 = vector.broadcast %jit3A_2797 : i32 to vector<256x768xi32>
    %select_n3A_2799 = arith.select %eq3A_2796, %concatenate3A_2051, %broadcast_in_dim3A_2798 : vector<256x768xi1>, vector<256x768xi32>
    %reduce_min3A_2800 = arith.constant dense<2147483647> : vector<256xi32>
    %reduce_min3A_2801 = vector.multi_reduction <minsi>, %select_n3A_2799, %reduce_min3A_2800 [1] : vector<256x768xi32> to vector<256xi32>
    %add3A_2802 = vector.broadcast %mul3A_21 : i32 to vector<256xi32>
    %add3A_2803 = arith.addi %reduce_min3A_2801, %add3A_2802 : vector<256xi32>
    %swap3A_2804 = arith.constant 0 : index
    %swap3A_2805 = arith.constant 31 : index
    %swap3A_2806 = arith.constant 0 : index
    %swap3A_2807 = vector.load %arg4[%swap3A_2804, %swap3A_2805, %swap3A_2806] : memref<1x32x256xi32, #tpu.memory_space<vmem>>, vector<1x1x256xi32>
    %swap3A_2808 = vector.shape_cast %swap3A_2807 : vector<1x1x256xi32> to vector<256xi32>
    %swap3A_2809 = vector.shape_cast %add3A_2803 : vector<256xi32> to vector<1x1x256xi32>
    tpu.vector_store %arg4[%swap3A_2804, %swap3A_2805, %swap3A_2806], %swap3A_2809 {strides = array<i32>} : memref<1x32x256xi32, #tpu.memory_space<vmem>>, vector<1x1x256xi32>,
    return
  }
  func.func @transform_0(%arg0: i32, %arg1: i32) -> (i32, i32, i32) {
    %c0_i32 = arith.constant 0 : i32
    %c0_i32_0 = arith.constant 0 : i32
    return %arg0, %arg1, %c0_i32 : i32, i32, i32
  }
  func.func @transform_1(%arg0: i32, %arg1: i32) -> (i32, i32, i32) {
    %c0_i32 = arith.constant 0 : i32
    %c0_i32_0 = arith.constant 0 : i32
    %c0_i32_1 = arith.constant 0 : i32
    return %arg0, %c0_i32, %c0_i32_0 : i32, i32, i32
  }
  func.func @transform_2(%arg0: i32, %arg1: i32) -> (i32, i32, i32) {
    %c0_i32 = arith.constant 0 : i32
    %c0_i32_0 = arith.constant 0 : i32
    return %arg0, %c0_i32, %arg1 : i32, i32, i32
  }
}

</mosaic_0001>

<sc_bundles>
// kernel: kernel.4.cloned.1.call-start
scs
__scs_entry_jumppad:
0x0: {  	(pc) =	sbr.rel $0x88, $3  }
0x1: {  	(tag) =	ssettag $0x0;
	lr =	simm.s32 $0x1  }
0x2: {  	[smem:$0x3F9E] =	sst lr;
	_ =	strace $0xD0000000  }
0x3: {  	_ = 	snop  }
0x4: {  	_ = 	snop  }
0x5: {  	_ = 	snop  }
0x6: {  	_ = 	snop  }
0x7: {  	_ = 	snop  }
__scs_overlays_trampoline_lowered:
0x8: {  	[smem:$0x3FAD] =	sst s0  }
0x9: {  	[smem:$0x3FAE] =	sst s1  }
0xa: {  	[smem:$0x3FAF] =	sst s2  }
0xb: {  	[smem:$0x3FB0] =	sst s3  }
0xc: {  	[smem:$0x3FB1] =	sst s4  }
0xd: {  	[smem:$0x3FB2] =	sst s5  }
0xe: {  	[smem:$0x3FB3] =	sst s6  }
0xf: {  	[smem:$0x3FB4] =	sst s7  }
0x10: {  	[smem:$0x3FB5] =	sst s8  }
0x11: {  	[smem:$0x3FB6] =	sst s9;
	s0 =	simm.s32 @!p0 $0x0  }
0x12: {  	s1 =	sld [smem:$0x3F9C];
	s0 =	simm.s32 @p0 $0x1  }
0x13: {  	[smem:$0x3FB7] =	sst s0;
	s0 =	simm.s32 @!p1 $0x0  }
0x14: {  	s2 =	sld [smem:$0x3F9B];
	s0 =	simm.s32 @p1 $0x1  }
0x15: {  	[smem:$0x3FB8] =	sst s0;
	s0 =	simm.s32 @!p2 $0x0  }
0x16: {  	s3 =	sld [smem:$0x3FDB];
	s0 =	simm.s32 @p2 $0x1  }
0x17: {  	s4 =	simm.s32 $0x1BF5;
	[smem:$0x3FBA] =	sst s0  }
0x18: {  	s0 =	sld [smem:$0x3F9D];
	_ =	swait.ge [sflag:s4], $0x0  }
0x19: {  	s7 =	sld [smem:$0x3F9E]  }
0x1a: {  	s8 =	sadd.s32 $0xFFFFE003, lr  }
0x1b: {  	s9 =	sadd.s32 $0xFFFFFEF7, lr;
	s5 =	simm.s32 $0xFFFFFFFF;
	p2 =	slt.u32 s8, $0xFFFFF086  }
0x1c: {  	p1 =	slt.u32 s9, $0xF7A;
	s5 =	simm.s32 @!p2 $0x0  }
0x1d: {  	s5 =	simm.s32 @p1 $0x1;
	p0 =	seq.s32 s7, s2  }
0x1e: {  	s7 =	smul.u32 @!p0 $0xF7A, s2;
	p2 =	seq.s32 @!p0 s5, $0x0  }
0x1f: {  	s9 =	smul.u32 $0xF7A, s1;
	s8 =	simm.s32 @!p0 $0x1BF5;
	p2 =	por !p2, p0  }
0x20: {  	[sflag:s8] =	ssyncset.s32 @!p0 $0xFFFFF086;
	s6 =	sadd.s32 @!p0 s3, s7;
	s7 =	simm.s32 @!p0 $0x108  }
0x21: {  	s3 =	sadd.s32 s3, s9;
	s6 =	sadd.s32 @!p0 $0x88, s6;
	s7 =	simm.s32 @p2 $0x1082  }
0x22: {  	[simem:s7], [sflag:s8] =	dma.local @!p0 [hbm:s6], $0xF7A  }
0x23: {  	s9 =	sor.u32 $0xD0000000, s2;
	s6 =	simm.s32 $0x108;
	_ =	swait.ge @!p0 [sflag:s8], $0x0  }
0x24: {  	s3 =	sadd.s32 $0x88, s3;
	s6 =	simm.s32 @!p1 $0x1082;
	[sflag:s4] =	ssyncset.s32 $0xFFFFF086  }
0x25: {  	[simem:s6], [sflag:s4] =	dma.local [hbm:s3], $0xF7A  }
0x26: {  	[smem:$0x3F9E] =	sst s1;
	(tag) =	ssettag s2;
	_ =	strace s9  }
0x27: {  	s1 =	sld [smem:$0x3FAE]  }
0x28: {  	s2 =	sld [smem:$0x3FAF]  }
0x29: {  	s4 =	sld [smem:$0x3FB1]  }
0x2a: {  	p0 =	seq.s32 s5, $0x0;
	s5 =	sld [smem:$0x3FB2]  }
0x2b: {  	s6 =	sld [smem:$0x3FB3]  }
0x2c: {  	s7 =	sld [smem:$0x3FB4]  }
0x2d: {  	s3 =	simm.s32 $0x108;
	s8 =	sld [smem:$0x3FB5]  }
0x2e: {  	s3 =	simm.s32 @!p0 $0x1082;
	s9 =	sld [smem:$0x3FB6]  }
0x2f: {  	lr =	sadd.s32 s0, s3;
	s0 =	sld [smem:$0x3FAD]  }
0x30: {  	s3 =	sld [smem:$0x3FB0]  }
0x31: {  	[smem:$0x3FB9] =	sst s10  }
0x32: {  	s10 =	sld [smem:$0x3FB7];
	_ =	sdelay $0x3  }
0x33: {  	p0 =	seq.s32 s10, $0x1;
	s10 =	sld [smem:$0x3FB9];
	_ =	sdelay $0x3  }
0x34: {  	[smem:$0x3FB9] =	sst s10  }
0x35: {  	s10 =	sld [smem:$0x3FB8];
	_ =	sdelay $0x3  }
0x36: {  	p1 =	seq.s32 s10, $0x1;
	s10 =	sld [smem:$0x3FB9];
	_ =	sdelay $0x3  }
0x37: {  	[smem:$0x3FB9] =	sst s10  }
0x38: {  	s10 =	sld [smem:$0x3FBA]  }
0x39: {  	_ = 	snop;
	(pc) =	sbr.ind lr, $3  }
0x3a: {  	_ = 	snop  }
0x3b: {  	_ = 	snop  }
0x3c: {  	p2 =	seq.s32 s10, $0x1;
	s10 =	sld [smem:$0x3FB9]  }
0x3d: {  	_ =	shalt  }
0x3e: {  	_ =	shalt  }
0x3f: {  	_ =	shalt  }
0x40: {  	_ =	shalt  }
0x41: {  	_ =	shalt  }
0x42: {  	_ =	shalt  }
0x43: {  	_ =	shalt  }
0x44: {  	_ =	shalt  }
0x45: {  	_ =	shalt  }
0x46: {  	_ =	shalt  }
0x47: {  	_ =	shalt  }
0x48: {  	_ =	shalt  }
0x49: {  	_ =	shalt  }
0x4a: {  	_ =	shalt  }
0x4b: {  	_ =	shalt  }
0x4c: {  	_ =	shalt  }
0x4d: {  	_ =	shalt  }
0x4e: {  	_ =	shalt  }
0x4f: {  	_ =	shalt  }
0x50: {  	_ =	shalt  }
0x51: {  	_ =	shalt  }
0x52: {  	_ =	shalt  }
0x53: {  	_ =	shalt  }
0x54: {  	_ =	shalt  }
0x55: {  	_ =	shalt  }
0x56: {  	_ =	shalt  }
0x57: {  	_ =	shalt  }
0x58: {  	_ =	shalt  }
0x59: {  	_ =	shalt  }
0x5a: {  	_ =	shalt  }
0x5b: {  	_ =	shalt  }
0x5c: {  	_ =	shalt  }
0x5d: {  	_ =	shalt  }
0x5e: {  	_ =	shalt  }
0x5f: {  	_ =	shalt  }
0x60: {  	_ =	shalt  }
0x61: {  	_ =	shalt  }
0x62: {  	_ =	shalt  }
0x63: {  	_ =	shalt  }
0x64: {  	_ =	shalt  }
0x65: {  	_ =	shalt  }
0x66: {  	_ =	shalt  }
0x67: {  	_ =	shalt  }
0x68: {  	_ =	shalt  }
0x69: {  	_ =	shalt  }
0x6a: {  	_ =	shalt  }
0x6b: {  	_ =	shalt  }
0x6c: {  	_ =	shalt  }
0x6d: {  	_ =	shalt  }
0x6e: {  	_ =	shalt  }
0x6f: {  	_ =	shalt  }
0x70: {  	_ =	shalt  }
0x71: {  	_ =	shalt  }
0x72: {  	_ =	shalt  }
0x73: {  	_ =	shalt  }
0x74: {  	_ =	shalt  }
0x75: {  	_ =	shalt  }
0x76: {  	_ =	shalt  }
0x77: {  	_ =	shalt  }
0x78: {  	_ =	shalt  }
0x79: {  	_ =	shalt  }
0x7a: {  	_ =	shalt  }
0x7b: {  	_ =	shalt  }
0x7c: {  	_ =	shalt  }
0x7d: {  	_ =	shalt  }
0x7e: {  	_ =	shalt  }
0x7f: {  	_ =	shalt  }
0x80: {  	_ =	shalt  }
0x81: {  	_ =	shalt  }
0x82: {  	_ =	shalt  }
0x83: {  	_ =	shalt  }
0x84: {  	_ =	shalt  }
0x85: {  	_ =	shalt  }
0x86: {  	_ =	shalt  }
0x87: {  	_ =	shalt  }
.Lfunc_end0:
.L_simem_size_0:
called_computation_lowered:
.L_overlay_start_0:
0x88: {  	s2 =	sld [smem:$0x3FD9]  }
0x89: {  	s3 =	sld [smem:$0x3FFE];
	_ =	sdelay $0x1  }
0x8a: {  	s1 =	srdreg.scid  }
0x8b: {  	s0 =	sand.u32 $0x1, s1  }
0x8c: {  	s14 =	sshll.u32 s0, $0xA;
	s2 =	sadd.s32 s3, s2  }
0x8d: {  	s2 =	sadd.s32 s2, s14  }
0x8e: {  	[smem:$0x3FC5] =	sst s2  }
0x8f: {  	_ = 	snop  }
0x90: {  	s2 =	sld [smem:$0x3FD0];
	_ =	sdelay $0x2  }
0x91: {  	s4 =	simm.s32 $0xA;
	s5 =	simm.s32 $0x10;
	s15 =	sld [smem:$0x3FC8]  }
0x92: {  	[smem:s5], [sflag:s4] =	dma.local [hbm:s2], $0x1  }
0x93: {  	_ =	swait.eq [sflag:s4], $0x1  }
0x94: {  	[sflag:s4] =	ssyncset.done $0x0  }
0x95: {  	s16 =	sld [smem:$0x10];
	[sflag:s4] =	ssyncadd.s32 $0xFFFFFFFF  }
0x96: {  	s17 =	sld [smem:$0x11];
	(tm) =	ssettm $0x1  }
0x97: {  	s18 =	sld [smem:$0x3FFB];
	_ =	sdelay $0x3  }
0x98: {  	_ =	strace s18  }
0x99: {  	s5 =	sld [smem:$0x3FFC];
	_ =	sdelay $0x3  }
0x9a: {  	_ =	strace s5  }
0x9b: {  	s5 =	sld [smem:$0x3FFD];
	_ =	sdelay $0x3  }
0x9c: {  	_ =	strace s5  }
0x9d: {  	_ =	strace $0x8FFFFFFF  }
0x9e: {  	s19 =	sld [smem:$0x3FDB];
	_ =	sdelay $0x1  }
0x9f: {  	s6 =	simm.s32 $_scs_section_size  }
0xa0: {  	s7 =	simm.s32 $_size__tile_overlayer_lowered;
	s8 =	simm.s32 $_tile_overlayer_lowered  }
0xa1: {  	s22 =	simm.s32 $0x1BFF;
	s21 =	sshll.u32 s8, $0x1;
	s5 =	sadd.s32 s6, s19  }
0xa2: {  	s9 =	simm.s32 $0x0;
	s20 =	sshll.u32 s7, $0x1;
	s7 =	sadd.s32 s21, s5  }
0xa3: {  	[timem:s9], [sflag:s22] =	dma.local [hbm:s7], s20  }
0xa4: {  	_ =	swait.ge [sflag:s22], s20  }
0xa5: {  	s6 =	ssub.s32 $0x0, s20;
	[sflag:s22] =	ssyncset.done $0x0  }
0xa6: {  	[sflag:s22] =	ssyncadd.s32 s6;
	_ =	sdelay $0x1  }
0xa7: {  	s23 =	simm.s32 $0x1B8B  }
0xa8: {  	_ =	swait.ge [sflag:s23], $0x1  }
0xa9: {  	[sflag:s23] =	ssyncset.done $0x0  }
0xaa: {  	s25 =	simm.s32 $0x1B8E;
	s24 =	sld [smem:$0x3FFE];
	[sflag:s23] =	ssyncadd.s32 $0xFFFFFFFF  }
0xab: {  	s26 =	simm.s32 $execute0_lowered;
	[smem:$0x3FD2] =	sst s25  }
0xac: {  	s7 =	sshll.u32 s26, $0x1;
	_ =	strace $0x80000046;
	[dreg:$0x1] =	wrdreg $0xFFFFFFFF  }
0xad: {  	s28 =	simm.s32 $_size_execute0_lowered;
	s5 =	sadd.s32 s5, s7;
	[dreg:$0x0] =	wrdreg $0x0  }
0xae: {  	s7 =	sshll.u32 s28, $0x1;
	[dreg:$0x2] =	wrdreg s5  }
0xaf: {  	[dreg:$0x3] =	wrdreg s7  }
0xb0: {  	[dreg:$0x4] =	wrdreg $0xC0  }
0xb1: {  	_ =	task [dreg:s9], $0x5FFFF  }
0xb2: {  	[dreg:$0x1] =	wrdreg $0xFFFFFFFF  }
0xb3: {  	[dreg:$0x0] =	wrdreg $0x60  }
0xb4: {  	[dreg:$0x2] =	wrdreg s15  }
0xb5: {  	[dreg:$0x3] =	wrdreg s24  }
0xb6: {  	[dreg:$0x4] =	wrdreg s16  }
0xb7: {  	[dreg:$0x5] =	wrdreg s17  }
0xb8: {  	[dreg:$0x6] =	wrdreg $0x9  }
0xb9: {  	_ =	task.clear_ibuf [dreg:s9], $0x7FFFF;
	_ =	strace $0x90000046  }
0xba: {  	s29 =	simm.s32 $0x9;
	_ =	strace $0x80000048  }
0xbb: {  	_ =	swait.ge [sflag:s29], $0x1  }
0xbc: {  	[sflag:s29] =	ssyncadd.s32 $0xFFFFFFFF  }
0xbd: {  	_ =	strace $0x90000048  }
0xbe: {  	_ =	sfence  }
0xbf: {  	s30 =	sld [smem:$0x0];
	_ =	sdelay $0x2  }
0xc0: {  	s31 =	sshll.u32 s1, $0xD;
	s1 =	sshrl.u32 s1, $0x2  }
0xc1: {  	s3 =	sand.u32 $0x4000, s31;
	s1 =	sadd.s32 s1, s30  }
0xc2: {  	s0 =	sor.u32 s3, s0;
	s1 =	sshll.u32 s1, $0x11  }
0xc3: {  	s0 =	sor.u32 s1, s0  }
0xc4: {  	s0 =	sadd.s32 $0x8F2B, s0  }
0xc5: {  	[sflag:s0] =	ssyncadd.remote.s32 $0x1  }
0xc6: {  	_ =	sfence.sel $0xFFFF  }
0xc7: {  	[dreg:$0x0] =	wrdreg $0xFFFFFFFF;
	(pc) =	sbr.abs _section_cstart, $3  }
0xc8: {  	[dreg:$0x1] =	wrdreg $0xFFFFFFFF  }
0xc9: {  	_ =	task.clear_ibuf [dreg:s9], $0x2FFFF;
	_ =	strace $0x9FFFFFFF  }
0xca: {  	(tm) =	ssettm $0x7FFFFFFF  }
0xcb: {  	_ =	shalt  }
tec
execute0_lowered:
.L_overlay_start_1:
0x0: {  	(tag) =	ssettag $0x1  }
0x1: {  	s1 =	rddreg [dreg:$0x0]  }
0x2: {  	s4 =	rddreg [dreg:$0x1]  }
0x3: {  	s5 =	rddreg [dreg:$0x2]  }
0x4: {  	s10 =	rddreg [dreg:$0x3];
	s3 =	simm.s32 $0x0  }
0x5: {  	s6 =	srdreg.scid;
	s0 =	stileid.u32;
	s16 =	simm.s32 $0x10000  }
0x6: {  	s17 =	simm.s32 $0x80;
	s18 =	simm.s32 $0x4000;
	s19 =	simm.s32 $0x8000  }
0x7: {  	s20 =	simm.s32 $0x1;
	s21 =	simm.s32 $0x2;
	s22 =	simm.s32 $0x4  }
0x8: {  	s23 =	simm.s32 $0x3;
	s28 =	simm.s32 $0x0;
	[smem:$0x7FF] =	sst s3  }
0x9: {  	s11 =	sand.u32 $0x1, s6;
	s26 =	sshll.u32 s0, $0xC;
	s8 =	sshrl.u32 s0, $0x1  }
0xa: {  	s9 =	sadd.s32 $0xE00, s4;
	s31 =	sshll.u32 s0, $0x13;
	s7 =	sshll.u32 s11, $0xB  }
0xb: {  	_ =	strace $0x80000047;
	s29 =	smul.u32 $0x6000, s8;
	s30 =	ssub.s32 $0x2, s11  }
0xc: {  	s14 =	smul.u32 $0xC00, s8;
	s25 =	sshll.u32 s8, $0xD;
	s15 =	sshll.u32 s11, $0x12  }
0xd: {  	s6 =	sor.u32 s7, s26;
	s13 =	sshrl.u32 s30, $0x1;
	v0 =	vmov s25;
	s25 =	simm.s32 $0x16000  }
0xe: {  	s26 =	simm.s32 $0x1A000;
	s12 =	sadd.s32 s6, s4;
	s7 =	sshrl.u32 s29, $0x3  }
0xf: {  	s13 =	ssub.s32 s30, s13;
	s4 =	sadd.s32 s5, s6;
	s5 =	sadd.s32 s9, s14  }
0x10: {  	s14 =	sadd.s32 s31, s10;
	s7 =	sadd.s32 s9, s7;
	s8 =	sadd.s32 $0x6E00, s12  }
0x11: {  	s9 =	sadd.s32 $0x16E00, s12;
	s10 =	sadd.s32 $0x26E00, s12;
	s11 =	smax.u32 s13, $0x1  }
0x12: {  	s12 =	sadd.s32 s15, s14;
	s13 =	simm.s32 $0x5;
	s14 =	simm.s32 $0xC000  }
0x13: {  	s15 =	simm.s32 $0xE000;
	s6 =	sadd.s32 $0x400, s7;
	s7 =	sadd.s32 $0x800, s7  }
.LBB2_1:
0x14: {  	[tilespmem:s3], [sflag:$0x5] =	stream.linear.gather [hbm4b:s4+s3], $0x4000, $0x38;
	[tilespmem:$0x1E000] =	vst v63  }
0x15: {  	_ =	swait.ge [sflag:s13], $0x4000  }
0x16: {  	[sflag:s13] =	ssyncset.done $0x0  }
0x17: {  	[sflag:s13] =	ssyncadd.s32 $0xFFFFC000  }
0x18: {  	[tilespmem:s14], [sflag:$0x5] =	stream.linear.gather [hbm4b:s5+s3], $0x2000, $0x38;
	[tilespmem:$0x1E000] =	vst v63  }
0x19: {  	_ =	swait.ge [sflag:s13], $0x2000  }
0x1a: {  	[sflag:s13] =	ssyncset.done $0x0  }
0x1b: {  	[sflag:s13] =	ssyncadd.s32 $0xFFFFE000  }
0x1c: {  	[tilespmem:s15], [sflag:$0x5] =	stream.linear.gather [hbm4b:s6+s3], $0x2000, $0x38;
	[tilespmem:$0x1E000] =	vst v63  }
0x1d: {  	_ =	swait.ge [sflag:s13], $0x2000  }
0x1e: {  	[sflag:s13] =	ssyncset.done $0x0  }
0x1f: {  	[sflag:s13] =	ssyncadd.s32 $0xFFFFE000  }
0x20: {  	[tilespmem:s16], [sflag:$0x5] =	stream.linear.gather [hbm4b:s7+s3], $0x2000, $0x38;
	[tilespmem:$0x1E000] =	vst v63  }
0x21: {  	_ =	swait.ge [sflag:s13], $0x2000  }
0x22: {  	[sflag:s13] =	ssyncset.done $0x0  }
0x23: {  	s29 =	smov.u32 s12;
	s30 =	simm.s32 $0x0;
	[sflag:s13] =	ssyncadd.s32 $0xFFFFE000  }
0x24: {  	[tilespmem:s18], [sflag:$0x1] =	stream.indirect.gather [hbm4b:s1+s17], $0x80, s3, s17, $0xb8;
	[tilespmem:$0x1E000] =	vst v63  }
.LBB2_2:
0x25: {  	s31 =	sshra.s32 s30, $0x2  }
0x26: {  	s0 =	sadd.s32 $0x80, s31  }
0x27: {  	[tilespmem:s19], [sflag:$0x2] =	stream.indirect.gather [hbm4b:s1+s17], $0x80, s0, s17, $0xb8;
	[tilespmem:$0x1E000] =	vst v63  }
0x28: {  	_ =	swait.ge [sflag:s20], $0x4000  }
0x29: {  	[sflag:s20] =	ssyncset.done $0x0  }
0x2a: {  	[sflag:s20] =	ssyncadd.s32 $0xFFFFC000  }
0x2b: {  	v1 =	vld [tilespmem:s31+$0x0];
	_ =	sdelay $0x4  }
0x2c: {  	v2 =	vsub.s32 v1, v0  }
0x2d: {  	v1 =	vand.u32 $0x7F, v1;
	v2 =	vand.u32 $0xFFFFFF80, v2  }
0x2e: {  	v1 =	vor.u32 v1, v2;
	_ =	sdelay $0x4  }
0x2f: {  	v2 =	vld.idx.msk [tilespmem:v1+s14+$0x0], $0xffff;
	_ =	sdelay $0x4  }
0x30: {  	v3 =	vld [tilespmem:s31+$0x10];
	[tilespmem:s31+$0x12000] =	vst v2  }
0x31: {  	v2 =	vld.idx.msk [tilespmem:v1+s15+$0x0], $0xffff;
	_ =	sdelay $0x4  }
0x32: {  	[tilespmem:s31+$0x16000] =	vst v2;
	v2 =	vsub.s32 v3, v0  }
0x33: {  	v3 =	vand.u32 $0x7F, v3;
	v1 =	vld.idx.msk [tilespmem:v1+s16+$0x0], $0xffff;
	v2 =	vand.u32 $0xFFFFFF80, v2  }
0x34: {  	v2 =	vor.u32 v3, v2;
	_ =	sdelay $0x3  }
0x35: {  	[tilespmem:s31+$0x1A000] =	vst v1  }
0x36: {  	v1 =	vld.idx.msk [tilespmem:v2+s14+$0x0], $0xffff;
	_ =	sdelay $0x4  }
0x37: {  	v3 =	vld [tilespmem:s31+$0x20];
	[tilespmem:s31+$0x12010] =	vst v1  }
0x38: {  	v1 =	vld.idx.msk [tilespmem:v2+s15+$0x0], $0xffff;
	_ =	sdelay $0x4  }
0x39: {  	[tilespmem:s31+$0x16010] =	vst v1;
	v1 =	vsub.s32 v3, v0  }
0x3a: {  	v3 =	vand.u32 $0x7F, v3;
	v2 =	vld.idx.msk [tilespmem:v2+s16+$0x0], $0xffff;
	v1 =	vand.u32 $0xFFFFFF80, v1  }
0x3b: {  	v1 =	vor.u32 v3, v1;
	_ =	sdelay $0x3  }
0x3c: {  	[tilespmem:s31+$0x1A010] =	vst v2  }
0x3d: {  	v2 =	vld.idx.msk [tilespmem:v1+s14+$0x0], $0xffff;
	_ =	sdelay $0x4  }
0x3e: {  	v3 =	vld [tilespmem:s31+$0x30];
	[tilespmem:s31+$0x12020] =	vst v2  }
0x3f: {  	v2 =	vld.idx.msk [tilespmem:v1+s15+$0x0], $0xffff;
	_ =	sdelay $0x4  }
0x40: {  	[tilespmem:s31+$0x16020] =	vst v2;
	v2 =	vsub.s32 v3, v0  }
0x41: {  	v3 =	vand.u32 $0x7F, v3;
	v1 =	vld.idx.msk [tilespmem:v1+s16+$0x0], $0xffff;
	v2 =	vand.u32 $0xFFFFFF80, v2  }
0x42: {  	v2 =	vor.u32 v3, v2;
	_ =	sdelay $0x3  }
0x43: {  	[tilespmem:s31+$0x1A020] =	vst v1  }
0x44: {  	v1 =	vld.idx.msk [tilespmem:v2+s14+$0x0], $0xffff;
	_ =	sdelay $0x4  }
0x45: {  	v3 =	vld [tilespmem:s31+$0x40];
	[tilespmem:s31+$0x12030] =	vst v1  }
0x46: {  	v1 =	vld.idx.msk [tilespmem:v2+s15+$0x0], $0xffff;
	_ =	sdelay $0x4  }
0x47: {  	[tilespmem:s31+$0x16030] =	vst v1;
	v1 =	vsub.s32 v3, v0  }
0x48: {  	v3 =	vand.u32 $0x7F, v3;
	v2 =	vld.idx.msk [tilespmem:v2+s16+$0x0], $0xffff;
	v1 =	vand.u32 $0xFFFFFF80, v1  }
0x49: {  	v1 =	vor.u32 v3, v1;
	_ =	sdelay $0x3  }
0x4a: {  	[tilespmem:s31+$0x1A030] =	vst v2  }
0x4b: {  	v2 =	vld.idx.msk [tilespmem:v1+s14+$0x0], $0xffff;
	_ =	sdelay $0x4  }
0x4c: {  	v3 =	vld [tilespmem:s31+$0x50];
	[tilespmem:s31+$0x12040] =	vst v2  }
0x4d: {  	v2 =	vld.idx.msk [tilespmem:v1+s15+$0x0], $0xffff;
	_ =	sdelay $0x4  }
0x4e: {  	[tilespmem:s31+$0x16040] =	vst v2;
	v2 =	vsub.s32 v3, v0  }
0x4f: {  	v3 =	vand.u32 $0x7F, v3;
	v1 =	vld.idx.msk [tilespmem:v1+s16+$0x0], $0xffff;
	v2 =	vand.u32 $0xFFFFFF80, v2  }
0x50: {  	v2 =	vor.u32 v3, v2;
	_ =	sdelay $0x3  }
0x51: {  	[tilespmem:s31+$0x1A040] =	vst v1  }
0x52: {  	v1 =	vld.idx.msk [tilespmem:v2+s14+$0x0], $0xffff;
	_ =	sdelay $0x4  }
0x53: {  	v3 =	vld [tilespmem:s31+$0x60];
	[tilespmem:s31+$0x12050] =	vst v1  }
0x54: {  	v1 =	vld.idx.msk [tilespmem:v2+s15+$0x0], $0xffff;
	_ =	sdelay $0x4  }
0x55: {  	[tilespmem:s31+$0x16050] =	vst v1;
	v1 =	vsub.s32 v3, v0  }
0x56: {  	v3 =	vand.u32 $0x7F, v3;
	v2 =	vld.idx.msk [tilespmem:v2+s16+$0x0], $0xffff;
	v1 =	vand.u32 $0xFFFFFF80, v1  }
0x57: {  	v1 =	vor.u32 v3, v1;
	_ =	sdelay $0x3  }
0x58: {  	[tilespmem:s31+$0x1A050] =	vst v2  }
0x59: {  	v2 =	vld.idx.msk [tilespmem:v1+s14+$0x0], $0xffff;
	_ =	sdelay $0x4  }
0x5a: {  	v3 =	vld [tilespmem:s31+$0x70];
	[tilespmem:s31+$0x12060] =	vst v2  }
0x5b: {  	v2 =	vld.idx.msk [tilespmem:v1+s15+$0x0], $0xffff;
	_ =	sdelay $0x4  }
0x5c: {  	[tilespmem:s31+$0x16060] =	vst v2;
	v2 =	vsub.s32 v3, v0  }
0x5d: {  	v3 =	vand.u32 $0x7F, v3;
	v1 =	vld.idx.msk [tilespmem:v1+s16+$0x0], $0xffff;
	v2 =	vand.u32 $0xFFFFFF80, v2  }
0x5e: {  	v2 =	vor.u32 v3, v2;
	_ =	sdelay $0x3  }
0x5f: {  	[tilespmem:s31+$0x1A060] =	vst v1  }
0x60: {  	v1 =	vld.idx.msk [tilespmem:v2+s14+$0x0], $0xffff;
	_ =	sdelay $0x4  }
0x61: {  	[tilespmem:s31+$0x12070] =	vst v1  }
0x62: {  	v1 =	vld.idx.msk [tilespmem:v2+s15+$0x0], $0xffff;
	_ =	sdelay $0x4  }
0x63: {  	[tilespmem:s31+$0x16070] =	vst v1  }
0x64: {  	v1 =	vld.idx.msk [tilespmem:v2+s16+$0x0], $0xffff;
	_ =	sdelay $0x3  }
0x65: {  	p0 =	seq.s32 s30, $0xFC00  }
0x66: {  	s0 =	simm.s32 @!p0 $0x3;
	[tilespmem:s31+$0x1A070] =	vst v1  }
0x67: {  	[hbm4b:s29+s3] =	stream.linear.scatter [tilespmem:s18], [sflag:$0x3], $0x4000, $0x38;
	[tilespmem:$0x1E000] =	vst v63  }
0x68: {  	_ =	swait.ge @!p0 [sflag:s0], $0x4000  }
0x69: {  	[sflag:s0] =	ssyncset.done @!p0 $0x0  }
0x6a: {  	[sflag:s0] =	ssyncadd.s32 @!p0 $0xFFFFC000;
	s0 =	sshra.s32 @!p0 s30, $0x2  }
0x6b: {  	s2 =	simm.s32 @!p0 $0x80;
	s24 =	simm.s32 @!p0 $0x4000;
	s0 =	sadd.s32 @!p0 $0x100, s0  }
0x6c: {  	[tilespmem:s24], [sflag:$0x1] =	stream.indirect.gather @!p0 [hbm4b:s1+s2], $0x80, s0, s2, $0xb8;
	[tilespmem:$0x1E000] =	vst v63  }
0x6d: {  	_ =	swait.ge [sflag:s21], $0x4000  }
0x6e: {  	[sflag:s21] =	ssyncset.done $0x0  }
0x6f: {  	[sflag:s21] =	ssyncadd.s32 $0xFFFFC000  }
0x70: {  	v1 =	vld [tilespmem:s31+$0x80];
	_ =	sdelay $0x4  }
0x71: {  	v2 =	vsub.s32 v1, v0  }
0x72: {  	v1 =	vand.u32 $0x7F, v1;
	v2 =	vand.u32 $0xFFFFFF80, v2  }
0x73: {  	v1 =	vor.u32 v1, v2;
	_ =	sdelay $0x4  }
0x74: {  	v2 =	vld.idx.msk [tilespmem:v1+s14+$0x0], $0xffff;
	_ =	sdelay $0x4  }
0x75: {  	v3 =	vld [tilespmem:s31+$0x90];
	[tilespmem:s31+$0x12080] =	vst v2  }
0x76: {  	v2 =	vld.idx.msk [tilespmem:v1+s15+$0x0], $0xffff;
	_ =	sdelay $0x4  }
0x77: {  	[tilespmem:s31+$0x16080] =	vst v2;
	v2 =	vsub.s32 v3, v0  }
0x78: {  	v3 =	vand.u32 $0x7F, v3;
	v1 =	vld.idx.msk [tilespmem:v1+s16+$0x0], $0xffff;
	v2 =	vand.u32 $0xFFFFFF80, v2  }
0x79: {  	v2 =	vor.u32 v3, v2;
	_ =	sdelay $0x3  }
0x7a: {  	[tilespmem:s31+$0x1A080] =	vst v1  }
0x7b: {  	v1 =	vld.idx.msk [tilespmem:v2+s14+$0x0], $0xffff;
	_ =	sdelay $0x4  }
0x7c: {  	v3 =	vld [tilespmem:s31+$0xA0];
	[tilespmem:s31+$0x12090] =	vst v1  }
0x7d: {  	v1 =	vld.idx.msk [tilespmem:v2+s15+$0x0], $0xffff;
	_ =	sdelay $0x4  }
0x7e: {  	[tilespmem:s31+$0x16090] =	vst v1;
	v1 =	vsub.s32 v3, v0  }
0x7f: {  	v3 =	vand.u32 $0x7F, v3;
	v2 =	vld.idx.msk [tilespmem:v2+s16+$0x0], $0xffff;
	v1 =	vand.u32 $0xFFFFFF80, v1  }
0x80: {  	v1 =	vor.u32 v3, v1;
	_ =	sdelay $0x3  }
0x81: {  	[tilespmem:s31+$0x1A090] =	vst v2  }
0x82: {  	v2 =	vld.idx.msk [tilespmem:v1+s14+$0x0], $0xffff;
	_ =	sdelay $0x4  }
0x83: {  	v3 =	vld [tilespmem:s31+$0xB0];
	[tilespmem:s31+$0x120A0] =	vst v2  }
0x84: {  	v2 =	vld.idx.msk [tilespmem:v1+s15+$0x0], $0xffff;
	_ =	sdelay $0x4  }
0x85: {  	[tilespmem:s31+$0x160A0] =	vst v2;
	v2 =	vsub.s32 v3, v0  }
0x86: {  	v3 =	vand.u32 $0x7F, v3;
	v1 =	vld.idx.msk [tilespmem:v1+s16+$0x0], $0xffff;
	v2 =	vand.u32 $0xFFFFFF80, v2  }
0x87: {  	v2 =	vor.u32 v3, v2;
	_ =	sdelay $0x3  }
0x88: {  	[tilespmem:s31+$0x1A0A0] =	vst v1  }
0x89: {  	v1 =	vld.idx.msk [tilespmem:v2+s14+$0x0], $0xffff;
	_ =	sdelay $0x4  }
0x8a: {  	v3 =	vld [tilespmem:s31+$0xC0];
	[tilespmem:s31+$0x120B0] =	vst v1  }
0x8b: {  	v1 =	vld.idx.msk [tilespmem:v2+s15+$0x0], $0xffff;
	_ =	sdelay $0x4  }
0x8c: {  	[tilespmem:s31+$0x160B0] =	vst v1;
	v1 =	vsub.s32 v3, v0  }
0x8d: {  	v3 =	vand.u32 $0x7F, v3;
	v2 =	vld.idx.msk [tilespmem:v2+s16+$0x0], $0xffff;
	v1 =	vand.u32 $0xFFFFFF80, v1  }
0x8e: {  	v1 =	vor.u32 v3, v1;
	_ =	sdelay $0x3  }
0x8f: {  	[tilespmem:s31+$0x1A0B0] =	vst v2  }
0x90: {  	v2 =	vld.idx.msk [tilespmem:v1+s14+$0x0], $0xffff;
	_ =	sdelay $0x4  }
0x91: {  	v3 =	vld [tilespmem:s31+$0xD0];
	[tilespmem:s31+$0x120C0] =	vst v2  }
0x92: {  	v2 =	vld.idx.msk [tilespmem:v1+s15+$0x0], $0xffff;
	_ =	sdelay $0x4  }
0x93: {  	[tilespmem:s31+$0x160C0] =	vst v2;
	v2 =	vsub.s32 v3, v0  }
0x94: {  	v3 =	vand.u32 $0x7F, v3;
	v1 =	vld.idx.msk [tilespmem:v1+s16+$0x0], $0xffff;
	v2 =	vand.u32 $0xFFFFFF80, v2  }
0x95: {  	v2 =	vor.u32 v3, v2;
	_ =	sdelay $0x3  }
0x96: {  	[tilespmem:s31+$0x1A0C0] =	vst v1  }
0x97: {  	v1 =	vld.idx.msk [tilespmem:v2+s14+$0x0], $0xffff;
	_ =	sdelay $0x4  }
0x98: {  	v3 =	vld [tilespmem:s31+$0xE0];
	[tilespmem:s31+$0x120D0] =	vst v1  }
0x99: {  	v1 =	vld.idx.msk [tilespmem:v2+s15+$0x0], $0xffff;
	_ =	sdelay $0x4  }
0x9a: {  	[tilespmem:s31+$0x160D0] =	vst v1;
	v1 =	vsub.s32 v3, v0  }
0x9b: {  	v3 =	vand.u32 $0x7F, v3;
	v2 =	vld.idx.msk [tilespmem:v2+s16+$0x0], $0xffff;
	v1 =	vand.u32 $0xFFFFFF80, v1  }
0x9c: {  	v1 =	vor.u32 v3, v1;
	_ =	sdelay $0x3  }
0x9d: {  	[tilespmem:s31+$0x1A0D0] =	vst v2  }
0x9e: {  	v2 =	vld.idx.msk [tilespmem:v1+s14+$0x0], $0xffff;
	_ =	sdelay $0x4  }
0x9f: {  	v3 =	vld [tilespmem:s31+$0xF0];
	[tilespmem:s31+$0x120E0] =	vst v2  }
0xa0: {  	v2 =	vld.idx.msk [tilespmem:v1+s15+$0x0], $0xffff;
	_ =	sdelay $0x4  }
0xa1: {  	[tilespmem:s31+$0x160E0] =	vst v2;
	v2 =	vsub.s32 v3, v0  }
0xa2: {  	v3 =	vand.u32 $0x7F, v3;
	v1 =	vld.idx.msk [tilespmem:v1+s16+$0x0], $0xffff;
	v2 =	vand.u32 $0xFFFFFF80, v2  }
0xa3: {  	v2 =	vor.u32 v3, v2;
	_ =	sdelay $0x3  }
0xa4: {  	[tilespmem:s31+$0x1A0E0] =	vst v1  }
0xa5: {  	v1 =	vld.idx.msk [tilespmem:v2+s14+$0x0], $0xffff;
	_ =	sdelay $0x4  }
0xa6: {  	[tilespmem:s31+$0x120F0] =	vst v1  }
0xa7: {  	v1 =	vld.idx.msk [tilespmem:v2+s15+$0x0], $0xffff;
	_ =	sdelay $0x4  }
0xa8: {  	[tilespmem:s31+$0x160F0] =	vst v1  }
0xa9: {  	v1 =	vld.idx.msk [tilespmem:v2+s16+$0x0], $0xffff;
	_ =	sdelay $0x2  }
0xaa: {  	s30 =	sadd.s32 $0x400, s30  }
0xab: {  	p0 =	sne.s32 s30, $0x10000  }
.Ltmp0:
0xac: {  	[tilespmem:s31+$0x1A0F0] =	vst v1;
	s31 =	sadd.s32 $0x800, s29;
	(pc) =	sbr.rel @p0 .LBB2_2-.Ltmp0, $4  }
0xad: {  	[hbm4b:s31+s3] =	stream.linear.scatter [tilespmem:s19], [sflag:$0x4], $0x4000, $0x38;
	[tilespmem:$0x1E000] =	vst v63  }
0xae: {  	_ =	swait.ge [sflag:s22], $0x4000  }
0xaf: {  	[sflag:s22] =	ssyncset.done $0x0  }
0xb0: {  	s29 =	sadd.s32 $0x1000, s29;
	[sflag:s22] =	ssyncadd.s32 $0xFFFFC000  }
0xb1: {  	_ =	swait.ge [sflag:s23], $0x4000  }
0xb2: {  	[sflag:s23] =	ssyncset.done $0x0  }
0xb3: {  	s0 =	simm.s32 $0x12000;
	[sflag:s23] =	ssyncadd.s32 $0xFFFFC000  }
0xb4: {  	[hbm4b:s8+s3] =	stream.linear.scatter [tilespmem:s0], [sflag:$0x5], $0x4000, $0x38;
	[tilespmem:$0x1E000] =	vst v63  }
0xb5: {  	_ =	swait.ge [sflag:s13], $0x4000  }
0xb6: {  	[sflag:s13] =	ssyncset.done $0x0  }
0xb7: {  	[sflag:s13] =	ssyncadd.s32 $0xFFFFC000  }
0xb8: {  	[hbm4b:s9+s3] =	stream.linear.scatter [tilespmem:s25], [sflag:$0x5], $0x4000, $0x38;
	[tilespmem:$0x1E000] =	vst v63  }
0xb9: {  	s28 =	sadd.s32 $0x1, s28;
	_ =	swait.ge [sflag:s13], $0x4000  }
0xba: {  	p0 =	sne.s32 s28, s11;
	[sflag:s13] =	ssyncset.done $0x0  }
.Ltmp1:
0xbb: {  	[sflag:s13] =	ssyncadd.s32 $0xFFFFC000;
	(pc) =	sbr.rel @p0 .LBB2_1-.Ltmp1, $4  }
0xbc: {  	[hbm4b:s10+s3] =	stream.linear.scatter [tilespmem:s26], [sflag:$0x5], $0x4000, $0x38;
	[tilespmem:$0x1E000] =	vst v63  }
0xbd: {  	_ =	swait.ge [sflag:s13], $0x4000  }
0xbe: {  	[sflag:s13] =	ssyncset.done $0x0  }
0xbf: {  	[sflag:s13] =	ssyncadd.s32 $0xFFFFC000  }
0xc0: {  	_ =	sfence.sel $0x180000  }
0xc1: {  	[bflag:$0x0] =	sbarrier.arrive $0xFFFF  }
0xc2: {  	_ =	strace $0x90000047  }
0xc3: {  	s0 =	stileid.u32;
	[bflag:$0x2] =	sbarrier.arrive $0xFFFF  }
0xc4: {  	p0 =	sne.s32 s0, $0x0;
	s0 =	rddreg [dreg:$0x4]  }
0xc5: {  	s0 =	sadd.s32 @!p0 $0x100000, s0  }
0xc6: {  	[sflag:s0] =	ssyncadd.tile.s32 @!p0 $0x1;
	_ =	shalt  }
.Lfunc_end2:
_tile_overlayer_lowered:
.L_overlay_start_2:
0xc7: {  	(tag) =	ssettag $0x2  }
0xc8: {  	s0 =	rddreg [dreg:$0x0];
	s2 =	stileid.u32  }
0xc9: {  	s1 =	rddreg [dreg:$0x1];
	p0 =	sne.s32 s2, $0x0  }
0xca: {  	s3 =	rddreg [dreg:$0x2];
	[bflag:$0x3] =	sbarrier.arrive $0xFFFF;
	s2 =	simm.s32 @!p0 $0x1C05  }
0xcb: {  	[timem:s3], [sflag:s2] =	dma.local @!p0 [hbm:s0], s1  }
0xcc: {  	s0 =	simm.s32 @!p0 $0x5  }
0xcd: {  	_ =	swait.ge @!p0 [sflag:s0], s1  }
0xce: {  	s1 =	ssub.s32 @!p0 $0x0, s1;
	[sflag:s0] =	ssyncset.done @!p0 $0x0  }
0xcf: {  	[sflag:s0] =	ssyncadd.s32 @!p0 s1  }
0xd0: {  	[bflag:$0x3] =	sbarrier.arrive $0xFFFF  }
0xd1: {  	_ =	shalt  }

</sc_bundles>
